<compile_context>
chip_gen: v7x
topology: tpu7x:2x2x1
jax: 0.10.2.dev20260603
libtpu: 0.0.44.dev20260713+nightly
codegen_flags: <defaults>
</compile_context>

<pallas_src>
import functools

import jax
import jax.numpy as jnp
from jax import lax
from jax.experimental import pallas as pl
from jax.experimental.pallas import tpu as pltpu
from jax.experimental.pallas import tpu_sc as plsc

N = 10000
E = 320000
D = 128
R = 8
B = 64
K = 5
NSLOT = B * K * 2
NC = 2
NS = 16
NW = NC * NS
EPW = E // NW
SROWS = R * NSLOT
SROWS_PAD = 5376
SPT = SROWS_PAD // NS
DEGROWS = 768
DEGW = 128
DPT = DEGROWS // NS
GB = 128
ECH = 2000
NCHUNK = EPW // ECH
CAP = ECH + 2 * GB
SELF_PT = NSLOT // NS


def _sc_body(sup_hbm, src_hbm, dst_hbm, rel_hbm, emb_hbm,
             s_out, deg_out, w_out, self_out,
             sup_v, idx_v, map_v, esrc_v, edst_v, erel_v,
             csrc_v, csidx_v, srcb_v, sidxb_v,
             rows_v, degloc_v, zero_v, wv_v, idxme_v, selfrows_v,
             s_sh, sem):
    c = lax.axis_index("c")
    s = lax.axis_index("s")
    w = s * NC + c
    iota16 = lax.broadcasted_iota(jnp.int32, (16,), 0)
    zeros16 = jnp.zeros((16,), jnp.float32)
    ones16 = jnp.ones((16,), jnp.float32)

    for i in range(zero_v.shape[0]):
        for k in range(D // 16):
            zero_v[i, pl.ds(k * 16, 16)] = zeros16
    for i in range(DEGROWS // 16):
        degloc_v[pl.ds(i * 16, 16)] = zeros16

    zrows = zero_v.shape[0]
    for q in range(SPT // zrows):
        pltpu.sync_copy(zero_v, s_sh.at[pl.ds(s * SPT + q * zrows, zrows)])

    pltpu.sync_copy(sup_hbm, sup_v)

    def idx_body(j, _):
        jv = j * 16 + iota16
        pos = (jv >> 1) * 3 + (jv & 1) * 2
        idx_v[pl.ds(j * 16, 16)] = plsc.load_gather(sup_v, [pos])
        return 0

    lax.fori_loop(0, NSLOT // 16, idx_body, 0)

    def clr_body(i, _):
        map_v[pl.ds(i * 16, 16)] = jnp.full((16,), -1, jnp.int32)
        return 0

    lax.fori_loop(0, map_v.shape[0] // 16, clr_body, 0)

    def mscat_body(j, _):
        iv = idx_v[pl.ds(j * 16, 16)]
        plsc.store_scatter(map_v, [iv], j * 16 + iota16)
        return 0

    lax.fori_loop(0, NSLOT // 16, mscat_body, 0)

    plsc.subcore_barrier()

    def batch_body(g, _):
        off = g * GB
        for q in range(GB // 16):
            srcb_v[pl.ds(q * 16, 16)] = csrc_v[pl.ds(off + q * 16, 16)]
            sidxb_v[pl.ds(q * 16, 16)] = csidx_v[pl.ds(off + q * 16, 16)]
        pltpu.async_copy(emb_hbm.at[srcb_v], rows_v, sem).wait()
        pltpu.sync_copy(rows_v, s_sh.at[sidxb_v], add=True)
        return 0

    def chunk_body(chk, carry):
        base_c = w * EPW + chk * ECH
        pltpu.sync_copy(src_hbm.at[pl.ds(base_c, ECH)], esrc_v)
        pltpu.sync_copy(dst_hbm.at[pl.ds(base_c, ECH)], edst_v)
        pltpu.sync_copy(rel_hbm.at[pl.ds(base_c, ECH)], erel_v)

        def scan_body(i, cnt):
            off = i * 16
            d16 = edst_v[pl.ds(off, 16)]
            sl16 = plsc.load_gather(map_v, [d16])
            m = sl16 >= 0
            s16 = esrc_v[pl.ds(off, 16)]
            r16 = erel_v[pl.ds(off, 16)]
            si16 = r16 * NSLOT + sl16
            plsc.store_compressed(csrc_v.at[pl.ds(cnt, 16)], s16, mask=m)
            plsc.store_compressed(csidx_v.at[pl.ds(cnt, 16)], si16, mask=m)
            plsc.addupdate_scatter(degloc_v, [sl16], ones16, mask=m)
            npop = plsc.all_reduce_population_count(m)
            return cnt + npop[0]

        cnt = lax.fori_loop(0, ECH // 16, scan_body, carry)

        nb_full = cnt >> 7
        lax.fori_loop(0, nb_full, batch_body, 0)

        rem_off = nb_full * GB
        for q in range(GB // 16):
            srcb_v[pl.ds(q * 16, 16)] = csrc_v[pl.ds(rem_off + q * 16, 16)]
            sidxb_v[pl.ds(q * 16, 16)] = csidx_v[pl.ds(rem_off + q * 16, 16)]
        for q in range(GB // 16):
            csrc_v[pl.ds(q * 16, 16)] = srcb_v[pl.ds(q * 16, 16)]
            csidx_v[pl.ds(q * 16, 16)] = sidxb_v[pl.ds(q * 16, 16)]
        return cnt & (GB - 1)

    rem = lax.fori_loop(0, NCHUNK, chunk_body, jnp.int32(0))

    def pad_body(k, _):
        off = rem + k * 16
        kv = k * 16 + iota16
        csrc_v[pl.ds(off, 16)] = kv
        csidx_v[pl.ds(off, 16)] = SROWS + kv
        return 0

    lax.fori_loop(0, GB // 16, pad_body, 0)

    @pl.when(rem > 0)
    def _tail_batch():
        batch_body(0, 0)

    @pl.when(c == 0)
    def _self_gather():
        base = s * SELF_PT
        idxme_v[pl.ds(0, 16)] = idx_v[pl.ds(base, 16)]
        idxme_v[pl.ds(16, 16)] = idx_v[pl.ds(base + 16, 16)]
        idxme_v[pl.ds(SELF_PT - 16, 16)] = idx_v[pl.ds(base + SELF_PT - 16, 16)]
        pltpu.async_copy(emb_hbm.at[idxme_v], selfrows_v, sem).wait()
        pltpu.sync_copy(selfrows_v, self_out.at[pl.ds(base, SELF_PT)])

    @pl.when(jnp.logical_and(c == 0, s == 0))
    def _winners():
        def w_body(j, _):
            iv = idx_v[pl.ds(j * 16, 16)]
            wv_v[pl.ds(j * 16, 16)] = plsc.load_gather(map_v, [iv])
            return 0

        lax.fori_loop(0, NSLOT // 16, w_body, 0)
        pltpu.sync_copy(wv_v, w_out)

    plsc.subcore_barrier()

    pltpu.sync_copy(s_sh.at[pl.ds(s * SPT, SPT)],
                    s_out.at[c, pl.ds(s * SPT, SPT)])
    pltpu.sync_copy(degloc_v, deg_out.at[w])


@functools.partial(
    pl.kernel,
    out_type=(
        jax.ShapeDtypeStruct((NC, SROWS_PAD, D), jnp.float32),
        jax.ShapeDtypeStruct((NW, DEGROWS), jnp.float32),
        jax.ShapeDtypeStruct((NSLOT,), jnp.int32),
        jax.ShapeDtypeStruct((NSLOT, D), jnp.float32),
    ),
    mesh=plsc.VectorSubcoreMesh(core_axis_name="c", subcore_axis_name="s"),
    compiler_params=pltpu.CompilerParams(needs_layout_passes=False),
    scratch_types=[
        pltpu.VMEM((B * K * 3,), jnp.int32),
        pltpu.VMEM((NSLOT,), jnp.int32),
        pltpu.VMEM((10016,), jnp.int32),
        pltpu.VMEM((ECH,), jnp.int32),
        pltpu.VMEM((ECH,), jnp.int32),
        pltpu.VMEM((ECH,), jnp.int32),
        pltpu.VMEM((CAP,), jnp.int32),
        pltpu.VMEM((CAP,), jnp.int32),
        pltpu.VMEM((GB,), jnp.int32),
        pltpu.VMEM((GB,), jnp.int32),
        pltpu.VMEM((GB, D), jnp.float32),
        pltpu.VMEM((DEGROWS,), jnp.float32),
        pltpu.VMEM((48, D), jnp.float32),
        pltpu.VMEM((NSLOT,), jnp.int32),
        pltpu.VMEM((SELF_PT,), jnp.int32),
        pltpu.VMEM((SELF_PT, D), jnp.float32),
        pltpu.VMEM_SHARED((SROWS_PAD, D), jnp.float32),
        pltpu.SemaphoreType.DMA,
    ],
)
def _sc_kernel(*args):
    _sc_body(*args)


def _tc_body(s_ref, deg_ref, w_ref, self_ref, wrel_ref, wself_ref,
             w1_ref, b1_ref, w2t_ref, b2_ref, out_ref):
    S = s_ref[0] + s_ref[1]
    acc = jnp.zeros((NSLOT, D), jnp.float32)
    for r in range(R):
        acc = acc + jnp.dot(S[r * NSLOT:(r + 1) * NSLOT, :], wrel_ref[r],
                            preferred_element_type=jnp.float32,
                            precision=lax.Precision.HIGHEST)
    dsum = jnp.sum(deg_ref[...], axis=0, keepdims=True)
    recip = 1.0 / jnp.maximum(dsum[:, :NSLOT], 1.0)
    eye = (lax.broadcasted_iota(jnp.int32, (NSLOT, NSLOT), 0)
           == lax.broadcasted_iota(jnp.int32, (NSLOT, NSLOT), 1))
    dinv = eye.astype(jnp.float32) * recip
    acc = jnp.dot(dinv, acc, preferred_element_type=jnp.float32,
                  precision=lax.Precision.HIGHEST)
    selfterm = jnp.dot(self_ref[...], wself_ref[...],
                       preferred_element_type=jnp.float32,
                            precision=lax.Precision.HIGHEST)
    h = jnp.maximum(acc + selfterm, 0.0)
    wv = w_ref[...]
    cols = lax.broadcasted_iota(jnp.int32, (NSLOT, NSLOT), 1)
    onehot = (wv[:, None] == cols).astype(jnp.float32)
    g2 = jnp.dot(onehot, h, preferred_element_type=jnp.float32,
                            precision=lax.Precision.HIGHEST)
    grp = (lax.broadcasted_iota(jnp.int32, (B, NSLOT), 1) // (2 * K)
           == lax.broadcasted_iota(jnp.int32, (B, NSLOT), 0))
    mean = jnp.dot(grp.astype(jnp.float32), g2,
                   preferred_element_type=jnp.float32,
                            precision=lax.Precision.HIGHEST) / (2.0 * K)
    hid = jnp.maximum(
        jnp.dot(mean, w1_ref[...], preferred_element_type=jnp.float32,
                            precision=lax.Precision.HIGHEST)
        + b1_ref[...][None, :], 0.0)
    logit = jnp.sum(hid * w2t_ref[...], axis=1, keepdims=True) + b2_ref[...]
    out_ref[...] = 1.0 / (1.0 + jnp.exp(-logit))


def kernel(support_set, support_emb, edge_index, edge_type, node_emb,
           W_rel, W_self, W1, b1, W2, b2):
    del support_emb
    sup_flat = support_set.reshape(-1).astype(jnp.int32)
    src = edge_index[0].astype(jnp.int32)
    dst = edge_index[1].astype(jnp.int32)
    rel = edge_type.astype(jnp.int32)

    s_part, deg_part, wv, self_rows = _sc_kernel(
        sup_flat, src, dst, rel, node_emb)

    out = pl.pallas_call(
        _tc_body,
        out_shape=jax.ShapeDtypeStruct((B, 1), jnp.float32),
    )(s_part, deg_part, wv, self_rows,
      W_rel, W_self, W1, b1, W2.reshape(1, D), b2.reshape(1, 1))
    return out

# --- scband reference (transcript-rebuilt; emitter-appended) ---
"""Pipeline reference for scband-rgcnmodule-32959579030032 (READ-ONLY COPY).

The authoritative reference and input builder live on the scoring server;
editing this copy changes nothing except your own understanding.
"""

import jax, jax.numpy as jnp
import numpy as np

N = 10000   # num_nodes
E = 320000  # num_edges
D = 128     # rgcn_embed_dim
R = 8       # num_relations
B = 64      # batch of few-shot tasks
K = 5       # support-set size per task


def setup_inputs(seed: int = 0) -> dict:
    key = jax.random.key(seed)
    ks = jax.random.split(key, 12)
    support_set = jax.random.randint(ks[0], (B, K, 3), 0, N)          # (head, rel, tail) triplets
    support_emb = jax.random.normal(ks[1], (B, K, D), dtype=jnp.float32)
    edge_index = jax.random.randint(ks[2], (2, E), 0, N)              # background graph edges
    edge_type = jax.random.randint(ks[3], (E,), 0, R)
    node_emb = jax.random.normal(ks[4], (N, D), dtype=jnp.float32) * 0.02
    W_rel = jax.random.normal(ks[5], (R, D, D), dtype=jnp.float32) / np.sqrt(D)
    W_self = jax.random.normal(ks[6], (D, D), dtype=jnp.float32) / np.sqrt(D)
    W1 = jax.random.normal(ks[7], (D, D), dtype=jnp.float32) / np.sqrt(D)
    b1 = jnp.zeros((D,), dtype=jnp.float32)
    W2 = jax.random.normal(ks[8], (D, 1), dtype=jnp.float32) / np.sqrt(D)
    b2 = jnp.zeros((1,), dtype=jnp.float32)
    return {
        "support_set": support_set,
        "support_emb": support_emb,
        "edge_index": edge_index,
        "edge_type": edge_type,
        "node_emb": node_emb,
        "W_rel": W_rel,
        "W_self": W_self,
        "W1": W1,
        "b1": b1,
        "W2": W2,
        "b2": b2,
    }


def reference(support_set, support_emb, edge_index, edge_type, node_emb,
              W_rel, W_self, W1, b1, W2, b2):
    # --- RGCN layer over the background graph ---
    src = edge_index[0]
    dst = edge_index[1]
    # per-relation transform of all node features: [R, N, D]
    transformed = jnp.einsum('nd,rdf->rnf', node_emb, W_rel)
    # gather the relation-specific transformed source feature per edge: [E, D]
    msgs = transformed[edge_type, src]
    # mean-aggregate messages per destination node (scatter-add + degree normalize)
    agg = jax.ops.segment_sum(msgs, dst, num_segments=N)
    deg = jax.ops.segment_sum(jnp.ones((E,), dtype=node_emb.dtype), dst, num_segments=N)
    agg = agg / jnp.maximum(deg, 1.0)[:, None]
    h = jax.nn.relu(agg + node_emb @ W_self)  # [N, D]
    # --- RGCNModule.forward: gather head/tail embeddings of support triplets ---
    # (the original id->local-index remap is an identity-equivalent permutation)
    idx = support_set[:, :, jnp.array([0, 2])]   # [B, K, 2] head/tail node ids
    gathered = h[idx]                            # [B, K, 2, D]
    embeddings_mean = jnp.mean(gathered, axis=(1, 2))  # [B, D]
    hidden = jax.nn.relu(embeddings_mean @ W1 + b1)
    out = jax.nn.sigmoid(hidden @ W2 + b2)       # [B, 1]
    return out

if __name__ == "__main__":
    import jax
    _d = setup_inputs()
    print(jax.jit(kernel)(*tuple(_d.values())))

</pallas_src>

<mosaic_0001>
#map = affine_map<(d0, d1) -> (0)>
#map1 = affine_map<(d0, d1) -> (0, 0)>
#map2 = affine_map<(d0, d1) -> (0, 0, 0)>
module attributes {stable_mosaic.version = 14 : i64} {
  func.func @_sc_kernel(%arg0: i32, %arg1: i32, %arg2: memref<960xi32, #tpu.memory_space<hbm>>, %arg3: memref<320000xi32, #tpu.memory_space<hbm>>, %arg4: memref<320000xi32, #tpu.memory_space<hbm>>, %arg5: memref<320000xi32, #tpu.memory_space<hbm>>, %arg6: memref<10000x128xf32, #tpu.memory_space<hbm>>, %arg7: memref<2x5376x128xf32, #tpu.memory_space<hbm>>, %arg8: memref<32x768xf32, #tpu.memory_space<hbm>>, %arg9: memref<640xi32, #tpu.memory_space<hbm>>, %arg10: memref<640x128xf32, #tpu.memory_space<hbm>>, %arg11: memref<960xi32, #tpu.memory_space<vmem>>, %arg12: memref<640xi32, #tpu.memory_space<vmem>>, %arg13: memref<10016xi32, #tpu.memory_space<vmem>>, %arg14: memref<2000xi32, #tpu.memory_space<vmem>>, %arg15: memref<2000xi32, #tpu.memory_space<vmem>>, %arg16: memref<2000xi32, #tpu.memory_space<vmem>>, %arg17: memref<2256xi32, #tpu.memory_space<vmem>>, %arg18: memref<2256xi32, #tpu.memory_space<vmem>>, %arg19: memref<128xi32, #tpu.memory_space<vmem>>, %arg20: memref<128xi32, #tpu.memory_space<vmem>>, %arg21: memref<128x128xf32, #tpu.memory_space<vmem>>, %arg22: memref<768xf32, #tpu.memory_space<vmem>>, %arg23: memref<48x128xf32, #tpu.memory_space<vmem>>, %arg24: memref<640xi32, #tpu.memory_space<vmem>>, %arg25: memref<40xi32, #tpu.memory_space<vmem>>, %arg26: memref<40x128xf32, #tpu.memory_space<vmem>>, %arg27: memref<5376x128xf32, #tpu.memory_space<vmem_shared>>, %arg28: memref<!tpu.dma_semaphore, #tpu.memory_space<semaphore_mem>>) attributes {dimension_semantics = [#tpu.dimension_semantics<core_parallel>, #tpu.dimension_semantics<subcore_parallel>], iteration_bounds = array<i64: 2, 16>, scalar_prefetch = 0 : i64, scratch_operands = 18 : i64, tpu.core_type = #tpu.core_type<sc_vector_subcore>, window_params = [{transform_indices = #map}, {transform_indices = #map}, {transform_indices = #map}, {transform_indices = #map}, {transform_indices = #map1}, {transform_indices = #map2}, {transform_indices = #map1}, {transform_indices = #map}, {transform_indices = #map1}]} {
    %mul3A = arith.constant 2 : i32
    %mul3A_0 = arith.muli %arg1, %mul3A : i32
    %add3A = arith.addi %mul3A_0, %arg0 : i32
    %iota3A = tpu.iota {dimensions = array<i32: 0>} : vector<16xi32>
    %broadcast_in_dim3A = arith.constant 0.000000e+00 : f32
    %broadcast_in_dim3A_1 = vector.broadcast %broadcast_in_dim3A : f32 to vector<16xf32>
    %broadcast_in_dim3A_2 = arith.constant 1.000000e+00 : f32
    %broadcast_in_dim3A_3 = vector.broadcast %broadcast_in_dim3A_2 : f32 to vector<16xf32>
    %swap3A = arith.constant 0 : i32
    %swap3A_4 = arith.index_cast %swap3A : i32 to index
    %swap3A_5 = arith.constant 0 : index
    %swap3A_6 = tpu.vector_load %arg23[%swap3A_4, %swap3A_5] {strides = array<i32>} : memref<48x128xf32, #tpu.memory_space<vmem>>, vector<16xf32>,
    tpu.vector_store %arg23[%swap3A_4, %swap3A_5], %broadcast_in_dim3A_1 {strides = array<i32>} : memref<48x128xf32, #tpu.memory_space<vmem>>, vector<16xf32>,
    %swap3A_7 = arith.constant 0 : i32
    %swap3A_8 = arith.index_cast %swap3A_7 : i32 to index
    %swap3A_9 = arith.constant 16 : index
    %swap3A_10 = tpu.vector_load %arg23[%swap3A_8, %swap3A_9] {strides = array<i32>} : memref<48x128xf32, #tpu.memory_space<vmem>>, vector<16xf32>,
    tpu.vector_store %arg23[%swap3A_8, %swap3A_9], %broadcast_in_dim3A_1 {strides = array<i32>} : memref<48x128xf32, #tpu.memory_space<vmem>>, vector<16xf32>,
    %swap3A_11 = arith.constant 0 : i32
    %swap3A_12 = arith.index_cast %swap3A_11 : i32 to index
    %swap3A_13 = arith.constant 32 : index
    %swap3A_14 = tpu.vector_load %arg23[%swap3A_12, %swap3A_13] {strides = array<i32>} : memref<48x128xf32, #tpu.memory_space<vmem>>, vector<16xf32>,
    tpu.vector_store %arg23[%swap3A_12, %swap3A_13], %broadcast_in_dim3A_1 {strides = array<i32>} : memref<48x128xf32, #tpu.memory_space<vmem>>, vector<16xf32>,
    %swap3A_15 = arith.constant 0 : i32
    %swap3A_16 = arith.index_cast %swap3A_15 : i32 to index
    %swap3A_17 = arith.constant 48 : index
    %swap3A_18 = tpu.vector_load %arg23[%swap3A_16, %swap3A_17] {strides = array<i32>} : memref<48x128xf32, #tpu.memory_space<vmem>>, vector<16xf32>,
    tpu.vector_store %arg23[%swap3A_16, %swap3A_17], %broadcast_in_dim3A_1 {strides = array<i32>} : memref<48x128xf32, #tpu.memory_space<vmem>>, vector<16xf32>,
    %swap3A_19 = arith.constant 0 : i32
    %swap3A_20 = arith.index_cast %swap3A_19 : i32 to index
    %swap3A_21 = arith.constant 64 : index
    %swap3A_22 = tpu.vector_load %arg23[%swap3A_20, %swap3A_21] {strides = array<i32>} : memref<48x128xf32, #tpu.memory_space<vmem>>, vector<16xf32>,
    tpu.vector_store %arg23[%swap3A_20, %swap3A_21], %broadcast_in_dim3A_1 {strides = array<i32>} : memref<48x128xf32, #tpu.memory_space<vmem>>, vector<16xf32>,
    %swap3A_23 = arith.constant 0 : i32
    %swap3A_24 = arith.index_cast %swap3A_23 : i32 to index
    %swap3A_25 = arith.constant 80 : index
    %swap3A_26 = tpu.vector_load %arg23[%swap3A_24, %swap3A_25] {strides = array<i32>} : memref<48x128xf32, #tpu.memory_space<vmem>>, vector<16xf32>,
    tpu.vector_store %arg23[%swap3A_24, %swap3A_25], %broadcast_in_dim3A_1 {strides = array<i32>} : memref<48x128xf32, #tpu.memory_space<vmem>>, vector<16xf32>,
    %swap3A_27 = arith.constant 0 : i32
    %swap3A_28 = arith.index_cast %swap3A_27 : i32 to index
    %swap3A_29 = arith.constant 96 : index
    %swap3A_30 = tpu.vector_load %arg23[%swap3A_28, %swap3A_29] {strides = array<i32>} : memref<48x128xf32, #tpu.memory_space<vmem>>, vector<16xf32>,
    tpu.vector_store %arg23[%swap3A_28, %swap3A_29], %broadcast_in_dim3A_1 {strides = array<i32>} : memref<48x128xf32, #tpu.memory_space<vmem>>, vector<16xf32>,
    %swap3A_31 = arith.constant 0 : i32
    %swap3A_32 = arith.index_cast %swap3A_31 : i32 to index
    %swap3A_33 = arith.constant 112 : index
    %swap3A_34 = tpu.vector_load %arg23[%swap3A_32, %swap3A_33] {strides = array<i32>} : memref<48x128xf32, #tpu.memory_space<vmem>>, vector<16xf32>,
    tpu.vector_store %arg23[%swap3A_32, %swap3A_33], %broadcast_in_dim3A_1 {strides = array<i32>} : memref<48x128xf32, #tpu.memory_space<vmem>>, vector<16xf32>,
    %swap3A_35 = arith.constant 1 : i32
    %swap3A_36 = arith.index_cast %swap3A_35 : i32 to index
    %swap3A_37 = arith.constant 0 : index
    %swap3A_38 = tpu.vector_load %arg23[%swap3A_36, %swap3A_37] {strides = array<i32>} : memref<48x128xf32, #tpu.memory_space<vmem>>, vector<16xf32>,
    tpu.vector_store %arg23[%swap3A_36, %swap3A_37], %broadcast_in_dim3A_1 {strides = array<i32>} : memref<48x128xf32, #tpu.memory_space<vmem>>, vector<16xf32>,
    %swap3A_39 = arith.constant 1 : i32
    %swap3A_40 = arith.index_cast %swap3A_39 : i32 to index
    %swap3A_41 = arith.constant 16 : index
    %swap3A_42 = tpu.vector_load %arg23[%swap3A_40, %swap3A_41] {strides = array<i32>} : memref<48x128xf32, #tpu.memory_space<vmem>>, vector<16xf32>,
    tpu.vector_store %arg23[%swap3A_40, %swap3A_41], %broadcast_in_dim3A_1 {strides = array<i32>} : memref<48x128xf32, #tpu.memory_space<vmem>>, vector<16xf32>,
    %swap3A_43 = arith.constant 1 : i32
    %swap3A_44 = arith.index_cast %swap3A_43 : i32 to index
    %swap3A_45 = arith.constant 32 : index
    %swap3A_46 = tpu.vector_load %arg23[%swap3A_44, %swap3A_45] {strides = array<i32>} : memref<48x128xf32, #tpu.memory_space<vmem>>, vector<16xf32>,
    tpu.vector_store %arg23[%swap3A_44, %swap3A_45], %broadcast_in_dim3A_1 {strides = array<i32>} : memref<48x128xf32, #tpu.memory_space<vmem>>, vector<16xf32>,
    %swap3A_47 = arith.constant 1 : i32
    %swap3A_48 = arith.index_cast %swap3A_47 : i32 to index
    %swap3A_49 = arith.constant 48 : index
    %swap3A_50 = tpu.vector_load %arg23[%swap3A_48, %swap3A_49] {strides = array<i32>} : memref<48x128xf32, #tpu.memory_space<vmem>>, vector<16xf32>,
    tpu.vector_store %arg23[%swap3A_48, %swap3A_49], %broadcast_in_dim3A_1 {strides = array<i32>} : memref<48x128xf32, #tpu.memory_space<vmem>>, vector<16xf32>,
    %swap3A_51 = arith.constant 1 : i32
    %swap3A_52 = arith.index_cast %swap3A_51 : i32 to index
    %swap3A_53 = arith.constant 64 : index
    %swap3A_54 = tpu.vector_load %arg23[%swap3A_52, %swap3A_53] {strides = array<i32>} : memref<48x128xf32, #tpu.memory_space<vmem>>, vector<16xf32>,
    tpu.vector_store %arg23[%swap3A_52, %swap3A_53], %broadcast_in_dim3A_1 {strides = array<i32>} : memref<48x128xf32, #tpu.memory_space<vmem>>, vector<16xf32>,
    %swap3A_55 = arith.constant 1 : i32
    %swap3A_56 = arith.index_cast %swap3A_55 : i32 to index
    %swap3A_57 = arith.constant 80 : index
    %swap3A_58 = tpu.vector_load %arg23[%swap3A_56, %swap3A_57] {strides = array<i32>} : memref<48x128xf32, #tpu.memory_space<vmem>>, vector<16xf32>,
    tpu.vector_store %arg23[%swap3A_56, %swap3A_57], %broadcast_in_dim3A_1 {strides = array<i32>} : memref<48x128xf32, #tpu.memory_space<vmem>>, vector<16xf32>,
    %swap3A_59 = arith.constant 1 : i32
    %swap3A_60 = arith.index_cast %swap3A_59 : i32 to index
    %swap3A_61 = arith.constant 96 : index
    %swap3A_62 = tpu.vector_load %arg23[%swap3A_60, %swap3A_61] {strides = array<i32>} : memref<48x128xf32, #tpu.memory_space<vmem>>, vector<16xf32>,
    tpu.vector_store %arg23[%swap3A_60, %swap3A_61], %broadcast_in_dim3A_1 {strides = array<i32>} : memref<48x128xf32, #tpu.memory_space<vmem>>, vector<16xf32>,
    %swap3A_63 = arith.constant 1 : i32
    %swap3A_64 = arith.index_cast %swap3A_63 : i32 to index
    %swap3A_65 = arith.constant 112 : index
    %swap3A_66 = tpu.vector_load %arg23[%swap3A_64, %swap3A_65] {strides = array<i32>} : memref<48x128xf32, #tpu.memory_space<vmem>>, vector<16xf32>,
    tpu.vector_store %arg23[%swap3A_64, %swap3A_65], %broadcast_in_dim3A_1 {strides = array<i32>} : memref<48x128xf32, #tpu.memory_space<vmem>>, vector<16xf32>,
    %swap3A_67 = arith.constant 2 : i32
    %swap3A_68 = arith.index_cast %swap3A_67 : i32 to index
    %swap3A_69 = arith.constant 0 : index
    %swap3A_70 = tpu.vector_load %arg23[%swap3A_68, %swap3A_69] {strides = array<i32>} : memref<48x128xf32, #tpu.memory_space<vmem>>, vector<16xf32>,
    tpu.vector_store %arg23[%swap3A_68, %swap3A_69], %broadcast_in_dim3A_1 {strides = array<i32>} : memref<48x128xf32, #tpu.memory_space<vmem>>, vector<16xf32>,
    %swap3A_71 = arith.constant 2 : i32
    %swap3A_72 = arith.index_cast %swap3A_71 : i32 to index
    %swap3A_73 = arith.constant 16 : index
    %swap3A_74 = tpu.vector_load %arg23[%swap3A_72, %swap3A_73] {strides = array<i32>} : memref<48x128xf32, #tpu.memory_space<vmem>>, vector<16xf32>,
    tpu.vector_store %arg23[%swap3A_72, %swap3A_73], %broadcast_in_dim3A_1 {strides = array<i32>} : memref<48x128xf32, #tpu.memory_space<vmem>>, vector<16xf32>,
    %swap3A_75 = arith.constant 2 : i32
    %swap3A_76 = arith.index_cast %swap3A_75 : i32 to index
    %swap3A_77 = arith.constant 32 : index
    %swap3A_78 = tpu.vector_load %arg23[%swap3A_76, %swap3A_77] {strides = array<i32>} : memref<48x128xf32, #tpu.memory_space<vmem>>, vector<16xf32>,
    tpu.vector_store %arg23[%swap3A_76, %swap3A_77], %broadcast_in_dim3A_1 {strides = array<i32>} : memref<48x128xf32, #tpu.memory_space<vmem>>, vector<16xf32>,
    %swap3A_79 = arith.constant 2 : i32
    %swap3A_80 = arith.index_cast %swap3A_79 : i32 to index
    %swap3A_81 = arith.constant 48 : index
    %swap3A_82 = tpu.vector_load %arg23[%swap3A_80, %swap3A_81] {strides = array<i32>} : memref<48x128xf32, #tpu.memory_space<vmem>>, vector<16xf32>,
    tpu.vector_store %arg23[%swap3A_80, %swap3A_81], %broadcast_in_dim3A_1 {strides = array<i32>} : memref<48x128xf32, #tpu.memory_space<vmem>>, vector<16xf32>,
    %swap3A_83 = arith.constant 2 : i32
    %swap3A_84 = arith.index_cast %swap3A_83 : i32 to index
    %swap3A_85 = arith.constant 64 : index
    %swap3A_86 = tpu.vector_load %arg23[%swap3A_84, %swap3A_85] {strides = array<i32>} : memref<48x128xf32, #tpu.memory_space<vmem>>, vector<16xf32>,
    tpu.vector_store %arg23[%swap3A_84, %swap3A_85], %broadcast_in_dim3A_1 {strides = array<i32>} : memref<48x128xf32, #tpu.memory_space<vmem>>, vector<16xf32>,
    %swap3A_87 = arith.constant 2 : i32
    %swap3A_88 = arith.index_cast %swap3A_87 : i32 to index
    %swap3A_89 = arith.constant 80 : index
    %swap3A_90 = tpu.vector_load %arg23[%swap3A_88, %swap3A_89] {strides = array<i32>} : memref<48x128xf32, #tpu.memory_space<vmem>>, vector<16xf32>,
    tpu.vector_store %arg23[%swap3A_88, %swap3A_89], %broadcast_in_dim3A_1 {strides = array<i32>} : memref<48x128xf32, #tpu.memory_space<vmem>>, vector<16xf32>,
    %swap3A_91 = arith.constant 2 : i32
    %swap3A_92 = arith.index_cast %swap3A_91 : i32 to index
    %swap3A_93 = arith.constant 96 : index
    %swap3A_94 = tpu.vector_load %arg23[%swap3A_92, %swap3A_93] {strides = array<i32>} : memref<48x128xf32, #tpu.memory_space<vmem>>, vector<16xf32>,
    tpu.vector_store %arg23[%swap3A_92, %swap3A_93], %broadcast_in_dim3A_1 {strides = array<i32>} : memref<48x128xf32, #tpu.memory_space<vmem>>, vector<16xf32>,
    %swap3A_95 = arith.constant 2 : i32
    %swap3A_96 = arith.index_cast %swap3A_95 : i32 to index
    %swap3A_97 = arith.constant 112 : index
    %swap3A_98 = tpu.vector_load %arg23[%swap3A_96, %swap3A_97] {strides = array<i32>} : memref<48x128xf32, #tpu.memory_space<vmem>>, vector<16xf32>,
    tpu.vector_store %arg23[%swap3A_96, %swap3A_97], %broadcast_in_dim3A_1 {strides = array<i32>} : memref<48x128xf32, #tpu.memory_space<vmem>>, vector<16xf32>,
    %swap3A_99 = arith.constant 3 : i32
    %swap3A_100 = arith.index_cast %swap3A_99 : i32 to index
    %swap3A_101 = arith.constant 0 : index
    %swap3A_102 = tpu.vector_load %arg23[%swap3A_100, %swap3A_101] {strides = array<i32>} : memref<48x128xf32, #tpu.memory_space<vmem>>, vector<16xf32>,
    tpu.vector_store %arg23[%swap3A_100, %swap3A_101], %broadcast_in_dim3A_1 {strides = array<i32>} : memref<48x128xf32, #tpu.memory_space<vmem>>, vector<16xf32>,
    %swap3A_103 = arith.constant 3 : i32
    %swap3A_104 = arith.index_cast %swap3A_103 : i32 to index
    %swap3A_105 = arith.constant 16 : index
    %swap3A_106 = tpu.vector_load %arg23[%swap3A_104, %swap3A_105] {strides = array<i32>} : memref<48x128xf32, #tpu.memory_space<vmem>>, vector<16xf32>,
    tpu.vector_store %arg23[%swap3A_104, %swap3A_105], %broadcast_in_dim3A_1 {strides = array<i32>} : memref<48x128xf32, #tpu.memory_space<vmem>>, vector<16xf32>,
    %swap3A_107 = arith.constant 3 : i32
    %swap3A_108 = arith.index_cast %swap3A_107 : i32 to index
    %swap3A_109 = arith.constant 32 : index
    %swap3A_110 = tpu.vector_load %arg23[%swap3A_108, %swap3A_109] {strides = array<i32>} : memref<48x128xf32, #tpu.memory_space<vmem>>, vector<16xf32>,
    tpu.vector_store %arg23[%swap3A_108, %swap3A_109], %broadcast_in_dim3A_1 {strides = array<i32>} : memref<48x128xf32, #tpu.memory_space<vmem>>, vector<16xf32>,
    %swap3A_111 = arith.constant 3 : i32
    %swap3A_112 = arith.index_cast %swap3A_111 : i32 to index
    %swap3A_113 = arith.constant 48 : index
    %swap3A_114 = tpu.vector_load %arg23[%swap3A_112, %swap3A_113] {strides = array<i32>} : memref<48x128xf32, #tpu.memory_space<vmem>>, vector<16xf32>,
    tpu.vector_store %arg23[%swap3A_112, %swap3A_113], %broadcast_in_dim3A_1 {strides = array<i32>} : memref<48x128xf32, #tpu.memory_space<vmem>>, vector<16xf32>,
    %swap3A_115 = arith.constant 3 : i32
    %swap3A_116 = arith.index_cast %swap3A_115 : i32 to index
    %swap3A_117 = arith.constant 64 : index
    %swap3A_118 = tpu.vector_load %arg23[%swap3A_116, %swap3A_117] {strides = array<i32>} : memref<48x128xf32, #tpu.memory_space<vmem>>, vector<16xf32>,
    tpu.vector_store %arg23[%swap3A_116, %swap3A_117], %broadcast_in_dim3A_1 {strides = array<i32>} : memref<48x128xf32, #tpu.memory_space<vmem>>, vector<16xf32>,
    %swap3A_119 = arith.constant 3 : i32
    %swap3A_120 = arith.index_cast %swap3A_119 : i32 to index
    %swap3A_121 = arith.constant 80 : index
    %swap3A_122 = tpu.vector_load %arg23[%swap3A_120, %swap3A_121] {strides = array<i32>} : memref<48x128xf32, #tpu.memory_space<vmem>>, vector<16xf32>,
    tpu.vector_store %arg23[%swap3A_120, %swap3A_121], %broadcast_in_dim3A_1 {strides = array<i32>} : memref<48x128xf32, #tpu.memory_space<vmem>>, vector<16xf32>,
    %swap3A_123 = arith.constant 3 : i32
    %swap3A_124 = arith.index_cast %swap3A_123 : i32 to index
    %swap3A_125 = arith.constant 96 : index
    %swap3A_126 = tpu.vector_load %arg23[%swap3A_124, %swap3A_125] {strides = array<i32>} : memref<48x128xf32, #tpu.memory_space<vmem>>, vector<16xf32>,
    tpu.vector_store %arg23[%swap3A_124, %swap3A_125], %broadcast_in_dim3A_1 {strides = array<i32>} : memref<48x128xf32, #tpu.memory_space<vmem>>, vector<16xf32>,
    %swap3A_127 = arith.constant 3 : i32
    %swap3A_128 = arith.index_cast %swap3A_127 : i32 to index
    %swap3A_129 = arith.constant 112 : index
    %swap3A_130 = tpu.vector_load %arg23[%swap3A_128, %swap3A_129] {strides = array<i32>} : memref<48x128xf32, #tpu.memory_space<vmem>>, vector<16xf32>,
    tpu.vector_store %arg23[%swap3A_128, %swap3A_129], %broadcast_in_dim3A_1 {strides = array<i32>} : memref<48x128xf32, #tpu.memory_space<vmem>>, vector<16xf32>,
    %swap3A_131 = arith.constant 4 : i32
    %swap3A_132 = arith.index_cast %swap3A_131 : i32 to index
    %swap3A_133 = arith.constant 0 : index
    %swap3A_134 = tpu.vector_load %arg23[%swap3A_132, %swap3A_133] {strides = array<i32>} : memref<48x128xf32, #tpu.memory_space<vmem>>, vector<16xf32>,
    tpu.vector_store %arg23[%swap3A_132, %swap3A_133], %broadcast_in_dim3A_1 {strides = array<i32>} : memref<48x128xf32, #tpu.memory_space<vmem>>, vector<16xf32>,
    %swap3A_135 = arith.constant 4 : i32
    %swap3A_136 = arith.index_cast %swap3A_135 : i32 to index
    %swap3A_137 = arith.constant 16 : index
    %swap3A_138 = tpu.vector_load %arg23[%swap3A_136, %swap3A_137] {strides = array<i32>} : memref<48x128xf32, #tpu.memory_space<vmem>>, vector<16xf32>,
    tpu.vector_store %arg23[%swap3A_136, %swap3A_137], %broadcast_in_dim3A_1 {strides = array<i32>} : memref<48x128xf32, #tpu.memory_space<vmem>>, vector<16xf32>,
    %swap3A_139 = arith.constant 4 : i32
    %swap3A_140 = arith.index_cast %swap3A_139 : i32 to index
    %swap3A_141 = arith.constant 32 : index
    %swap3A_142 = tpu.vector_load %arg23[%swap3A_140, %swap3A_141] {strides = array<i32>} : memref<48x128xf32, #tpu.memory_space<vmem>>, vector<16xf32>,
    tpu.vector_store %arg23[%swap3A_140, %swap3A_141], %broadcast_in_dim3A_1 {strides = array<i32>} : memref<48x128xf32, #tpu.memory_space<vmem>>, vector<16xf32>,
    %swap3A_143 = arith.constant 4 : i32
    %swap3A_144 = arith.index_cast %swap3A_143 : i32 to index
    %swap3A_145 = arith.constant 48 : index
    %swap3A_146 = tpu.vector_load %arg23[%swap3A_144, %swap3A_145] {strides = array<i32>} : memref<48x128xf32, #tpu.memory_space<vmem>>, vector<16xf32>,
    tpu.vector_store %arg23[%swap3A_144, %swap3A_145], %broadcast_in_dim3A_1 {strides = array<i32>} : memref<48x128xf32, #tpu.memory_space<vmem>>, vector<16xf32>,
    %swap3A_147 = arith.constant 4 : i32
    %swap3A_148 = arith.index_cast %swap3A_147 : i32 to index
    %swap3A_149 = arith.constant 64 : index
    %swap3A_150 = tpu.vector_load %arg23[%swap3A_148, %swap3A_149] {strides = array<i32>} : memref<48x128xf32, #tpu.memory_space<vmem>>, vector<16xf32>,
    tpu.vector_store %arg23[%swap3A_148, %swap3A_149], %broadcast_in_dim3A_1 {strides = array<i32>} : memref<48x128xf32, #tpu.memory_space<vmem>>, vector<16xf32>,
    %swap3A_151 = arith.constant 4 : i32
    %swap3A_152 = arith.index_cast %swap3A_151 : i32 to index
    %swap3A_153 = arith.constant 80 : index
    %swap3A_154 = tpu.vector_load %arg23[%swap3A_152, %swap3A_153] {strides = array<i32>} : memref<48x128xf32, #tpu.memory_space<vmem>>, vector<16xf32>,
    tpu.vector_store %arg23[%swap3A_152, %swap3A_153], %broadcast_in_dim3A_1 {strides = array<i32>} : memref<48x128xf32, #tpu.memory_space<vmem>>, vector<16xf32>,
    %swap3A_155 = arith.constant 4 : i32
    %swap3A_156 = arith.index_cast %swap3A_155 : i32 to index
    %swap3A_157 = arith.constant 96 : index
    %swap3A_158 = tpu.vector_load %arg23[%swap3A_156, %swap3A_157] {strides = array<i32>} : memref<48x128xf32, #tpu.memory_space<vmem>>, vector<16xf32>,
    tpu.vector_store %arg23[%swap3A_156, %swap3A_157], %broadcast_in_dim3A_1 {strides = array<i32>} : memref<48x128xf32, #tpu.memory_space<vmem>>, vector<16xf32>,
    %swap3A_159 = arith.constant 4 : i32
    %swap3A_160 = arith.index_cast %swap3A_159 : i32 to index
    %swap3A_161 = arith.constant 112 : index
    %swap3A_162 = tpu.vector_load %arg23[%swap3A_160, %swap3A_161] {strides = array<i32>} : memref<48x128xf32, #tpu.memory_space<vmem>>, vector<16xf32>,
    tpu.vector_store %arg23[%swap3A_160, %swap3A_161], %broadcast_in_dim3A_1 {strides = array<i32>} : memref<48x128xf32, #tpu.memory_space<vmem>>, vector<16xf32>,
    %swap3A_163 = arith.constant 5 : i32
    %swap3A_164 = arith.index_cast %swap3A_163 : i32 to index
    %swap3A_165 = arith.constant 0 : index
    %swap3A_166 = tpu.vector_load %arg23[%swap3A_164, %swap3A_165] {strides = array<i32>} : memref<48x128xf32, #tpu.memory_space<vmem>>, vector<16xf32>,
    tpu.vector_store %arg23[%swap3A_164, %swap3A_165], %broadcast_in_dim3A_1 {strides = array<i32>} : memref<48x128xf32, #tpu.memory_space<vmem>>, vector<16xf32>,
    %swap3A_167 = arith.constant 5 : i32
    %swap3A_168 = arith.index_cast %swap3A_167 : i32 to index
    %swap3A_169 = arith.constant 16 : index
    %swap3A_170 = tpu.vector_load %arg23[%swap3A_168, %swap3A_169] {strides = array<i32>} : memref<48x128xf32, #tpu.memory_space<vmem>>, vector<16xf32>,
    tpu.vector_store %arg23[%swap3A_168, %swap3A_169], %broadcast_in_dim3A_1 {strides = array<i32>} : memref<48x128xf32, #tpu.memory_space<vmem>>, vector<16xf32>,
    %swap3A_171 = arith.constant 5 : i32
    %swap3A_172 = arith.index_cast %swap3A_171 : i32 to index
    %swap3A_173 = arith.constant 32 : index
    %swap3A_174 = tpu.vector_load %arg23[%swap3A_172, %swap3A_173] {strides = array<i32>} : memref<48x128xf32, #tpu.memory_space<vmem>>, vector<16xf32>,
    tpu.vector_store %arg23[%swap3A_172, %swap3A_173], %broadcast_in_dim3A_1 {strides = array<i32>} : memref<48x128xf32, #tpu.memory_space<vmem>>, vector<16xf32>,
    %swap3A_175 = arith.constant 5 : i32
    %swap3A_176 = arith.index_cast %swap3A_175 : i32 to index
    %swap3A_177 = arith.constant 48 : index
    %swap3A_178 = tpu.vector_load %arg23[%swap3A_176, %swap3A_177] {strides = array<i32>} : memref<48x128xf32, #tpu.memory_space<vmem>>, vector<16xf32>,
    tpu.vector_store %arg23[%swap3A_176, %swap3A_177], %broadcast_in_dim3A_1 {strides = array<i32>} : memref<48x128xf32, #tpu.memory_space<vmem>>, vector<16xf32>,
    %swap3A_179 = arith.constant 5 : i32
    %swap3A_180 = arith.index_cast %swap3A_179 : i32 to index
    %swap3A_181 = arith.constant 64 : index
    %swap3A_182 = tpu.vector_load %arg23[%swap3A_180, %swap3A_181] {strides = array<i32>} : memref<48x128xf32, #tpu.memory_space<vmem>>, vector<16xf32>,
    tpu.vector_store %arg23[%swap3A_180, %swap3A_181], %broadcast_in_dim3A_1 {strides = array<i32>} : memref<48x128xf32, #tpu.memory_space<vmem>>, vector<16xf32>,
    %swap3A_183 = arith.constant 5 : i32
    %swap3A_184 = arith.index_cast %swap3A_183 : i32 to index
    %swap3A_185 = arith.constant 80 : index
    %swap3A_186 = tpu.vector_load %arg23[%swap3A_184, %swap3A_185] {strides = array<i32>} : memref<48x128xf32, #tpu.memory_space<vmem>>, vector<16xf32>,
    tpu.vector_store %arg23[%swap3A_184, %swap3A_185], %broadcast_in_dim3A_1 {strides = array<i32>} : memref<48x128xf32, #tpu.memory_space<vmem>>, vector<16xf32>,
    %swap3A_187 = arith.constant 5 : i32
    %swap3A_188 = arith.index_cast %swap3A_187 : i32 to index
    %swap3A_189 = arith.constant 96 : index
    %swap3A_190 = tpu.vector_load %arg23[%swap3A_188, %swap3A_189] {strides = array<i32>} : memref<48x128xf32, #tpu.memory_space<vmem>>, vector<16xf32>,
    tpu.vector_store %arg23[%swap3A_188, %swap3A_189], %broadcast_in_dim3A_1 {strides = array<i32>} : memref<48x128xf32, #tpu.memory_space<vmem>>, vector<16xf32>,
    %swap3A_191 = arith.constant 5 : i32
    %swap3A_192 = arith.index_cast %swap3A_191 : i32 to index
    %swap3A_193 = arith.constant 112 : index
    %swap3A_194 = tpu.vector_load %arg23[%swap3A_192, %swap3A_193] {strides = array<i32>} : memref<48x128xf32, #tpu.memory_space<vmem>>, vector<16xf32>,
    tpu.vector_store %arg23[%swap3A_192, %swap3A_193], %broadcast_in_dim3A_1 {strides = array<i32>} : memref<48x128xf32, #tpu.memory_space<vmem>>, vector<16xf32>,
    %swap3A_195 = arith.constant 6 : i32
    %swap3A_196 = arith.index_cast %swap3A_195 : i32 to index
    %swap3A_197 = arith.constant 0 : index
    %swap3A_198 = tpu.vector_load %arg23[%swap3A_196, %swap3A_197] {strides = array<i32>} : memref<48x128xf32, #tpu.memory_space<vmem>>, vector<16xf32>,
    tpu.vector_store %arg23[%swap3A_196, %swap3A_197], %broadcast_in_dim3A_1 {strides = array<i32>} : memref<48x128xf32, #tpu.memory_space<vmem>>, vector<16xf32>,
    %swap3A_199 = arith.constant 6 : i32
    %swap3A_200 = arith.index_cast %swap3A_199 : i32 to index
    %swap3A_201 = arith.constant 16 : index
    %swap3A_202 = tpu.vector_load %arg23[%swap3A_200, %swap3A_201] {strides = array<i32>} : memref<48x128xf32, #tpu.memory_space<vmem>>, vector<16xf32>,
    tpu.vector_store %arg23[%swap3A_200, %swap3A_201], %broadcast_in_dim3A_1 {strides = array<i32>} : memref<48x128xf32, #tpu.memory_space<vmem>>, vector<16xf32>,
    %swap3A_203 = arith.constant 6 : i32
    %swap3A_204 = arith.index_cast %swap3A_203 : i32 to index
    %swap3A_205 = arith.constant 32 : index
    %swap3A_206 = tpu.vector_load %arg23[%swap3A_204, %swap3A_205] {strides = array<i32>} : memref<48x128xf32, #tpu.memory_space<vmem>>, vector<16xf32>,
    tpu.vector_store %arg23[%swap3A_204, %swap3A_205], %broadcast_in_dim3A_1 {strides = array<i32>} : memref<48x128xf32, #tpu.memory_space<vmem>>, vector<16xf32>,
    %swap3A_207 = arith.constant 6 : i32
    %swap3A_208 = arith.index_cast %swap3A_207 : i32 to index
    %swap3A_209 = arith.constant 48 : index
    %swap3A_210 = tpu.vector_load %arg23[%swap3A_208, %swap3A_209] {strides = array<i32>} : memref<48x128xf32, #tpu.memory_space<vmem>>, vector<16xf32>,
    tpu.vector_store %arg23[%swap3A_208, %swap3A_209], %broadcast_in_dim3A_1 {strides = array<i32>} : memref<48x128xf32, #tpu.memory_space<vmem>>, vector<16xf32>,
    %swap3A_211 = arith.constant 6 : i32
    %swap3A_212 = arith.index_cast %swap3A_211 : i32 to index
    %swap3A_213 = arith.constant 64 : index
    %swap3A_214 = tpu.vector_load %arg23[%swap3A_212, %swap3A_213] {strides = array<i32>} : memref<48x128xf32, #tpu.memory_space<vmem>>, vector<16xf32>,
    tpu.vector_store %arg23[%swap3A_212, %swap3A_213], %broadcast_in_dim3A_1 {strides = array<i32>} : memref<48x128xf32, #tpu.memory_space<vmem>>, vector<16xf32>,
    %swap3A_215 = arith.constant 6 : i32
    %swap3A_216 = arith.index_cast %swap3A_215 : i32 to index
    %swap3A_217 = arith.constant 80 : index
    %swap3A_218 = tpu.vector_load %arg23[%swap3A_216, %swap3A_217] {strides = array<i32>} : memref<48x128xf32, #tpu.memory_space<vmem>>, vector<16xf32>,
    tpu.vector_store %arg23[%swap3A_216, %swap3A_217], %broadcast_in_dim3A_1 {strides = array<i32>} : memref<48x128xf32, #tpu.memory_space<vmem>>, vector<16xf32>,
    %swap3A_219 = arith.constant 6 : i32
    %swap3A_220 = arith.index_cast %swap3A_219 : i32 to index
    %swap3A_221 = arith.constant 96 : index
    %swap3A_222 = tpu.vector_load %arg23[%swap3A_220, %swap3A_221] {strides = array<i32>} : memref<48x128xf32, #tpu.memory_space<vmem>>, vector<16xf32>,
    tpu.vector_store %arg23[%swap3A_220, %swap3A_221], %broadcast_in_dim3A_1 {strides = array<i32>} : memref<48x128xf32, #tpu.memory_space<vmem>>, vector<16xf32>,
    %swap3A_223 = arith.constant 6 : i32
    %swap3A_224 = arith.index_cast %swap3A_223 : i32 to index
    %swap3A_225 = arith.constant 112 : index
    %swap3A_226 = tpu.vector_load %arg23[%swap3A_224, %swap3A_225] {strides = array<i32>} : memref<48x128xf32, #tpu.memory_space<vmem>>, vector<16xf32>,
    tpu.vector_store %arg23[%swap3A_224, %swap3A_225], %broadcast_in_dim3A_1 {strides = array<i32>} : memref<48x128xf32, #tpu.memory_space<vmem>>, vector<16xf32>,
    %swap3A_227 = arith.constant 7 : i32
    %swap3A_228 = arith.index_cast %swap3A_227 : i32 to index
    %swap3A_229 = arith.constant 0 : index
    %swap3A_230 = tpu.vector_load %arg23[%swap3A_228, %swap3A_229] {strides = array<i32>} : memref<48x128xf32, #tpu.memory_space<vmem>>, vector<16xf32>,
    tpu.vector_store %arg23[%swap3A_228, %swap3A_229], %broadcast_in_dim3A_1 {strides = array<i32>} : memref<48x128xf32, #tpu.memory_space<vmem>>, vector<16xf32>,
    %swap3A_231 = arith.constant 7 : i32
    %swap3A_232 = arith.index_cast %swap3A_231 : i32 to index
    %swap3A_233 = arith.constant 16 : index
    %swap3A_234 = tpu.vector_load %arg23[%swap3A_232, %swap3A_233] {strides = array<i32>} : memref<48x128xf32, #tpu.memory_space<vmem>>, vector<16xf32>,
    tpu.vector_store %arg23[%swap3A_232, %swap3A_233], %broadcast_in_dim3A_1 {strides = array<i32>} : memref<48x128xf32, #tpu.memory_space<vmem>>, vector<16xf32>,
    %swap3A_235 = arith.constant 7 : i32
    %swap3A_236 = arith.index_cast %swap3A_235 : i32 to index
    %swap3A_237 = arith.constant 32 : index
    %swap3A_238 = tpu.vector_load %arg23[%swap3A_236, %swap3A_237] {strides = array<i32>} : memref<48x128xf32, #tpu.memory_space<vmem>>, vector<16xf32>,
    tpu.vector_store %arg23[%swap3A_236, %swap3A_237], %broadcast_in_dim3A_1 {strides = array<i32>} : memref<48x128xf32, #tpu.memory_space<vmem>>, vector<16xf32>,
    %swap3A_239 = arith.constant 7 : i32
    %swap3A_240 = arith.index_cast %swap3A_239 : i32 to index
    %swap3A_241 = arith.constant 48 : index
    %swap3A_242 = tpu.vector_load %arg23[%swap3A_240, %swap3A_241] {strides = array<i32>} : memref<48x128xf32, #tpu.memory_space<vmem>>, vector<16xf32>,
    tpu.vector_store %arg23[%swap3A_240, %swap3A_241], %broadcast_in_dim3A_1 {strides = array<i32>} : memref<48x128xf32, #tpu.memory_space<vmem>>, vector<16xf32>,
    %swap3A_243 = arith.constant 7 : i32
    %swap3A_244 = arith.index_cast %swap3A_243 : i32 to index
    %swap3A_245 = arith.constant 64 : index
    %swap3A_246 = tpu.vector_load %arg23[%swap3A_244, %swap3A_245] {strides = array<i32>} : memref<48x128xf32, #tpu.memory_space<vmem>>, vector<16xf32>,
    tpu.vector_store %arg23[%swap3A_244, %swap3A_245], %broadcast_in_dim3A_1 {strides = array<i32>} : memref<48x128xf32, #tpu.memory_space<vmem>>, vector<16xf32>,
    %swap3A_247 = arith.constant 7 : i32
    %swap3A_248 = arith.index_cast %swap3A_247 : i32 to index
    %swap3A_249 = arith.constant 80 : index
    %swap3A_250 = tpu.vector_load %arg23[%swap3A_248, %swap3A_249] {strides = array<i32>} : memref<48x128xf32, #tpu.memory_space<vmem>>, vector<16xf32>,
    tpu.vector_store %arg23[%swap3A_248, %swap3A_249], %broadcast_in_dim3A_1 {strides = array<i32>} : memref<48x128xf32, #tpu.memory_space<vmem>>, vector<16xf32>,
    %swap3A_251 = arith.constant 7 : i32
    %swap3A_252 = arith.index_cast %swap3A_251 : i32 to index
    %swap3A_253 = arith.constant 96 : index
    %swap3A_254 = tpu.vector_load %arg23[%swap3A_252, %swap3A_253] {strides = array<i32>} : memref<48x128xf32, #tpu.memory_space<vmem>>, vector<16xf32>,
    tpu.vector_store %arg23[%swap3A_252, %swap3A_253], %broadcast_in_dim3A_1 {strides = array<i32>} : memref<48x128xf32, #tpu.memory_space<vmem>>, vector<16xf32>,
    %swap3A_255 = arith.constant 7 : i32
    %swap3A_256 = arith.index_cast %swap3A_255 : i32 to index
    %swap3A_257 = arith.constant 112 : index
    %swap3A_258 = tpu.vector_load %arg23[%swap3A_256, %swap3A_257] {strides = array<i32>} : memref<48x128xf32, #tpu.memory_space<vmem>>, vector<16xf32>,
    tpu.vector_store %arg23[%swap3A_256, %swap3A_257], %broadcast_in_dim3A_1 {strides = array<i32>} : memref<48x128xf32, #tpu.memory_space<vmem>>, vector<16xf32>,
    %swap3A_259 = arith.constant 8 : i32
    %swap3A_260 = arith.index_cast %swap3A_259 : i32 to index
    %swap3A_261 = arith.constant 0 : index
    %swap3A_262 = tpu.vector_load %arg23[%swap3A_260, %swap3A_261] {strides = array<i32>} : memref<48x128xf32, #tpu.memory_space<vmem>>, vector<16xf32>,
    tpu.vector_store %arg23[%swap3A_260, %swap3A_261], %broadcast_in_dim3A_1 {strides = array<i32>} : memref<48x128xf32, #tpu.memory_space<vmem>>, vector<16xf32>,
    %swap3A_263 = arith.constant 8 : i32
    %swap3A_264 = arith.index_cast %swap3A_263 : i32 to index
    %swap3A_265 = arith.constant 16 : index
    %swap3A_266 = tpu.vector_load %arg23[%swap3A_264, %swap3A_265] {strides = array<i32>} : memref<48x128xf32, #tpu.memory_space<vmem>>, vector<16xf32>,
    tpu.vector_store %arg23[%swap3A_264, %swap3A_265], %broadcast_in_dim3A_1 {strides = array<i32>} : memref<48x128xf32, #tpu.memory_space<vmem>>, vector<16xf32>,
    %swap3A_267 = arith.constant 8 : i32
    %swap3A_268 = arith.index_cast %swap3A_267 : i32 to index
    %swap3A_269 = arith.constant 32 : index
    %swap3A_270 = tpu.vector_load %arg23[%swap3A_268, %swap3A_269] {strides = array<i32>} : memref<48x128xf32, #tpu.memory_space<vmem>>, vector<16xf32>,
    tpu.vector_store %arg23[%swap3A_268, %swap3A_269], %broadcast_in_dim3A_1 {strides = array<i32>} : memref<48x128xf32, #tpu.memory_space<vmem>>, vector<16xf32>,
    %swap3A_271 = arith.constant 8 : i32
    %swap3A_272 = arith.index_cast %swap3A_271 : i32 to index
    %swap3A_273 = arith.constant 48 : index
    %swap3A_274 = tpu.vector_load %arg23[%swap3A_272, %swap3A_273] {strides = array<i32>} : memref<48x128xf32, #tpu.memory_space<vmem>>, vector<16xf32>,
    tpu.vector_store %arg23[%swap3A_272, %swap3A_273], %broadcast_in_dim3A_1 {strides = array<i32>} : memref<48x128xf32, #tpu.memory_space<vmem>>, vector<16xf32>,
    %swap3A_275 = arith.constant 8 : i32
    %swap3A_276 = arith.index_cast %swap3A_275 : i32 to index
    %swap3A_277 = arith.constant 64 : index
    %swap3A_278 = tpu.vector_load %arg23[%swap3A_276, %swap3A_277] {strides = array<i32>} : memref<48x128xf32, #tpu.memory_space<vmem>>, vector<16xf32>,
    tpu.vector_store %arg23[%swap3A_276, %swap3A_277], %broadcast_in_dim3A_1 {strides = array<i32>} : memref<48x128xf32, #tpu.memory_space<vmem>>, vector<16xf32>,
    %swap3A_279 = arith.constant 8 : i32
    %swap3A_280 = arith.index_cast %swap3A_279 : i32 to index
    %swap3A_281 = arith.constant 80 : index
    %swap3A_282 = tpu.vector_load %arg23[%swap3A_280, %swap3A_281] {strides = array<i32>} : memref<48x128xf32, #tpu.memory_space<vmem>>, vector<16xf32>,
    tpu.vector_store %arg23[%swap3A_280, %swap3A_281], %broadcast_in_dim3A_1 {strides = array<i32>} : memref<48x128xf32, #tpu.memory_space<vmem>>, vector<16xf32>,
    %swap3A_283 = arith.constant 8 : i32
    %swap3A_284 = arith.index_cast %swap3A_283 : i32 to index
    %swap3A_285 = arith.constant 96 : index
    %swap3A_286 = tpu.vector_load %arg23[%swap3A_284, %swap3A_285] {strides = array<i32>} : memref<48x128xf32, #tpu.memory_space<vmem>>, vector<16xf32>,
    tpu.vector_store %arg23[%swap3A_284, %swap3A_285], %broadcast_in_dim3A_1 {strides = array<i32>} : memref<48x128xf32, #tpu.memory_space<vmem>>, vector<16xf32>,
    %swap3A_287 = arith.constant 8 : i32
    %swap3A_288 = arith.index_cast %swap3A_287 : i32 to index
    %swap3A_289 = arith.constant 112 : index
    %swap3A_290 = tpu.vector_load %arg23[%swap3A_288, %swap3A_289] {strides = array<i32>} : memref<48x128xf32, #tpu.memory_space<vmem>>, vector<16xf32>,
    tpu.vector_store %arg23[%swap3A_288, %swap3A_289], %broadcast_in_dim3A_1 {strides = array<i32>} : memref<48x128xf32, #tpu.memory_space<vmem>>, vector<16xf32>,
    %swap3A_291 = arith.constant 9 : i32
    %swap3A_292 = arith.index_cast %swap3A_291 : i32 to index
    %swap3A_293 = arith.constant 0 : index
    %swap3A_294 = tpu.vector_load %arg23[%swap3A_292, %swap3A_293] {strides = array<i32>} : memref<48x128xf32, #tpu.memory_space<vmem>>, vector<16xf32>,
    tpu.vector_store %arg23[%swap3A_292, %swap3A_293], %broadcast_in_dim3A_1 {strides = array<i32>} : memref<48x128xf32, #tpu.memory_space<vmem>>, vector<16xf32>,
    %swap3A_295 = arith.constant 9 : i32
    %swap3A_296 = arith.index_cast %swap3A_295 : i32 to index
    %swap3A_297 = arith.constant 16 : index
    %swap3A_298 = tpu.vector_load %arg23[%swap3A_296, %swap3A_297] {strides = array<i32>} : memref<48x128xf32, #tpu.memory_space<vmem>>, vector<16xf32>,
    tpu.vector_store %arg23[%swap3A_296, %swap3A_297], %broadcast_in_dim3A_1 {strides = array<i32>} : memref<48x128xf32, #tpu.memory_space<vmem>>, vector<16xf32>,
    %swap3A_299 = arith.constant 9 : i32
    %swap3A_300 = arith.index_cast %swap3A_299 : i32 to index
    %swap3A_301 = arith.constant 32 : index
    %swap3A_302 = tpu.vector_load %arg23[%swap3A_300, %swap3A_301] {strides = array<i32>} : memref<48x128xf32, #tpu.memory_space<vmem>>, vector<16xf32>,
    tpu.vector_store %arg23[%swap3A_300, %swap3A_301], %broadcast_in_dim3A_1 {strides = array<i32>} : memref<48x128xf32, #tpu.memory_space<vmem>>, vector<16xf32>,
    %swap3A_303 = arith.constant 9 : i32
    %swap3A_304 = arith.index_cast %swap3A_303 : i32 to index
    %swap3A_305 = arith.constant 48 : index
    %swap3A_306 = tpu.vector_load %arg23[%swap3A_304, %swap3A_305] {strides = array<i32>} : memref<48x128xf32, #tpu.memory_space<vmem>>, vector<16xf32>,
    tpu.vector_store %arg23[%swap3A_304, %swap3A_305], %broadcast_in_dim3A_1 {strides = array<i32>} : memref<48x128xf32, #tpu.memory_space<vmem>>, vector<16xf32>,
    %swap3A_307 = arith.constant 9 : i32
    %swap3A_308 = arith.index_cast %swap3A_307 : i32 to index
    %swap3A_309 = arith.constant 64 : index
    %swap3A_310 = tpu.vector_load %arg23[%swap3A_308, %swap3A_309] {strides = array<i32>} : memref<48x128xf32, #tpu.memory_space<vmem>>, vector<16xf32>,
    tpu.vector_store %arg23[%swap3A_308, %swap3A_309], %broadcast_in_dim3A_1 {strides = array<i32>} : memref<48x128xf32, #tpu.memory_space<vmem>>, vector<16xf32>,
    %swap3A_311 = arith.constant 9 : i32
    %swap3A_312 = arith.index_cast %swap3A_311 : i32 to index
    %swap3A_313 = arith.constant 80 : index
    %swap3A_314 = tpu.vector_load %arg23[%swap3A_312, %swap3A_313] {strides = array<i32>} : memref<48x128xf32, #tpu.memory_space<vmem>>, vector<16xf32>,
    tpu.vector_store %arg23[%swap3A_312, %swap3A_313], %broadcast_in_dim3A_1 {strides = array<i32>} : memref<48x128xf32, #tpu.memory_space<vmem>>, vector<16xf32>,
    %swap3A_315 = arith.constant 9 : i32
    %swap3A_316 = arith.index_cast %swap3A_315 : i32 to index
    %swap3A_317 = arith.constant 96 : index
    %swap3A_318 = tpu.vector_load %arg23[%swap3A_316, %swap3A_317] {strides = array<i32>} : memref<48x128xf32, #tpu.memory_space<vmem>>, vector<16xf32>,
    tpu.vector_store %arg23[%swap3A_316, %swap3A_317], %broadcast_in_dim3A_1 {strides = array<i32>} : memref<48x128xf32, #tpu.memory_space<vmem>>, vector<16xf32>,
    %swap3A_319 = arith.constant 9 : i32
    %swap3A_320 = arith.index_cast %swap3A_319 : i32 to index
    %swap3A_321 = arith.constant 112 : index
    %swap3A_322 = tpu.vector_load %arg23[%swap3A_320, %swap3A_321] {strides = array<i32>} : memref<48x128xf32, #tpu.memory_space<vmem>>, vector<16xf32>,
    tpu.vector_store %arg23[%swap3A_320, %swap3A_321], %broadcast_in_dim3A_1 {strides = array<i32>} : memref<48x128xf32, #tpu.memory_space<vmem>>, vector<16xf32>,
    %swap3A_323 = arith.constant 10 : i32
    %swap3A_324 = arith.index_cast %swap3A_323 : i32 to index
    %swap3A_325 = arith.constant 0 : index
    %swap3A_326 = tpu.vector_load %arg23[%swap3A_324, %swap3A_325] {strides = array<i32>} : memref<48x128xf32, #tpu.memory_space<vmem>>, vector<16xf32>,
    tpu.vector_store %arg23[%swap3A_324, %swap3A_325], %broadcast_in_dim3A_1 {strides = array<i32>} : memref<48x128xf32, #tpu.memory_space<vmem>>, vector<16xf32>,
    %swap3A_327 = arith.constant 10 : i32
    %swap3A_328 = arith.index_cast %swap3A_327 : i32 to index
    %swap3A_329 = arith.constant 16 : index
    %swap3A_330 = tpu.vector_load %arg23[%swap3A_328, %swap3A_329] {strides = array<i32>} : memref<48x128xf32, #tpu.memory_space<vmem>>, vector<16xf32>,
    tpu.vector_store %arg23[%swap3A_328, %swap3A_329], %broadcast_in_dim3A_1 {strides = array<i32>} : memref<48x128xf32, #tpu.memory_space<vmem>>, vector<16xf32>,
    %swap3A_331 = arith.constant 10 : i32
    %swap3A_332 = arith.index_cast %swap3A_331 : i32 to index
    %swap3A_333 = arith.constant 32 : index
    %swap3A_334 = tpu.vector_load %arg23[%swap3A_332, %swap3A_333] {strides = array<i32>} : memref<48x128xf32, #tpu.memory_space<vmem>>, vector<16xf32>,
    tpu.vector_store %arg23[%swap3A_332, %swap3A_333], %broadcast_in_dim3A_1 {strides = array<i32>} : memref<48x128xf32, #tpu.memory_space<vmem>>, vector<16xf32>,
    %swap3A_335 = arith.constant 10 : i32
    %swap3A_336 = arith.index_cast %swap3A_335 : i32 to index
    %swap3A_337 = arith.constant 48 : index
    %swap3A_338 = tpu.vector_load %arg23[%swap3A_336, %swap3A_337] {strides = array<i32>} : memref<48x128xf32, #tpu.memory_space<vmem>>, vector<16xf32>,
    tpu.vector_store %arg23[%swap3A_336, %swap3A_337], %broadcast_in_dim3A_1 {strides = array<i32>} : memref<48x128xf32, #tpu.memory_space<vmem>>, vector<16xf32>,
    %swap3A_339 = arith.constant 10 : i32
    %swap3A_340 = arith.index_cast %swap3A_339 : i32 to index
    %swap3A_341 = arith.constant 64 : index
    %swap3A_342 = tpu.vector_load %arg23[%swap3A_340, %swap3A_341] {strides = array<i32>} : memref<48x128xf32, #tpu.memory_space<vmem>>, vector<16xf32>,
    tpu.vector_store %arg23[%swap3A_340, %swap3A_341], %broadcast_in_dim3A_1 {strides = array<i32>} : memref<48x128xf32, #tpu.memory_space<vmem>>, vector<16xf32>,
    %swap3A_343 = arith.constant 10 : i32
    %swap3A_344 = arith.index_cast %swap3A_343 : i32 to index
    %swap3A_345 = arith.constant 80 : index
    %swap3A_346 = tpu.vector_load %arg23[%swap3A_344, %swap3A_345] {strides = array<i32>} : memref<48x128xf32, #tpu.memory_space<vmem>>, vector<16xf32>,
    tpu.vector_store %arg23[%swap3A_344, %swap3A_345], %broadcast_in_dim3A_1 {strides = array<i32>} : memref<48x128xf32, #tpu.memory_space<vmem>>, vector<16xf32>,
    %swap3A_347 = arith.constant 10 : i32
    %swap3A_348 = arith.index_cast %swap3A_347 : i32 to index
    %swap3A_349 = arith.constant 96 : index
    %swap3A_350 = tpu.vector_load %arg23[%swap3A_348, %swap3A_349] {strides = array<i32>} : memref<48x128xf32, #tpu.memory_space<vmem>>, vector<16xf32>,
    tpu.vector_store %arg23[%swap3A_348, %swap3A_349], %broadcast_in_dim3A_1 {strides = array<i32>} : memref<48x128xf32, #tpu.memory_space<vmem>>, vector<16xf32>,
    %swap3A_351 = arith.constant 10 : i32
    %swap3A_352 = arith.index_cast %swap3A_351 : i32 to index
    %swap3A_353 = arith.constant 112 : index
    %swap3A_354 = tpu.vector_load %arg23[%swap3A_352, %swap3A_353] {strides = array<i32>} : memref<48x128xf32, #tpu.memory_space<vmem>>, vector<16xf32>,
    tpu.vector_store %arg23[%swap3A_352, %swap3A_353], %broadcast_in_dim3A_1 {strides = array<i32>} : memref<48x128xf32, #tpu.memory_space<vmem>>, vector<16xf32>,
    %swap3A_355 = arith.constant 11 : i32
    %swap3A_356 = arith.index_cast %swap3A_355 : i32 to index
    %swap3A_357 = arith.constant 0 : index
    %swap3A_358 = tpu.vector_load %arg23[%swap3A_356, %swap3A_357] {strides = array<i32>} : memref<48x128xf32, #tpu.memory_space<vmem>>, vector<16xf32>,
    tpu.vector_store %arg23[%swap3A_356, %swap3A_357], %broadcast_in_dim3A_1 {strides = array<i32>} : memref<48x128xf32, #tpu.memory_space<vmem>>, vector<16xf32>,
    %swap3A_359 = arith.constant 11 : i32
    %swap3A_360 = arith.index_cast %swap3A_359 : i32 to index
    %swap3A_361 = arith.constant 16 : index
    %swap3A_362 = tpu.vector_load %arg23[%swap3A_360, %swap3A_361] {strides = array<i32>} : memref<48x128xf32, #tpu.memory_space<vmem>>, vector<16xf32>,
    tpu.vector_store %arg23[%swap3A_360, %swap3A_361], %broadcast_in_dim3A_1 {strides = array<i32>} : memref<48x128xf32, #tpu.memory_space<vmem>>, vector<16xf32>,
    %swap3A_363 = arith.constant 11 : i32
    %swap3A_364 = arith.index_cast %swap3A_363 : i32 to index
    %swap3A_365 = arith.constant 32 : index
    %swap3A_366 = tpu.vector_load %arg23[%swap3A_364, %swap3A_365] {strides = array<i32>} : memref<48x128xf32, #tpu.memory_space<vmem>>, vector<16xf32>,
    tpu.vector_store %arg23[%swap3A_364, %swap3A_365], %broadcast_in_dim3A_1 {strides = array<i32>} : memref<48x128xf32, #tpu.memory_space<vmem>>, vector<16xf32>,
    %swap3A_367 = arith.constant 11 : i32
    %swap3A_368 = arith.index_cast %swap3A_367 : i32 to index
    %swap3A_369 = arith.constant 48 : index
    %swap3A_370 = tpu.vector_load %arg23[%swap3A_368, %swap3A_369] {strides = array<i32>} : memref<48x128xf32, #tpu.memory_space<vmem>>, vector<16xf32>,
    tpu.vector_store %arg23[%swap3A_368, %swap3A_369], %broadcast_in_dim3A_1 {strides = array<i32>} : memref<48x128xf32, #tpu.memory_space<vmem>>, vector<16xf32>,
    %swap3A_371 = arith.constant 11 : i32
    %swap3A_372 = arith.index_cast %swap3A_371 : i32 to index
    %swap3A_373 = arith.constant 64 : index
    %swap3A_374 = tpu.vector_load %arg23[%swap3A_372, %swap3A_373] {strides = array<i32>} : memref<48x128xf32, #tpu.memory_space<vmem>>, vector<16xf32>,
    tpu.vector_store %arg23[%swap3A_372, %swap3A_373], %broadcast_in_dim3A_1 {strides = array<i32>} : memref<48x128xf32, #tpu.memory_space<vmem>>, vector<16xf32>,
    %swap3A_375 = arith.constant 11 : i32
    %swap3A_376 = arith.index_cast %swap3A_375 : i32 to index
    %swap3A_377 = arith.constant 80 : index
    %swap3A_378 = tpu.vector_load %arg23[%swap3A_376, %swap3A_377] {strides = array<i32>} : memref<48x128xf32, #tpu.memory_space<vmem>>, vector<16xf32>,
    tpu.vector_store %arg23[%swap3A_376, %swap3A_377], %broadcast_in_dim3A_1 {strides = array<i32>} : memref<48x128xf32, #tpu.memory_space<vmem>>, vector<16xf32>,
    %swap3A_379 = arith.constant 11 : i32
    %swap3A_380 = arith.index_cast %swap3A_379 : i32 to index
    %swap3A_381 = arith.constant 96 : index
    %swap3A_382 = tpu.vector_load %arg23[%swap3A_380, %swap3A_381] {strides = array<i32>} : memref<48x128xf32, #tpu.memory_space<vmem>>, vector<16xf32>,
    tpu.vector_store %arg23[%swap3A_380, %swap3A_381], %broadcast_in_dim3A_1 {strides = array<i32>} : memref<48x128xf32, #tpu.memory_space<vmem>>, vector<16xf32>,
    %swap3A_383 = arith.constant 11 : i32
    %swap3A_384 = arith.index_cast %swap3A_383 : i32 to index
    %swap3A_385 = arith.constant 112 : index
    %swap3A_386 = tpu.vector_load %arg23[%swap3A_384, %swap3A_385] {strides = array<i32>} : memref<48x128xf32, #tpu.memory_space<vmem>>, vector<16xf32>,
    tpu.vector_store %arg23[%swap3A_384, %swap3A_385], %broadcast_in_dim3A_1 {strides = array<i32>} : memref<48x128xf32, #tpu.memory_space<vmem>>, vector<16xf32>,
    %swap3A_387 = arith.constant 12 : i32
    %swap3A_388 = arith.index_cast %swap3A_387 : i32 to index
    %swap3A_389 = arith.constant 0 : index
    %swap3A_390 = tpu.vector_load %arg23[%swap3A_388, %swap3A_389] {strides = array<i32>} : memref<48x128xf32, #tpu.memory_space<vmem>>, vector<16xf32>,
    tpu.vector_store %arg23[%swap3A_388, %swap3A_389], %broadcast_in_dim3A_1 {strides = array<i32>} : memref<48x128xf32, #tpu.memory_space<vmem>>, vector<16xf32>,
    %swap3A_391 = arith.constant 12 : i32
    %swap3A_392 = arith.index_cast %swap3A_391 : i32 to index
    %swap3A_393 = arith.constant 16 : index
    %swap3A_394 = tpu.vector_load %arg23[%swap3A_392, %swap3A_393] {strides = array<i32>} : memref<48x128xf32, #tpu.memory_space<vmem>>, vector<16xf32>,
    tpu.vector_store %arg23[%swap3A_392, %swap3A_393], %broadcast_in_dim3A_1 {strides = array<i32>} : memref<48x128xf32, #tpu.memory_space<vmem>>, vector<16xf32>,
    %swap3A_395 = arith.constant 12 : i32
    %swap3A_396 = arith.index_cast %swap3A_395 : i32 to index
    %swap3A_397 = arith.constant 32 : index
    %swap3A_398 = tpu.vector_load %arg23[%swap3A_396, %swap3A_397] {strides = array<i32>} : memref<48x128xf32, #tpu.memory_space<vmem>>, vector<16xf32>,
    tpu.vector_store %arg23[%swap3A_396, %swap3A_397], %broadcast_in_dim3A_1 {strides = array<i32>} : memref<48x128xf32, #tpu.memory_space<vmem>>, vector<16xf32>,
    %swap3A_399 = arith.constant 12 : i32
    %swap3A_400 = arith.index_cast %swap3A_399 : i32 to index
    %swap3A_401 = arith.constant 48 : index
    %swap3A_402 = tpu.vector_load %arg23[%swap3A_400, %swap3A_401] {strides = array<i32>} : memref<48x128xf32, #tpu.memory_space<vmem>>, vector<16xf32>,
    tpu.vector_store %arg23[%swap3A_400, %swap3A_401], %broadcast_in_dim3A_1 {strides = array<i32>} : memref<48x128xf32, #tpu.memory_space<vmem>>, vector<16xf32>,
    %swap3A_403 = arith.constant 12 : i32
    %swap3A_404 = arith.index_cast %swap3A_403 : i32 to index
    %swap3A_405 = arith.constant 64 : index
    %swap3A_406 = tpu.vector_load %arg23[%swap3A_404, %swap3A_405] {strides = array<i32>} : memref<48x128xf32, #tpu.memory_space<vmem>>, vector<16xf32>,
    tpu.vector_store %arg23[%swap3A_404, %swap3A_405], %broadcast_in_dim3A_1 {strides = array<i32>} : memref<48x128xf32, #tpu.memory_space<vmem>>, vector<16xf32>,
    %swap3A_407 = arith.constant 12 : i32
    %swap3A_408 = arith.index_cast %swap3A_407 : i32 to index
    %swap3A_409 = arith.constant 80 : index
    %swap3A_410 = tpu.vector_load %arg23[%swap3A_408, %swap3A_409] {strides = array<i32>} : memref<48x128xf32, #tpu.memory_space<vmem>>, vector<16xf32>,
    tpu.vector_store %arg23[%swap3A_408, %swap3A_409], %broadcast_in_dim3A_1 {strides = array<i32>} : memref<48x128xf32, #tpu.memory_space<vmem>>, vector<16xf32>,
    %swap3A_411 = arith.constant 12 : i32
    %swap3A_412 = arith.index_cast %swap3A_411 : i32 to index
    %swap3A_413 = arith.constant 96 : index
    %swap3A_414 = tpu.vector_load %arg23[%swap3A_412, %swap3A_413] {strides = array<i32>} : memref<48x128xf32, #tpu.memory_space<vmem>>, vector<16xf32>,
    tpu.vector_store %arg23[%swap3A_412, %swap3A_413], %broadcast_in_dim3A_1 {strides = array<i32>} : memref<48x128xf32, #tpu.memory_space<vmem>>, vector<16xf32>,
    %swap3A_415 = arith.constant 12 : i32
    %swap3A_416 = arith.index_cast %swap3A_415 : i32 to index
    %swap3A_417 = arith.constant 112 : index
    %swap3A_418 = tpu.vector_load %arg23[%swap3A_416, %swap3A_417] {strides = array<i32>} : memref<48x128xf32, #tpu.memory_space<vmem>>, vector<16xf32>,
    tpu.vector_store %arg23[%swap3A_416, %swap3A_417], %broadcast_in_dim3A_1 {strides = array<i32>} : memref<48x128xf32, #tpu.memory_space<vmem>>, vector<16xf32>,
    %swap3A_419 = arith.constant 13 : i32
    %swap3A_420 = arith.index_cast %swap3A_419 : i32 to index
    %swap3A_421 = arith.constant 0 : index
    %swap3A_422 = tpu.vector_load %arg23[%swap3A_420, %swap3A_421] {strides = array<i32>} : memref<48x128xf32, #tpu.memory_space<vmem>>, vector<16xf32>,
    tpu.vector_store %arg23[%swap3A_420, %swap3A_421], %broadcast_in_dim3A_1 {strides = array<i32>} : memref<48x128xf32, #tpu.memory_space<vmem>>, vector<16xf32>,
    %swap3A_423 = arith.constant 13 : i32
    %swap3A_424 = arith.index_cast %swap3A_423 : i32 to index
    %swap3A_425 = arith.constant 16 : index
    %swap3A_426 = tpu.vector_load %arg23[%swap3A_424, %swap3A_425] {strides = array<i32>} : memref<48x128xf32, #tpu.memory_space<vmem>>, vector<16xf32>,
    tpu.vector_store %arg23[%swap3A_424, %swap3A_425], %broadcast_in_dim3A_1 {strides = array<i32>} : memref<48x128xf32, #tpu.memory_space<vmem>>, vector<16xf32>,
    %swap3A_427 = arith.constant 13 : i32
    %swap3A_428 = arith.index_cast %swap3A_427 : i32 to index
    %swap3A_429 = arith.constant 32 : index
    %swap3A_430 = tpu.vector_load %arg23[%swap3A_428, %swap3A_429] {strides = array<i32>} : memref<48x128xf32, #tpu.memory_space<vmem>>, vector<16xf32>,
    tpu.vector_store %arg23[%swap3A_428, %swap3A_429], %broadcast_in_dim3A_1 {strides = array<i32>} : memref<48x128xf32, #tpu.memory_space<vmem>>, vector<16xf32>,
    %swap3A_431 = arith.constant 13 : i32
    %swap3A_432 = arith.index_cast %swap3A_431 : i32 to index
    %swap3A_433 = arith.constant 48 : index
    %swap3A_434 = tpu.vector_load %arg23[%swap3A_432, %swap3A_433] {strides = array<i32>} : memref<48x128xf32, #tpu.memory_space<vmem>>, vector<16xf32>,
    tpu.vector_store %arg23[%swap3A_432, %swap3A_433], %broadcast_in_dim3A_1 {strides = array<i32>} : memref<48x128xf32, #tpu.memory_space<vmem>>, vector<16xf32>,
    %swap3A_435 = arith.constant 13 : i32
    %swap3A_436 = arith.index_cast %swap3A_435 : i32 to index
    %swap3A_437 = arith.constant 64 : index
    %swap3A_438 = tpu.vector_load %arg23[%swap3A_436, %swap3A_437] {strides = array<i32>} : memref<48x128xf32, #tpu.memory_space<vmem>>, vector<16xf32>,
    tpu.vector_store %arg23[%swap3A_436, %swap3A_437], %broadcast_in_dim3A_1 {strides = array<i32>} : memref<48x128xf32, #tpu.memory_space<vmem>>, vector<16xf32>,
    %swap3A_439 = arith.constant 13 : i32
    %swap3A_440 = arith.index_cast %swap3A_439 : i32 to index
    %swap3A_441 = arith.constant 80 : index
    %swap3A_442 = tpu.vector_load %arg23[%swap3A_440, %swap3A_441] {strides = array<i32>} : memref<48x128xf32, #tpu.memory_space<vmem>>, vector<16xf32>,
    tpu.vector_store %arg23[%swap3A_440, %swap3A_441], %broadcast_in_dim3A_1 {strides = array<i32>} : memref<48x128xf32, #tpu.memory_space<vmem>>, vector<16xf32>,
    %swap3A_443 = arith.constant 13 : i32
    %swap3A_444 = arith.index_cast %swap3A_443 : i32 to index
    %swap3A_445 = arith.constant 96 : index
    %swap3A_446 = tpu.vector_load %arg23[%swap3A_444, %swap3A_445] {strides = array<i32>} : memref<48x128xf32, #tpu.memory_space<vmem>>, vector<16xf32>,
    tpu.vector_store %arg23[%swap3A_444, %swap3A_445], %broadcast_in_dim3A_1 {strides = array<i32>} : memref<48x128xf32, #tpu.memory_space<vmem>>, vector<16xf32>,
    %swap3A_447 = arith.constant 13 : i32
    %swap3A_448 = arith.index_cast %swap3A_447 : i32 to index
    %swap3A_449 = arith.constant 112 : index
    %swap3A_450 = tpu.vector_load %arg23[%swap3A_448, %swap3A_449] {strides = array<i32>} : memref<48x128xf32, #tpu.memory_space<vmem>>, vector<16xf32>,
    tpu.vector_store %arg23[%swap3A_448, %swap3A_449], %broadcast_in_dim3A_1 {strides = array<i32>} : memref<48x128xf32, #tpu.memory_space<vmem>>, vector<16xf32>,
    %swap3A_451 = arith.constant 14 : i32
    %swap3A_452 = arith.index_cast %swap3A_451 : i32 to index
    %swap3A_453 = arith.constant 0 : index
    %swap3A_454 = tpu.vector_load %arg23[%swap3A_452, %swap3A_453] {strides = array<i32>} : memref<48x128xf32, #tpu.memory_space<vmem>>, vector<16xf32>,
    tpu.vector_store %arg23[%swap3A_452, %swap3A_453], %broadcast_in_dim3A_1 {strides = array<i32>} : memref<48x128xf32, #tpu.memory_space<vmem>>, vector<16xf32>,
    %swap3A_455 = arith.constant 14 : i32
    %swap3A_456 = arith.index_cast %swap3A_455 : i32 to index
    %swap3A_457 = arith.constant 16 : index
    %swap3A_458 = tpu.vector_load %arg23[%swap3A_456, %swap3A_457] {strides = array<i32>} : memref<48x128xf32, #tpu.memory_space<vmem>>, vector<16xf32>,
    tpu.vector_store %arg23[%swap3A_456, %swap3A_457], %broadcast_in_dim3A_1 {strides = array<i32>} : memref<48x128xf32, #tpu.memory_space<vmem>>, vector<16xf32>,
    %swap3A_459 = arith.constant 14 : i32
    %swap3A_460 = arith.index_cast %swap3A_459 : i32 to index
    %swap3A_461 = arith.constant 32 : index
    %swap3A_462 = tpu.vector_load %arg23[%swap3A_460, %swap3A_461] {strides = array<i32>} : memref<48x128xf32, #tpu.memory_space<vmem>>, vector<16xf32>,
    tpu.vector_store %arg23[%swap3A_460, %swap3A_461], %broadcast_in_dim3A_1 {strides = array<i32>} : memref<48x128xf32, #tpu.memory_space<vmem>>, vector<16xf32>,
    %swap3A_463 = arith.constant 14 : i32
    %swap3A_464 = arith.index_cast %swap3A_463 : i32 to index
    %swap3A_465 = arith.constant 48 : index
    %swap3A_466 = tpu.vector_load %arg23[%swap3A_464, %swap3A_465] {strides = array<i32>} : memref<48x128xf32, #tpu.memory_space<vmem>>, vector<16xf32>,
    tpu.vector_store %arg23[%swap3A_464, %swap3A_465], %broadcast_in_dim3A_1 {strides = array<i32>} : memref<48x128xf32, #tpu.memory_space<vmem>>, vector<16xf32>,
    %swap3A_467 = arith.constant 14 : i32
    %swap3A_468 = arith.index_cast %swap3A_467 : i32 to index
    %swap3A_469 = arith.constant 64 : index
    %swap3A_470 = tpu.vector_load %arg23[%swap3A_468, %swap3A_469] {strides = array<i32>} : memref<48x128xf32, #tpu.memory_space<vmem>>, vector<16xf32>,
    tpu.vector_store %arg23[%swap3A_468, %swap3A_469], %broadcast_in_dim3A_1 {strides = array<i32>} : memref<48x128xf32, #tpu.memory_space<vmem>>, vector<16xf32>,
    %swap3A_471 = arith.constant 14 : i32
    %swap3A_472 = arith.index_cast %swap3A_471 : i32 to index
    %swap3A_473 = arith.constant 80 : index
    %swap3A_474 = tpu.vector_load %arg23[%swap3A_472, %swap3A_473] {strides = array<i32>} : memref<48x128xf32, #tpu.memory_space<vmem>>, vector<16xf32>,
    tpu.vector_store %arg23[%swap3A_472, %swap3A_473], %broadcast_in_dim3A_1 {strides = array<i32>} : memref<48x128xf32, #tpu.memory_space<vmem>>, vector<16xf32>,
    %swap3A_475 = arith.constant 14 : i32
    %swap3A_476 = arith.index_cast %swap3A_475 : i32 to index
    %swap3A_477 = arith.constant 96 : index
    %swap3A_478 = tpu.vector_load %arg23[%swap3A_476, %swap3A_477] {strides = array<i32>} : memref<48x128xf32, #tpu.memory_space<vmem>>, vector<16xf32>,
    tpu.vector_store %arg23[%swap3A_476, %swap3A_477], %broadcast_in_dim3A_1 {strides = array<i32>} : memref<48x128xf32, #tpu.memory_space<vmem>>, vector<16xf32>,
    %swap3A_479 = arith.constant 14 : i32
    %swap3A_480 = arith.index_cast %swap3A_479 : i32 to index
    %swap3A_481 = arith.constant 112 : index
    %swap3A_482 = tpu.vector_load %arg23[%swap3A_480, %swap3A_481] {strides = array<i32>} : memref<48x128xf32, #tpu.memory_space<vmem>>, vector<16xf32>,
    tpu.vector_store %arg23[%swap3A_480, %swap3A_481], %broadcast_in_dim3A_1 {strides = array<i32>} : memref<48x128xf32, #tpu.memory_space<vmem>>, vector<16xf32>,
    %swap3A_483 = arith.constant 15 : i32
    %swap3A_484 = arith.index_cast %swap3A_483 : i32 to index
    %swap3A_485 = arith.constant 0 : index
    %swap3A_486 = tpu.vector_load %arg23[%swap3A_484, %swap3A_485] {strides = array<i32>} : memref<48x128xf32, #tpu.memory_space<vmem>>, vector<16xf32>,
    tpu.vector_store %arg23[%swap3A_484, %swap3A_485], %broadcast_in_dim3A_1 {strides = array<i32>} : memref<48x128xf32, #tpu.memory_space<vmem>>, vector<16xf32>,
    %swap3A_487 = arith.constant 15 : i32
    %swap3A_488 = arith.index_cast %swap3A_487 : i32 to index
    %swap3A_489 = arith.constant 16 : index
    %swap3A_490 = tpu.vector_load %arg23[%swap3A_488, %swap3A_489] {strides = array<i32>} : memref<48x128xf32, #tpu.memory_space<vmem>>, vector<16xf32>,
    tpu.vector_store %arg23[%swap3A_488, %swap3A_489], %broadcast_in_dim3A_1 {strides = array<i32>} : memref<48x128xf32, #tpu.memory_space<vmem>>, vector<16xf32>,
    %swap3A_491 = arith.constant 15 : i32
    %swap3A_492 = arith.index_cast %swap3A_491 : i32 to index
    %swap3A_493 = arith.constant 32 : index
    %swap3A_494 = tpu.vector_load %arg23[%swap3A_492, %swap3A_493] {strides = array<i32>} : memref<48x128xf32, #tpu.memory_space<vmem>>, vector<16xf32>,
    tpu.vector_store %arg23[%swap3A_492, %swap3A_493], %broadcast_in_dim3A_1 {strides = array<i32>} : memref<48x128xf32, #tpu.memory_space<vmem>>, vector<16xf32>,
    %swap3A_495 = arith.constant 15 : i32
    %swap3A_496 = arith.index_cast %swap3A_495 : i32 to index
    %swap3A_497 = arith.constant 48 : index
    %swap3A_498 = tpu.vector_load %arg23[%swap3A_496, %swap3A_497] {strides = array<i32>} : memref<48x128xf32, #tpu.memory_space<vmem>>, vector<16xf32>,
    tpu.vector_store %arg23[%swap3A_496, %swap3A_497], %broadcast_in_dim3A_1 {strides = array<i32>} : memref<48x128xf32, #tpu.memory_space<vmem>>, vector<16xf32>,
    %swap3A_499 = arith.constant 15 : i32
    %swap3A_500 = arith.index_cast %swap3A_499 : i32 to index
    %swap3A_501 = arith.constant 64 : index
    %swap3A_502 = tpu.vector_load %arg23[%swap3A_500, %swap3A_501] {strides = array<i32>} : memref<48x128xf32, #tpu.memory_space<vmem>>, vector<16xf32>,
    tpu.vector_store %arg23[%swap3A_500, %swap3A_501], %broadcast_in_dim3A_1 {strides = array<i32>} : memref<48x128xf32, #tpu.memory_space<vmem>>, vector<16xf32>,
    %swap3A_503 = arith.constant 15 : i32
    %swap3A_504 = arith.index_cast %swap3A_503 : i32 to index
    %swap3A_505 = arith.constant 80 : index
    %swap3A_506 = tpu.vector_load %arg23[%swap3A_504, %swap3A_505] {strides = array<i32>} : memref<48x128xf32, #tpu.memory_space<vmem>>, vector<16xf32>,
    tpu.vector_store %arg23[%swap3A_504, %swap3A_505], %broadcast_in_dim3A_1 {strides = array<i32>} : memref<48x128xf32, #tpu.memory_space<vmem>>, vector<16xf32>,
    %swap3A_507 = arith.constant 15 : i32
    %swap3A_508 = arith.index_cast %swap3A_507 : i32 to index
    %swap3A_509 = arith.constant 96 : index
    %swap3A_510 = tpu.vector_load %arg23[%swap3A_508, %swap3A_509] {strides = array<i32>} : memref<48x128xf32, #tpu.memory_space<vmem>>, vector<16xf32>,
    tpu.vector_store %arg23[%swap3A_508, %swap3A_509], %broadcast_in_dim3A_1 {strides = array<i32>} : memref<48x128xf32, #tpu.memory_space<vmem>>, vector<16xf32>,
    %swap3A_511 = arith.constant 15 : i32
    %swap3A_512 = arith.index_cast %swap3A_511 : i32 to index
    %swap3A_513 = arith.constant 112 : index
    %swap3A_514 = tpu.vector_load %arg23[%swap3A_512, %swap3A_513] {strides = array<i32>} : memref<48x128xf32, #tpu.memory_space<vmem>>, vector<16xf32>,
    tpu.vector_store %arg23[%swap3A_512, %swap3A_513], %broadcast_in_dim3A_1 {strides = array<i32>} : memref<48x128xf32, #tpu.memory_space<vmem>>, vector<16xf32>,
    %swap3A_515 = arith.constant 16 : i32
    %swap3A_516 = arith.index_cast %swap3A_515 : i32 to index
    %swap3A_517 = arith.constant 0 : index
    %swap3A_518 = tpu.vector_load %arg23[%swap3A_516, %swap3A_517] {strides = array<i32>} : memref<48x128xf32, #tpu.memory_space<vmem>>, vector<16xf32>,
    tpu.vector_store %arg23[%swap3A_516, %swap3A_517], %broadcast_in_dim3A_1 {strides = array<i32>} : memref<48x128xf32, #tpu.memory_space<vmem>>, vector<16xf32>,
    %swap3A_519 = arith.constant 16 : i32
    %swap3A_520 = arith.index_cast %swap3A_519 : i32 to index
    %swap3A_521 = arith.constant 16 : index
    %swap3A_522 = tpu.vector_load %arg23[%swap3A_520, %swap3A_521] {strides = array<i32>} : memref<48x128xf32, #tpu.memory_space<vmem>>, vector<16xf32>,
    tpu.vector_store %arg23[%swap3A_520, %swap3A_521], %broadcast_in_dim3A_1 {strides = array<i32>} : memref<48x128xf32, #tpu.memory_space<vmem>>, vector<16xf32>,
    %swap3A_523 = arith.constant 16 : i32
    %swap3A_524 = arith.index_cast %swap3A_523 : i32 to index
    %swap3A_525 = arith.constant 32 : index
    %swap3A_526 = tpu.vector_load %arg23[%swap3A_524, %swap3A_525] {strides = array<i32>} : memref<48x128xf32, #tpu.memory_space<vmem>>, vector<16xf32>,
    tpu.vector_store %arg23[%swap3A_524, %swap3A_525], %broadcast_in_dim3A_1 {strides = array<i32>} : memref<48x128xf32, #tpu.memory_space<vmem>>, vector<16xf32>,
    %swap3A_527 = arith.constant 16 : i32
    %swap3A_528 = arith.index_cast %swap3A_527 : i32 to index
    %swap3A_529 = arith.constant 48 : index
    %swap3A_530 = tpu.vector_load %arg23[%swap3A_528, %swap3A_529] {strides = array<i32>} : memref<48x128xf32, #tpu.memory_space<vmem>>, vector<16xf32>,
    tpu.vector_store %arg23[%swap3A_528, %swap3A_529], %broadcast_in_dim3A_1 {strides = array<i32>} : memref<48x128xf32, #tpu.memory_space<vmem>>, vector<16xf32>,
    %swap3A_531 = arith.constant 16 : i32
    %swap3A_532 = arith.index_cast %swap3A_531 : i32 to index
    %swap3A_533 = arith.constant 64 : index
    %swap3A_534 = tpu.vector_load %arg23[%swap3A_532, %swap3A_533] {strides = array<i32>} : memref<48x128xf32, #tpu.memory_space<vmem>>, vector<16xf32>,
    tpu.vector_store %arg23[%swap3A_532, %swap3A_533], %broadcast_in_dim3A_1 {strides = array<i32>} : memref<48x128xf32, #tpu.memory_space<vmem>>, vector<16xf32>,
    %swap3A_535 = arith.constant 16 : i32
    %swap3A_536 = arith.index_cast %swap3A_535 : i32 to index
    %swap3A_537 = arith.constant 80 : index
    %swap3A_538 = tpu.vector_load %arg23[%swap3A_536, %swap3A_537] {strides = array<i32>} : memref<48x128xf32, #tpu.memory_space<vmem>>, vector<16xf32>,
    tpu.vector_store %arg23[%swap3A_536, %swap3A_537], %broadcast_in_dim3A_1 {strides = array<i32>} : memref<48x128xf32, #tpu.memory_space<vmem>>, vector<16xf32>,
    %swap3A_539 = arith.constant 16 : i32
    %swap3A_540 = arith.index_cast %swap3A_539 : i32 to index
    %swap3A_541 = arith.constant 96 : index
    %swap3A_542 = tpu.vector_load %arg23[%swap3A_540, %swap3A_541] {strides = array<i32>} : memref<48x128xf32, #tpu.memory_space<vmem>>, vector<16xf32>,
    tpu.vector_store %arg23[%swap3A_540, %swap3A_541], %broadcast_in_dim3A_1 {strides = array<i32>} : memref<48x128xf32, #tpu.memory_space<vmem>>, vector<16xf32>,
    %swap3A_543 = arith.constant 16 : i32
    %swap3A_544 = arith.index_cast %swap3A_543 : i32 to index
    %swap3A_545 = arith.constant 112 : index
    %swap3A_546 = tpu.vector_load %arg23[%swap3A_544, %swap3A_545] {strides = array<i32>} : memref<48x128xf32, #tpu.memory_space<vmem>>, vector<16xf32>,
    tpu.vector_store %arg23[%swap3A_544, %swap3A_545], %broadcast_in_dim3A_1 {strides = array<i32>} : memref<48x128xf32, #tpu.memory_space<vmem>>, vector<16xf32>,
    %swap3A_547 = arith.constant 17 : i32
    %swap3A_548 = arith.index_cast %swap3A_547 : i32 to index
    %swap3A_549 = arith.constant 0 : index
    %swap3A_550 = tpu.vector_load %arg23[%swap3A_548, %swap3A_549] {strides = array<i32>} : memref<48x128xf32, #tpu.memory_space<vmem>>, vector<16xf32>,
    tpu.vector_store %arg23[%swap3A_548, %swap3A_549], %broadcast_in_dim3A_1 {strides = array<i32>} : memref<48x128xf32, #tpu.memory_space<vmem>>, vector<16xf32>,
    %swap3A_551 = arith.constant 17 : i32
    %swap3A_552 = arith.index_cast %swap3A_551 : i32 to index
    %swap3A_553 = arith.constant 16 : index
    %swap3A_554 = tpu.vector_load %arg23[%swap3A_552, %swap3A_553] {strides = array<i32>} : memref<48x128xf32, #tpu.memory_space<vmem>>, vector<16xf32>,
    tpu.vector_store %arg23[%swap3A_552, %swap3A_553], %broadcast_in_dim3A_1 {strides = array<i32>} : memref<48x128xf32, #tpu.memory_space<vmem>>, vector<16xf32>,
    %swap3A_555 = arith.constant 17 : i32
    %swap3A_556 = arith.index_cast %swap3A_555 : i32 to index
    %swap3A_557 = arith.constant 32 : index
    %swap3A_558 = tpu.vector_load %arg23[%swap3A_556, %swap3A_557] {strides = array<i32>} : memref<48x128xf32, #tpu.memory_space<vmem>>, vector<16xf32>,
    tpu.vector_store %arg23[%swap3A_556, %swap3A_557], %broadcast_in_dim3A_1 {strides = array<i32>} : memref<48x128xf32, #tpu.memory_space<vmem>>, vector<16xf32>,
    %swap3A_559 = arith.constant 17 : i32
    %swap3A_560 = arith.index_cast %swap3A_559 : i32 to index
    %swap3A_561 = arith.constant 48 : index
    %swap3A_562 = tpu.vector_load %arg23[%swap3A_560, %swap3A_561] {strides = array<i32>} : memref<48x128xf32, #tpu.memory_space<vmem>>, vector<16xf32>,
    tpu.vector_store %arg23[%swap3A_560, %swap3A_561], %broadcast_in_dim3A_1 {strides = array<i32>} : memref<48x128xf32, #tpu.memory_space<vmem>>, vector<16xf32>,
    %swap3A_563 = arith.constant 17 : i32
    %swap3A_564 = arith.index_cast %swap3A_563 : i32 to index
    %swap3A_565 = arith.constant 64 : index
    %swap3A_566 = tpu.vector_load %arg23[%swap3A_564, %swap3A_565] {strides = array<i32>} : memref<48x128xf32, #tpu.memory_space<vmem>>, vector<16xf32>,
    tpu.vector_store %arg23[%swap3A_564, %swap3A_565], %broadcast_in_dim3A_1 {strides = array<i32>} : memref<48x128xf32, #tpu.memory_space<vmem>>, vector<16xf32>,
    %swap3A_567 = arith.constant 17 : i32
    %swap3A_568 = arith.index_cast %swap3A_567 : i32 to index
    %swap3A_569 = arith.constant 80 : index
    %swap3A_570 = tpu.vector_load %arg23[%swap3A_568, %swap3A_569] {strides = array<i32>} : memref<48x128xf32, #tpu.memory_space<vmem>>, vector<16xf32>,
    tpu.vector_store %arg23[%swap3A_568, %swap3A_569], %broadcast_in_dim3A_1 {strides = array<i32>} : memref<48x128xf32, #tpu.memory_space<vmem>>, vector<16xf32>,
    %swap3A_571 = arith.constant 17 : i32
    %swap3A_572 = arith.index_cast %swap3A_571 : i32 to index
    %swap3A_573 = arith.constant 96 : index
    %swap3A_574 = tpu.vector_load %arg23[%swap3A_572, %swap3A_573] {strides = array<i32>} : memref<48x128xf32, #tpu.memory_space<vmem>>, vector<16xf32>,
    tpu.vector_store %arg23[%swap3A_572, %swap3A_573], %broadcast_in_dim3A_1 {strides = array<i32>} : memref<48x128xf32, #tpu.memory_space<vmem>>, vector<16xf32>,
    %swap3A_575 = arith.constant 17 : i32
    %swap3A_576 = arith.index_cast %swap3A_575 : i32 to index
    %swap3A_577 = arith.constant 112 : index
    %swap3A_578 = tpu.vector_load %arg23[%swap3A_576, %swap3A_577] {strides = array<i32>} : memref<48x128xf32, #tpu.memory_space<vmem>>, vector<16xf32>,
    tpu.vector_store %arg23[%swap3A_576, %swap3A_577], %broadcast_in_dim3A_1 {strides = array<i32>} : memref<48x128xf32, #tpu.memory_space<vmem>>, vector<16xf32>,
    %swap3A_579 = arith.constant 18 : i32
    %swap3A_580 = arith.index_cast %swap3A_579 : i32 to index
    %swap3A_581 = arith.constant 0 : index
    %swap3A_582 = tpu.vector_load %arg23[%swap3A_580, %swap3A_581] {strides = array<i32>} : memref<48x128xf32, #tpu.memory_space<vmem>>, vector<16xf32>,
    tpu.vector_store %arg23[%swap3A_580, %swap3A_581], %broadcast_in_dim3A_1 {strides = array<i32>} : memref<48x128xf32, #tpu.memory_space<vmem>>, vector<16xf32>,
    %swap3A_583 = arith.constant 18 : i32
    %swap3A_584 = arith.index_cast %swap3A_583 : i32 to index
    %swap3A_585 = arith.constant 16 : index
    %swap3A_586 = tpu.vector_load %arg23[%swap3A_584, %swap3A_585] {strides = array<i32>} : memref<48x128xf32, #tpu.memory_space<vmem>>, vector<16xf32>,
    tpu.vector_store %arg23[%swap3A_584, %swap3A_585], %broadcast_in_dim3A_1 {strides = array<i32>} : memref<48x128xf32, #tpu.memory_space<vmem>>, vector<16xf32>,
    %swap3A_587 = arith.constant 18 : i32
    %swap3A_588 = arith.index_cast %swap3A_587 : i32 to index
    %swap3A_589 = arith.constant 32 : index
    %swap3A_590 = tpu.vector_load %arg23[%swap3A_588, %swap3A_589] {strides = array<i32>} : memref<48x128xf32, #tpu.memory_space<vmem>>, vector<16xf32>,
    tpu.vector_store %arg23[%swap3A_588, %swap3A_589], %broadcast_in_dim3A_1 {strides = array<i32>} : memref<48x128xf32, #tpu.memory_space<vmem>>, vector<16xf32>,
    %swap3A_591 = arith.constant 18 : i32
    %swap3A_592 = arith.index_cast %swap3A_591 : i32 to index
    %swap3A_593 = arith.constant 48 : index
    %swap3A_594 = tpu.vector_load %arg23[%swap3A_592, %swap3A_593] {strides = array<i32>} : memref<48x128xf32, #tpu.memory_space<vmem>>, vector<16xf32>,
    tpu.vector_store %arg23[%swap3A_592, %swap3A_593], %broadcast_in_dim3A_1 {strides = array<i32>} : memref<48x128xf32, #tpu.memory_space<vmem>>, vector<16xf32>,
    %swap3A_595 = arith.constant 18 : i32
    %swap3A_596 = arith.index_cast %swap3A_595 : i32 to index
    %swap3A_597 = arith.constant 64 : index
    %swap3A_598 = tpu.vector_load %arg23[%swap3A_596, %swap3A_597] {strides = array<i32>} : memref<48x128xf32, #tpu.memory_space<vmem>>, vector<16xf32>,
    tpu.vector_store %arg23[%swap3A_596, %swap3A_597], %broadcast_in_dim3A_1 {strides = array<i32>} : memref<48x128xf32, #tpu.memory_space<vmem>>, vector<16xf32>,
    %swap3A_599 = arith.constant 18 : i32
    %swap3A_600 = arith.index_cast %swap3A_599 : i32 to index
    %swap3A_601 = arith.constant 80 : index
    %swap3A_602 = tpu.vector_load %arg23[%swap3A_600, %swap3A_601] {strides = array<i32>} : memref<48x128xf32, #tpu.memory_space<vmem>>, vector<16xf32>,
    tpu.vector_store %arg23[%swap3A_600, %swap3A_601], %broadcast_in_dim3A_1 {strides = array<i32>} : memref<48x128xf32, #tpu.memory_space<vmem>>, vector<16xf32>,
    %swap3A_603 = arith.constant 18 : i32
    %swap3A_604 = arith.index_cast %swap3A_603 : i32 to index
    %swap3A_605 = arith.constant 96 : index
    %swap3A_606 = tpu.vector_load %arg23[%swap3A_604, %swap3A_605] {strides = array<i32>} : memref<48x128xf32, #tpu.memory_space<vmem>>, vector<16xf32>,
    tpu.vector_store %arg23[%swap3A_604, %swap3A_605], %broadcast_in_dim3A_1 {strides = array<i32>} : memref<48x128xf32, #tpu.memory_space<vmem>>, vector<16xf32>,
    %swap3A_607 = arith.constant 18 : i32
    %swap3A_608 = arith.index_cast %swap3A_607 : i32 to index
    %swap3A_609 = arith.constant 112 : index
    %swap3A_610 = tpu.vector_load %arg23[%swap3A_608, %swap3A_609] {strides = array<i32>} : memref<48x128xf32, #tpu.memory_space<vmem>>, vector<16xf32>,
    tpu.vector_store %arg23[%swap3A_608, %swap3A_609], %broadcast_in_dim3A_1 {strides = array<i32>} : memref<48x128xf32, #tpu.memory_space<vmem>>, vector<16xf32>,
    %swap3A_611 = arith.constant 19 : i32
    %swap3A_612 = arith.index_cast %swap3A_611 : i32 to index
    %swap3A_613 = arith.constant 0 : index
    %swap3A_614 = tpu.vector_load %arg23[%swap3A_612, %swap3A_613] {strides = array<i32>} : memref<48x128xf32, #tpu.memory_space<vmem>>, vector<16xf32>,
    tpu.vector_store %arg23[%swap3A_612, %swap3A_613], %broadcast_in_dim3A_1 {strides = array<i32>} : memref<48x128xf32, #tpu.memory_space<vmem>>, vector<16xf32>,
    %swap3A_615 = arith.constant 19 : i32
    %swap3A_616 = arith.index_cast %swap3A_615 : i32 to index
    %swap3A_617 = arith.constant 16 : index
    %swap3A_618 = tpu.vector_load %arg23[%swap3A_616, %swap3A_617] {strides = array<i32>} : memref<48x128xf32, #tpu.memory_space<vmem>>, vector<16xf32>,
    tpu.vector_store %arg23[%swap3A_616, %swap3A_617], %broadcast_in_dim3A_1 {strides = array<i32>} : memref<48x128xf32, #tpu.memory_space<vmem>>, vector<16xf32>,
    %swap3A_619 = arith.constant 19 : i32
    %swap3A_620 = arith.index_cast %swap3A_619 : i32 to index
    %swap3A_621 = arith.constant 32 : index
    %swap3A_622 = tpu.vector_load %arg23[%swap3A_620, %swap3A_621] {strides = array<i32>} : memref<48x128xf32, #tpu.memory_space<vmem>>, vector<16xf32>,
    tpu.vector_store %arg23[%swap3A_620, %swap3A_621], %broadcast_in_dim3A_1 {strides = array<i32>} : memref<48x128xf32, #tpu.memory_space<vmem>>, vector<16xf32>,
    %swap3A_623 = arith.constant 19 : i32
    %swap3A_624 = arith.index_cast %swap3A_623 : i32 to index
    %swap3A_625 = arith.constant 48 : index
    %swap3A_626 = tpu.vector_load %arg23[%swap3A_624, %swap3A_625] {strides = array<i32>} : memref<48x128xf32, #tpu.memory_space<vmem>>, vector<16xf32>,
    tpu.vector_store %arg23[%swap3A_624, %swap3A_625], %broadcast_in_dim3A_1 {strides = array<i32>} : memref<48x128xf32, #tpu.memory_space<vmem>>, vector<16xf32>,
    %swap3A_627 = arith.constant 19 : i32
    %swap3A_628 = arith.index_cast %swap3A_627 : i32 to index
    %swap3A_629 = arith.constant 64 : index
    %swap3A_630 = tpu.vector_load %arg23[%swap3A_628, %swap3A_629] {strides = array<i32>} : memref<48x128xf32, #tpu.memory_space<vmem>>, vector<16xf32>,
    tpu.vector_store %arg23[%swap3A_628, %swap3A_629], %broadcast_in_dim3A_1 {strides = array<i32>} : memref<48x128xf32, #tpu.memory_space<vmem>>, vector<16xf32>,
    %swap3A_631 = arith.constant 19 : i32
    %swap3A_632 = arith.index_cast %swap3A_631 : i32 to index
    %swap3A_633 = arith.constant 80 : index
    %swap3A_634 = tpu.vector_load %arg23[%swap3A_632, %swap3A_633] {strides = array<i32>} : memref<48x128xf32, #tpu.memory_space<vmem>>, vector<16xf32>,
    tpu.vector_store %arg23[%swap3A_632, %swap3A_633], %broadcast_in_dim3A_1 {strides = array<i32>} : memref<48x128xf32, #tpu.memory_space<vmem>>, vector<16xf32>,
    %swap3A_635 = arith.constant 19 : i32
    %swap3A_636 = arith.index_cast %swap3A_635 : i32 to index
    %swap3A_637 = arith.constant 96 : index
    %swap3A_638 = tpu.vector_load %arg23[%swap3A_636, %swap3A_637] {strides = array<i32>} : memref<48x128xf32, #tpu.memory_space<vmem>>, vector<16xf32>,
    tpu.vector_store %arg23[%swap3A_636, %swap3A_637], %broadcast_in_dim3A_1 {strides = array<i32>} : memref<48x128xf32, #tpu.memory_space<vmem>>, vector<16xf32>,
    %swap3A_639 = arith.constant 19 : i32
    %swap3A_640 = arith.index_cast %swap3A_639 : i32 to index
    %swap3A_641 = arith.constant 112 : index
    %swap3A_642 = tpu.vector_load %arg23[%swap3A_640, %swap3A_641] {strides = array<i32>} : memref<48x128xf32, #tpu.memory_space<vmem>>, vector<16xf32>,
    tpu.vector_store %arg23[%swap3A_640, %swap3A_641], %broadcast_in_dim3A_1 {strides = array<i32>} : memref<48x128xf32, #tpu.memory_space<vmem>>, vector<16xf32>,
    %swap3A_643 = arith.constant 20 : i32
    %swap3A_644 = arith.index_cast %swap3A_643 : i32 to index
    %swap3A_645 = arith.constant 0 : index
    %swap3A_646 = tpu.vector_load %arg23[%swap3A_644, %swap3A_645] {strides = array<i32>} : memref<48x128xf32, #tpu.memory_space<vmem>>, vector<16xf32>,
    tpu.vector_store %arg23[%swap3A_644, %swap3A_645], %broadcast_in_dim3A_1 {strides = array<i32>} : memref<48x128xf32, #tpu.memory_space<vmem>>, vector<16xf32>,
    %swap3A_647 = arith.constant 20 : i32
    %swap3A_648 = arith.index_cast %swap3A_647 : i32 to index
    %swap3A_649 = arith.constant 16 : index
    %swap3A_650 = tpu.vector_load %arg23[%swap3A_648, %swap3A_649] {strides = array<i32>} : memref<48x128xf32, #tpu.memory_space<vmem>>, vector<16xf32>,
    tpu.vector_store %arg23[%swap3A_648, %swap3A_649], %broadcast_in_dim3A_1 {strides = array<i32>} : memref<48x128xf32, #tpu.memory_space<vmem>>, vector<16xf32>,
    %swap3A_651 = arith.constant 20 : i32
    %swap3A_652 = arith.index_cast %swap3A_651 : i32 to index
    %swap3A_653 = arith.constant 32 : index
    %swap3A_654 = tpu.vector_load %arg23[%swap3A_652, %swap3A_653] {strides = array<i32>} : memref<48x128xf32, #tpu.memory_space<vmem>>, vector<16xf32>,
    tpu.vector_store %arg23[%swap3A_652, %swap3A_653], %broadcast_in_dim3A_1 {strides = array<i32>} : memref<48x128xf32, #tpu.memory_space<vmem>>, vector<16xf32>,
    %swap3A_655 = arith.constant 20 : i32
    %swap3A_656 = arith.index_cast %swap3A_655 : i32 to index
    %swap3A_657 = arith.constant 48 : index
    %swap3A_658 = tpu.vector_load %arg23[%swap3A_656, %swap3A_657] {strides = array<i32>} : memref<48x128xf32, #tpu.memory_space<vmem>>, vector<16xf32>,
    tpu.vector_store %arg23[%swap3A_656, %swap3A_657], %broadcast_in_dim3A_1 {strides = array<i32>} : memref<48x128xf32, #tpu.memory_space<vmem>>, vector<16xf32>,
    %swap3A_659 = arith.constant 20 : i32
    %swap3A_660 = arith.index_cast %swap3A_659 : i32 to index
    %swap3A_661 = arith.constant 64 : index
    %swap3A_662 = tpu.vector_load %arg23[%swap3A_660, %swap3A_661] {strides = array<i32>} : memref<48x128xf32, #tpu.memory_space<vmem>>, vector<16xf32>,
    tpu.vector_store %arg23[%swap3A_660, %swap3A_661], %broadcast_in_dim3A_1 {strides = array<i32>} : memref<48x128xf32, #tpu.memory_space<vmem>>, vector<16xf32>,
    %swap3A_663 = arith.constant 20 : i32
    %swap3A_664 = arith.index_cast %swap3A_663 : i32 to index
    %swap3A_665 = arith.constant 80 : index
    %swap3A_666 = tpu.vector_load %arg23[%swap3A_664, %swap3A_665] {strides = array<i32>} : memref<48x128xf32, #tpu.memory_space<vmem>>, vector<16xf32>,
    tpu.vector_store %arg23[%swap3A_664, %swap3A_665], %broadcast_in_dim3A_1 {strides = array<i32>} : memref<48x128xf32, #tpu.memory_space<vmem>>, vector<16xf32>,
    %swap3A_667 = arith.constant 20 : i32
    %swap3A_668 = arith.index_cast %swap3A_667 : i32 to index
    %swap3A_669 = arith.constant 96 : index
    %swap3A_670 = tpu.vector_load %arg23[%swap3A_668, %swap3A_669] {strides = array<i32>} : memref<48x128xf32, #tpu.memory_space<vmem>>, vector<16xf32>,
    tpu.vector_store %arg23[%swap3A_668, %swap3A_669], %broadcast_in_dim3A_1 {strides = array<i32>} : memref<48x128xf32, #tpu.memory_space<vmem>>, vector<16xf32>,
    %swap3A_671 = arith.constant 20 : i32
    %swap3A_672 = arith.index_cast %swap3A_671 : i32 to index
    %swap3A_673 = arith.constant 112 : index
    %swap3A_674 = tpu.vector_load %arg23[%swap3A_672, %swap3A_673] {strides = array<i32>} : memref<48x128xf32, #tpu.memory_space<vmem>>, vector<16xf32>,
    tpu.vector_store %arg23[%swap3A_672, %swap3A_673], %broadcast_in_dim3A_1 {strides = array<i32>} : memref<48x128xf32, #tpu.memory_space<vmem>>, vector<16xf32>,
    %swap3A_675 = arith.constant 21 : i32
    %swap3A_676 = arith.index_cast %swap3A_675 : i32 to index
    %swap3A_677 = arith.constant 0 : index
    %swap3A_678 = tpu.vector_load %arg23[%swap3A_676, %swap3A_677] {strides = array<i32>} : memref<48x128xf32, #tpu.memory_space<vmem>>, vector<16xf32>,
    tpu.vector_store %arg23[%swap3A_676, %swap3A_677], %broadcast_in_dim3A_1 {strides = array<i32>} : memref<48x128xf32, #tpu.memory_space<vmem>>, vector<16xf32>,
    %swap3A_679 = arith.constant 21 : i32
    %swap3A_680 = arith.index_cast %swap3A_679 : i32 to index
    %swap3A_681 = arith.constant 16 : index
    %swap3A_682 = tpu.vector_load %arg23[%swap3A_680, %swap3A_681] {strides = array<i32>} : memref<48x128xf32, #tpu.memory_space<vmem>>, vector<16xf32>,
    tpu.vector_store %arg23[%swap3A_680, %swap3A_681], %broadcast_in_dim3A_1 {strides = array<i32>} : memref<48x128xf32, #tpu.memory_space<vmem>>, vector<16xf32>,
    %swap3A_683 = arith.constant 21 : i32
    %swap3A_684 = arith.index_cast %swap3A_683 : i32 to index
    %swap3A_685 = arith.constant 32 : index
    %swap3A_686 = tpu.vector_load %arg23[%swap3A_684, %swap3A_685] {strides = array<i32>} : memref<48x128xf32, #tpu.memory_space<vmem>>, vector<16xf32>,
    tpu.vector_store %arg23[%swap3A_684, %swap3A_685], %broadcast_in_dim3A_1 {strides = array<i32>} : memref<48x128xf32, #tpu.memory_space<vmem>>, vector<16xf32>,
    %swap3A_687 = arith.constant 21 : i32
    %swap3A_688 = arith.index_cast %swap3A_687 : i32 to index
    %swap3A_689 = arith.constant 48 : index
    %swap3A_690 = tpu.vector_load %arg23[%swap3A_688, %swap3A_689] {strides = array<i32>} : memref<48x128xf32, #tpu.memory_space<vmem>>, vector<16xf32>,
    tpu.vector_store %arg23[%swap3A_688, %swap3A_689], %broadcast_in_dim3A_1 {strides = array<i32>} : memref<48x128xf32, #tpu.memory_space<vmem>>, vector<16xf32>,
    %swap3A_691 = arith.constant 21 : i32
    %swap3A_692 = arith.index_cast %swap3A_691 : i32 to index
    %swap3A_693 = arith.constant 64 : index
    %swap3A_694 = tpu.vector_load %arg23[%swap3A_692, %swap3A_693] {strides = array<i32>} : memref<48x128xf32, #tpu.memory_space<vmem>>, vector<16xf32>,
    tpu.vector_store %arg23[%swap3A_692, %swap3A_693], %broadcast_in_dim3A_1 {strides = array<i32>} : memref<48x128xf32, #tpu.memory_space<vmem>>, vector<16xf32>,
    %swap3A_695 = arith.constant 21 : i32
    %swap3A_696 = arith.index_cast %swap3A_695 : i32 to index
    %swap3A_697 = arith.constant 80 : index
    %swap3A_698 = tpu.vector_load %arg23[%swap3A_696, %swap3A_697] {strides = array<i32>} : memref<48x128xf32, #tpu.memory_space<vmem>>, vector<16xf32>,
    tpu.vector_store %arg23[%swap3A_696, %swap3A_697], %broadcast_in_dim3A_1 {strides = array<i32>} : memref<48x128xf32, #tpu.memory_space<vmem>>, vector<16xf32>,
    %swap3A_699 = arith.constant 21 : i32
    %swap3A_700 = arith.index_cast %swap3A_699 : i32 to index
    %swap3A_701 = arith.constant 96 : index
    %swap3A_702 = tpu.vector_load %arg23[%swap3A_700, %swap3A_701] {strides = array<i32>} : memref<48x128xf32, #tpu.memory_space<vmem>>, vector<16xf32>,
    tpu.vector_store %arg23[%swap3A_700, %swap3A_701], %broadcast_in_dim3A_1 {strides = array<i32>} : memref<48x128xf32, #tpu.memory_space<vmem>>, vector<16xf32>,
    %swap3A_703 = arith.constant 21 : i32
    %swap3A_704 = arith.index_cast %swap3A_703 : i32 to index
    %swap3A_705 = arith.constant 112 : index
    %swap3A_706 = tpu.vector_load %arg23[%swap3A_704, %swap3A_705] {strides = array<i32>} : memref<48x128xf32, #tpu.memory_space<vmem>>, vector<16xf32>,
    tpu.vector_store %arg23[%swap3A_704, %swap3A_705], %broadcast_in_dim3A_1 {strides = array<i32>} : memref<48x128xf32, #tpu.memory_space<vmem>>, vector<16xf32>,
    %swap3A_707 = arith.constant 22 : i32
    %swap3A_708 = arith.index_cast %swap3A_707 : i32 to index
    %swap3A_709 = arith.constant 0 : index
    %swap3A_710 = tpu.vector_load %arg23[%swap3A_708, %swap3A_709] {strides = array<i32>} : memref<48x128xf32, #tpu.memory_space<vmem>>, vector<16xf32>,
    tpu.vector_store %arg23[%swap3A_708, %swap3A_709], %broadcast_in_dim3A_1 {strides = array<i32>} : memref<48x128xf32, #tpu.memory_space<vmem>>, vector<16xf32>,
    %swap3A_711 = arith.constant 22 : i32
    %swap3A_712 = arith.index_cast %swap3A_711 : i32 to index
    %swap3A_713 = arith.constant 16 : index
    %swap3A_714 = tpu.vector_load %arg23[%swap3A_712, %swap3A_713] {strides = array<i32>} : memref<48x128xf32, #tpu.memory_space<vmem>>, vector<16xf32>,
    tpu.vector_store %arg23[%swap3A_712, %swap3A_713], %broadcast_in_dim3A_1 {strides = array<i32>} : memref<48x128xf32, #tpu.memory_space<vmem>>, vector<16xf32>,
    %swap3A_715 = arith.constant 22 : i32
    %swap3A_716 = arith.index_cast %swap3A_715 : i32 to index
    %swap3A_717 = arith.constant 32 : index
    %swap3A_718 = tpu.vector_load %arg23[%swap3A_716, %swap3A_717] {strides = array<i32>} : memref<48x128xf32, #tpu.memory_space<vmem>>, vector<16xf32>,
    tpu.vector_store %arg23[%swap3A_716, %swap3A_717], %broadcast_in_dim3A_1 {strides = array<i32>} : memref<48x128xf32, #tpu.memory_space<vmem>>, vector<16xf32>,
    %swap3A_719 = arith.constant 22 : i32
    %swap3A_720 = arith.index_cast %swap3A_719 : i32 to index
    %swap3A_721 = arith.constant 48 : index
    %swap3A_722 = tpu.vector_load %arg23[%swap3A_720, %swap3A_721] {strides = array<i32>} : memref<48x128xf32, #tpu.memory_space<vmem>>, vector<16xf32>,
    tpu.vector_store %arg23[%swap3A_720, %swap3A_721], %broadcast_in_dim3A_1 {strides = array<i32>} : memref<48x128xf32, #tpu.memory_space<vmem>>, vector<16xf32>,
    %swap3A_723 = arith.constant 22 : i32
    %swap3A_724 = arith.index_cast %swap3A_723 : i32 to index
    %swap3A_725 = arith.constant 64 : index
    %swap3A_726 = tpu.vector_load %arg23[%swap3A_724, %swap3A_725] {strides = array<i32>} : memref<48x128xf32, #tpu.memory_space<vmem>>, vector<16xf32>,
    tpu.vector_store %arg23[%swap3A_724, %swap3A_725], %broadcast_in_dim3A_1 {strides = array<i32>} : memref<48x128xf32, #tpu.memory_space<vmem>>, vector<16xf32>,
    %swap3A_727 = arith.constant 22 : i32
    %swap3A_728 = arith.index_cast %swap3A_727 : i32 to index
    %swap3A_729 = arith.constant 80 : index
    %swap3A_730 = tpu.vector_load %arg23[%swap3A_728, %swap3A_729] {strides = array<i32>} : memref<48x128xf32, #tpu.memory_space<vmem>>, vector<16xf32>,
    tpu.vector_store %arg23[%swap3A_728, %swap3A_729], %broadcast_in_dim3A_1 {strides = array<i32>} : memref<48x128xf32, #tpu.memory_space<vmem>>, vector<16xf32>,
    %swap3A_731 = arith.constant 22 : i32
    %swap3A_732 = arith.index_cast %swap3A_731 : i32 to index
    %swap3A_733 = arith.constant 96 : index
    %swap3A_734 = tpu.vector_load %arg23[%swap3A_732, %swap3A_733] {strides = array<i32>} : memref<48x128xf32, #tpu.memory_space<vmem>>, vector<16xf32>,
    tpu.vector_store %arg23[%swap3A_732, %swap3A_733], %broadcast_in_dim3A_1 {strides = array<i32>} : memref<48x128xf32, #tpu.memory_space<vmem>>, vector<16xf32>,
    %swap3A_735 = arith.constant 22 : i32
    %swap3A_736 = arith.index_cast %swap3A_735 : i32 to index
    %swap3A_737 = arith.constant 112 : index
    %swap3A_738 = tpu.vector_load %arg23[%swap3A_736, %swap3A_737] {strides = array<i32>} : memref<48x128xf32, #tpu.memory_space<vmem>>, vector<16xf32>,
    tpu.vector_store %arg23[%swap3A_736, %swap3A_737], %broadcast_in_dim3A_1 {strides = array<i32>} : memref<48x128xf32, #tpu.memory_space<vmem>>, vector<16xf32>,
    %swap3A_739 = arith.constant 23 : i32
    %swap3A_740 = arith.index_cast %swap3A_739 : i32 to index
    %swap3A_741 = arith.constant 0 : index
    %swap3A_742 = tpu.vector_load %arg23[%swap3A_740, %swap3A_741] {strides = array<i32>} : memref<48x128xf32, #tpu.memory_space<vmem>>, vector<16xf32>,
    tpu.vector_store %arg23[%swap3A_740, %swap3A_741], %broadcast_in_dim3A_1 {strides = array<i32>} : memref<48x128xf32, #tpu.memory_space<vmem>>, vector<16xf32>,
    %swap3A_743 = arith.constant 23 : i32
    %swap3A_744 = arith.index_cast %swap3A_743 : i32 to index
    %swap3A_745 = arith.constant 16 : index
    %swap3A_746 = tpu.vector_load %arg23[%swap3A_744, %swap3A_745] {strides = array<i32>} : memref<48x128xf32, #tpu.memory_space<vmem>>, vector<16xf32>,
    tpu.vector_store %arg23[%swap3A_744, %swap3A_745], %broadcast_in_dim3A_1 {strides = array<i32>} : memref<48x128xf32, #tpu.memory_space<vmem>>, vector<16xf32>,
    %swap3A_747 = arith.constant 23 : i32
    %swap3A_748 = arith.index_cast %swap3A_747 : i32 to index
    %swap3A_749 = arith.constant 32 : index
    %swap3A_750 = tpu.vector_load %arg23[%swap3A_748, %swap3A_749] {strides = array<i32>} : memref<48x128xf32, #tpu.memory_space<vmem>>, vector<16xf32>,
    tpu.vector_store %arg23[%swap3A_748, %swap3A_749], %broadcast_in_dim3A_1 {strides = array<i32>} : memref<48x128xf32, #tpu.memory_space<vmem>>, vector<16xf32>,
    %swap3A_751 = arith.constant 23 : i32
    %swap3A_752 = arith.index_cast %swap3A_751 : i32 to index
    %swap3A_753 = arith.constant 48 : index
    %swap3A_754 = tpu.vector_load %arg23[%swap3A_752, %swap3A_753] {strides = array<i32>} : memref<48x128xf32, #tpu.memory_space<vmem>>, vector<16xf32>,
    tpu.vector_store %arg23[%swap3A_752, %swap3A_753], %broadcast_in_dim3A_1 {strides = array<i32>} : memref<48x128xf32, #tpu.memory_space<vmem>>, vector<16xf32>,
    %swap3A_755 = arith.constant 23 : i32
    %swap3A_756 = arith.index_cast %swap3A_755 : i32 to index
    %swap3A_757 = arith.constant 64 : index
    %swap3A_758 = tpu.vector_load %arg23[%swap3A_756, %swap3A_757] {strides = array<i32>} : memref<48x128xf32, #tpu.memory_space<vmem>>, vector<16xf32>,
    tpu.vector_store %arg23[%swap3A_756, %swap3A_757], %broadcast_in_dim3A_1 {strides = array<i32>} : memref<48x128xf32, #tpu.memory_space<vmem>>, vector<16xf32>,
    %swap3A_759 = arith.constant 23 : i32
    %swap3A_760 = arith.index_cast %swap3A_759 : i32 to index
    %swap3A_761 = arith.constant 80 : index
    %swap3A_762 = tpu.vector_load %arg23[%swap3A_760, %swap3A_761] {strides = array<i32>} : memref<48x128xf32, #tpu.memory_space<vmem>>, vector<16xf32>,
    tpu.vector_store %arg23[%swap3A_760, %swap3A_761], %broadcast_in_dim3A_1 {strides = array<i32>} : memref<48x128xf32, #tpu.memory_space<vmem>>, vector<16xf32>,
    %swap3A_763 = arith.constant 23 : i32
    %swap3A_764 = arith.index_cast %swap3A_763 : i32 to index
    %swap3A_765 = arith.constant 96 : index
    %swap3A_766 = tpu.vector_load %arg23[%swap3A_764, %swap3A_765] {strides = array<i32>} : memref<48x128xf32, #tpu.memory_space<vmem>>, vector<16xf32>,
    tpu.vector_store %arg23[%swap3A_764, %swap3A_765], %broadcast_in_dim3A_1 {strides = array<i32>} : memref<48x128xf32, #tpu.memory_space<vmem>>, vector<16xf32>,
    %swap3A_767 = arith.constant 23 : i32
    %swap3A_768 = arith.index_cast %swap3A_767 : i32 to index
    %swap3A_769 = arith.constant 112 : index
    %swap3A_770 = tpu.vector_load %arg23[%swap3A_768, %swap3A_769] {strides = array<i32>} : memref<48x128xf32, #tpu.memory_space<vmem>>, vector<16xf32>,
    tpu.vector_store %arg23[%swap3A_768, %swap3A_769], %broadcast_in_dim3A_1 {strides = array<i32>} : memref<48x128xf32, #tpu.memory_space<vmem>>, vector<16xf32>,
    %swap3A_771 = arith.constant 24 : i32
    %swap3A_772 = arith.index_cast %swap3A_771 : i32 to index
    %swap3A_773 = arith.constant 0 : index
    %swap3A_774 = tpu.vector_load %arg23[%swap3A_772, %swap3A_773] {strides = array<i32>} : memref<48x128xf32, #tpu.memory_space<vmem>>, vector<16xf32>,
    tpu.vector_store %arg23[%swap3A_772, %swap3A_773], %broadcast_in_dim3A_1 {strides = array<i32>} : memref<48x128xf32, #tpu.memory_space<vmem>>, vector<16xf32>,
    %swap3A_775 = arith.constant 24 : i32
    %swap3A_776 = arith.index_cast %swap3A_775 : i32 to index
    %swap3A_777 = arith.constant 16 : index
    %swap3A_778 = tpu.vector_load %arg23[%swap3A_776, %swap3A_777] {strides = array<i32>} : memref<48x128xf32, #tpu.memory_space<vmem>>, vector<16xf32>,
    tpu.vector_store %arg23[%swap3A_776, %swap3A_777], %broadcast_in_dim3A_1 {strides = array<i32>} : memref<48x128xf32, #tpu.memory_space<vmem>>, vector<16xf32>,
    %swap3A_779 = arith.constant 24 : i32
    %swap3A_780 = arith.index_cast %swap3A_779 : i32 to index
    %swap3A_781 = arith.constant 32 : index
    %swap3A_782 = tpu.vector_load %arg23[%swap3A_780, %swap3A_781] {strides = array<i32>} : memref<48x128xf32, #tpu.memory_space<vmem>>, vector<16xf32>,
    tpu.vector_store %arg23[%swap3A_780, %swap3A_781], %broadcast_in_dim3A_1 {strides = array<i32>} : memref<48x128xf32, #tpu.memory_space<vmem>>, vector<16xf32>,
    %swap3A_783 = arith.constant 24 : i32
    %swap3A_784 = arith.index_cast %swap3A_783 : i32 to index
    %swap3A_785 = arith.constant 48 : index
    %swap3A_786 = tpu.vector_load %arg23[%swap3A_784, %swap3A_785] {strides = array<i32>} : memref<48x128xf32, #tpu.memory_space<vmem>>, vector<16xf32>,
    tpu.vector_store %arg23[%swap3A_784, %swap3A_785], %broadcast_in_dim3A_1 {strides = array<i32>} : memref<48x128xf32, #tpu.memory_space<vmem>>, vector<16xf32>,
    %swap3A_787 = arith.constant 24 : i32
    %swap3A_788 = arith.index_cast %swap3A_787 : i32 to index
    %swap3A_789 = arith.constant 64 : index
    %swap3A_790 = tpu.vector_load %arg23[%swap3A_788, %swap3A_789] {strides = array<i32>} : memref<48x128xf32, #tpu.memory_space<vmem>>, vector<16xf32>,
    tpu.vector_store %arg23[%swap3A_788, %swap3A_789], %broadcast_in_dim3A_1 {strides = array<i32>} : memref<48x128xf32, #tpu.memory_space<vmem>>, vector<16xf32>,
    %swap3A_791 = arith.constant 24 : i32
    %swap3A_792 = arith.index_cast %swap3A_791 : i32 to index
    %swap3A_793 = arith.constant 80 : index
    %swap3A_794 = tpu.vector_load %arg23[%swap3A_792, %swap3A_793] {strides = array<i32>} : memref<48x128xf32, #tpu.memory_space<vmem>>, vector<16xf32>,
    tpu.vector_store %arg23[%swap3A_792, %swap3A_793], %broadcast_in_dim3A_1 {strides = array<i32>} : memref<48x128xf32, #tpu.memory_space<vmem>>, vector<16xf32>,
    %swap3A_795 = arith.constant 24 : i32
    %swap3A_796 = arith.index_cast %swap3A_795 : i32 to index
    %swap3A_797 = arith.constant 96 : index
    %swap3A_798 = tpu.vector_load %arg23[%swap3A_796, %swap3A_797] {strides = array<i32>} : memref<48x128xf32, #tpu.memory_space<vmem>>, vector<16xf32>,
    tpu.vector_store %arg23[%swap3A_796, %swap3A_797], %broadcast_in_dim3A_1 {strides = array<i32>} : memref<48x128xf32, #tpu.memory_space<vmem>>, vector<16xf32>,
    %swap3A_799 = arith.constant 24 : i32
    %swap3A_800 = arith.index_cast %swap3A_799 : i32 to index
    %swap3A_801 = arith.constant 112 : index
    %swap3A_802 = tpu.vector_load %arg23[%swap3A_800, %swap3A_801] {strides = array<i32>} : memref<48x128xf32, #tpu.memory_space<vmem>>, vector<16xf32>,
    tpu.vector_store %arg23[%swap3A_800, %swap3A_801], %broadcast_in_dim3A_1 {strides = array<i32>} : memref<48x128xf32, #tpu.memory_space<vmem>>, vector<16xf32>,
    %swap3A_803 = arith.constant 25 : i32
    %swap3A_804 = arith.index_cast %swap3A_803 : i32 to index
    %swap3A_805 = arith.constant 0 : index
    %swap3A_806 = tpu.vector_load %arg23[%swap3A_804, %swap3A_805] {strides = array<i32>} : memref<48x128xf32, #tpu.memory_space<vmem>>, vector<16xf32>,
    tpu.vector_store %arg23[%swap3A_804, %swap3A_805], %broadcast_in_dim3A_1 {strides = array<i32>} : memref<48x128xf32, #tpu.memory_space<vmem>>, vector<16xf32>,
    %swap3A_807 = arith.constant 25 : i32
    %swap3A_808 = arith.index_cast %swap3A_807 : i32 to index
    %swap3A_809 = arith.constant 16 : index
    %swap3A_810 = tpu.vector_load %arg23[%swap3A_808, %swap3A_809] {strides = array<i32>} : memref<48x128xf32, #tpu.memory_space<vmem>>, vector<16xf32>,
    tpu.vector_store %arg23[%swap3A_808, %swap3A_809], %broadcast_in_dim3A_1 {strides = array<i32>} : memref<48x128xf32, #tpu.memory_space<vmem>>, vector<16xf32>,
    %swap3A_811 = arith.constant 25 : i32
    %swap3A_812 = arith.index_cast %swap3A_811 : i32 to index
    %swap3A_813 = arith.constant 32 : index
    %swap3A_814 = tpu.vector_load %arg23[%swap3A_812, %swap3A_813] {strides = array<i32>} : memref<48x128xf32, #tpu.memory_space<vmem>>, vector<16xf32>,
    tpu.vector_store %arg23[%swap3A_812, %swap3A_813], %broadcast_in_dim3A_1 {strides = array<i32>} : memref<48x128xf32, #tpu.memory_space<vmem>>, vector<16xf32>,
    %swap3A_815 = arith.constant 25 : i32
    %swap3A_816 = arith.index_cast %swap3A_815 : i32 to index
    %swap3A_817 = arith.constant 48 : index
    %swap3A_818 = tpu.vector_load %arg23[%swap3A_816, %swap3A_817] {strides = array<i32>} : memref<48x128xf32, #tpu.memory_space<vmem>>, vector<16xf32>,
    tpu.vector_store %arg23[%swap3A_816, %swap3A_817], %broadcast_in_dim3A_1 {strides = array<i32>} : memref<48x128xf32, #tpu.memory_space<vmem>>, vector<16xf32>,
    %swap3A_819 = arith.constant 25 : i32
    %swap3A_820 = arith.index_cast %swap3A_819 : i32 to index
    %swap3A_821 = arith.constant 64 : index
    %swap3A_822 = tpu.vector_load %arg23[%swap3A_820, %swap3A_821] {strides = array<i32>} : memref<48x128xf32, #tpu.memory_space<vmem>>, vector<16xf32>,
    tpu.vector_store %arg23[%swap3A_820, %swap3A_821], %broadcast_in_dim3A_1 {strides = array<i32>} : memref<48x128xf32, #tpu.memory_space<vmem>>, vector<16xf32>,
    %swap3A_823 = arith.constant 25 : i32
    %swap3A_824 = arith.index_cast %swap3A_823 : i32 to index
    %swap3A_825 = arith.constant 80 : index
    %swap3A_826 = tpu.vector_load %arg23[%swap3A_824, %swap3A_825] {strides = array<i32>} : memref<48x128xf32, #tpu.memory_space<vmem>>, vector<16xf32>,
    tpu.vector_store %arg23[%swap3A_824, %swap3A_825], %broadcast_in_dim3A_1 {strides = array<i32>} : memref<48x128xf32, #tpu.memory_space<vmem>>, vector<16xf32>,
    %swap3A_827 = arith.constant 25 : i32
    %swap3A_828 = arith.index_cast %swap3A_827 : i32 to index
    %swap3A_829 = arith.constant 96 : index
    %swap3A_830 = tpu.vector_load %arg23[%swap3A_828, %swap3A_829] {strides = array<i32>} : memref<48x128xf32, #tpu.memory_space<vmem>>, vector<16xf32>,
    tpu.vector_store %arg23[%swap3A_828, %swap3A_829], %broadcast_in_dim3A_1 {strides = array<i32>} : memref<48x128xf32, #tpu.memory_space<vmem>>, vector<16xf32>,
    %swap3A_831 = arith.constant 25 : i32
    %swap3A_832 = arith.index_cast %swap3A_831 : i32 to index
    %swap3A_833 = arith.constant 112 : index
    %swap3A_834 = tpu.vector_load %arg23[%swap3A_832, %swap3A_833] {strides = array<i32>} : memref<48x128xf32, #tpu.memory_space<vmem>>, vector<16xf32>,
    tpu.vector_store %arg23[%swap3A_832, %swap3A_833], %broadcast_in_dim3A_1 {strides = array<i32>} : memref<48x128xf32, #tpu.memory_space<vmem>>, vector<16xf32>,
    %swap3A_835 = arith.constant 26 : i32
    %swap3A_836 = arith.index_cast %swap3A_835 : i32 to index
    %swap3A_837 = arith.constant 0 : index
    %swap3A_838 = tpu.vector_load %arg23[%swap3A_836, %swap3A_837] {strides = array<i32>} : memref<48x128xf32, #tpu.memory_space<vmem>>, vector<16xf32>,
    tpu.vector_store %arg23[%swap3A_836, %swap3A_837], %broadcast_in_dim3A_1 {strides = array<i32>} : memref<48x128xf32, #tpu.memory_space<vmem>>, vector<16xf32>,
    %swap3A_839 = arith.constant 26 : i32
    %swap3A_840 = arith.index_cast %swap3A_839 : i32 to index
    %swap3A_841 = arith.constant 16 : index
    %swap3A_842 = tpu.vector_load %arg23[%swap3A_840, %swap3A_841] {strides = array<i32>} : memref<48x128xf32, #tpu.memory_space<vmem>>, vector<16xf32>,
    tpu.vector_store %arg23[%swap3A_840, %swap3A_841], %broadcast_in_dim3A_1 {strides = array<i32>} : memref<48x128xf32, #tpu.memory_space<vmem>>, vector<16xf32>,
    %swap3A_843 = arith.constant 26 : i32
    %swap3A_844 = arith.index_cast %swap3A_843 : i32 to index
    %swap3A_845 = arith.constant 32 : index
    %swap3A_846 = tpu.vector_load %arg23[%swap3A_844, %swap3A_845] {strides = array<i32>} : memref<48x128xf32, #tpu.memory_space<vmem>>, vector<16xf32>,
    tpu.vector_store %arg23[%swap3A_844, %swap3A_845], %broadcast_in_dim3A_1 {strides = array<i32>} : memref<48x128xf32, #tpu.memory_space<vmem>>, vector<16xf32>,
    %swap3A_847 = arith.constant 26 : i32
    %swap3A_848 = arith.index_cast %swap3A_847 : i32 to index
    %swap3A_849 = arith.constant 48 : index
    %swap3A_850 = tpu.vector_load %arg23[%swap3A_848, %swap3A_849] {strides = array<i32>} : memref<48x128xf32, #tpu.memory_space<vmem>>, vector<16xf32>,
    tpu.vector_store %arg23[%swap3A_848, %swap3A_849], %broadcast_in_dim3A_1 {strides = array<i32>} : memref<48x128xf32, #tpu.memory_space<vmem>>, vector<16xf32>,
    %swap3A_851 = arith.constant 26 : i32
    %swap3A_852 = arith.index_cast %swap3A_851 : i32 to index
    %swap3A_853 = arith.constant 64 : index
    %swap3A_854 = tpu.vector_load %arg23[%swap3A_852, %swap3A_853] {strides = array<i32>} : memref<48x128xf32, #tpu.memory_space<vmem>>, vector<16xf32>,
    tpu.vector_store %arg23[%swap3A_852, %swap3A_853], %broadcast_in_dim3A_1 {strides = array<i32>} : memref<48x128xf32, #tpu.memory_space<vmem>>, vector<16xf32>,
    %swap3A_855 = arith.constant 26 : i32
    %swap3A_856 = arith.index_cast %swap3A_855 : i32 to index
    %swap3A_857 = arith.constant 80 : index
    %swap3A_858 = tpu.vector_load %arg23[%swap3A_856, %swap3A_857] {strides = array<i32>} : memref<48x128xf32, #tpu.memory_space<vmem>>, vector<16xf32>,
    tpu.vector_store %arg23[%swap3A_856, %swap3A_857], %broadcast_in_dim3A_1 {strides = array<i32>} : memref<48x128xf32, #tpu.memory_space<vmem>>, vector<16xf32>,
    %swap3A_859 = arith.constant 26 : i32
    %swap3A_860 = arith.index_cast %swap3A_859 : i32 to index
    %swap3A_861 = arith.constant 96 : index
    %swap3A_862 = tpu.vector_load %arg23[%swap3A_860, %swap3A_861] {strides = array<i32>} : memref<48x128xf32, #tpu.memory_space<vmem>>, vector<16xf32>,
    tpu.vector_store %arg23[%swap3A_860, %swap3A_861], %broadcast_in_dim3A_1 {strides = array<i32>} : memref<48x128xf32, #tpu.memory_space<vmem>>, vector<16xf32>,
    %swap3A_863 = arith.constant 26 : i32
    %swap3A_864 = arith.index_cast %swap3A_863 : i32 to index
    %swap3A_865 = arith.constant 112 : index
    %swap3A_866 = tpu.vector_load %arg23[%swap3A_864, %swap3A_865] {strides = array<i32>} : memref<48x128xf32, #tpu.memory_space<vmem>>, vector<16xf32>,
    tpu.vector_store %arg23[%swap3A_864, %swap3A_865], %broadcast_in_dim3A_1 {strides = array<i32>} : memref<48x128xf32, #tpu.memory_space<vmem>>, vector<16xf32>,
    %swap3A_867 = arith.constant 27 : i32
    %swap3A_868 = arith.index_cast %swap3A_867 : i32 to index
    %swap3A_869 = arith.constant 0 : index
    %swap3A_870 = tpu.vector_load %arg23[%swap3A_868, %swap3A_869] {strides = array<i32>} : memref<48x128xf32, #tpu.memory_space<vmem>>, vector<16xf32>,
    tpu.vector_store %arg23[%swap3A_868, %swap3A_869], %broadcast_in_dim3A_1 {strides = array<i32>} : memref<48x128xf32, #tpu.memory_space<vmem>>, vector<16xf32>,
    %swap3A_871 = arith.constant 27 : i32
    %swap3A_872 = arith.index_cast %swap3A_871 : i32 to index
    %swap3A_873 = arith.constant 16 : index
    %swap3A_874 = tpu.vector_load %arg23[%swap3A_872, %swap3A_873] {strides = array<i32>} : memref<48x128xf32, #tpu.memory_space<vmem>>, vector<16xf32>,
    tpu.vector_store %arg23[%swap3A_872, %swap3A_873], %broadcast_in_dim3A_1 {strides = array<i32>} : memref<48x128xf32, #tpu.memory_space<vmem>>, vector<16xf32>,
    %swap3A_875 = arith.constant 27 : i32
    %swap3A_876 = arith.index_cast %swap3A_875 : i32 to index
    %swap3A_877 = arith.constant 32 : index
    %swap3A_878 = tpu.vector_load %arg23[%swap3A_876, %swap3A_877] {strides = array<i32>} : memref<48x128xf32, #tpu.memory_space<vmem>>, vector<16xf32>,
    tpu.vector_store %arg23[%swap3A_876, %swap3A_877], %broadcast_in_dim3A_1 {strides = array<i32>} : memref<48x128xf32, #tpu.memory_space<vmem>>, vector<16xf32>,
    %swap3A_879 = arith.constant 27 : i32
    %swap3A_880 = arith.index_cast %swap3A_879 : i32 to index
    %swap3A_881 = arith.constant 48 : index
    %swap3A_882 = tpu.vector_load %arg23[%swap3A_880, %swap3A_881] {strides = array<i32>} : memref<48x128xf32, #tpu.memory_space<vmem>>, vector<16xf32>,
    tpu.vector_store %arg23[%swap3A_880, %swap3A_881], %broadcast_in_dim3A_1 {strides = array<i32>} : memref<48x128xf32, #tpu.memory_space<vmem>>, vector<16xf32>,
    %swap3A_883 = arith.constant 27 : i32
    %swap3A_884 = arith.index_cast %swap3A_883 : i32 to index
    %swap3A_885 = arith.constant 64 : index
    %swap3A_886 = tpu.vector_load %arg23[%swap3A_884, %swap3A_885] {strides = array<i32>} : memref<48x128xf32, #tpu.memory_space<vmem>>, vector<16xf32>,
    tpu.vector_store %arg23[%swap3A_884, %swap3A_885], %broadcast_in_dim3A_1 {strides = array<i32>} : memref<48x128xf32, #tpu.memory_space<vmem>>, vector<16xf32>,
    %swap3A_887 = arith.constant 27 : i32
    %swap3A_888 = arith.index_cast %swap3A_887 : i32 to index
    %swap3A_889 = arith.constant 80 : index
    %swap3A_890 = tpu.vector_load %arg23[%swap3A_888, %swap3A_889] {strides = array<i32>} : memref<48x128xf32, #tpu.memory_space<vmem>>, vector<16xf32>,
    tpu.vector_store %arg23[%swap3A_888, %swap3A_889], %broadcast_in_dim3A_1 {strides = array<i32>} : memref<48x128xf32, #tpu.memory_space<vmem>>, vector<16xf32>,
    %swap3A_891 = arith.constant 27 : i32
    %swap3A_892 = arith.index_cast %swap3A_891 : i32 to index
    %swap3A_893 = arith.constant 96 : index
    %swap3A_894 = tpu.vector_load %arg23[%swap3A_892, %swap3A_893] {strides = array<i32>} : memref<48x128xf32, #tpu.memory_space<vmem>>, vector<16xf32>,
    tpu.vector_store %arg23[%swap3A_892, %swap3A_893], %broadcast_in_dim3A_1 {strides = array<i32>} : memref<48x128xf32, #tpu.memory_space<vmem>>, vector<16xf32>,
    %swap3A_895 = arith.constant 27 : i32
    %swap3A_896 = arith.index_cast %swap3A_895 : i32 to index
    %swap3A_897 = arith.constant 112 : index
    %swap3A_898 = tpu.vector_load %arg23[%swap3A_896, %swap3A_897] {strides = array<i32>} : memref<48x128xf32, #tpu.memory_space<vmem>>, vector<16xf32>,
    tpu.vector_store %arg23[%swap3A_896, %swap3A_897], %broadcast_in_dim3A_1 {strides = array<i32>} : memref<48x128xf32, #tpu.memory_space<vmem>>, vector<16xf32>,
    %swap3A_899 = arith.constant 28 : i32
    %swap3A_900 = arith.index_cast %swap3A_899 : i32 to index
    %swap3A_901 = arith.constant 0 : index
    %swap3A_902 = tpu.vector_load %arg23[%swap3A_900, %swap3A_901] {strides = array<i32>} : memref<48x128xf32, #tpu.memory_space<vmem>>, vector<16xf32>,
    tpu.vector_store %arg23[%swap3A_900, %swap3A_901], %broadcast_in_dim3A_1 {strides = array<i32>} : memref<48x128xf32, #tpu.memory_space<vmem>>, vector<16xf32>,
    %swap3A_903 = arith.constant 28 : i32
    %swap3A_904 = arith.index_cast %swap3A_903 : i32 to index
    %swap3A_905 = arith.constant 16 : index
    %swap3A_906 = tpu.vector_load %arg23[%swap3A_904, %swap3A_905] {strides = array<i32>} : memref<48x128xf32, #tpu.memory_space<vmem>>, vector<16xf32>,
    tpu.vector_store %arg23[%swap3A_904, %swap3A_905], %broadcast_in_dim3A_1 {strides = array<i32>} : memref<48x128xf32, #tpu.memory_space<vmem>>, vector<16xf32>,
    %swap3A_907 = arith.constant 28 : i32
    %swap3A_908 = arith.index_cast %swap3A_907 : i32 to index
    %swap3A_909 = arith.constant 32 : index
    %swap3A_910 = tpu.vector_load %arg23[%swap3A_908, %swap3A_909] {strides = array<i32>} : memref<48x128xf32, #tpu.memory_space<vmem>>, vector<16xf32>,
    tpu.vector_store %arg23[%swap3A_908, %swap3A_909], %broadcast_in_dim3A_1 {strides = array<i32>} : memref<48x128xf32, #tpu.memory_space<vmem>>, vector<16xf32>,
    %swap3A_911 = arith.constant 28 : i32
    %swap3A_912 = arith.index_cast %swap3A_911 : i32 to index
    %swap3A_913 = arith.constant 48 : index
    %swap3A_914 = tpu.vector_load %arg23[%swap3A_912, %swap3A_913] {strides = array<i32>} : memref<48x128xf32, #tpu.memory_space<vmem>>, vector<16xf32>,
    tpu.vector_store %arg23[%swap3A_912, %swap3A_913], %broadcast_in_dim3A_1 {strides = array<i32>} : memref<48x128xf32, #tpu.memory_space<vmem>>, vector<16xf32>,
    %swap3A_915 = arith.constant 28 : i32
    %swap3A_916 = arith.index_cast %swap3A_915 : i32 to index
    %swap3A_917 = arith.constant 64 : index
    %swap3A_918 = tpu.vector_load %arg23[%swap3A_916, %swap3A_917] {strides = array<i32>} : memref<48x128xf32, #tpu.memory_space<vmem>>, vector<16xf32>,
    tpu.vector_store %arg23[%swap3A_916, %swap3A_917], %broadcast_in_dim3A_1 {strides = array<i32>} : memref<48x128xf32, #tpu.memory_space<vmem>>, vector<16xf32>,
    %swap3A_919 = arith.constant 28 : i32
    %swap3A_920 = arith.index_cast %swap3A_919 : i32 to index
    %swap3A_921 = arith.constant 80 : index
    %swap3A_922 = tpu.vector_load %arg23[%swap3A_920, %swap3A_921] {strides = array<i32>} : memref<48x128xf32, #tpu.memory_space<vmem>>, vector<16xf32>,
    tpu.vector_store %arg23[%swap3A_920, %swap3A_921], %broadcast_in_dim3A_1 {strides = array<i32>} : memref<48x128xf32, #tpu.memory_space<vmem>>, vector<16xf32>,
    %swap3A_923 = arith.constant 28 : i32
    %swap3A_924 = arith.index_cast %swap3A_923 : i32 to index
    %swap3A_925 = arith.constant 96 : index
    %swap3A_926 = tpu.vector_load %arg23[%swap3A_924, %swap3A_925] {strides = array<i32>} : memref<48x128xf32, #tpu.memory_space<vmem>>, vector<16xf32>,
    tpu.vector_store %arg23[%swap3A_924, %swap3A_925], %broadcast_in_dim3A_1 {strides = array<i32>} : memref<48x128xf32, #tpu.memory_space<vmem>>, vector<16xf32>,
    %swap3A_927 = arith.constant 28 : i32
    %swap3A_928 = arith.index_cast %swap3A_927 : i32 to index
    %swap3A_929 = arith.constant 112 : index
    %swap3A_930 = tpu.vector_load %arg23[%swap3A_928, %swap3A_929] {strides = array<i32>} : memref<48x128xf32, #tpu.memory_space<vmem>>, vector<16xf32>,
    tpu.vector_store %arg23[%swap3A_928, %swap3A_929], %broadcast_in_dim3A_1 {strides = array<i32>} : memref<48x128xf32, #tpu.memory_space<vmem>>, vector<16xf32>,
    %swap3A_931 = arith.constant 29 : i32
    %swap3A_932 = arith.index_cast %swap3A_931 : i32 to index
    %swap3A_933 = arith.constant 0 : index
    %swap3A_934 = tpu.vector_load %arg23[%swap3A_932, %swap3A_933] {strides = array<i32>} : memref<48x128xf32, #tpu.memory_space<vmem>>, vector<16xf32>,
    tpu.vector_store %arg23[%swap3A_932, %swap3A_933], %broadcast_in_dim3A_1 {strides = array<i32>} : memref<48x128xf32, #tpu.memory_space<vmem>>, vector<16xf32>,
    %swap3A_935 = arith.constant 29 : i32
    %swap3A_936 = arith.index_cast %swap3A_935 : i32 to index
    %swap3A_937 = arith.constant 16 : index
    %swap3A_938 = tpu.vector_load %arg23[%swap3A_936, %swap3A_937] {strides = array<i32>} : memref<48x128xf32, #tpu.memory_space<vmem>>, vector<16xf32>,
    tpu.vector_store %arg23[%swap3A_936, %swap3A_937], %broadcast_in_dim3A_1 {strides = array<i32>} : memref<48x128xf32, #tpu.memory_space<vmem>>, vector<16xf32>,
    %swap3A_939 = arith.constant 29 : i32
    %swap3A_940 = arith.index_cast %swap3A_939 : i32 to index
    %swap3A_941 = arith.constant 32 : index
    %swap3A_942 = tpu.vector_load %arg23[%swap3A_940, %swap3A_941] {strides = array<i32>} : memref<48x128xf32, #tpu.memory_space<vmem>>, vector<16xf32>,
    tpu.vector_store %arg23[%swap3A_940, %swap3A_941], %broadcast_in_dim3A_1 {strides = array<i32>} : memref<48x128xf32, #tpu.memory_space<vmem>>, vector<16xf32>,
    %swap3A_943 = arith.constant 29 : i32
    %swap3A_944 = arith.index_cast %swap3A_943 : i32 to index
    %swap3A_945 = arith.constant 48 : index
    %swap3A_946 = tpu.vector_load %arg23[%swap3A_944, %swap3A_945] {strides = array<i32>} : memref<48x128xf32, #tpu.memory_space<vmem>>, vector<16xf32>,
    tpu.vector_store %arg23[%swap3A_944, %swap3A_945], %broadcast_in_dim3A_1 {strides = array<i32>} : memref<48x128xf32, #tpu.memory_space<vmem>>, vector<16xf32>,
    %swap3A_947 = arith.constant 29 : i32
    %swap3A_948 = arith.index_cast %swap3A_947 : i32 to index
    %swap3A_949 = arith.constant 64 : index
    %swap3A_950 = tpu.vector_load %arg23[%swap3A_948, %swap3A_949] {strides = array<i32>} : memref<48x128xf32, #tpu.memory_space<vmem>>, vector<16xf32>,
    tpu.vector_store %arg23[%swap3A_948, %swap3A_949], %broadcast_in_dim3A_1 {strides = array<i32>} : memref<48x128xf32, #tpu.memory_space<vmem>>, vector<16xf32>,
    %swap3A_951 = arith.constant 29 : i32
    %swap3A_952 = arith.index_cast %swap3A_951 : i32 to index
    %swap3A_953 = arith.constant 80 : index
    %swap3A_954 = tpu.vector_load %arg23[%swap3A_952, %swap3A_953] {strides = array<i32>} : memref<48x128xf32, #tpu.memory_space<vmem>>, vector<16xf32>,
    tpu.vector_store %arg23[%swap3A_952, %swap3A_953], %broadcast_in_dim3A_1 {strides = array<i32>} : memref<48x128xf32, #tpu.memory_space<vmem>>, vector<16xf32>,
    %swap3A_955 = arith.constant 29 : i32
    %swap3A_956 = arith.index_cast %swap3A_955 : i32 to index
    %swap3A_957 = arith.constant 96 : index
    %swap3A_958 = tpu.vector_load %arg23[%swap3A_956, %swap3A_957] {strides = array<i32>} : memref<48x128xf32, #tpu.memory_space<vmem>>, vector<16xf32>,
    tpu.vector_store %arg23[%swap3A_956, %swap3A_957], %broadcast_in_dim3A_1 {strides = array<i32>} : memref<48x128xf32, #tpu.memory_space<vmem>>, vector<16xf32>,
    %swap3A_959 = arith.constant 29 : i32
    %swap3A_960 = arith.index_cast %swap3A_959 : i32 to index
    %swap3A_961 = arith.constant 112 : index
    %swap3A_962 = tpu.vector_load %arg23[%swap3A_960, %swap3A_961] {strides = array<i32>} : memref<48x128xf32, #tpu.memory_space<vmem>>, vector<16xf32>,
    tpu.vector_store %arg23[%swap3A_960, %swap3A_961], %broadcast_in_dim3A_1 {strides = array<i32>} : memref<48x128xf32, #tpu.memory_space<vmem>>, vector<16xf32>,
    %swap3A_963 = arith.constant 30 : i32
    %swap3A_964 = arith.index_cast %swap3A_963 : i32 to index
    %swap3A_965 = arith.constant 0 : index
    %swap3A_966 = tpu.vector_load %arg23[%swap3A_964, %swap3A_965] {strides = array<i32>} : memref<48x128xf32, #tpu.memory_space<vmem>>, vector<16xf32>,
    tpu.vector_store %arg23[%swap3A_964, %swap3A_965], %broadcast_in_dim3A_1 {strides = array<i32>} : memref<48x128xf32, #tpu.memory_space<vmem>>, vector<16xf32>,
    %swap3A_967 = arith.constant 30 : i32
    %swap3A_968 = arith.index_cast %swap3A_967 : i32 to index
    %swap3A_969 = arith.constant 16 : index
    %swap3A_970 = tpu.vector_load %arg23[%swap3A_968, %swap3A_969] {strides = array<i32>} : memref<48x128xf32, #tpu.memory_space<vmem>>, vector<16xf32>,
    tpu.vector_store %arg23[%swap3A_968, %swap3A_969], %broadcast_in_dim3A_1 {strides = array<i32>} : memref<48x128xf32, #tpu.memory_space<vmem>>, vector<16xf32>,
    %swap3A_971 = arith.constant 30 : i32
    %swap3A_972 = arith.index_cast %swap3A_971 : i32 to index
    %swap3A_973 = arith.constant 32 : index
    %swap3A_974 = tpu.vector_load %arg23[%swap3A_972, %swap3A_973] {strides = array<i32>} : memref<48x128xf32, #tpu.memory_space<vmem>>, vector<16xf32>,
    tpu.vector_store %arg23[%swap3A_972, %swap3A_973], %broadcast_in_dim3A_1 {strides = array<i32>} : memref<48x128xf32, #tpu.memory_space<vmem>>, vector<16xf32>,
    %swap3A_975 = arith.constant 30 : i32
    %swap3A_976 = arith.index_cast %swap3A_975 : i32 to index
    %swap3A_977 = arith.constant 48 : index
    %swap3A_978 = tpu.vector_load %arg23[%swap3A_976, %swap3A_977] {strides = array<i32>} : memref<48x128xf32, #tpu.memory_space<vmem>>, vector<16xf32>,
    tpu.vector_store %arg23[%swap3A_976, %swap3A_977], %broadcast_in_dim3A_1 {strides = array<i32>} : memref<48x128xf32, #tpu.memory_space<vmem>>, vector<16xf32>,
    %swap3A_979 = arith.constant 30 : i32
    %swap3A_980 = arith.index_cast %swap3A_979 : i32 to index
    %swap3A_981 = arith.constant 64 : index
    %swap3A_982 = tpu.vector_load %arg23[%swap3A_980, %swap3A_981] {strides = array<i32>} : memref<48x128xf32, #tpu.memory_space<vmem>>, vector<16xf32>,
    tpu.vector_store %arg23[%swap3A_980, %swap3A_981], %broadcast_in_dim3A_1 {strides = array<i32>} : memref<48x128xf32, #tpu.memory_space<vmem>>, vector<16xf32>,
    %swap3A_983 = arith.constant 30 : i32
    %swap3A_984 = arith.index_cast %swap3A_983 : i32 to index
    %swap3A_985 = arith.constant 80 : index
    %swap3A_986 = tpu.vector_load %arg23[%swap3A_984, %swap3A_985] {strides = array<i32>} : memref<48x128xf32, #tpu.memory_space<vmem>>, vector<16xf32>,
    tpu.vector_store %arg23[%swap3A_984, %swap3A_985], %broadcast_in_dim3A_1 {strides = array<i32>} : memref<48x128xf32, #tpu.memory_space<vmem>>, vector<16xf32>,
    %swap3A_987 = arith.constant 30 : i32
    %swap3A_988 = arith.index_cast %swap3A_987 : i32 to index
    %swap3A_989 = arith.constant 96 : index
    %swap3A_990 = tpu.vector_load %arg23[%swap3A_988, %swap3A_989] {strides = array<i32>} : memref<48x128xf32, #tpu.memory_space<vmem>>, vector<16xf32>,
    tpu.vector_store %arg23[%swap3A_988, %swap3A_989], %broadcast_in_dim3A_1 {strides = array<i32>} : memref<48x128xf32, #tpu.memory_space<vmem>>, vector<16xf32>,
    %swap3A_991 = arith.constant 30 : i32
    %swap3A_992 = arith.index_cast %swap3A_991 : i32 to index
    %swap3A_993 = arith.constant 112 : index
    %swap3A_994 = tpu.vector_load %arg23[%swap3A_992, %swap3A_993] {strides = array<i32>} : memref<48x128xf32, #tpu.memory_space<vmem>>, vector<16xf32>,
    tpu.vector_store %arg23[%swap3A_992, %swap3A_993], %broadcast_in_dim3A_1 {strides = array<i32>} : memref<48x128xf32, #tpu.memory_space<vmem>>, vector<16xf32>,
    %swap3A_995 = arith.constant 31 : i32
    %swap3A_996 = arith.index_cast %swap3A_995 : i32 to index
    %swap3A_997 = arith.constant 0 : index
    %swap3A_998 = tpu.vector_load %arg23[%swap3A_996, %swap3A_997] {strides = array<i32>} : memref<48x128xf32, #tpu.memory_space<vmem>>, vector<16xf32>,
    tpu.vector_store %arg23[%swap3A_996, %swap3A_997], %broadcast_in_dim3A_1 {strides = array<i32>} : memref<48x128xf32, #tpu.memory_space<vmem>>, vector<16xf32>,
    %swap3A_999 = arith.constant 31 : i32
    %swap3A_1000 = arith.index_cast %swap3A_999 : i32 to index
    %swap3A_1001 = arith.constant 16 : index
    %swap3A_1002 = tpu.vector_load %arg23[%swap3A_1000, %swap3A_1001] {strides = array<i32>} : memref<48x128xf32, #tpu.memory_space<vmem>>, vector<16xf32>,
    tpu.vector_store %arg23[%swap3A_1000, %swap3A_1001], %broadcast_in_dim3A_1 {strides = array<i32>} : memref<48x128xf32, #tpu.memory_space<vmem>>, vector<16xf32>,
    %swap3A_1003 = arith.constant 31 : i32
    %swap3A_1004 = arith.index_cast %swap3A_1003 : i32 to index
    %swap3A_1005 = arith.constant 32 : index
    %swap3A_1006 = tpu.vector_load %arg23[%swap3A_1004, %swap3A_1005] {strides = array<i32>} : memref<48x128xf32, #tpu.memory_space<vmem>>, vector<16xf32>,
    tpu.vector_store %arg23[%swap3A_1004, %swap3A_1005], %broadcast_in_dim3A_1 {strides = array<i32>} : memref<48x128xf32, #tpu.memory_space<vmem>>, vector<16xf32>,
    %swap3A_1007 = arith.constant 31 : i32
    %swap3A_1008 = arith.index_cast %swap3A_1007 : i32 to index
    %swap3A_1009 = arith.constant 48 : index
    %swap3A_1010 = tpu.vector_load %arg23[%swap3A_1008, %swap3A_1009] {strides = array<i32>} : memref<48x128xf32, #tpu.memory_space<vmem>>, vector<16xf32>,
    tpu.vector_store %arg23[%swap3A_1008, %swap3A_1009], %broadcast_in_dim3A_1 {strides = array<i32>} : memref<48x128xf32, #tpu.memory_space<vmem>>, vector<16xf32>,
    %swap3A_1011 = arith.constant 31 : i32
    %swap3A_1012 = arith.index_cast %swap3A_1011 : i32 to index
    %swap3A_1013 = arith.constant 64 : index
    %swap3A_1014 = tpu.vector_load %arg23[%swap3A_1012, %swap3A_1013] {strides = array<i32>} : memref<48x128xf32, #tpu.memory_space<vmem>>, vector<16xf32>,
    tpu.vector_store %arg23[%swap3A_1012, %swap3A_1013], %broadcast_in_dim3A_1 {strides = array<i32>} : memref<48x128xf32, #tpu.memory_space<vmem>>, vector<16xf32>,
    %swap3A_1015 = arith.constant 31 : i32
    %swap3A_1016 = arith.index_cast %swap3A_1015 : i32 to index
    %swap3A_1017 = arith.constant 80 : index
    %swap3A_1018 = tpu.vector_load %arg23[%swap3A_1016, %swap3A_1017] {strides = array<i32>} : memref<48x128xf32, #tpu.memory_space<vmem>>, vector<16xf32>,
    tpu.vector_store %arg23[%swap3A_1016, %swap3A_1017], %broadcast_in_dim3A_1 {strides = array<i32>} : memref<48x128xf32, #tpu.memory_space<vmem>>, vector<16xf32>,
    %swap3A_1019 = arith.constant 31 : i32
    %swap3A_1020 = arith.index_cast %swap3A_1019 : i32 to index
    %swap3A_1021 = arith.constant 96 : index
    %swap3A_1022 = tpu.vector_load %arg23[%swap3A_1020, %swap3A_1021] {strides = array<i32>} : memref<48x128xf32, #tpu.memory_space<vmem>>, vector<16xf32>,
    tpu.vector_store %arg23[%swap3A_1020, %swap3A_1021], %broadcast_in_dim3A_1 {strides = array<i32>} : memref<48x128xf32, #tpu.memory_space<vmem>>, vector<16xf32>,
    %swap3A_1023 = arith.constant 31 : i32
    %swap3A_1024 = arith.index_cast %swap3A_1023 : i32 to index
    %swap3A_1025 = arith.constant 112 : index
    %swap3A_1026 = tpu.vector_load %arg23[%swap3A_1024, %swap3A_1025] {strides = array<i32>} : memref<48x128xf32, #tpu.memory_space<vmem>>, vector<16xf32>,
    tpu.vector_store %arg23[%swap3A_1024, %swap3A_1025], %broadcast_in_dim3A_1 {strides = array<i32>} : memref<48x128xf32, #tpu.memory_space<vmem>>, vector<16xf32>,
    %swap3A_1027 = arith.constant 32 : i32
    %swap3A_1028 = arith.index_cast %swap3A_1027 : i32 to index
    %swap3A_1029 = arith.constant 0 : index
    %swap3A_1030 = tpu.vector_load %arg23[%swap3A_1028, %swap3A_1029] {strides = array<i32>} : memref<48x128xf32, #tpu.memory_space<vmem>>, vector<16xf32>,
    tpu.vector_store %arg23[%swap3A_1028, %swap3A_1029], %broadcast_in_dim3A_1 {strides = array<i32>} : memref<48x128xf32, #tpu.memory_space<vmem>>, vector<16xf32>,
    %swap3A_1031 = arith.constant 32 : i32
    %swap3A_1032 = arith.index_cast %swap3A_1031 : i32 to index
    %swap3A_1033 = arith.constant 16 : index
    %swap3A_1034 = tpu.vector_load %arg23[%swap3A_1032, %swap3A_1033] {strides = array<i32>} : memref<48x128xf32, #tpu.memory_space<vmem>>, vector<16xf32>,
    tpu.vector_store %arg23[%swap3A_1032, %swap3A_1033], %broadcast_in_dim3A_1 {strides = array<i32>} : memref<48x128xf32, #tpu.memory_space<vmem>>, vector<16xf32>,
    %swap3A_1035 = arith.constant 32 : i32
    %swap3A_1036 = arith.index_cast %swap3A_1035 : i32 to index
    %swap3A_1037 = arith.constant 32 : index
    %swap3A_1038 = tpu.vector_load %arg23[%swap3A_1036, %swap3A_1037] {strides = array<i32>} : memref<48x128xf32, #tpu.memory_space<vmem>>, vector<16xf32>,
    tpu.vector_store %arg23[%swap3A_1036, %swap3A_1037], %broadcast_in_dim3A_1 {strides = array<i32>} : memref<48x128xf32, #tpu.memory_space<vmem>>, vector<16xf32>,
    %swap3A_1039 = arith.constant 32 : i32
    %swap3A_1040 = arith.index_cast %swap3A_1039 : i32 to index
    %swap3A_1041 = arith.constant 48 : index
    %swap3A_1042 = tpu.vector_load %arg23[%swap3A_1040, %swap3A_1041] {strides = array<i32>} : memref<48x128xf32, #tpu.memory_space<vmem>>, vector<16xf32>,
    tpu.vector_store %arg23[%swap3A_1040, %swap3A_1041], %broadcast_in_dim3A_1 {strides = array<i32>} : memref<48x128xf32, #tpu.memory_space<vmem>>, vector<16xf32>,
    %swap3A_1043 = arith.constant 32 : i32
    %swap3A_1044 = arith.index_cast %swap3A_1043 : i32 to index
    %swap3A_1045 = arith.constant 64 : index
    %swap3A_1046 = tpu.vector_load %arg23[%swap3A_1044, %swap3A_1045] {strides = array<i32>} : memref<48x128xf32, #tpu.memory_space<vmem>>, vector<16xf32>,
    tpu.vector_store %arg23[%swap3A_1044, %swap3A_1045], %broadcast_in_dim3A_1 {strides = array<i32>} : memref<48x128xf32, #tpu.memory_space<vmem>>, vector<16xf32>,
    %swap3A_1047 = arith.constant 32 : i32
    %swap3A_1048 = arith.index_cast %swap3A_1047 : i32 to index
    %swap3A_1049 = arith.constant 80 : index
    %swap3A_1050 = tpu.vector_load %arg23[%swap3A_1048, %swap3A_1049] {strides = array<i32>} : memref<48x128xf32, #tpu.memory_space<vmem>>, vector<16xf32>,
    tpu.vector_store %arg23[%swap3A_1048, %swap3A_1049], %broadcast_in_dim3A_1 {strides = array<i32>} : memref<48x128xf32, #tpu.memory_space<vmem>>, vector<16xf32>,
    %swap3A_1051 = arith.constant 32 : i32
    %swap3A_1052 = arith.index_cast %swap3A_1051 : i32 to index
    %swap3A_1053 = arith.constant 96 : index
    %swap3A_1054 = tpu.vector_load %arg23[%swap3A_1052, %swap3A_1053] {strides = array<i32>} : memref<48x128xf32, #tpu.memory_space<vmem>>, vector<16xf32>,
    tpu.vector_store %arg23[%swap3A_1052, %swap3A_1053], %broadcast_in_dim3A_1 {strides = array<i32>} : memref<48x128xf32, #tpu.memory_space<vmem>>, vector<16xf32>,
    %swap3A_1055 = arith.constant 32 : i32
    %swap3A_1056 = arith.index_cast %swap3A_1055 : i32 to index
    %swap3A_1057 = arith.constant 112 : index
    %swap3A_1058 = tpu.vector_load %arg23[%swap3A_1056, %swap3A_1057] {strides = array<i32>} : memref<48x128xf32, #tpu.memory_space<vmem>>, vector<16xf32>,
    tpu.vector_store %arg23[%swap3A_1056, %swap3A_1057], %broadcast_in_dim3A_1 {strides = array<i32>} : memref<48x128xf32, #tpu.memory_space<vmem>>, vector<16xf32>,
    %swap3A_1059 = arith.constant 33 : i32
    %swap3A_1060 = arith.index_cast %swap3A_1059 : i32 to index
    %swap3A_1061 = arith.constant 0 : index
    %swap3A_1062 = tpu.vector_load %arg23[%swap3A_1060, %swap3A_1061] {strides = array<i32>} : memref<48x128xf32, #tpu.memory_space<vmem>>, vector<16xf32>,
    tpu.vector_store %arg23[%swap3A_1060, %swap3A_1061], %broadcast_in_dim3A_1 {strides = array<i32>} : memref<48x128xf32, #tpu.memory_space<vmem>>, vector<16xf32>,
    %swap3A_1063 = arith.constant 33 : i32
    %swap3A_1064 = arith.index_cast %swap3A_1063 : i32 to index
    %swap3A_1065 = arith.constant 16 : index
    %swap3A_1066 = tpu.vector_load %arg23[%swap3A_1064, %swap3A_1065] {strides = array<i32>} : memref<48x128xf32, #tpu.memory_space<vmem>>, vector<16xf32>,
    tpu.vector_store %arg23[%swap3A_1064, %swap3A_1065], %broadcast_in_dim3A_1 {strides = array<i32>} : memref<48x128xf32, #tpu.memory_space<vmem>>, vector<16xf32>,
    %swap3A_1067 = arith.constant 33 : i32
    %swap3A_1068 = arith.index_cast %swap3A_1067 : i32 to index
    %swap3A_1069 = arith.constant 32 : index
    %swap3A_1070 = tpu.vector_load %arg23[%swap3A_1068, %swap3A_1069] {strides = array<i32>} : memref<48x128xf32, #tpu.memory_space<vmem>>, vector<16xf32>,
    tpu.vector_store %arg23[%swap3A_1068, %swap3A_1069], %broadcast_in_dim3A_1 {strides = array<i32>} : memref<48x128xf32, #tpu.memory_space<vmem>>, vector<16xf32>,
    %swap3A_1071 = arith.constant 33 : i32
    %swap3A_1072 = arith.index_cast %swap3A_1071 : i32 to index
    %swap3A_1073 = arith.constant 48 : index
    %swap3A_1074 = tpu.vector_load %arg23[%swap3A_1072, %swap3A_1073] {strides = array<i32>} : memref<48x128xf32, #tpu.memory_space<vmem>>, vector<16xf32>,
    tpu.vector_store %arg23[%swap3A_1072, %swap3A_1073], %broadcast_in_dim3A_1 {strides = array<i32>} : memref<48x128xf32, #tpu.memory_space<vmem>>, vector<16xf32>,
    %swap3A_1075 = arith.constant 33 : i32
    %swap3A_1076 = arith.index_cast %swap3A_1075 : i32 to index
    %swap3A_1077 = arith.constant 64 : index
    %swap3A_1078 = tpu.vector_load %arg23[%swap3A_1076, %swap3A_1077] {strides = array<i32>} : memref<48x128xf32, #tpu.memory_space<vmem>>, vector<16xf32>,
    tpu.vector_store %arg23[%swap3A_1076, %swap3A_1077], %broadcast_in_dim3A_1 {strides = array<i32>} : memref<48x128xf32, #tpu.memory_space<vmem>>, vector<16xf32>,
    %swap3A_1079 = arith.constant 33 : i32
    %swap3A_1080 = arith.index_cast %swap3A_1079 : i32 to index
    %swap3A_1081 = arith.constant 80 : index
    %swap3A_1082 = tpu.vector_load %arg23[%swap3A_1080, %swap3A_1081] {strides = array<i32>} : memref<48x128xf32, #tpu.memory_space<vmem>>, vector<16xf32>,
    tpu.vector_store %arg23[%swap3A_1080, %swap3A_1081], %broadcast_in_dim3A_1 {strides = array<i32>} : memref<48x128xf32, #tpu.memory_space<vmem>>, vector<16xf32>,
    %swap3A_1083 = arith.constant 33 : i32
    %swap3A_1084 = arith.index_cast %swap3A_1083 : i32 to index
    %swap3A_1085 = arith.constant 96 : index
    %swap3A_1086 = tpu.vector_load %arg23[%swap3A_1084, %swap3A_1085] {strides = array<i32>} : memref<48x128xf32, #tpu.memory_space<vmem>>, vector<16xf32>,
    tpu.vector_store %arg23[%swap3A_1084, %swap3A_1085], %broadcast_in_dim3A_1 {strides = array<i32>} : memref<48x128xf32, #tpu.memory_space<vmem>>, vector<16xf32>,
    %swap3A_1087 = arith.constant 33 : i32
    %swap3A_1088 = arith.index_cast %swap3A_1087 : i32 to index
    %swap3A_1089 = arith.constant 112 : index
    %swap3A_1090 = tpu.vector_load %arg23[%swap3A_1088, %swap3A_1089] {strides = array<i32>} : memref<48x128xf32, #tpu.memory_space<vmem>>, vector<16xf32>,
    tpu.vector_store %arg23[%swap3A_1088, %swap3A_1089], %broadcast_in_dim3A_1 {strides = array<i32>} : memref<48x128xf32, #tpu.memory_space<vmem>>, vector<16xf32>,
    %swap3A_1091 = arith.constant 34 : i32
    %swap3A_1092 = arith.index_cast %swap3A_1091 : i32 to index
    %swap3A_1093 = arith.constant 0 : index
    %swap3A_1094 = tpu.vector_load %arg23[%swap3A_1092, %swap3A_1093] {strides = array<i32>} : memref<48x128xf32, #tpu.memory_space<vmem>>, vector<16xf32>,
    tpu.vector_store %arg23[%swap3A_1092, %swap3A_1093], %broadcast_in_dim3A_1 {strides = array<i32>} : memref<48x128xf32, #tpu.memory_space<vmem>>, vector<16xf32>,
    %swap3A_1095 = arith.constant 34 : i32
    %swap3A_1096 = arith.index_cast %swap3A_1095 : i32 to index
    %swap3A_1097 = arith.constant 16 : index
    %swap3A_1098 = tpu.vector_load %arg23[%swap3A_1096, %swap3A_1097] {strides = array<i32>} : memref<48x128xf32, #tpu.memory_space<vmem>>, vector<16xf32>,
    tpu.vector_store %arg23[%swap3A_1096, %swap3A_1097], %broadcast_in_dim3A_1 {strides = array<i32>} : memref<48x128xf32, #tpu.memory_space<vmem>>, vector<16xf32>,
    %swap3A_1099 = arith.constant 34 : i32
    %swap3A_1100 = arith.index_cast %swap3A_1099 : i32 to index
    %swap3A_1101 = arith.constant 32 : index
    %swap3A_1102 = tpu.vector_load %arg23[%swap3A_1100, %swap3A_1101] {strides = array<i32>} : memref<48x128xf32, #tpu.memory_space<vmem>>, vector<16xf32>,
    tpu.vector_store %arg23[%swap3A_1100, %swap3A_1101], %broadcast_in_dim3A_1 {strides = array<i32>} : memref<48x128xf32, #tpu.memory_space<vmem>>, vector<16xf32>,
    %swap3A_1103 = arith.constant 34 : i32
    %swap3A_1104 = arith.index_cast %swap3A_1103 : i32 to index
    %swap3A_1105 = arith.constant 48 : index
    %swap3A_1106 = tpu.vector_load %arg23[%swap3A_1104, %swap3A_1105] {strides = array<i32>} : memref<48x128xf32, #tpu.memory_space<vmem>>, vector<16xf32>,
    tpu.vector_store %arg23[%swap3A_1104, %swap3A_1105], %broadcast_in_dim3A_1 {strides = array<i32>} : memref<48x128xf32, #tpu.memory_space<vmem>>, vector<16xf32>,
    %swap3A_1107 = arith.constant 34 : i32
    %swap3A_1108 = arith.index_cast %swap3A_1107 : i32 to index
    %swap3A_1109 = arith.constant 64 : index
    %swap3A_1110 = tpu.vector_load %arg23[%swap3A_1108, %swap3A_1109] {strides = array<i32>} : memref<48x128xf32, #tpu.memory_space<vmem>>, vector<16xf32>,
    tpu.vector_store %arg23[%swap3A_1108, %swap3A_1109], %broadcast_in_dim3A_1 {strides = array<i32>} : memref<48x128xf32, #tpu.memory_space<vmem>>, vector<16xf32>,
    %swap3A_1111 = arith.constant 34 : i32
    %swap3A_1112 = arith.index_cast %swap3A_1111 : i32 to index
    %swap3A_1113 = arith.constant 80 : index
    %swap3A_1114 = tpu.vector_load %arg23[%swap3A_1112, %swap3A_1113] {strides = array<i32>} : memref<48x128xf32, #tpu.memory_space<vmem>>, vector<16xf32>,
    tpu.vector_store %arg23[%swap3A_1112, %swap3A_1113], %broadcast_in_dim3A_1 {strides = array<i32>} : memref<48x128xf32, #tpu.memory_space<vmem>>, vector<16xf32>,
    %swap3A_1115 = arith.constant 34 : i32
    %swap3A_1116 = arith.index_cast %swap3A_1115 : i32 to index
    %swap3A_1117 = arith.constant 96 : index
    %swap3A_1118 = tpu.vector_load %arg23[%swap3A_1116, %swap3A_1117] {strides = array<i32>} : memref<48x128xf32, #tpu.memory_space<vmem>>, vector<16xf32>,
    tpu.vector_store %arg23[%swap3A_1116, %swap3A_1117], %broadcast_in_dim3A_1 {strides = array<i32>} : memref<48x128xf32, #tpu.memory_space<vmem>>, vector<16xf32>,
    %swap3A_1119 = arith.constant 34 : i32
    %swap3A_1120 = arith.index_cast %swap3A_1119 : i32 to index
    %swap3A_1121 = arith.constant 112 : index
    %swap3A_1122 = tpu.vector_load %arg23[%swap3A_1120, %swap3A_1121] {strides = array<i32>} : memref<48x128xf32, #tpu.memory_space<vmem>>, vector<16xf32>,
    tpu.vector_store %arg23[%swap3A_1120, %swap3A_1121], %broadcast_in_dim3A_1 {strides = array<i32>} : memref<48x128xf32, #tpu.memory_space<vmem>>, vector<16xf32>,
    %swap3A_1123 = arith.constant 35 : i32
    %swap3A_1124 = arith.index_cast %swap3A_1123 : i32 to index
    %swap3A_1125 = arith.constant 0 : index
    %swap3A_1126 = tpu.vector_load %arg23[%swap3A_1124, %swap3A_1125] {strides = array<i32>} : memref<48x128xf32, #tpu.memory_space<vmem>>, vector<16xf32>,
    tpu.vector_store %arg23[%swap3A_1124, %swap3A_1125], %broadcast_in_dim3A_1 {strides = array<i32>} : memref<48x128xf32, #tpu.memory_space<vmem>>, vector<16xf32>,
    %swap3A_1127 = arith.constant 35 : i32
    %swap3A_1128 = arith.index_cast %swap3A_1127 : i32 to index
    %swap3A_1129 = arith.constant 16 : index
    %swap3A_1130 = tpu.vector_load %arg23[%swap3A_1128, %swap3A_1129] {strides = array<i32>} : memref<48x128xf32, #tpu.memory_space<vmem>>, vector<16xf32>,
    tpu.vector_store %arg23[%swap3A_1128, %swap3A_1129], %broadcast_in_dim3A_1 {strides = array<i32>} : memref<48x128xf32, #tpu.memory_space<vmem>>, vector<16xf32>,
    %swap3A_1131 = arith.constant 35 : i32
    %swap3A_1132 = arith.index_cast %swap3A_1131 : i32 to index
    %swap3A_1133 = arith.constant 32 : index
    %swap3A_1134 = tpu.vector_load %arg23[%swap3A_1132, %swap3A_1133] {strides = array<i32>} : memref<48x128xf32, #tpu.memory_space<vmem>>, vector<16xf32>,
    tpu.vector_store %arg23[%swap3A_1132, %swap3A_1133], %broadcast_in_dim3A_1 {strides = array<i32>} : memref<48x128xf32, #tpu.memory_space<vmem>>, vector<16xf32>,
    %swap3A_1135 = arith.constant 35 : i32
    %swap3A_1136 = arith.index_cast %swap3A_1135 : i32 to index
    %swap3A_1137 = arith.constant 48 : index
    %swap3A_1138 = tpu.vector_load %arg23[%swap3A_1136, %swap3A_1137] {strides = array<i32>} : memref<48x128xf32, #tpu.memory_space<vmem>>, vector<16xf32>,
    tpu.vector_store %arg23[%swap3A_1136, %swap3A_1137], %broadcast_in_dim3A_1 {strides = array<i32>} : memref<48x128xf32, #tpu.memory_space<vmem>>, vector<16xf32>,
    %swap3A_1139 = arith.constant 35 : i32
    %swap3A_1140 = arith.index_cast %swap3A_1139 : i32 to index
    %swap3A_1141 = arith.constant 64 : index
    %swap3A_1142 = tpu.vector_load %arg23[%swap3A_1140, %swap3A_1141] {strides = array<i32>} : memref<48x128xf32, #tpu.memory_space<vmem>>, vector<16xf32>,
    tpu.vector_store %arg23[%swap3A_1140, %swap3A_1141], %broadcast_in_dim3A_1 {strides = array<i32>} : memref<48x128xf32, #tpu.memory_space<vmem>>, vector<16xf32>,
    %swap3A_1143 = arith.constant 35 : i32
    %swap3A_1144 = arith.index_cast %swap3A_1143 : i32 to index
    %swap3A_1145 = arith.constant 80 : index
    %swap3A_1146 = tpu.vector_load %arg23[%swap3A_1144, %swap3A_1145] {strides = array<i32>} : memref<48x128xf32, #tpu.memory_space<vmem>>, vector<16xf32>,
    tpu.vector_store %arg23[%swap3A_1144, %swap3A_1145], %broadcast_in_dim3A_1 {strides = array<i32>} : memref<48x128xf32, #tpu.memory_space<vmem>>, vector<16xf32>,
    %swap3A_1147 = arith.constant 35 : i32
    %swap3A_1148 = arith.index_cast %swap3A_1147 : i32 to index
    %swap3A_1149 = arith.constant 96 : index
    %swap3A_1150 = tpu.vector_load %arg23[%swap3A_1148, %swap3A_1149] {strides = array<i32>} : memref<48x128xf32, #tpu.memory_space<vmem>>, vector<16xf32>,
    tpu.vector_store %arg23[%swap3A_1148, %swap3A_1149], %broadcast_in_dim3A_1 {strides = array<i32>} : memref<48x128xf32, #tpu.memory_space<vmem>>, vector<16xf32>,
    %swap3A_1151 = arith.constant 35 : i32
    %swap3A_1152 = arith.index_cast %swap3A_1151 : i32 to index
    %swap3A_1153 = arith.constant 112 : index
    %swap3A_1154 = tpu.vector_load %arg23[%swap3A_1152, %swap3A_1153] {strides = array<i32>} : memref<48x128xf32, #tpu.memory_space<vmem>>, vector<16xf32>,
    tpu.vector_store %arg23[%swap3A_1152, %swap3A_1153], %broadcast_in_dim3A_1 {strides = array<i32>} : memref<48x128xf32, #tpu.memory_space<vmem>>, vector<16xf32>,
    %swap3A_1155 = arith.constant 36 : i32
    %swap3A_1156 = arith.index_cast %swap3A_1155 : i32 to index
    %swap3A_1157 = arith.constant 0 : index
    %swap3A_1158 = tpu.vector_load %arg23[%swap3A_1156, %swap3A_1157] {strides = array<i32>} : memref<48x128xf32, #tpu.memory_space<vmem>>, vector<16xf32>,
    tpu.vector_store %arg23[%swap3A_1156, %swap3A_1157], %broadcast_in_dim3A_1 {strides = array<i32>} : memref<48x128xf32, #tpu.memory_space<vmem>>, vector<16xf32>,
    %swap3A_1159 = arith.constant 36 : i32
    %swap3A_1160 = arith.index_cast %swap3A_1159 : i32 to index
    %swap3A_1161 = arith.constant 16 : index
    %swap3A_1162 = tpu.vector_load %arg23[%swap3A_1160, %swap3A_1161] {strides = array<i32>} : memref<48x128xf32, #tpu.memory_space<vmem>>, vector<16xf32>,
    tpu.vector_store %arg23[%swap3A_1160, %swap3A_1161], %broadcast_in_dim3A_1 {strides = array<i32>} : memref<48x128xf32, #tpu.memory_space<vmem>>, vector<16xf32>,
    %swap3A_1163 = arith.constant 36 : i32
    %swap3A_1164 = arith.index_cast %swap3A_1163 : i32 to index
    %swap3A_1165 = arith.constant 32 : index
    %swap3A_1166 = tpu.vector_load %arg23[%swap3A_1164, %swap3A_1165] {strides = array<i32>} : memref<48x128xf32, #tpu.memory_space<vmem>>, vector<16xf32>,
    tpu.vector_store %arg23[%swap3A_1164, %swap3A_1165], %broadcast_in_dim3A_1 {strides = array<i32>} : memref<48x128xf32, #tpu.memory_space<vmem>>, vector<16xf32>,
    %swap3A_1167 = arith.constant 36 : i32
    %swap3A_1168 = arith.index_cast %swap3A_1167 : i32 to index
    %swap3A_1169 = arith.constant 48 : index
    %swap3A_1170 = tpu.vector_load %arg23[%swap3A_1168, %swap3A_1169] {strides = array<i32>} : memref<48x128xf32, #tpu.memory_space<vmem>>, vector<16xf32>,
    tpu.vector_store %arg23[%swap3A_1168, %swap3A_1169], %broadcast_in_dim3A_1 {strides = array<i32>} : memref<48x128xf32, #tpu.memory_space<vmem>>, vector<16xf32>,
    %swap3A_1171 = arith.constant 36 : i32
    %swap3A_1172 = arith.index_cast %swap3A_1171 : i32 to index
    %swap3A_1173 = arith.constant 64 : index
    %swap3A_1174 = tpu.vector_load %arg23[%swap3A_1172, %swap3A_1173] {strides = array<i32>} : memref<48x128xf32, #tpu.memory_space<vmem>>, vector<16xf32>,
    tpu.vector_store %arg23[%swap3A_1172, %swap3A_1173], %broadcast_in_dim3A_1 {strides = array<i32>} : memref<48x128xf32, #tpu.memory_space<vmem>>, vector<16xf32>,
    %swap3A_1175 = arith.constant 36 : i32
    %swap3A_1176 = arith.index_cast %swap3A_1175 : i32 to index
    %swap3A_1177 = arith.constant 80 : index
    %swap3A_1178 = tpu.vector_load %arg23[%swap3A_1176, %swap3A_1177] {strides = array<i32>} : memref<48x128xf32, #tpu.memory_space<vmem>>, vector<16xf32>,
    tpu.vector_store %arg23[%swap3A_1176, %swap3A_1177], %broadcast_in_dim3A_1 {strides = array<i32>} : memref<48x128xf32, #tpu.memory_space<vmem>>, vector<16xf32>,
    %swap3A_1179 = arith.constant 36 : i32
    %swap3A_1180 = arith.index_cast %swap3A_1179 : i32 to index
    %swap3A_1181 = arith.constant 96 : index
    %swap3A_1182 = tpu.vector_load %arg23[%swap3A_1180, %swap3A_1181] {strides = array<i32>} : memref<48x128xf32, #tpu.memory_space<vmem>>, vector<16xf32>,
    tpu.vector_store %arg23[%swap3A_1180, %swap3A_1181], %broadcast_in_dim3A_1 {strides = array<i32>} : memref<48x128xf32, #tpu.memory_space<vmem>>, vector<16xf32>,
    %swap3A_1183 = arith.constant 36 : i32
    %swap3A_1184 = arith.index_cast %swap3A_1183 : i32 to index
    %swap3A_1185 = arith.constant 112 : index
    %swap3A_1186 = tpu.vector_load %arg23[%swap3A_1184, %swap3A_1185] {strides = array<i32>} : memref<48x128xf32, #tpu.memory_space<vmem>>, vector<16xf32>,
    tpu.vector_store %arg23[%swap3A_1184, %swap3A_1185], %broadcast_in_dim3A_1 {strides = array<i32>} : memref<48x128xf32, #tpu.memory_space<vmem>>, vector<16xf32>,
    %swap3A_1187 = arith.constant 37 : i32
    %swap3A_1188 = arith.index_cast %swap3A_1187 : i32 to index
    %swap3A_1189 = arith.constant 0 : index
    %swap3A_1190 = tpu.vector_load %arg23[%swap3A_1188, %swap3A_1189] {strides = array<i32>} : memref<48x128xf32, #tpu.memory_space<vmem>>, vector<16xf32>,
    tpu.vector_store %arg23[%swap3A_1188, %swap3A_1189], %broadcast_in_dim3A_1 {strides = array<i32>} : memref<48x128xf32, #tpu.memory_space<vmem>>, vector<16xf32>,
    %swap3A_1191 = arith.constant 37 : i32
    %swap3A_1192 = arith.index_cast %swap3A_1191 : i32 to index
    %swap3A_1193 = arith.constant 16 : index
    %swap3A_1194 = tpu.vector_load %arg23[%swap3A_1192, %swap3A_1193] {strides = array<i32>} : memref<48x128xf32, #tpu.memory_space<vmem>>, vector<16xf32>,
    tpu.vector_store %arg23[%swap3A_1192, %swap3A_1193], %broadcast_in_dim3A_1 {strides = array<i32>} : memref<48x128xf32, #tpu.memory_space<vmem>>, vector<16xf32>,
    %swap3A_1195 = arith.constant 37 : i32
    %swap3A_1196 = arith.index_cast %swap3A_1195 : i32 to index
    %swap3A_1197 = arith.constant 32 : index
    %swap3A_1198 = tpu.vector_load %arg23[%swap3A_1196, %swap3A_1197] {strides = array<i32>} : memref<48x128xf32, #tpu.memory_space<vmem>>, vector<16xf32>,
    tpu.vector_store %arg23[%swap3A_1196, %swap3A_1197], %broadcast_in_dim3A_1 {strides = array<i32>} : memref<48x128xf32, #tpu.memory_space<vmem>>, vector<16xf32>,
    %swap3A_1199 = arith.constant 37 : i32
    %swap3A_1200 = arith.index_cast %swap3A_1199 : i32 to index
    %swap3A_1201 = arith.constant 48 : index
    %swap3A_1202 = tpu.vector_load %arg23[%swap3A_1200, %swap3A_1201] {strides = array<i32>} : memref<48x128xf32, #tpu.memory_space<vmem>>, vector<16xf32>,
    tpu.vector_store %arg23[%swap3A_1200, %swap3A_1201], %broadcast_in_dim3A_1 {strides = array<i32>} : memref<48x128xf32, #tpu.memory_space<vmem>>, vector<16xf32>,
    %swap3A_1203 = arith.constant 37 : i32
    %swap3A_1204 = arith.index_cast %swap3A_1203 : i32 to index
    %swap3A_1205 = arith.constant 64 : index
    %swap3A_1206 = tpu.vector_load %arg23[%swap3A_1204, %swap3A_1205] {strides = array<i32>} : memref<48x128xf32, #tpu.memory_space<vmem>>, vector<16xf32>,
    tpu.vector_store %arg23[%swap3A_1204, %swap3A_1205], %broadcast_in_dim3A_1 {strides = array<i32>} : memref<48x128xf32, #tpu.memory_space<vmem>>, vector<16xf32>,
    %swap3A_1207 = arith.constant 37 : i32
    %swap3A_1208 = arith.index_cast %swap3A_1207 : i32 to index
    %swap3A_1209 = arith.constant 80 : index
    %swap3A_1210 = tpu.vector_load %arg23[%swap3A_1208, %swap3A_1209] {strides = array<i32>} : memref<48x128xf32, #tpu.memory_space<vmem>>, vector<16xf32>,
    tpu.vector_store %arg23[%swap3A_1208, %swap3A_1209], %broadcast_in_dim3A_1 {strides = array<i32>} : memref<48x128xf32, #tpu.memory_space<vmem>>, vector<16xf32>,
    %swap3A_1211 = arith.constant 37 : i32
    %swap3A_1212 = arith.index_cast %swap3A_1211 : i32 to index
    %swap3A_1213 = arith.constant 96 : index
    %swap3A_1214 = tpu.vector_load %arg23[%swap3A_1212, %swap3A_1213] {strides = array<i32>} : memref<48x128xf32, #tpu.memory_space<vmem>>, vector<16xf32>,
    tpu.vector_store %arg23[%swap3A_1212, %swap3A_1213], %broadcast_in_dim3A_1 {strides = array<i32>} : memref<48x128xf32, #tpu.memory_space<vmem>>, vector<16xf32>,
    %swap3A_1215 = arith.constant 37 : i32
    %swap3A_1216 = arith.index_cast %swap3A_1215 : i32 to index
    %swap3A_1217 = arith.constant 112 : index
    %swap3A_1218 = tpu.vector_load %arg23[%swap3A_1216, %swap3A_1217] {strides = array<i32>} : memref<48x128xf32, #tpu.memory_space<vmem>>, vector<16xf32>,
    tpu.vector_store %arg23[%swap3A_1216, %swap3A_1217], %broadcast_in_dim3A_1 {strides = array<i32>} : memref<48x128xf32, #tpu.memory_space<vmem>>, vector<16xf32>,
    %swap3A_1219 = arith.constant 38 : i32
    %swap3A_1220 = arith.index_cast %swap3A_1219 : i32 to index
    %swap3A_1221 = arith.constant 0 : index
    %swap3A_1222 = tpu.vector_load %arg23[%swap3A_1220, %swap3A_1221] {strides = array<i32>} : memref<48x128xf32, #tpu.memory_space<vmem>>, vector<16xf32>,
    tpu.vector_store %arg23[%swap3A_1220, %swap3A_1221], %broadcast_in_dim3A_1 {strides = array<i32>} : memref<48x128xf32, #tpu.memory_space<vmem>>, vector<16xf32>,
    %swap3A_1223 = arith.constant 38 : i32
    %swap3A_1224 = arith.index_cast %swap3A_1223 : i32 to index
    %swap3A_1225 = arith.constant 16 : index
    %swap3A_1226 = tpu.vector_load %arg23[%swap3A_1224, %swap3A_1225] {strides = array<i32>} : memref<48x128xf32, #tpu.memory_space<vmem>>, vector<16xf32>,
    tpu.vector_store %arg23[%swap3A_1224, %swap3A_1225], %broadcast_in_dim3A_1 {strides = array<i32>} : memref<48x128xf32, #tpu.memory_space<vmem>>, vector<16xf32>,
    %swap3A_1227 = arith.constant 38 : i32
    %swap3A_1228 = arith.index_cast %swap3A_1227 : i32 to index
    %swap3A_1229 = arith.constant 32 : index
    %swap3A_1230 = tpu.vector_load %arg23[%swap3A_1228, %swap3A_1229] {strides = array<i32>} : memref<48x128xf32, #tpu.memory_space<vmem>>, vector<16xf32>,
    tpu.vector_store %arg23[%swap3A_1228, %swap3A_1229], %broadcast_in_dim3A_1 {strides = array<i32>} : memref<48x128xf32, #tpu.memory_space<vmem>>, vector<16xf32>,
    %swap3A_1231 = arith.constant 38 : i32
    %swap3A_1232 = arith.index_cast %swap3A_1231 : i32 to index
    %swap3A_1233 = arith.constant 48 : index
    %swap3A_1234 = tpu.vector_load %arg23[%swap3A_1232, %swap3A_1233] {strides = array<i32>} : memref<48x128xf32, #tpu.memory_space<vmem>>, vector<16xf32>,
    tpu.vector_store %arg23[%swap3A_1232, %swap3A_1233], %broadcast_in_dim3A_1 {strides = array<i32>} : memref<48x128xf32, #tpu.memory_space<vmem>>, vector<16xf32>,
    %swap3A_1235 = arith.constant 38 : i32
    %swap3A_1236 = arith.index_cast %swap3A_1235 : i32 to index
    %swap3A_1237 = arith.constant 64 : index
    %swap3A_1238 = tpu.vector_load %arg23[%swap3A_1236, %swap3A_1237] {strides = array<i32>} : memref<48x128xf32, #tpu.memory_space<vmem>>, vector<16xf32>,
    tpu.vector_store %arg23[%swap3A_1236, %swap3A_1237], %broadcast_in_dim3A_1 {strides = array<i32>} : memref<48x128xf32, #tpu.memory_space<vmem>>, vector<16xf32>,
    %swap3A_1239 = arith.constant 38 : i32
    %swap3A_1240 = arith.index_cast %swap3A_1239 : i32 to index
    %swap3A_1241 = arith.constant 80 : index
    %swap3A_1242 = tpu.vector_load %arg23[%swap3A_1240, %swap3A_1241] {strides = array<i32>} : memref<48x128xf32, #tpu.memory_space<vmem>>, vector<16xf32>,
    tpu.vector_store %arg23[%swap3A_1240, %swap3A_1241], %broadcast_in_dim3A_1 {strides = array<i32>} : memref<48x128xf32, #tpu.memory_space<vmem>>, vector<16xf32>,
    %swap3A_1243 = arith.constant 38 : i32
    %swap3A_1244 = arith.index_cast %swap3A_1243 : i32 to index
    %swap3A_1245 = arith.constant 96 : index
    %swap3A_1246 = tpu.vector_load %arg23[%swap3A_1244, %swap3A_1245] {strides = array<i32>} : memref<48x128xf32, #tpu.memory_space<vmem>>, vector<16xf32>,
    tpu.vector_store %arg23[%swap3A_1244, %swap3A_1245], %broadcast_in_dim3A_1 {strides = array<i32>} : memref<48x128xf32, #tpu.memory_space<vmem>>, vector<16xf32>,
    %swap3A_1247 = arith.constant 38 : i32
    %swap3A_1248 = arith.index_cast %swap3A_1247 : i32 to index
    %swap3A_1249 = arith.constant 112 : index
    %swap3A_1250 = tpu.vector_load %arg23[%swap3A_1248, %swap3A_1249] {strides = array<i32>} : memref<48x128xf32, #tpu.memory_space<vmem>>, vector<16xf32>,
    tpu.vector_store %arg23[%swap3A_1248, %swap3A_1249], %broadcast_in_dim3A_1 {strides = array<i32>} : memref<48x128xf32, #tpu.memory_space<vmem>>, vector<16xf32>,
    %swap3A_1251 = arith.constant 39 : i32
    %swap3A_1252 = arith.index_cast %swap3A_1251 : i32 to index
    %swap3A_1253 = arith.constant 0 : index
    %swap3A_1254 = tpu.vector_load %arg23[%swap3A_1252, %swap3A_1253] {strides = array<i32>} : memref<48x128xf32, #tpu.memory_space<vmem>>, vector<16xf32>,
    tpu.vector_store %arg23[%swap3A_1252, %swap3A_1253], %broadcast_in_dim3A_1 {strides = array<i32>} : memref<48x128xf32, #tpu.memory_space<vmem>>, vector<16xf32>,
    %swap3A_1255 = arith.constant 39 : i32
    %swap3A_1256 = arith.index_cast %swap3A_1255 : i32 to index
    %swap3A_1257 = arith.constant 16 : index
    %swap3A_1258 = tpu.vector_load %arg23[%swap3A_1256, %swap3A_1257] {strides = array<i32>} : memref<48x128xf32, #tpu.memory_space<vmem>>, vector<16xf32>,
    tpu.vector_store %arg23[%swap3A_1256, %swap3A_1257], %broadcast_in_dim3A_1 {strides = array<i32>} : memref<48x128xf32, #tpu.memory_space<vmem>>, vector<16xf32>,
    %swap3A_1259 = arith.constant 39 : i32
    %swap3A_1260 = arith.index_cast %swap3A_1259 : i32 to index
    %swap3A_1261 = arith.constant 32 : index
    %swap3A_1262 = tpu.vector_load %arg23[%swap3A_1260, %swap3A_1261] {strides = array<i32>} : memref<48x128xf32, #tpu.memory_space<vmem>>, vector<16xf32>,
    tpu.vector_store %arg23[%swap3A_1260, %swap3A_1261], %broadcast_in_dim3A_1 {strides = array<i32>} : memref<48x128xf32, #tpu.memory_space<vmem>>, vector<16xf32>,
    %swap3A_1263 = arith.constant 39 : i32
    %swap3A_1264 = arith.index_cast %swap3A_1263 : i32 to index
    %swap3A_1265 = arith.constant 48 : index
    %swap3A_1266 = tpu.vector_load %arg23[%swap3A_1264, %swap3A_1265] {strides = array<i32>} : memref<48x128xf32, #tpu.memory_space<vmem>>, vector<16xf32>,
    tpu.vector_store %arg23[%swap3A_1264, %swap3A_1265], %broadcast_in_dim3A_1 {strides = array<i32>} : memref<48x128xf32, #tpu.memory_space<vmem>>, vector<16xf32>,
    %swap3A_1267 = arith.constant 39 : i32
    %swap3A_1268 = arith.index_cast %swap3A_1267 : i32 to index
    %swap3A_1269 = arith.constant 64 : index
    %swap3A_1270 = tpu.vector_load %arg23[%swap3A_1268, %swap3A_1269] {strides = array<i32>} : memref<48x128xf32, #tpu.memory_space<vmem>>, vector<16xf32>,
    tpu.vector_store %arg23[%swap3A_1268, %swap3A_1269], %broadcast_in_dim3A_1 {strides = array<i32>} : memref<48x128xf32, #tpu.memory_space<vmem>>, vector<16xf32>,
    %swap3A_1271 = arith.constant 39 : i32
    %swap3A_1272 = arith.index_cast %swap3A_1271 : i32 to index
    %swap3A_1273 = arith.constant 80 : index
    %swap3A_1274 = tpu.vector_load %arg23[%swap3A_1272, %swap3A_1273] {strides = array<i32>} : memref<48x128xf32, #tpu.memory_space<vmem>>, vector<16xf32>,
    tpu.vector_store %arg23[%swap3A_1272, %swap3A_1273], %broadcast_in_dim3A_1 {strides = array<i32>} : memref<48x128xf32, #tpu.memory_space<vmem>>, vector<16xf32>,
    %swap3A_1275 = arith.constant 39 : i32
    %swap3A_1276 = arith.index_cast %swap3A_1275 : i32 to index
    %swap3A_1277 = arith.constant 96 : index
    %swap3A_1278 = tpu.vector_load %arg23[%swap3A_1276, %swap3A_1277] {strides = array<i32>} : memref<48x128xf32, #tpu.memory_space<vmem>>, vector<16xf32>,
    tpu.vector_store %arg23[%swap3A_1276, %swap3A_1277], %broadcast_in_dim3A_1 {strides = array<i32>} : memref<48x128xf32, #tpu.memory_space<vmem>>, vector<16xf32>,
    %swap3A_1279 = arith.constant 39 : i32
    %swap3A_1280 = arith.index_cast %swap3A_1279 : i32 to index
    %swap3A_1281 = arith.constant 112 : index
    %swap3A_1282 = tpu.vector_load %arg23[%swap3A_1280, %swap3A_1281] {strides = array<i32>} : memref<48x128xf32, #tpu.memory_space<vmem>>, vector<16xf32>,
    tpu.vector_store %arg23[%swap3A_1280, %swap3A_1281], %broadcast_in_dim3A_1 {strides = array<i32>} : memref<48x128xf32, #tpu.memory_space<vmem>>, vector<16xf32>,
    %swap3A_1283 = arith.constant 40 : i32
    %swap3A_1284 = arith.index_cast %swap3A_1283 : i32 to index
    %swap3A_1285 = arith.constant 0 : index
    %swap3A_1286 = tpu.vector_load %arg23[%swap3A_1284, %swap3A_1285] {strides = array<i32>} : memref<48x128xf32, #tpu.memory_space<vmem>>, vector<16xf32>,
    tpu.vector_store %arg23[%swap3A_1284, %swap3A_1285], %broadcast_in_dim3A_1 {strides = array<i32>} : memref<48x128xf32, #tpu.memory_space<vmem>>, vector<16xf32>,
    %swap3A_1287 = arith.constant 40 : i32
    %swap3A_1288 = arith.index_cast %swap3A_1287 : i32 to index
    %swap3A_1289 = arith.constant 16 : index
    %swap3A_1290 = tpu.vector_load %arg23[%swap3A_1288, %swap3A_1289] {strides = array<i32>} : memref<48x128xf32, #tpu.memory_space<vmem>>, vector<16xf32>,
    tpu.vector_store %arg23[%swap3A_1288, %swap3A_1289], %broadcast_in_dim3A_1 {strides = array<i32>} : memref<48x128xf32, #tpu.memory_space<vmem>>, vector<16xf32>,
    %swap3A_1291 = arith.constant 40 : i32
    %swap3A_1292 = arith.index_cast %swap3A_1291 : i32 to index
    %swap3A_1293 = arith.constant 32 : index
    %swap3A_1294 = tpu.vector_load %arg23[%swap3A_1292, %swap3A_1293] {strides = array<i32>} : memref<48x128xf32, #tpu.memory_space<vmem>>, vector<16xf32>,
    tpu.vector_store %arg23[%swap3A_1292, %swap3A_1293], %broadcast_in_dim3A_1 {strides = array<i32>} : memref<48x128xf32, #tpu.memory_space<vmem>>, vector<16xf32>,
    %swap3A_1295 = arith.constant 40 : i32
    %swap3A_1296 = arith.index_cast %swap3A_1295 : i32 to index
    %swap3A_1297 = arith.constant 48 : index
    %swap3A_1298 = tpu.vector_load %arg23[%swap3A_1296, %swap3A_1297] {strides = array<i32>} : memref<48x128xf32, #tpu.memory_space<vmem>>, vector<16xf32>,
    tpu.vector_store %arg23[%swap3A_1296, %swap3A_1297], %broadcast_in_dim3A_1 {strides = array<i32>} : memref<48x128xf32, #tpu.memory_space<vmem>>, vector<16xf32>,
    %swap3A_1299 = arith.constant 40 : i32
    %swap3A_1300 = arith.index_cast %swap3A_1299 : i32 to index
    %swap3A_1301 = arith.constant 64 : index
    %swap3A_1302 = tpu.vector_load %arg23[%swap3A_1300, %swap3A_1301] {strides = array<i32>} : memref<48x128xf32, #tpu.memory_space<vmem>>, vector<16xf32>,
    tpu.vector_store %arg23[%swap3A_1300, %swap3A_1301], %broadcast_in_dim3A_1 {strides = array<i32>} : memref<48x128xf32, #tpu.memory_space<vmem>>, vector<16xf32>,
    %swap3A_1303 = arith.constant 40 : i32
    %swap3A_1304 = arith.index_cast %swap3A_1303 : i32 to index
    %swap3A_1305 = arith.constant 80 : index
    %swap3A_1306 = tpu.vector_load %arg23[%swap3A_1304, %swap3A_1305] {strides = array<i32>} : memref<48x128xf32, #tpu.memory_space<vmem>>, vector<16xf32>,
    tpu.vector_store %arg23[%swap3A_1304, %swap3A_1305], %broadcast_in_dim3A_1 {strides = array<i32>} : memref<48x128xf32, #tpu.memory_space<vmem>>, vector<16xf32>,
    %swap3A_1307 = arith.constant 40 : i32
    %swap3A_1308 = arith.index_cast %swap3A_1307 : i32 to index
    %swap3A_1309 = arith.constant 96 : index
    %swap3A_1310 = tpu.vector_load %arg23[%swap3A_1308, %swap3A_1309] {strides = array<i32>} : memref<48x128xf32, #tpu.memory_space<vmem>>, vector<16xf32>,
    tpu.vector_store %arg23[%swap3A_1308, %swap3A_1309], %broadcast_in_dim3A_1 {strides = array<i32>} : memref<48x128xf32, #tpu.memory_space<vmem>>, vector<16xf32>,
    %swap3A_1311 = arith.constant 40 : i32
    %swap3A_1312 = arith.index_cast %swap3A_1311 : i32 to index
    %swap3A_1313 = arith.constant 112 : index
    %swap3A_1314 = tpu.vector_load %arg23[%swap3A_1312, %swap3A_1313] {strides = array<i32>} : memref<48x128xf32, #tpu.memory_space<vmem>>, vector<16xf32>,
    tpu.vector_store %arg23[%swap3A_1312, %swap3A_1313], %broadcast_in_dim3A_1 {strides = array<i32>} : memref<48x128xf32, #tpu.memory_space<vmem>>, vector<16xf32>,
    %swap3A_1315 = arith.constant 41 : i32
    %swap3A_1316 = arith.index_cast %swap3A_1315 : i32 to index
    %swap3A_1317 = arith.constant 0 : index
    %swap3A_1318 = tpu.vector_load %arg23[%swap3A_1316, %swap3A_1317] {strides = array<i32>} : memref<48x128xf32, #tpu.memory_space<vmem>>, vector<16xf32>,
    tpu.vector_store %arg23[%swap3A_1316, %swap3A_1317], %broadcast_in_dim3A_1 {strides = array<i32>} : memref<48x128xf32, #tpu.memory_space<vmem>>, vector<16xf32>,
    %swap3A_1319 = arith.constant 41 : i32
    %swap3A_1320 = arith.index_cast %swap3A_1319 : i32 to index
    %swap3A_1321 = arith.constant 16 : index
    %swap3A_1322 = tpu.vector_load %arg23[%swap3A_1320, %swap3A_1321] {strides = array<i32>} : memref<48x128xf32, #tpu.memory_space<vmem>>, vector<16xf32>,
    tpu.vector_store %arg23[%swap3A_1320, %swap3A_1321], %broadcast_in_dim3A_1 {strides = array<i32>} : memref<48x128xf32, #tpu.memory_space<vmem>>, vector<16xf32>,
    %swap3A_1323 = arith.constant 41 : i32
    %swap3A_1324 = arith.index_cast %swap3A_1323 : i32 to index
    %swap3A_1325 = arith.constant 32 : index
    %swap3A_1326 = tpu.vector_load %arg23[%swap3A_1324, %swap3A_1325] {strides = array<i32>} : memref<48x128xf32, #tpu.memory_space<vmem>>, vector<16xf32>,
    tpu.vector_store %arg23[%swap3A_1324, %swap3A_1325], %broadcast_in_dim3A_1 {strides = array<i32>} : memref<48x128xf32, #tpu.memory_space<vmem>>, vector<16xf32>,
    %swap3A_1327 = arith.constant 41 : i32
    %swap3A_1328 = arith.index_cast %swap3A_1327 : i32 to index
    %swap3A_1329 = arith.constant 48 : index
    %swap3A_1330 = tpu.vector_load %arg23[%swap3A_1328, %swap3A_1329] {strides = array<i32>} : memref<48x128xf32, #tpu.memory_space<vmem>>, vector<16xf32>,
    tpu.vector_store %arg23[%swap3A_1328, %swap3A_1329], %broadcast_in_dim3A_1 {strides = array<i32>} : memref<48x128xf32, #tpu.memory_space<vmem>>, vector<16xf32>,
    %swap3A_1331 = arith.constant 41 : i32
    %swap3A_1332 = arith.index_cast %swap3A_1331 : i32 to index
    %swap3A_1333 = arith.constant 64 : index
    %swap3A_1334 = tpu.vector_load %arg23[%swap3A_1332, %swap3A_1333] {strides = array<i32>} : memref<48x128xf32, #tpu.memory_space<vmem>>, vector<16xf32>,
    tpu.vector_store %arg23[%swap3A_1332, %swap3A_1333], %broadcast_in_dim3A_1 {strides = array<i32>} : memref<48x128xf32, #tpu.memory_space<vmem>>, vector<16xf32>,
    %swap3A_1335 = arith.constant 41 : i32
    %swap3A_1336 = arith.index_cast %swap3A_1335 : i32 to index
    %swap3A_1337 = arith.constant 80 : index
    %swap3A_1338 = tpu.vector_load %arg23[%swap3A_1336, %swap3A_1337] {strides = array<i32>} : memref<48x128xf32, #tpu.memory_space<vmem>>, vector<16xf32>,
    tpu.vector_store %arg23[%swap3A_1336, %swap3A_1337], %broadcast_in_dim3A_1 {strides = array<i32>} : memref<48x128xf32, #tpu.memory_space<vmem>>, vector<16xf32>,
    %swap3A_1339 = arith.constant 41 : i32
    %swap3A_1340 = arith.index_cast %swap3A_1339 : i32 to index
    %swap3A_1341 = arith.constant 96 : index
    %swap3A_1342 = tpu.vector_load %arg23[%swap3A_1340, %swap3A_1341] {strides = array<i32>} : memref<48x128xf32, #tpu.memory_space<vmem>>, vector<16xf32>,
    tpu.vector_store %arg23[%swap3A_1340, %swap3A_1341], %broadcast_in_dim3A_1 {strides = array<i32>} : memref<48x128xf32, #tpu.memory_space<vmem>>, vector<16xf32>,
    %swap3A_1343 = arith.constant 41 : i32
    %swap3A_1344 = arith.index_cast %swap3A_1343 : i32 to index
    %swap3A_1345 = arith.constant 112 : index
    %swap3A_1346 = tpu.vector_load %arg23[%swap3A_1344, %swap3A_1345] {strides = array<i32>} : memref<48x128xf32, #tpu.memory_space<vmem>>, vector<16xf32>,
    tpu.vector_store %arg23[%swap3A_1344, %swap3A_1345], %broadcast_in_dim3A_1 {strides = array<i32>} : memref<48x128xf32, #tpu.memory_space<vmem>>, vector<16xf32>,
    %swap3A_1347 = arith.constant 42 : i32
    %swap3A_1348 = arith.index_cast %swap3A_1347 : i32 to index
    %swap3A_1349 = arith.constant 0 : index
    %swap3A_1350 = tpu.vector_load %arg23[%swap3A_1348, %swap3A_1349] {strides = array<i32>} : memref<48x128xf32, #tpu.memory_space<vmem>>, vector<16xf32>,
    tpu.vector_store %arg23[%swap3A_1348, %swap3A_1349], %broadcast_in_dim3A_1 {strides = array<i32>} : memref<48x128xf32, #tpu.memory_space<vmem>>, vector<16xf32>,
    %swap3A_1351 = arith.constant 42 : i32
    %swap3A_1352 = arith.index_cast %swap3A_1351 : i32 to index
    %swap3A_1353 = arith.constant 16 : index
    %swap3A_1354 = tpu.vector_load %arg23[%swap3A_1352, %swap3A_1353] {strides = array<i32>} : memref<48x128xf32, #tpu.memory_space<vmem>>, vector<16xf32>,
    tpu.vector_store %arg23[%swap3A_1352, %swap3A_1353], %broadcast_in_dim3A_1 {strides = array<i32>} : memref<48x128xf32, #tpu.memory_space<vmem>>, vector<16xf32>,
    %swap3A_1355 = arith.constant 42 : i32
    %swap3A_1356 = arith.index_cast %swap3A_1355 : i32 to index
    %swap3A_1357 = arith.constant 32 : index
    %swap3A_1358 = tpu.vector_load %arg23[%swap3A_1356, %swap3A_1357] {strides = array<i32>} : memref<48x128xf32, #tpu.memory_space<vmem>>, vector<16xf32>,
    tpu.vector_store %arg23[%swap3A_1356, %swap3A_1357], %broadcast_in_dim3A_1 {strides = array<i32>} : memref<48x128xf32, #tpu.memory_space<vmem>>, vector<16xf32>,
    %swap3A_1359 = arith.constant 42 : i32
    %swap3A_1360 = arith.index_cast %swap3A_1359 : i32 to index
    %swap3A_1361 = arith.constant 48 : index
    %swap3A_1362 = tpu.vector_load %arg23[%swap3A_1360, %swap3A_1361] {strides = array<i32>} : memref<48x128xf32, #tpu.memory_space<vmem>>, vector<16xf32>,
    tpu.vector_store %arg23[%swap3A_1360, %swap3A_1361], %broadcast_in_dim3A_1 {strides = array<i32>} : memref<48x128xf32, #tpu.memory_space<vmem>>, vector<16xf32>,
    %swap3A_1363 = arith.constant 42 : i32
    %swap3A_1364 = arith.index_cast %swap3A_1363 : i32 to index
    %swap3A_1365 = arith.constant 64 : index
    %swap3A_1366 = tpu.vector_load %arg23[%swap3A_1364, %swap3A_1365] {strides = array<i32>} : memref<48x128xf32, #tpu.memory_space<vmem>>, vector<16xf32>,
    tpu.vector_store %arg23[%swap3A_1364, %swap3A_1365], %broadcast_in_dim3A_1 {strides = array<i32>} : memref<48x128xf32, #tpu.memory_space<vmem>>, vector<16xf32>,
    %swap3A_1367 = arith.constant 42 : i32
    %swap3A_1368 = arith.index_cast %swap3A_1367 : i32 to index
    %swap3A_1369 = arith.constant 80 : index
    %swap3A_1370 = tpu.vector_load %arg23[%swap3A_1368, %swap3A_1369] {strides = array<i32>} : memref<48x128xf32, #tpu.memory_space<vmem>>, vector<16xf32>,
    tpu.vector_store %arg23[%swap3A_1368, %swap3A_1369], %broadcast_in_dim3A_1 {strides = array<i32>} : memref<48x128xf32, #tpu.memory_space<vmem>>, vector<16xf32>,
    %swap3A_1371 = arith.constant 42 : i32
    %swap3A_1372 = arith.index_cast %swap3A_1371 : i32 to index
    %swap3A_1373 = arith.constant 96 : index
    %swap3A_1374 = tpu.vector_load %arg23[%swap3A_1372, %swap3A_1373] {strides = array<i32>} : memref<48x128xf32, #tpu.memory_space<vmem>>, vector<16xf32>,
    tpu.vector_store %arg23[%swap3A_1372, %swap3A_1373], %broadcast_in_dim3A_1 {strides = array<i32>} : memref<48x128xf32, #tpu.memory_space<vmem>>, vector<16xf32>,
    %swap3A_1375 = arith.constant 42 : i32
    %swap3A_1376 = arith.index_cast %swap3A_1375 : i32 to index
    %swap3A_1377 = arith.constant 112 : index
    %swap3A_1378 = tpu.vector_load %arg23[%swap3A_1376, %swap3A_1377] {strides = array<i32>} : memref<48x128xf32, #tpu.memory_space<vmem>>, vector<16xf32>,
    tpu.vector_store %arg23[%swap3A_1376, %swap3A_1377], %broadcast_in_dim3A_1 {strides = array<i32>} : memref<48x128xf32, #tpu.memory_space<vmem>>, vector<16xf32>,
    %swap3A_1379 = arith.constant 43 : i32
    %swap3A_1380 = arith.index_cast %swap3A_1379 : i32 to index
    %swap3A_1381 = arith.constant 0 : index
    %swap3A_1382 = tpu.vector_load %arg23[%swap3A_1380, %swap3A_1381] {strides = array<i32>} : memref<48x128xf32, #tpu.memory_space<vmem>>, vector<16xf32>,
    tpu.vector_store %arg23[%swap3A_1380, %swap3A_1381], %broadcast_in_dim3A_1 {strides = array<i32>} : memref<48x128xf32, #tpu.memory_space<vmem>>, vector<16xf32>,
    %swap3A_1383 = arith.constant 43 : i32
    %swap3A_1384 = arith.index_cast %swap3A_1383 : i32 to index
    %swap3A_1385 = arith.constant 16 : index
    %swap3A_1386 = tpu.vector_load %arg23[%swap3A_1384, %swap3A_1385] {strides = array<i32>} : memref<48x128xf32, #tpu.memory_space<vmem>>, vector<16xf32>,
    tpu.vector_store %arg23[%swap3A_1384, %swap3A_1385], %broadcast_in_dim3A_1 {strides = array<i32>} : memref<48x128xf32, #tpu.memory_space<vmem>>, vector<16xf32>,
    %swap3A_1387 = arith.constant 43 : i32
    %swap3A_1388 = arith.index_cast %swap3A_1387 : i32 to index
    %swap3A_1389 = arith.constant 32 : index
    %swap3A_1390 = tpu.vector_load %arg23[%swap3A_1388, %swap3A_1389] {strides = array<i32>} : memref<48x128xf32, #tpu.memory_space<vmem>>, vector<16xf32>,
    tpu.vector_store %arg23[%swap3A_1388, %swap3A_1389], %broadcast_in_dim3A_1 {strides = array<i32>} : memref<48x128xf32, #tpu.memory_space<vmem>>, vector<16xf32>,
    %swap3A_1391 = arith.constant 43 : i32
    %swap3A_1392 = arith.index_cast %swap3A_1391 : i32 to index
    %swap3A_1393 = arith.constant 48 : index
    %swap3A_1394 = tpu.vector_load %arg23[%swap3A_1392, %swap3A_1393] {strides = array<i32>} : memref<48x128xf32, #tpu.memory_space<vmem>>, vector<16xf32>,
    tpu.vector_store %arg23[%swap3A_1392, %swap3A_1393], %broadcast_in_dim3A_1 {strides = array<i32>} : memref<48x128xf32, #tpu.memory_space<vmem>>, vector<16xf32>,
    %swap3A_1395 = arith.constant 43 : i32
    %swap3A_1396 = arith.index_cast %swap3A_1395 : i32 to index
    %swap3A_1397 = arith.constant 64 : index
    %swap3A_1398 = tpu.vector_load %arg23[%swap3A_1396, %swap3A_1397] {strides = array<i32>} : memref<48x128xf32, #tpu.memory_space<vmem>>, vector<16xf32>,
    tpu.vector_store %arg23[%swap3A_1396, %swap3A_1397], %broadcast_in_dim3A_1 {strides = array<i32>} : memref<48x128xf32, #tpu.memory_space<vmem>>, vector<16xf32>,
    %swap3A_1399 = arith.constant 43 : i32
    %swap3A_1400 = arith.index_cast %swap3A_1399 : i32 to index
    %swap3A_1401 = arith.constant 80 : index
    %swap3A_1402 = tpu.vector_load %arg23[%swap3A_1400, %swap3A_1401] {strides = array<i32>} : memref<48x128xf32, #tpu.memory_space<vmem>>, vector<16xf32>,
    tpu.vector_store %arg23[%swap3A_1400, %swap3A_1401], %broadcast_in_dim3A_1 {strides = array<i32>} : memref<48x128xf32, #tpu.memory_space<vmem>>, vector<16xf32>,
    %swap3A_1403 = arith.constant 43 : i32
    %swap3A_1404 = arith.index_cast %swap3A_1403 : i32 to index
    %swap3A_1405 = arith.constant 96 : index
    %swap3A_1406 = tpu.vector_load %arg23[%swap3A_1404, %swap3A_1405] {strides = array<i32>} : memref<48x128xf32, #tpu.memory_space<vmem>>, vector<16xf32>,
    tpu.vector_store %arg23[%swap3A_1404, %swap3A_1405], %broadcast_in_dim3A_1 {strides = array<i32>} : memref<48x128xf32, #tpu.memory_space<vmem>>, vector<16xf32>,
    %swap3A_1407 = arith.constant 43 : i32
    %swap3A_1408 = arith.index_cast %swap3A_1407 : i32 to index
    %swap3A_1409 = arith.constant 112 : index
    %swap3A_1410 = tpu.vector_load %arg23[%swap3A_1408, %swap3A_1409] {strides = array<i32>} : memref<48x128xf32, #tpu.memory_space<vmem>>, vector<16xf32>,
    tpu.vector_store %arg23[%swap3A_1408, %swap3A_1409], %broadcast_in_dim3A_1 {strides = array<i32>} : memref<48x128xf32, #tpu.memory_space<vmem>>, vector<16xf32>,
    %swap3A_1411 = arith.constant 44 : i32
    %swap3A_1412 = arith.index_cast %swap3A_1411 : i32 to index
    %swap3A_1413 = arith.constant 0 : index
    %swap3A_1414 = tpu.vector_load %arg23[%swap3A_1412, %swap3A_1413] {strides = array<i32>} : memref<48x128xf32, #tpu.memory_space<vmem>>, vector<16xf32>,
    tpu.vector_store %arg23[%swap3A_1412, %swap3A_1413], %broadcast_in_dim3A_1 {strides = array<i32>} : memref<48x128xf32, #tpu.memory_space<vmem>>, vector<16xf32>,
    %swap3A_1415 = arith.constant 44 : i32
    %swap3A_1416 = arith.index_cast %swap3A_1415 : i32 to index
    %swap3A_1417 = arith.constant 16 : index
    %swap3A_1418 = tpu.vector_load %arg23[%swap3A_1416, %swap3A_1417] {strides = array<i32>} : memref<48x128xf32, #tpu.memory_space<vmem>>, vector<16xf32>,
    tpu.vector_store %arg23[%swap3A_1416, %swap3A_1417], %broadcast_in_dim3A_1 {strides = array<i32>} : memref<48x128xf32, #tpu.memory_space<vmem>>, vector<16xf32>,
    %swap3A_1419 = arith.constant 44 : i32
    %swap3A_1420 = arith.index_cast %swap3A_1419 : i32 to index
    %swap3A_1421 = arith.constant 32 : index
    %swap3A_1422 = tpu.vector_load %arg23[%swap3A_1420, %swap3A_1421] {strides = array<i32>} : memref<48x128xf32, #tpu.memory_space<vmem>>, vector<16xf32>,
    tpu.vector_store %arg23[%swap3A_1420, %swap3A_1421], %broadcast_in_dim3A_1 {strides = array<i32>} : memref<48x128xf32, #tpu.memory_space<vmem>>, vector<16xf32>,
    %swap3A_1423 = arith.constant 44 : i32
    %swap3A_1424 = arith.index_cast %swap3A_1423 : i32 to index
    %swap3A_1425 = arith.constant 48 : index
    %swap3A_1426 = tpu.vector_load %arg23[%swap3A_1424, %swap3A_1425] {strides = array<i32>} : memref<48x128xf32, #tpu.memory_space<vmem>>, vector<16xf32>,
    tpu.vector_store %arg23[%swap3A_1424, %swap3A_1425], %broadcast_in_dim3A_1 {strides = array<i32>} : memref<48x128xf32, #tpu.memory_space<vmem>>, vector<16xf32>,
    %swap3A_1427 = arith.constant 44 : i32
    %swap3A_1428 = arith.index_cast %swap3A_1427 : i32 to index
    %swap3A_1429 = arith.constant 64 : index
    %swap3A_1430 = tpu.vector_load %arg23[%swap3A_1428, %swap3A_1429] {strides = array<i32>} : memref<48x128xf32, #tpu.memory_space<vmem>>, vector<16xf32>,
    tpu.vector_store %arg23[%swap3A_1428, %swap3A_1429], %broadcast_in_dim3A_1 {strides = array<i32>} : memref<48x128xf32, #tpu.memory_space<vmem>>, vector<16xf32>,
    %swap3A_1431 = arith.constant 44 : i32
    %swap3A_1432 = arith.index_cast %swap3A_1431 : i32 to index
    %swap3A_1433 = arith.constant 80 : index
    %swap3A_1434 = tpu.vector_load %arg23[%swap3A_1432, %swap3A_1433] {strides = array<i32>} : memref<48x128xf32, #tpu.memory_space<vmem>>, vector<16xf32>,
    tpu.vector_store %arg23[%swap3A_1432, %swap3A_1433], %broadcast_in_dim3A_1 {strides = array<i32>} : memref<48x128xf32, #tpu.memory_space<vmem>>, vector<16xf32>,
    %swap3A_1435 = arith.constant 44 : i32
    %swap3A_1436 = arith.index_cast %swap3A_1435 : i32 to index
    %swap3A_1437 = arith.constant 96 : index
    %swap3A_1438 = tpu.vector_load %arg23[%swap3A_1436, %swap3A_1437] {strides = array<i32>} : memref<48x128xf32, #tpu.memory_space<vmem>>, vector<16xf32>,
    tpu.vector_store %arg23[%swap3A_1436, %swap3A_1437], %broadcast_in_dim3A_1 {strides = array<i32>} : memref<48x128xf32, #tpu.memory_space<vmem>>, vector<16xf32>,
    %swap3A_1439 = arith.constant 44 : i32
    %swap3A_1440 = arith.index_cast %swap3A_1439 : i32 to index
    %swap3A_1441 = arith.constant 112 : index
    %swap3A_1442 = tpu.vector_load %arg23[%swap3A_1440, %swap3A_1441] {strides = array<i32>} : memref<48x128xf32, #tpu.memory_space<vmem>>, vector<16xf32>,
    tpu.vector_store %arg23[%swap3A_1440, %swap3A_1441], %broadcast_in_dim3A_1 {strides = array<i32>} : memref<48x128xf32, #tpu.memory_space<vmem>>, vector<16xf32>,
    %swap3A_1443 = arith.constant 45 : i32
    %swap3A_1444 = arith.index_cast %swap3A_1443 : i32 to index
    %swap3A_1445 = arith.constant 0 : index
    %swap3A_1446 = tpu.vector_load %arg23[%swap3A_1444, %swap3A_1445] {strides = array<i32>} : memref<48x128xf32, #tpu.memory_space<vmem>>, vector<16xf32>,
    tpu.vector_store %arg23[%swap3A_1444, %swap3A_1445], %broadcast_in_dim3A_1 {strides = array<i32>} : memref<48x128xf32, #tpu.memory_space<vmem>>, vector<16xf32>,
    %swap3A_1447 = arith.constant 45 : i32
    %swap3A_1448 = arith.index_cast %swap3A_1447 : i32 to index
    %swap3A_1449 = arith.constant 16 : index
    %swap3A_1450 = tpu.vector_load %arg23[%swap3A_1448, %swap3A_1449] {strides = array<i32>} : memref<48x128xf32, #tpu.memory_space<vmem>>, vector<16xf32>,
    tpu.vector_store %arg23[%swap3A_1448, %swap3A_1449], %broadcast_in_dim3A_1 {strides = array<i32>} : memref<48x128xf32, #tpu.memory_space<vmem>>, vector<16xf32>,
    %swap3A_1451 = arith.constant 45 : i32
    %swap3A_1452 = arith.index_cast %swap3A_1451 : i32 to index
    %swap3A_1453 = arith.constant 32 : index
    %swap3A_1454 = tpu.vector_load %arg23[%swap3A_1452, %swap3A_1453] {strides = array<i32>} : memref<48x128xf32, #tpu.memory_space<vmem>>, vector<16xf32>,
    tpu.vector_store %arg23[%swap3A_1452, %swap3A_1453], %broadcast_in_dim3A_1 {strides = array<i32>} : memref<48x128xf32, #tpu.memory_space<vmem>>, vector<16xf32>,
    %swap3A_1455 = arith.constant 45 : i32
    %swap3A_1456 = arith.index_cast %swap3A_1455 : i32 to index
    %swap3A_1457 = arith.constant 48 : index
    %swap3A_1458 = tpu.vector_load %arg23[%swap3A_1456, %swap3A_1457] {strides = array<i32>} : memref<48x128xf32, #tpu.memory_space<vmem>>, vector<16xf32>,
    tpu.vector_store %arg23[%swap3A_1456, %swap3A_1457], %broadcast_in_dim3A_1 {strides = array<i32>} : memref<48x128xf32, #tpu.memory_space<vmem>>, vector<16xf32>,
    %swap3A_1459 = arith.constant 45 : i32
    %swap3A_1460 = arith.index_cast %swap3A_1459 : i32 to index
    %swap3A_1461 = arith.constant 64 : index
    %swap3A_1462 = tpu.vector_load %arg23[%swap3A_1460, %swap3A_1461] {strides = array<i32>} : memref<48x128xf32, #tpu.memory_space<vmem>>, vector<16xf32>,
    tpu.vector_store %arg23[%swap3A_1460, %swap3A_1461], %broadcast_in_dim3A_1 {strides = array<i32>} : memref<48x128xf32, #tpu.memory_space<vmem>>, vector<16xf32>,
    %swap3A_1463 = arith.constant 45 : i32
    %swap3A_1464 = arith.index_cast %swap3A_1463 : i32 to index
    %swap3A_1465 = arith.constant 80 : index
    %swap3A_1466 = tpu.vector_load %arg23[%swap3A_1464, %swap3A_1465] {strides = array<i32>} : memref<48x128xf32, #tpu.memory_space<vmem>>, vector<16xf32>,
    tpu.vector_store %arg23[%swap3A_1464, %swap3A_1465], %broadcast_in_dim3A_1 {strides = array<i32>} : memref<48x128xf32, #tpu.memory_space<vmem>>, vector<16xf32>,
    %swap3A_1467 = arith.constant 45 : i32
    %swap3A_1468 = arith.index_cast %swap3A_1467 : i32 to index
    %swap3A_1469 = arith.constant 96 : index
    %swap3A_1470 = tpu.vector_load %arg23[%swap3A_1468, %swap3A_1469] {strides = array<i32>} : memref<48x128xf32, #tpu.memory_space<vmem>>, vector<16xf32>,
    tpu.vector_store %arg23[%swap3A_1468, %swap3A_1469], %broadcast_in_dim3A_1 {strides = array<i32>} : memref<48x128xf32, #tpu.memory_space<vmem>>, vector<16xf32>,
    %swap3A_1471 = arith.constant 45 : i32
    %swap3A_1472 = arith.index_cast %swap3A_1471 : i32 to index
    %swap3A_1473 = arith.constant 112 : index
    %swap3A_1474 = tpu.vector_load %arg23[%swap3A_1472, %swap3A_1473] {strides = array<i32>} : memref<48x128xf32, #tpu.memory_space<vmem>>, vector<16xf32>,
    tpu.vector_store %arg23[%swap3A_1472, %swap3A_1473], %broadcast_in_dim3A_1 {strides = array<i32>} : memref<48x128xf32, #tpu.memory_space<vmem>>, vector<16xf32>,
    %swap3A_1475 = arith.constant 46 : i32
    %swap3A_1476 = arith.index_cast %swap3A_1475 : i32 to index
    %swap3A_1477 = arith.constant 0 : index
    %swap3A_1478 = tpu.vector_load %arg23[%swap3A_1476, %swap3A_1477] {strides = array<i32>} : memref<48x128xf32, #tpu.memory_space<vmem>>, vector<16xf32>,
    tpu.vector_store %arg23[%swap3A_1476, %swap3A_1477], %broadcast_in_dim3A_1 {strides = array<i32>} : memref<48x128xf32, #tpu.memory_space<vmem>>, vector<16xf32>,
    %swap3A_1479 = arith.constant 46 : i32
    %swap3A_1480 = arith.index_cast %swap3A_1479 : i32 to index
    %swap3A_1481 = arith.constant 16 : index
    %swap3A_1482 = tpu.vector_load %arg23[%swap3A_1480, %swap3A_1481] {strides = array<i32>} : memref<48x128xf32, #tpu.memory_space<vmem>>, vector<16xf32>,
    tpu.vector_store %arg23[%swap3A_1480, %swap3A_1481], %broadcast_in_dim3A_1 {strides = array<i32>} : memref<48x128xf32, #tpu.memory_space<vmem>>, vector<16xf32>,
    %swap3A_1483 = arith.constant 46 : i32
    %swap3A_1484 = arith.index_cast %swap3A_1483 : i32 to index
    %swap3A_1485 = arith.constant 32 : index
    %swap3A_1486 = tpu.vector_load %arg23[%swap3A_1484, %swap3A_1485] {strides = array<i32>} : memref<48x128xf32, #tpu.memory_space<vmem>>, vector<16xf32>,
    tpu.vector_store %arg23[%swap3A_1484, %swap3A_1485], %broadcast_in_dim3A_1 {strides = array<i32>} : memref<48x128xf32, #tpu.memory_space<vmem>>, vector<16xf32>,
    %swap3A_1487 = arith.constant 46 : i32
    %swap3A_1488 = arith.index_cast %swap3A_1487 : i32 to index
    %swap3A_1489 = arith.constant 48 : index
    %swap3A_1490 = tpu.vector_load %arg23[%swap3A_1488, %swap3A_1489] {strides = array<i32>} : memref<48x128xf32, #tpu.memory_space<vmem>>, vector<16xf32>,
    tpu.vector_store %arg23[%swap3A_1488, %swap3A_1489], %broadcast_in_dim3A_1 {strides = array<i32>} : memref<48x128xf32, #tpu.memory_space<vmem>>, vector<16xf32>,
    %swap3A_1491 = arith.constant 46 : i32
    %swap3A_1492 = arith.index_cast %swap3A_1491 : i32 to index
    %swap3A_1493 = arith.constant 64 : index
    %swap3A_1494 = tpu.vector_load %arg23[%swap3A_1492, %swap3A_1493] {strides = array<i32>} : memref<48x128xf32, #tpu.memory_space<vmem>>, vector<16xf32>,
    tpu.vector_store %arg23[%swap3A_1492, %swap3A_1493], %broadcast_in_dim3A_1 {strides = array<i32>} : memref<48x128xf32, #tpu.memory_space<vmem>>, vector<16xf32>,
    %swap3A_1495 = arith.constant 46 : i32
    %swap3A_1496 = arith.index_cast %swap3A_1495 : i32 to index
    %swap3A_1497 = arith.constant 80 : index
    %swap3A_1498 = tpu.vector_load %arg23[%swap3A_1496, %swap3A_1497] {strides = array<i32>} : memref<48x128xf32, #tpu.memory_space<vmem>>, vector<16xf32>,
    tpu.vector_store %arg23[%swap3A_1496, %swap3A_1497], %broadcast_in_dim3A_1 {strides = array<i32>} : memref<48x128xf32, #tpu.memory_space<vmem>>, vector<16xf32>,
    %swap3A_1499 = arith.constant 46 : i32
    %swap3A_1500 = arith.index_cast %swap3A_1499 : i32 to index
    %swap3A_1501 = arith.constant 96 : index
    %swap3A_1502 = tpu.vector_load %arg23[%swap3A_1500, %swap3A_1501] {strides = array<i32>} : memref<48x128xf32, #tpu.memory_space<vmem>>, vector<16xf32>,
    tpu.vector_store %arg23[%swap3A_1500, %swap3A_1501], %broadcast_in_dim3A_1 {strides = array<i32>} : memref<48x128xf32, #tpu.memory_space<vmem>>, vector<16xf32>,
    %swap3A_1503 = arith.constant 46 : i32
    %swap3A_1504 = arith.index_cast %swap3A_1503 : i32 to index
    %swap3A_1505 = arith.constant 112 : index
    %swap3A_1506 = tpu.vector_load %arg23[%swap3A_1504, %swap3A_1505] {strides = array<i32>} : memref<48x128xf32, #tpu.memory_space<vmem>>, vector<16xf32>,
    tpu.vector_store %arg23[%swap3A_1504, %swap3A_1505], %broadcast_in_dim3A_1 {strides = array<i32>} : memref<48x128xf32, #tpu.memory_space<vmem>>, vector<16xf32>,
    %swap3A_1507 = arith.constant 47 : i32
    %swap3A_1508 = arith.index_cast %swap3A_1507 : i32 to index
    %swap3A_1509 = arith.constant 0 : index
    %swap3A_1510 = tpu.vector_load %arg23[%swap3A_1508, %swap3A_1509] {strides = array<i32>} : memref<48x128xf32, #tpu.memory_space<vmem>>, vector<16xf32>,
    tpu.vector_store %arg23[%swap3A_1508, %swap3A_1509], %broadcast_in_dim3A_1 {strides = array<i32>} : memref<48x128xf32, #tpu.memory_space<vmem>>, vector<16xf32>,
    %swap3A_1511 = arith.constant 47 : i32
    %swap3A_1512 = arith.index_cast %swap3A_1511 : i32 to index
    %swap3A_1513 = arith.constant 16 : index
    %swap3A_1514 = tpu.vector_load %arg23[%swap3A_1512, %swap3A_1513] {strides = array<i32>} : memref<48x128xf32, #tpu.memory_space<vmem>>, vector<16xf32>,
    tpu.vector_store %arg23[%swap3A_1512, %swap3A_1513], %broadcast_in_dim3A_1 {strides = array<i32>} : memref<48x128xf32, #tpu.memory_space<vmem>>, vector<16xf32>,
    %swap3A_1515 = arith.constant 47 : i32
    %swap3A_1516 = arith.index_cast %swap3A_1515 : i32 to index
    %swap3A_1517 = arith.constant 32 : index
    %swap3A_1518 = tpu.vector_load %arg23[%swap3A_1516, %swap3A_1517] {strides = array<i32>} : memref<48x128xf32, #tpu.memory_space<vmem>>, vector<16xf32>,
    tpu.vector_store %arg23[%swap3A_1516, %swap3A_1517], %broadcast_in_dim3A_1 {strides = array<i32>} : memref<48x128xf32, #tpu.memory_space<vmem>>, vector<16xf32>,
    %swap3A_1519 = arith.constant 47 : i32
    %swap3A_1520 = arith.index_cast %swap3A_1519 : i32 to index
    %swap3A_1521 = arith.constant 48 : index
    %swap3A_1522 = tpu.vector_load %arg23[%swap3A_1520, %swap3A_1521] {strides = array<i32>} : memref<48x128xf32, #tpu.memory_space<vmem>>, vector<16xf32>,
    tpu.vector_store %arg23[%swap3A_1520, %swap3A_1521], %broadcast_in_dim3A_1 {strides = array<i32>} : memref<48x128xf32, #tpu.memory_space<vmem>>, vector<16xf32>,
    %swap3A_1523 = arith.constant 47 : i32
    %swap3A_1524 = arith.index_cast %swap3A_1523 : i32 to index
    %swap3A_1525 = arith.constant 64 : index
    %swap3A_1526 = tpu.vector_load %arg23[%swap3A_1524, %swap3A_1525] {strides = array<i32>} : memref<48x128xf32, #tpu.memory_space<vmem>>, vector<16xf32>,
    tpu.vector_store %arg23[%swap3A_1524, %swap3A_1525], %broadcast_in_dim3A_1 {strides = array<i32>} : memref<48x128xf32, #tpu.memory_space<vmem>>, vector<16xf32>,
    %swap3A_1527 = arith.constant 47 : i32
    %swap3A_1528 = arith.index_cast %swap3A_1527 : i32 to index
    %swap3A_1529 = arith.constant 80 : index
    %swap3A_1530 = tpu.vector_load %arg23[%swap3A_1528, %swap3A_1529] {strides = array<i32>} : memref<48x128xf32, #tpu.memory_space<vmem>>, vector<16xf32>,
    tpu.vector_store %arg23[%swap3A_1528, %swap3A_1529], %broadcast_in_dim3A_1 {strides = array<i32>} : memref<48x128xf32, #tpu.memory_space<vmem>>, vector<16xf32>,
    %swap3A_1531 = arith.constant 47 : i32
    %swap3A_1532 = arith.index_cast %swap3A_1531 : i32 to index
    %swap3A_1533 = arith.constant 96 : index
    %swap3A_1534 = tpu.vector_load %arg23[%swap3A_1532, %swap3A_1533] {strides = array<i32>} : memref<48x128xf32, #tpu.memory_space<vmem>>, vector<16xf32>,
    tpu.vector_store %arg23[%swap3A_1532, %swap3A_1533], %broadcast_in_dim3A_1 {strides = array<i32>} : memref<48x128xf32, #tpu.memory_space<vmem>>, vector<16xf32>,
    %swap3A_1535 = arith.constant 47 : i32
    %swap3A_1536 = arith.index_cast %swap3A_1535 : i32 to index
    %swap3A_1537 = arith.constant 112 : index
    %swap3A_1538 = tpu.vector_load %arg23[%swap3A_1536, %swap3A_1537] {strides = array<i32>} : memref<48x128xf32, #tpu.memory_space<vmem>>, vector<16xf32>,
    tpu.vector_store %arg23[%swap3A_1536, %swap3A_1537], %broadcast_in_dim3A_1 {strides = array<i32>} : memref<48x128xf32, #tpu.memory_space<vmem>>, vector<16xf32>,
    %swap3A_1539 = arith.constant 0 : index
    %swap3A_1540 = tpu.vector_load %arg22[%swap3A_1539] {strides = array<i32>} : memref<768xf32, #tpu.memory_space<vmem>>, vector<16xf32>,
    tpu.vector_store %arg22[%swap3A_1539], %broadcast_in_dim3A_1 {strides = array<i32>} : memref<768xf32, #tpu.memory_space<vmem>>, vector<16xf32>,
    %swap3A_1541 = arith.constant 16 : index
    %swap3A_1542 = tpu.vector_load %arg22[%swap3A_1541] {strides = array<i32>} : memref<768xf32, #tpu.memory_space<vmem>>, vector<16xf32>,
    tpu.vector_store %arg22[%swap3A_1541], %broadcast_in_dim3A_1 {strides = array<i32>} : memref<768xf32, #tpu.memory_space<vmem>>, vector<16xf32>,
    %swap3A_1543 = arith.constant 32 : index
    %swap3A_1544 = tpu.vector_load %arg22[%swap3A_1543] {strides = array<i32>} : memref<768xf32, #tpu.memory_space<vmem>>, vector<16xf32>,
    tpu.vector_store %arg22[%swap3A_1543], %broadcast_in_dim3A_1 {strides = array<i32>} : memref<768xf32, #tpu.memory_space<vmem>>, vector<16xf32>,
    %swap3A_1545 = arith.constant 48 : index
    %swap3A_1546 = tpu.vector_load %arg22[%swap3A_1545] {strides = array<i32>} : memref<768xf32, #tpu.memory_space<vmem>>, vector<16xf32>,
    tpu.vector_store %arg22[%swap3A_1545], %broadcast_in_dim3A_1 {strides = array<i32>} : memref<768xf32, #tpu.memory_space<vmem>>, vector<16xf32>,
    %swap3A_1547 = arith.constant 64 : index
    %swap3A_1548 = tpu.vector_load %arg22[%swap3A_1547] {strides = array<i32>} : memref<768xf32, #tpu.memory_space<vmem>>, vector<16xf32>,
    tpu.vector_store %arg22[%swap3A_1547], %broadcast_in_dim3A_1 {strides = array<i32>} : memref<768xf32, #tpu.memory_space<vmem>>, vector<16xf32>,
    %swap3A_1549 = arith.constant 80 : index
    %swap3A_1550 = tpu.vector_load %arg22[%swap3A_1549] {strides = array<i32>} : memref<768xf32, #tpu.memory_space<vmem>>, vector<16xf32>,
    tpu.vector_store %arg22[%swap3A_1549], %broadcast_in_dim3A_1 {strides = array<i32>} : memref<768xf32, #tpu.memory_space<vmem>>, vector<16xf32>,
    %swap3A_1551 = arith.constant 96 : index
    %swap3A_1552 = tpu.vector_load %arg22[%swap3A_1551] {strides = array<i32>} : memref<768xf32, #tpu.memory_space<vmem>>, vector<16xf32>,
    tpu.vector_store %arg22[%swap3A_1551], %broadcast_in_dim3A_1 {strides = array<i32>} : memref<768xf32, #tpu.memory_space<vmem>>, vector<16xf32>,
    %swap3A_1553 = arith.constant 112 : index
    %swap3A_1554 = tpu.vector_load %arg22[%swap3A_1553] {strides = array<i32>} : memref<768xf32, #tpu.memory_space<vmem>>, vector<16xf32>,
    tpu.vector_store %arg22[%swap3A_1553], %broadcast_in_dim3A_1 {strides = array<i32>} : memref<768xf32, #tpu.memory_space<vmem>>, vector<16xf32>,
    %swap3A_1555 = arith.constant 128 : index
    %swap3A_1556 = tpu.vector_load %arg22[%swap3A_1555] {strides = array<i32>} : memref<768xf32, #tpu.memory_space<vmem>>, vector<16xf32>,
    tpu.vector_store %arg22[%swap3A_1555], %broadcast_in_dim3A_1 {strides = array<i32>} : memref<768xf32, #tpu.memory_space<vmem>>, vector<16xf32>,
    %swap3A_1557 = arith.constant 144 : index
    %swap3A_1558 = tpu.vector_load %arg22[%swap3A_1557] {strides = array<i32>} : memref<768xf32, #tpu.memory_space<vmem>>, vector<16xf32>,
    tpu.vector_store %arg22[%swap3A_1557], %broadcast_in_dim3A_1 {strides = array<i32>} : memref<768xf32, #tpu.memory_space<vmem>>, vector<16xf32>,
    %swap3A_1559 = arith.constant 160 : index
    %swap3A_1560 = tpu.vector_load %arg22[%swap3A_1559] {strides = array<i32>} : memref<768xf32, #tpu.memory_space<vmem>>, vector<16xf32>,
    tpu.vector_store %arg22[%swap3A_1559], %broadcast_in_dim3A_1 {strides = array<i32>} : memref<768xf32, #tpu.memory_space<vmem>>, vector<16xf32>,
    %swap3A_1561 = arith.constant 176 : index
    %swap3A_1562 = tpu.vector_load %arg22[%swap3A_1561] {strides = array<i32>} : memref<768xf32, #tpu.memory_space<vmem>>, vector<16xf32>,
    tpu.vector_store %arg22[%swap3A_1561], %broadcast_in_dim3A_1 {strides = array<i32>} : memref<768xf32, #tpu.memory_space<vmem>>, vector<16xf32>,
    %swap3A_1563 = arith.constant 192 : index
    %swap3A_1564 = tpu.vector_load %arg22[%swap3A_1563] {strides = array<i32>} : memref<768xf32, #tpu.memory_space<vmem>>, vector<16xf32>,
    tpu.vector_store %arg22[%swap3A_1563], %broadcast_in_dim3A_1 {strides = array<i32>} : memref<768xf32, #tpu.memory_space<vmem>>, vector<16xf32>,
    %swap3A_1565 = arith.constant 208 : index
    %swap3A_1566 = tpu.vector_load %arg22[%swap3A_1565] {strides = array<i32>} : memref<768xf32, #tpu.memory_space<vmem>>, vector<16xf32>,
    tpu.vector_store %arg22[%swap3A_1565], %broadcast_in_dim3A_1 {strides = array<i32>} : memref<768xf32, #tpu.memory_space<vmem>>, vector<16xf32>,
    %swap3A_1567 = arith.constant 224 : index
    %swap3A_1568 = tpu.vector_load %arg22[%swap3A_1567] {strides = array<i32>} : memref<768xf32, #tpu.memory_space<vmem>>, vector<16xf32>,
    tpu.vector_store %arg22[%swap3A_1567], %broadcast_in_dim3A_1 {strides = array<i32>} : memref<768xf32, #tpu.memory_space<vmem>>, vector<16xf32>,
    %swap3A_1569 = arith.constant 240 : index
    %swap3A_1570 = tpu.vector_load %arg22[%swap3A_1569] {strides = array<i32>} : memref<768xf32, #tpu.memory_space<vmem>>, vector<16xf32>,
    tpu.vector_store %arg22[%swap3A_1569], %broadcast_in_dim3A_1 {strides = array<i32>} : memref<768xf32, #tpu.memory_space<vmem>>, vector<16xf32>,
    %swap3A_1571 = arith.constant 256 : index
    %swap3A_1572 = tpu.vector_load %arg22[%swap3A_1571] {strides = array<i32>} : memref<768xf32, #tpu.memory_space<vmem>>, vector<16xf32>,
    tpu.vector_store %arg22[%swap3A_1571], %broadcast_in_dim3A_1 {strides = array<i32>} : memref<768xf32, #tpu.memory_space<vmem>>, vector<16xf32>,
    %swap3A_1573 = arith.constant 272 : index
    %swap3A_1574 = tpu.vector_load %arg22[%swap3A_1573] {strides = array<i32>} : memref<768xf32, #tpu.memory_space<vmem>>, vector<16xf32>,
    tpu.vector_store %arg22[%swap3A_1573], %broadcast_in_dim3A_1 {strides = array<i32>} : memref<768xf32, #tpu.memory_space<vmem>>, vector<16xf32>,
    %swap3A_1575 = arith.constant 288 : index
    %swap3A_1576 = tpu.vector_load %arg22[%swap3A_1575] {strides = array<i32>} : memref<768xf32, #tpu.memory_space<vmem>>, vector<16xf32>,
    tpu.vector_store %arg22[%swap3A_1575], %broadcast_in_dim3A_1 {strides = array<i32>} : memref<768xf32, #tpu.memory_space<vmem>>, vector<16xf32>,
    %swap3A_1577 = arith.constant 304 : index
    %swap3A_1578 = tpu.vector_load %arg22[%swap3A_1577] {strides = array<i32>} : memref<768xf32, #tpu.memory_space<vmem>>, vector<16xf32>,
    tpu.vector_store %arg22[%swap3A_1577], %broadcast_in_dim3A_1 {strides = array<i32>} : memref<768xf32, #tpu.memory_space<vmem>>, vector<16xf32>,
    %swap3A_1579 = arith.constant 320 : index
    %swap3A_1580 = tpu.vector_load %arg22[%swap3A_1579] {strides = array<i32>} : memref<768xf32, #tpu.memory_space<vmem>>, vector<16xf32>,
    tpu.vector_store %arg22[%swap3A_1579], %broadcast_in_dim3A_1 {strides = array<i32>} : memref<768xf32, #tpu.memory_space<vmem>>, vector<16xf32>,
    %swap3A_1581 = arith.constant 336 : index
    %swap3A_1582 = tpu.vector_load %arg22[%swap3A_1581] {strides = array<i32>} : memref<768xf32, #tpu.memory_space<vmem>>, vector<16xf32>,
    tpu.vector_store %arg22[%swap3A_1581], %broadcast_in_dim3A_1 {strides = array<i32>} : memref<768xf32, #tpu.memory_space<vmem>>, vector<16xf32>,
    %swap3A_1583 = arith.constant 352 : index
    %swap3A_1584 = tpu.vector_load %arg22[%swap3A_1583] {strides = array<i32>} : memref<768xf32, #tpu.memory_space<vmem>>, vector<16xf32>,
    tpu.vector_store %arg22[%swap3A_1583], %broadcast_in_dim3A_1 {strides = array<i32>} : memref<768xf32, #tpu.memory_space<vmem>>, vector<16xf32>,
    %swap3A_1585 = arith.constant 368 : index
    %swap3A_1586 = tpu.vector_load %arg22[%swap3A_1585] {strides = array<i32>} : memref<768xf32, #tpu.memory_space<vmem>>, vector<16xf32>,
    tpu.vector_store %arg22[%swap3A_1585], %broadcast_in_dim3A_1 {strides = array<i32>} : memref<768xf32, #tpu.memory_space<vmem>>, vector<16xf32>,
    %swap3A_1587 = arith.constant 384 : index
    %swap3A_1588 = tpu.vector_load %arg22[%swap3A_1587] {strides = array<i32>} : memref<768xf32, #tpu.memory_space<vmem>>, vector<16xf32>,
    tpu.vector_store %arg22[%swap3A_1587], %broadcast_in_dim3A_1 {strides = array<i32>} : memref<768xf32, #tpu.memory_space<vmem>>, vector<16xf32>,
    %swap3A_1589 = arith.constant 400 : index
    %swap3A_1590 = tpu.vector_load %arg22[%swap3A_1589] {strides = array<i32>} : memref<768xf32, #tpu.memory_space<vmem>>, vector<16xf32>,
    tpu.vector_store %arg22[%swap3A_1589], %broadcast_in_dim3A_1 {strides = array<i32>} : memref<768xf32, #tpu.memory_space<vmem>>, vector<16xf32>,
    %swap3A_1591 = arith.constant 416 : index
    %swap3A_1592 = tpu.vector_load %arg22[%swap3A_1591] {strides = array<i32>} : memref<768xf32, #tpu.memory_space<vmem>>, vector<16xf32>,
    tpu.vector_store %arg22[%swap3A_1591], %broadcast_in_dim3A_1 {strides = array<i32>} : memref<768xf32, #tpu.memory_space<vmem>>, vector<16xf32>,
    %swap3A_1593 = arith.constant 432 : index
    %swap3A_1594 = tpu.vector_load %arg22[%swap3A_1593] {strides = array<i32>} : memref<768xf32, #tpu.memory_space<vmem>>, vector<16xf32>,
    tpu.vector_store %arg22[%swap3A_1593], %broadcast_in_dim3A_1 {strides = array<i32>} : memref<768xf32, #tpu.memory_space<vmem>>, vector<16xf32>,
    %swap3A_1595 = arith.constant 448 : index
    %swap3A_1596 = tpu.vector_load %arg22[%swap3A_1595] {strides = array<i32>} : memref<768xf32, #tpu.memory_space<vmem>>, vector<16xf32>,
    tpu.vector_store %arg22[%swap3A_1595], %broadcast_in_dim3A_1 {strides = array<i32>} : memref<768xf32, #tpu.memory_space<vmem>>, vector<16xf32>,
    %swap3A_1597 = arith.constant 464 : index
    %swap3A_1598 = tpu.vector_load %arg22[%swap3A_1597] {strides = array<i32>} : memref<768xf32, #tpu.memory_space<vmem>>, vector<16xf32>,
    tpu.vector_store %arg22[%swap3A_1597], %broadcast_in_dim3A_1 {strides = array<i32>} : memref<768xf32, #tpu.memory_space<vmem>>, vector<16xf32>,
    %swap3A_1599 = arith.constant 480 : index
    %swap3A_1600 = tpu.vector_load %arg22[%swap3A_1599] {strides = array<i32>} : memref<768xf32, #tpu.memory_space<vmem>>, vector<16xf32>,
    tpu.vector_store %arg22[%swap3A_1599], %broadcast_in_dim3A_1 {strides = array<i32>} : memref<768xf32, #tpu.memory_space<vmem>>, vector<16xf32>,
    %swap3A_1601 = arith.constant 496 : index
    %swap3A_1602 = tpu.vector_load %arg22[%swap3A_1601] {strides = array<i32>} : memref<768xf32, #tpu.memory_space<vmem>>, vector<16xf32>,
    tpu.vector_store %arg22[%swap3A_1601], %broadcast_in_dim3A_1 {strides = array<i32>} : memref<768xf32, #tpu.memory_space<vmem>>, vector<16xf32>,
    %swap3A_1603 = arith.constant 512 : index
    %swap3A_1604 = tpu.vector_load %arg22[%swap3A_1603] {strides = array<i32>} : memref<768xf32, #tpu.memory_space<vmem>>, vector<16xf32>,
    tpu.vector_store %arg22[%swap3A_1603], %broadcast_in_dim3A_1 {strides = array<i32>} : memref<768xf32, #tpu.memory_space<vmem>>, vector<16xf32>,
    %swap3A_1605 = arith.constant 528 : index
    %swap3A_1606 = tpu.vector_load %arg22[%swap3A_1605] {strides = array<i32>} : memref<768xf32, #tpu.memory_space<vmem>>, vector<16xf32>,
    tpu.vector_store %arg22[%swap3A_1605], %broadcast_in_dim3A_1 {strides = array<i32>} : memref<768xf32, #tpu.memory_space<vmem>>, vector<16xf32>,
    %swap3A_1607 = arith.constant 544 : index
    %swap3A_1608 = tpu.vector_load %arg22[%swap3A_1607] {strides = array<i32>} : memref<768xf32, #tpu.memory_space<vmem>>, vector<16xf32>,
    tpu.vector_store %arg22[%swap3A_1607], %broadcast_in_dim3A_1 {strides = array<i32>} : memref<768xf32, #tpu.memory_space<vmem>>, vector<16xf32>,
    %swap3A_1609 = arith.constant 560 : index
    %swap3A_1610 = tpu.vector_load %arg22[%swap3A_1609] {strides = array<i32>} : memref<768xf32, #tpu.memory_space<vmem>>, vector<16xf32>,
    tpu.vector_store %arg22[%swap3A_1609], %broadcast_in_dim3A_1 {strides = array<i32>} : memref<768xf32, #tpu.memory_space<vmem>>, vector<16xf32>,
    %swap3A_1611 = arith.constant 576 : index
    %swap3A_1612 = tpu.vector_load %arg22[%swap3A_1611] {strides = array<i32>} : memref<768xf32, #tpu.memory_space<vmem>>, vector<16xf32>,
    tpu.vector_store %arg22[%swap3A_1611], %broadcast_in_dim3A_1 {strides = array<i32>} : memref<768xf32, #tpu.memory_space<vmem>>, vector<16xf32>,
    %swap3A_1613 = arith.constant 592 : index
    %swap3A_1614 = tpu.vector_load %arg22[%swap3A_1613] {strides = array<i32>} : memref<768xf32, #tpu.memory_space<vmem>>, vector<16xf32>,
    tpu.vector_store %arg22[%swap3A_1613], %broadcast_in_dim3A_1 {strides = array<i32>} : memref<768xf32, #tpu.memory_space<vmem>>, vector<16xf32>,
    %swap3A_1615 = arith.constant 608 : index
    %swap3A_1616 = tpu.vector_load %arg22[%swap3A_1615] {strides = array<i32>} : memref<768xf32, #tpu.memory_space<vmem>>, vector<16xf32>,
    tpu.vector_store %arg22[%swap3A_1615], %broadcast_in_dim3A_1 {strides = array<i32>} : memref<768xf32, #tpu.memory_space<vmem>>, vector<16xf32>,
    %swap3A_1617 = arith.constant 624 : index
    %swap3A_1618 = tpu.vector_load %arg22[%swap3A_1617] {strides = array<i32>} : memref<768xf32, #tpu.memory_space<vmem>>, vector<16xf32>,
    tpu.vector_store %arg22[%swap3A_1617], %broadcast_in_dim3A_1 {strides = array<i32>} : memref<768xf32, #tpu.memory_space<vmem>>, vector<16xf32>,
    %swap3A_1619 = arith.constant 640 : index
    %swap3A_1620 = tpu.vector_load %arg22[%swap3A_1619] {strides = array<i32>} : memref<768xf32, #tpu.memory_space<vmem>>, vector<16xf32>,
    tpu.vector_store %arg22[%swap3A_1619], %broadcast_in_dim3A_1 {strides = array<i32>} : memref<768xf32, #tpu.memory_space<vmem>>, vector<16xf32>,
    %swap3A_1621 = arith.constant 656 : index
    %swap3A_1622 = tpu.vector_load %arg22[%swap3A_1621] {strides = array<i32>} : memref<768xf32, #tpu.memory_space<vmem>>, vector<16xf32>,
    tpu.vector_store %arg22[%swap3A_1621], %broadcast_in_dim3A_1 {strides = array<i32>} : memref<768xf32, #tpu.memory_space<vmem>>, vector<16xf32>,
    %swap3A_1623 = arith.constant 672 : index
    %swap3A_1624 = tpu.vector_load %arg22[%swap3A_1623] {strides = array<i32>} : memref<768xf32, #tpu.memory_space<vmem>>, vector<16xf32>,
    tpu.vector_store %arg22[%swap3A_1623], %broadcast_in_dim3A_1 {strides = array<i32>} : memref<768xf32, #tpu.memory_space<vmem>>, vector<16xf32>,
    %swap3A_1625 = arith.constant 688 : index
    %swap3A_1626 = tpu.vector_load %arg22[%swap3A_1625] {strides = array<i32>} : memref<768xf32, #tpu.memory_space<vmem>>, vector<16xf32>,
    tpu.vector_store %arg22[%swap3A_1625], %broadcast_in_dim3A_1 {strides = array<i32>} : memref<768xf32, #tpu.memory_space<vmem>>, vector<16xf32>,
    %swap3A_1627 = arith.constant 704 : index
    %swap3A_1628 = tpu.vector_load %arg22[%swap3A_1627] {strides = array<i32>} : memref<768xf32, #tpu.memory_space<vmem>>, vector<16xf32>,
    tpu.vector_store %arg22[%swap3A_1627], %broadcast_in_dim3A_1 {strides = array<i32>} : memref<768xf32, #tpu.memory_space<vmem>>, vector<16xf32>,
    %swap3A_1629 = arith.constant 720 : index
    %swap3A_1630 = tpu.vector_load %arg22[%swap3A_1629] {strides = array<i32>} : memref<768xf32, #tpu.memory_space<vmem>>, vector<16xf32>,
    tpu.vector_store %arg22[%swap3A_1629], %broadcast_in_dim3A_1 {strides = array<i32>} : memref<768xf32, #tpu.memory_space<vmem>>, vector<16xf32>,
    %swap3A_1631 = arith.constant 736 : index
    %swap3A_1632 = tpu.vector_load %arg22[%swap3A_1631] {strides = array<i32>} : memref<768xf32, #tpu.memory_space<vmem>>, vector<16xf32>,
    tpu.vector_store %arg22[%swap3A_1631], %broadcast_in_dim3A_1 {strides = array<i32>} : memref<768xf32, #tpu.memory_space<vmem>>, vector<16xf32>,
    %swap3A_1633 = arith.constant 752 : index
    %swap3A_1634 = tpu.vector_load %arg22[%swap3A_1633] {strides = array<i32>} : memref<768xf32, #tpu.memory_space<vmem>>, vector<16xf32>,
    tpu.vector_store %arg22[%swap3A_1633], %broadcast_in_dim3A_1 {strides = array<i32>} : memref<768xf32, #tpu.memory_space<vmem>>, vector<16xf32>,
    %mul3A_1635 = arith.constant 336 : i32
    %mul3A_1636 = arith.muli %arg1, %mul3A_1635 : i32
    %add3A_1637 = arith.constant 0 : i32
    %add3A_1638 = arith.addi %mul3A_1636, %add3A_1637 : i32
    "tpu.region"() ({
      %run_scoped3A = tpu.sem_alloc : memref<!tpu.dma_semaphore, #tpu.memory_space<semaphore_mem>>
      %dma_start3A = arith.constant 0 : i32
      %dma_start3A_1715 = tpu.memref_slice %arg27[%add3A_1638, %dma_start3A] : memref<5376x128xf32, #tpu.memory_space<vmem_shared>> -> memref<48x128xf32, #tpu.memory_space<vmem_shared>>
      %dma_start3A_1716 = arith.constant 0 : i32
      %dma_start3A_1717 = tpu.memref_slice %arg27[%add3A_1638, %dma_start3A_1716] : memref<5376x128xf32, #tpu.memory_space<vmem_shared>> -> memref<48x128xf32, #tpu.memory_space<vmem_shared>>
      tpu.enqueue_dma source(%arg23 : memref<48x128xf32, #tpu.memory_space<vmem>>) target(%dma_start3A_1717 : memref<48x128xf32, #tpu.memory_space<vmem_shared>>) target_semaphore(%run_scoped3A : memref<!tpu.dma_semaphore, #tpu.memory_space<semaphore_mem>>)
      %dma_wait3A = arith.constant 0 : i32
      %dma_wait3A_1718 = tpu.memref_slice %arg27[%add3A_1638, %dma_wait3A] : memref<5376x128xf32, #tpu.memory_space<vmem_shared>> -> memref<48x128xf32, #tpu.memory_space<vmem_shared>>
      %dma_wait3A_1719 = arith.constant 0 : i32
      %dma_wait3A_1720 = tpu.memref_slice %arg27[%add3A_1638, %dma_wait3A_1719] : memref<5376x128xf32, #tpu.memory_space<vmem_shared>> -> memref<48x128xf32, #tpu.memory_space<vmem_shared>>
      tpu.wait_dma2 semaphore(%run_scoped3A : memref<!tpu.dma_semaphore, #tpu.memory_space<semaphore_mem>>) src(%arg23 : memref<48x128xf32, #tpu.memory_space<vmem>>) dst(%dma_wait3A_1720 : memref<48x128xf32, #tpu.memory_space<vmem_shared>>)
      tpu.yield
    }) : () -> ()
    %mul3A_1639 = arith.constant 336 : i32
    %mul3A_1640 = arith.muli %arg1, %mul3A_1639 : i32
    %add3A_1641 = arith.constant 48 : i32
    %add3A_1642 = arith.addi %mul3A_1640, %add3A_1641 : i32
    "tpu.region"() ({
      %run_scoped3A = tpu.sem_alloc : memref<!tpu.dma_semaphore, #tpu.memory_space<semaphore_mem>>
      %dma_start3A = arith.constant 0 : i32
      %dma_start3A_1715 = tpu.memref_slice %arg27[%add3A_1642, %dma_start3A] : memref<5376x128xf32, #tpu.memory_space<vmem_shared>> -> memref<48x128xf32, #tpu.memory_space<vmem_shared>>
      %dma_start3A_1716 = arith.constant 0 : i32
      %dma_start3A_1717 = tpu.memref_slice %arg27[%add3A_1642, %dma_start3A_1716] : memref<5376x128xf32, #tpu.memory_space<vmem_shared>> -> memref<48x128xf32, #tpu.memory_space<vmem_shared>>
      tpu.enqueue_dma source(%arg23 : memref<48x128xf32, #tpu.memory_space<vmem>>) target(%dma_start3A_1717 : memref<48x128xf32, #tpu.memory_space<vmem_shared>>) target_semaphore(%run_scoped3A : memref<!tpu.dma_semaphore, #tpu.memory_space<semaphore_mem>>)
      %dma_wait3A = arith.constant 0 : i32
      %dma_wait3A_1718 = tpu.memref_slice %arg27[%add3A_1642, %dma_wait3A] : memref<5376x128xf32, #tpu.memory_space<vmem_shared>> -> memref<48x128xf32, #tpu.memory_space<vmem_shared>>
      %dma_wait3A_1719 = arith.constant 0 : i32
      %dma_wait3A_1720 = tpu.memref_slice %arg27[%add3A_1642, %dma_wait3A_1719] : memref<5376x128xf32, #tpu.memory_space<vmem_shared>> -> memref<48x128xf32, #tpu.memory_space<vmem_shared>>
      tpu.wait_dma2 semaphore(%run_scoped3A : memref<!tpu.dma_semaphore, #tpu.memory_space<semaphore_mem>>) src(%arg23 : memref<48x128xf32, #tpu.memory_space<vmem>>) dst(%dma_wait3A_1720 : memref<48x128xf32, #tpu.memory_space<vmem_shared>>)
      tpu.yield
    }) : () -> ()
    %mul3A_1643 = arith.constant 336 : i32
    %mul3A_1644 = arith.muli %arg1, %mul3A_1643 : i32
    %add3A_1645 = arith.constant 96 : i32
    %add3A_1646 = arith.addi %mul3A_1644, %add3A_1645 : i32
    "tpu.region"() ({
      %run_scoped3A = tpu.sem_alloc : memref<!tpu.dma_semaphore, #tpu.memory_space<semaphore_mem>>
      %dma_start3A = arith.constant 0 : i32
      %dma_start3A_1715 = tpu.memref_slice %arg27[%add3A_1646, %dma_start3A] : memref<5376x128xf32, #tpu.memory_space<vmem_shared>> -> memref<48x128xf32, #tpu.memory_space<vmem_shared>>
      %dma_start3A_1716 = arith.constant 0 : i32
      %dma_start3A_1717 = tpu.memref_slice %arg27[%add3A_1646, %dma_start3A_1716] : memref<5376x128xf32, #tpu.memory_space<vmem_shared>> -> memref<48x128xf32, #tpu.memory_space<vmem_shared>>
      tpu.enqueue_dma source(%arg23 : memref<48x128xf32, #tpu.memory_space<vmem>>) target(%dma_start3A_1717 : memref<48x128xf32, #tpu.memory_space<vmem_shared>>) target_semaphore(%run_scoped3A : memref<!tpu.dma_semaphore, #tpu.memory_space<semaphore_mem>>)
      %dma_wait3A = arith.constant 0 : i32
      %dma_wait3A_1718 = tpu.memref_slice %arg27[%add3A_1646, %dma_wait3A] : memref<5376x128xf32, #tpu.memory_space<vmem_shared>> -> memref<48x128xf32, #tpu.memory_space<vmem_shared>>
      %dma_wait3A_1719 = arith.constant 0 : i32
      %dma_wait3A_1720 = tpu.memref_slice %arg27[%add3A_1646, %dma_wait3A_1719] : memref<5376x128xf32, #tpu.memory_space<vmem_shared>> -> memref<48x128xf32, #tpu.memory_space<vmem_shared>>
      tpu.wait_dma2 semaphore(%run_scoped3A : memref<!tpu.dma_semaphore, #tpu.memory_space<semaphore_mem>>) src(%arg23 : memref<48x128xf32, #tpu.memory_space<vmem>>) dst(%dma_wait3A_1720 : memref<48x128xf32, #tpu.memory_space<vmem_shared>>)
      tpu.yield
    }) : () -> ()
    %mul3A_1647 = arith.constant 336 : i32
    %mul3A_1648 = arith.muli %arg1, %mul3A_1647 : i32
    %add3A_1649 = arith.constant 144 : i32
    %add3A_1650 = arith.addi %mul3A_1648, %add3A_1649 : i32
    "tpu.region"() ({
      %run_scoped3A = tpu.sem_alloc : memref<!tpu.dma_semaphore, #tpu.memory_space<semaphore_mem>>
      %dma_start3A = arith.constant 0 : i32
      %dma_start3A_1715 = tpu.memref_slice %arg27[%add3A_1650, %dma_start3A] : memref<5376x128xf32, #tpu.memory_space<vmem_shared>> -> memref<48x128xf32, #tpu.memory_space<vmem_shared>>
      %dma_start3A_1716 = arith.constant 0 : i32
      %dma_start3A_1717 = tpu.memref_slice %arg27[%add3A_1650, %dma_start3A_1716] : memref<5376x128xf32, #tpu.memory_space<vmem_shared>> -> memref<48x128xf32, #tpu.memory_space<vmem_shared>>
      tpu.enqueue_dma source(%arg23 : memref<48x128xf32, #tpu.memory_space<vmem>>) target(%dma_start3A_1717 : memref<48x128xf32, #tpu.memory_space<vmem_shared>>) target_semaphore(%run_scoped3A : memref<!tpu.dma_semaphore, #tpu.memory_space<semaphore_mem>>)
      %dma_wait3A = arith.constant 0 : i32
      %dma_wait3A_1718 = tpu.memref_slice %arg27[%add3A_1650, %dma_wait3A] : memref<5376x128xf32, #tpu.memory_space<vmem_shared>> -> memref<48x128xf32, #tpu.memory_space<vmem_shared>>
      %dma_wait3A_1719 = arith.constant 0 : i32
      %dma_wait3A_1720 = tpu.memref_slice %arg27[%add3A_1650, %dma_wait3A_1719] : memref<5376x128xf32, #tpu.memory_space<vmem_shared>> -> memref<48x128xf32, #tpu.memory_space<vmem_shared>>
      tpu.wait_dma2 semaphore(%run_scoped3A : memref<!tpu.dma_semaphore, #tpu.memory_space<semaphore_mem>>) src(%arg23 : memref<48x128xf32, #tpu.memory_space<vmem>>) dst(%dma_wait3A_1720 : memref<48x128xf32, #tpu.memory_space<vmem_shared>>)
      tpu.yield
    }) : () -> ()
    %mul3A_1651 = arith.constant 336 : i32
    %mul3A_1652 = arith.muli %arg1, %mul3A_1651 : i32
    %add3A_1653 = arith.constant 192 : i32
    %add3A_1654 = arith.addi %mul3A_1652, %add3A_1653 : i32
    "tpu.region"() ({
      %run_scoped3A = tpu.sem_alloc : memref<!tpu.dma_semaphore, #tpu.memory_space<semaphore_mem>>
      %dma_start3A = arith.constant 0 : i32
      %dma_start3A_1715 = tpu.memref_slice %arg27[%add3A_1654, %dma_start3A] : memref<5376x128xf32, #tpu.memory_space<vmem_shared>> -> memref<48x128xf32, #tpu.memory_space<vmem_shared>>
      %dma_start3A_1716 = arith.constant 0 : i32
      %dma_start3A_1717 = tpu.memref_slice %arg27[%add3A_1654, %dma_start3A_1716] : memref<5376x128xf32, #tpu.memory_space<vmem_shared>> -> memref<48x128xf32, #tpu.memory_space<vmem_shared>>
      tpu.enqueue_dma source(%arg23 : memref<48x128xf32, #tpu.memory_space<vmem>>) target(%dma_start3A_1717 : memref<48x128xf32, #tpu.memory_space<vmem_shared>>) target_semaphore(%run_scoped3A : memref<!tpu.dma_semaphore, #tpu.memory_space<semaphore_mem>>)
      %dma_wait3A = arith.constant 0 : i32
      %dma_wait3A_1718 = tpu.memref_slice %arg27[%add3A_1654, %dma_wait3A] : memref<5376x128xf32, #tpu.memory_space<vmem_shared>> -> memref<48x128xf32, #tpu.memory_space<vmem_shared>>
      %dma_wait3A_1719 = arith.constant 0 : i32
      %dma_wait3A_1720 = tpu.memref_slice %arg27[%add3A_1654, %dma_wait3A_1719] : memref<5376x128xf32, #tpu.memory_space<vmem_shared>> -> memref<48x128xf32, #tpu.memory_space<vmem_shared>>
      tpu.wait_dma2 semaphore(%run_scoped3A : memref<!tpu.dma_semaphore, #tpu.memory_space<semaphore_mem>>) src(%arg23 : memref<48x128xf32, #tpu.memory_space<vmem>>) dst(%dma_wait3A_1720 : memref<48x128xf32, #tpu.memory_space<vmem_shared>>)
      tpu.yield
    }) : () -> ()
    %mul3A_1655 = arith.constant 336 : i32
    %mul3A_1656 = arith.muli %arg1, %mul3A_1655 : i32
    %add3A_1657 = arith.constant 240 : i32
    %add3A_1658 = arith.addi %mul3A_1656, %add3A_1657 : i32
    "tpu.region"() ({
      %run_scoped3A = tpu.sem_alloc : memref<!tpu.dma_semaphore, #tpu.memory_space<semaphore_mem>>
      %dma_start3A = arith.constant 0 : i32
      %dma_start3A_1715 = tpu.memref_slice %arg27[%add3A_1658, %dma_start3A] : memref<5376x128xf32, #tpu.memory_space<vmem_shared>> -> memref<48x128xf32, #tpu.memory_space<vmem_shared>>
      %dma_start3A_1716 = arith.constant 0 : i32
      %dma_start3A_1717 = tpu.memref_slice %arg27[%add3A_1658, %dma_start3A_1716] : memref<5376x128xf32, #tpu.memory_space<vmem_shared>> -> memref<48x128xf32, #tpu.memory_space<vmem_shared>>
      tpu.enqueue_dma source(%arg23 : memref<48x128xf32, #tpu.memory_space<vmem>>) target(%dma_start3A_1717 : memref<48x128xf32, #tpu.memory_space<vmem_shared>>) target_semaphore(%run_scoped3A : memref<!tpu.dma_semaphore, #tpu.memory_space<semaphore_mem>>)
      %dma_wait3A = arith.constant 0 : i32
      %dma_wait3A_1718 = tpu.memref_slice %arg27[%add3A_1658, %dma_wait3A] : memref<5376x128xf32, #tpu.memory_space<vmem_shared>> -> memref<48x128xf32, #tpu.memory_space<vmem_shared>>
      %dma_wait3A_1719 = arith.constant 0 : i32
      %dma_wait3A_1720 = tpu.memref_slice %arg27[%add3A_1658, %dma_wait3A_1719] : memref<5376x128xf32, #tpu.memory_space<vmem_shared>> -> memref<48x128xf32, #tpu.memory_space<vmem_shared>>
      tpu.wait_dma2 semaphore(%run_scoped3A : memref<!tpu.dma_semaphore, #tpu.memory_space<semaphore_mem>>) src(%arg23 : memref<48x128xf32, #tpu.memory_space<vmem>>) dst(%dma_wait3A_1720 : memref<48x128xf32, #tpu.memory_space<vmem_shared>>)
      tpu.yield
    }) : () -> ()
    %mul3A_1659 = arith.constant 336 : i32
    %mul3A_1660 = arith.muli %arg1, %mul3A_1659 : i32
    %add3A_1661 = arith.constant 288 : i32
    %add3A_1662 = arith.addi %mul3A_1660, %add3A_1661 : i32
    "tpu.region"() ({
      %run_scoped3A = tpu.sem_alloc : memref<!tpu.dma_semaphore, #tpu.memory_space<semaphore_mem>>
      %dma_start3A = arith.constant 0 : i32
      %dma_start3A_1715 = tpu.memref_slice %arg27[%add3A_1662, %dma_start3A] : memref<5376x128xf32, #tpu.memory_space<vmem_shared>> -> memref<48x128xf32, #tpu.memory_space<vmem_shared>>
      %dma_start3A_1716 = arith.constant 0 : i32
      %dma_start3A_1717 = tpu.memref_slice %arg27[%add3A_1662, %dma_start3A_1716] : memref<5376x128xf32, #tpu.memory_space<vmem_shared>> -> memref<48x128xf32, #tpu.memory_space<vmem_shared>>
      tpu.enqueue_dma source(%arg23 : memref<48x128xf32, #tpu.memory_space<vmem>>) target(%dma_start3A_1717 : memref<48x128xf32, #tpu.memory_space<vmem_shared>>) target_semaphore(%run_scoped3A : memref<!tpu.dma_semaphore, #tpu.memory_space<semaphore_mem>>)
      %dma_wait3A = arith.constant 0 : i32
      %dma_wait3A_1718 = tpu.memref_slice %arg27[%add3A_1662, %dma_wait3A] : memref<5376x128xf32, #tpu.memory_space<vmem_shared>> -> memref<48x128xf32, #tpu.memory_space<vmem_shared>>
      %dma_wait3A_1719 = arith.constant 0 : i32
      %dma_wait3A_1720 = tpu.memref_slice %arg27[%add3A_1662, %dma_wait3A_1719] : memref<5376x128xf32, #tpu.memory_space<vmem_shared>> -> memref<48x128xf32, #tpu.memory_space<vmem_shared>>
      tpu.wait_dma2 semaphore(%run_scoped3A : memref<!tpu.dma_semaphore, #tpu.memory_space<semaphore_mem>>) src(%arg23 : memref<48x128xf32, #tpu.memory_space<vmem>>) dst(%dma_wait3A_1720 : memref<48x128xf32, #tpu.memory_space<vmem_shared>>)
      tpu.yield
    }) : () -> ()
    "tpu.region"() ({
      %run_scoped3A = tpu.sem_alloc : memref<!tpu.dma_semaphore, #tpu.memory_space<semaphore_mem>>
      tpu.enqueue_dma source(%arg2 : memref<960xi32, #tpu.memory_space<hbm>>) target(%arg11 : memref<960xi32, #tpu.memory_space<vmem>>) target_semaphore(%run_scoped3A : memref<!tpu.dma_semaphore, #tpu.memory_space<semaphore_mem>>)
      tpu.wait_dma2 semaphore(%run_scoped3A : memref<!tpu.dma_semaphore, #tpu.memory_space<semaphore_mem>>) src(%arg2 : memref<960xi32, #tpu.memory_space<hbm>>) dst(%arg11 : memref<960xi32, #tpu.memory_space<vmem>>)
      tpu.yield
    }) : () -> ()
    %scan3A = arith.constant 0 : i32
    %scan3A_1663 = arith.constant 0 : i32
    %scan3A_1664 = arith.constant 40 : i32
    %scan3A_1665 = arith.addi %scan3A_1663, %scan3A_1664 : i32
    %scan3A_1666 = arith.constant 1 : i32
    %scan3A_1667 = scf.for %scan3A_1715 = %scan3A_1663 to %scan3A_1665 step %scan3A_1666 iter_args(%scan3A_1716 = %scan3A) -> (i32)  : i32 {
      %mul3A_1717 = arith.constant 16 : i32
      %mul3A_1718 = arith.muli %scan3A_1715, %mul3A_1717 : i32
      %add3A_1719 = vector.broadcast %mul3A_1718 : i32 to vector<16xi32>
      %add3A_1720 = arith.addi %add3A_1719, %iota3A : vector<16xi32>
      %shift_right_arithmetic3A = arith.constant 1 : i32
      %shift_right_arithmetic3A_1721 = vector.broadcast %shift_right_arithmetic3A : i32 to vector<16xi32>
      %shift_right_arithmetic3A_1722 = arith.shrsi %add3A_1720, %shift_right_arithmetic3A_1721 : vector<16xi32>
      %mul3A_1723 = arith.constant 3 : i32
      %mul3A_1724 = vector.broadcast %mul3A_1723 : i32 to vector<16xi32>
      %mul3A_1725 = arith.muli %shift_right_arithmetic3A_1722, %mul3A_1724 : vector<16xi32>
      %and3A_1726 = arith.constant 1 : i32
      %and3A_1727 = vector.broadcast %and3A_1726 : i32 to vector<16xi32>
      %and3A_1728 = arith.andi %add3A_1720, %and3A_1727 : vector<16xi32>
      %mul3A_1729 = arith.constant 2 : i32
      %mul3A_1730 = vector.broadcast %mul3A_1729 : i32 to vector<16xi32>
      %mul3A_1731 = arith.muli %and3A_1728, %mul3A_1730 : vector<16xi32>
      %add3A_1732 = arith.addi %mul3A_1725, %mul3A_1731 : vector<16xi32>
      %gather3A = tpu.vector_load_idx %arg11[%add3A_1732] : memref<960xi32, #tpu.memory_space<vmem>>[vector<16xi32>], vector<16xi32>,
      %mul3A_1733 = arith.constant 16 : i32
      %mul3A_1734 = arith.muli %scan3A_1715, %mul3A_1733 : i32
      %swap3A_1735 = arith.index_cast %mul3A_1734 : i32 to index
      %swap3A_1736 = tpu.vector_load %arg12[%swap3A_1735] {strides = array<i32>} : memref<640xi32, #tpu.memory_space<vmem>>, vector<16xi32>,
      tpu.vector_store %arg12[%swap3A_1735], %gather3A {strides = array<i32>} : memref<640xi32, #tpu.memory_space<vmem>>, vector<16xi32>,
      %scan3A_1737 = arith.constant 0 : i32
      scf.yield %scan3A_1737 : i32
    }
    %scan3A_1668 = arith.constant 40 : i32
    %scan3A_1669 = arith.constant 0 : i32
    %scan3A_1670 = arith.constant 0 : i32
    %scan3A_1671 = arith.constant 626 : i32
    %scan3A_1672 = arith.addi %scan3A_1670, %scan3A_1671 : i32
    %scan3A_1673 = arith.constant 1 : i32
    %scan3A_1674 = scf.for %scan3A_1715 = %scan3A_1670 to %scan3A_1672 step %scan3A_1673 iter_args(%scan3A_1716 = %scan3A_1669) -> (i32)  : i32 {
      %broadcast_in_dim3A_1717 = arith.constant -1 : i32
      %broadcast_in_dim3A_1718 = vector.broadcast %broadcast_in_dim3A_1717 : i32 to vector<16xi32>
      %mul3A_1719 = arith.constant 16 : i32
      %mul3A_1720 = arith.muli %scan3A_1715, %mul3A_1719 : i32
      %swap3A_1721 = arith.index_cast %mul3A_1720 : i32 to index
      %swap3A_1722 = tpu.vector_load %arg13[%swap3A_1721] {strides = array<i32>} : memref<10016xi32, #tpu.memory_space<vmem>>, vector<16xi32>,
      tpu.vector_store %arg13[%swap3A_1721], %broadcast_in_dim3A_1718 {strides = array<i32>} : memref<10016xi32, #tpu.memory_space<vmem>>, vector<16xi32>,
      %scan3A_1723 = arith.constant 0 : i32
      scf.yield %scan3A_1723 : i32
    }
    %scan3A_1675 = arith.constant 626 : i32
    %scan3A_1676 = arith.constant 0 : i32
    %scan3A_1677 = arith.constant 0 : i32
    %scan3A_1678 = arith.constant 40 : i32
    %scan3A_1679 = arith.addi %scan3A_1677, %scan3A_1678 : i32
    %scan3A_1680 = arith.constant 1 : i32
    %scan3A_1681 = scf.for %scan3A_1715 = %scan3A_1677 to %scan3A_1679 step %scan3A_1680 iter_args(%scan3A_1716 = %scan3A_1676) -> (i32)  : i32 {
      %mul3A_1717 = arith.constant 16 : i32
      %mul3A_1718 = arith.muli %scan3A_1715, %mul3A_1717 : i32
      %get3A = arith.index_cast %mul3A_1718 : i32 to index
      %get3A_1719 = tpu.vector_load %arg12[%get3A] {strides = array<i32>} : memref<640xi32, #tpu.memory_space<vmem>>, vector<16xi32>,
      %mul3A_1720 = arith.constant 16 : i32
      %mul3A_1721 = arith.muli %scan3A_1715, %mul3A_1720 : i32
      %add3A_1722 = vector.broadcast %mul3A_1721 : i32 to vector<16xi32>
      %add3A_1723 = arith.addi %add3A_1722, %iota3A : vector<16xi32>
      tpu.vector_store_idx %arg13[%get3A_1719], %add3A_1723 : memref<10016xi32, #tpu.memory_space<vmem>>[vector<16xi32>], vector<16xi32>,
      %scan3A_1724 = arith.constant 0 : i32
      scf.yield %scan3A_1724 : i32
    }
    %scan3A_1682 = arith.constant 40 : i32
    %barrier3A = arith.constant 0 : index
    tpu.barrier barrier_id(%barrier3A)
    %scan3A_1683 = arith.constant 0 : i32
    %scan3A_1684 = arith.constant 0 : i32
    %scan3A_1685 = arith.constant 5 : i32
    %scan3A_1686 = arith.addi %scan3A_1684, %scan3A_1685 : i32
    %scan3A_1687 = arith.constant 1 : i32
    %scan3A_1688 = scf.for %scan3A_1715 = %scan3A_1684 to %scan3A_1686 step %scan3A_1687 iter_args(%scan3A_1716 = %scan3A_1683) -> (i32)  : i32 {
      %mul3A_1717 = arith.constant 10000 : i32
      %mul3A_1718 = arith.muli %add3A, %mul3A_1717 : i32
      %mul3A_1719 = arith.constant 2000 : i32
      %mul3A_1720 = arith.muli %scan3A_1715, %mul3A_1719 : i32
      %add3A_1721 = arith.addi %mul3A_1718, %mul3A_1720 : i32
      "tpu.region"() ({
        %run_scoped3A = tpu.sem_alloc : memref<!tpu.dma_semaphore, #tpu.memory_space<semaphore_mem>>
        %dma_start3A = tpu.memref_slice %arg3[%add3A_1721] : memref<320000xi32, #tpu.memory_space<hbm>> -> memref<2000xi32, #tpu.memory_space<hbm>>
        %dma_start3A_1903 = tpu.memref_slice %arg3[%add3A_1721] : memref<320000xi32, #tpu.memory_space<hbm>> -> memref<2000xi32, #tpu.memory_space<hbm>>
        tpu.enqueue_dma source(%dma_start3A_1903 : memref<2000xi32, #tpu.memory_space<hbm>>) target(%arg14 : memref<2000xi32, #tpu.memory_space<vmem>>) target_semaphore(%run_scoped3A : memref<!tpu.dma_semaphore, #tpu.memory_space<semaphore_mem>>)
        %dma_wait3A = tpu.memref_slice %arg3[%add3A_1721] : memref<320000xi32, #tpu.memory_space<hbm>> -> memref<2000xi32, #tpu.memory_space<hbm>>
        %dma_wait3A_1904 = tpu.memref_slice %arg3[%add3A_1721] : memref<320000xi32, #tpu.memory_space<hbm>> -> memref<2000xi32, #tpu.memory_space<hbm>>
        tpu.wait_dma2 semaphore(%run_scoped3A : memref<!tpu.dma_semaphore, #tpu.memory_space<semaphore_mem>>) src(%dma_wait3A_1904 : memref<2000xi32, #tpu.memory_space<hbm>>) dst(%arg14 : memref<2000xi32, #tpu.memory_space<vmem>>)
        tpu.yield
      }) : () -> ()
      "tpu.region"() ({
        %run_scoped3A = tpu.sem_alloc : memref<!tpu.dma_semaphore, #tpu.memory_space<semaphore_mem>>
        %dma_start3A = tpu.memref_slice %arg4[%add3A_1721] : memref<320000xi32, #tpu.memory_space<hbm>> -> memref<2000xi32, #tpu.memory_space<hbm>>
        %dma_start3A_1903 = tpu.memref_slice %arg4[%add3A_1721] : memref<320000xi32, #tpu.memory_space<hbm>> -> memref<2000xi32, #tpu.memory_space<hbm>>
        tpu.enqueue_dma source(%dma_start3A_1903 : memref<2000xi32, #tpu.memory_space<hbm>>) target(%arg15 : memref<2000xi32, #tpu.memory_space<vmem>>) target_semaphore(%run_scoped3A : memref<!tpu.dma_semaphore, #tpu.memory_space<semaphore_mem>>)
        %dma_wait3A = tpu.memref_slice %arg4[%add3A_1721] : memref<320000xi32, #tpu.memory_space<hbm>> -> memref<2000xi32, #tpu.memory_space<hbm>>
        %dma_wait3A_1904 = tpu.memref_slice %arg4[%add3A_1721] : memref<320000xi32, #tpu.memory_space<hbm>> -> memref<2000xi32, #tpu.memory_space<hbm>>
        tpu.wait_dma2 semaphore(%run_scoped3A : memref<!tpu.dma_semaphore, #tpu.memory_space<semaphore_mem>>) src(%dma_wait3A_1904 : memref<2000xi32, #tpu.memory_space<hbm>>) dst(%arg15 : memref<2000xi32, #tpu.memory_space<vmem>>)
        tpu.yield
      }) : () -> ()
      "tpu.region"() ({
        %run_scoped3A = tpu.sem_alloc : memref<!tpu.dma_semaphore, #tpu.memory_space<semaphore_mem>>
        %dma_start3A = tpu.memref_slice %arg5[%add3A_1721] : memref<320000xi32, #tpu.memory_space<hbm>> -> memref<2000xi32, #tpu.memory_space<hbm>>
        %dma_start3A_1903 = tpu.memref_slice %arg5[%add3A_1721] : memref<320000xi32, #tpu.memory_space<hbm>> -> memref<2000xi32, #tpu.memory_space<hbm>>
        tpu.enqueue_dma source(%dma_start3A_1903 : memref<2000xi32, #tpu.memory_space<hbm>>) target(%arg16 : memref<2000xi32, #tpu.memory_space<vmem>>) target_semaphore(%run_scoped3A : memref<!tpu.dma_semaphore, #tpu.memory_space<semaphore_mem>>)
        %dma_wait3A = tpu.memref_slice %arg5[%add3A_1721] : memref<320000xi32, #tpu.memory_space<hbm>> -> memref<2000xi32, #tpu.memory_space<hbm>>
        %dma_wait3A_1904 = tpu.memref_slice %arg5[%add3A_1721] : memref<320000xi32, #tpu.memory_space<hbm>> -> memref<2000xi32, #tpu.memory_space<hbm>>
        tpu.wait_dma2 semaphore(%run_scoped3A : memref<!tpu.dma_semaphore, #tpu.memory_space<semaphore_mem>>) src(%dma_wait3A_1904 : memref<2000xi32, #tpu.memory_space<hbm>>) dst(%arg16 : memref<2000xi32, #tpu.memory_space<vmem>>)
        tpu.yield
      }) : () -> ()
      %scan3A_1722 = arith.constant 0 : i32
      %scan3A_1723 = arith.constant 125 : i32
      %scan3A_1724 = arith.addi %scan3A_1722, %scan3A_1723 : i32
      %scan3A_1725 = arith.constant 1 : i32
      %scan3A_1726 = scf.for %scan3A_1903 = %scan3A_1722 to %scan3A_1724 step %scan3A_1725 iter_args(%scan3A_1904 = %scan3A_1716) -> (i32)  : i32 {
        %mul3A_1905 = arith.constant 16 : i32
        %mul3A_1906 = arith.muli %scan3A_1903, %mul3A_1905 : i32
        %get3A_1907 = arith.index_cast %mul3A_1906 : i32 to index
        %get3A_1908 = tpu.vector_load %arg15[%get3A_1907] {strides = array<i32>} : memref<2000xi32, #tpu.memory_space<vmem>>, vector<16xi32>,
        %gather3A = tpu.vector_load_idx %arg13[%get3A_1908] : memref<10016xi32, #tpu.memory_space<vmem>>[vector<16xi32>], vector<16xi32>,
        %ge3A = arith.constant 0 : i32
        %ge3A_1909 = vector.broadcast %ge3A : i32 to vector<16xi32>
        %ge3A_1910 = arith.cmpi sge, %gather3A, %ge3A_1909 : vector<16xi32>
        %get3A_1911 = arith.index_cast %mul3A_1906 : i32 to index
        %get3A_1912 = tpu.vector_load %arg14[%get3A_1911] {strides = array<i32>} : memref<2000xi32, #tpu.memory_space<vmem>>, vector<16xi32>,
        %get3A_1913 = arith.index_cast %mul3A_1906 : i32 to index
        %get3A_1914 = tpu.vector_load %arg16[%get3A_1913] {strides = array<i32>} : memref<2000xi32, #tpu.memory_space<vmem>>, vector<16xi32>,
        %mul3A_1915 = arith.constant 640 : i32
        %mul3A_1916 = vector.broadcast %mul3A_1915 : i32 to vector<16xi32>
        %mul3A_1917 = arith.muli %get3A_1914, %mul3A_1916 : vector<16xi32>
        %add3A_1918 = arith.addi %mul3A_1917, %gather3A : vector<16xi32>
        %swap3A_1919 = arith.index_cast %scan3A_1904 : i32 to index
        %swap3A_1920 = tpu.vector_load %arg17[%swap3A_1919] masked %ge3A_1910 {strides = array<i32>} : memref<2256xi32, #tpu.memory_space<vmem>>, vector<16xi32>, vector<16xi1>
        tpu.vector_store %arg17[%swap3A_1919], %get3A_1912 masked %ge3A_1910 {strides = array<i32>} : memref<2256xi32, #tpu.memory_space<vmem>>, vector<16xi32>, vector<16xi1>
        %swap3A_1921 = arith.index_cast %scan3A_1904 : i32 to index
        %swap3A_1922 = tpu.vector_load %arg18[%swap3A_1921] masked %ge3A_1910 {strides = array<i32>} : memref<2256xi32, #tpu.memory_space<vmem>>, vector<16xi32>, vector<16xi1>
        tpu.vector_store %arg18[%swap3A_1921], %add3A_1918 masked %ge3A_1910 {strides = array<i32>} : memref<2256xi32, #tpu.memory_space<vmem>>, vector<16xi32>, vector<16xi1>
        tpu.vector_store_idx %arg22[%gather3A], %broadcast_in_dim3A_3 masked %ge3A_1910 {add = true} : memref<768xf32, #tpu.memory_space<vmem>>[vector<16xi32>], vector<16xf32>, vector<16xi1>
        %all_reduce_population_count3A = tpu.all_reduce %ge3A_1910 {dim = 0 : i64, kind = #tpu.reduction_kind<sum>} : vector<16xi1> -> vector<16xi32>
        %slice3A = vector.extract_strided_slice %all_reduce_population_count3A {offsets = [0], sizes = [1], strides = [1]} : vector<16xi32> to vector<1xi32>
        %squeeze3A = vector.extract %slice3A[0] : i32 from vector<1xi32>
        %add3A_1923 = arith.addi %scan3A_1904, %squeeze3A : i32
        scf.yield %add3A_1923 : i32
      }
      %scan3A_1727 = arith.constant 125 : i32
      %shift_right_arithmetic3A = arith.constant 7 : i32
      %shift_right_arithmetic3A_1728 = arith.shrsi %scan3A_1726, %shift_right_arithmetic3A : i32
      %while3A = arith.constant 0 : i32
      %while3A_1729 = arith.constant 0 : i32
      %while3A_1730 = arith.subi %shift_right_arithmetic3A_1728, %while3A : i32
      %while3A_1731 = arith.addi %while3A, %while3A_1730 : i32
      %while3A_1732 = arith.constant 1 : i32
      %while3A_1733 = arith.divsi %while3A_1730, %while3A_1732 : i32
      %while3A_1734 = arith.muli %while3A_1733, %while3A_1732 : i32
      %while3A_1735 = arith.addi %while3A, %while3A_1734 : i32
      %while3A_1736 = arith.constant 1 : i32
      %while3A_1737 = scf.for %while3A_1903 = %while3A to %while3A_1735 step %while3A_1736 iter_args(%while3A_1904 = %while3A_1729) -> (i32)  : i32 {
        %mul3A_1905 = arith.constant 128 : i32
        %mul3A_1906 = arith.muli %while3A_1903, %mul3A_1905 : i32
        %add3A_1907 = arith.constant 0 : i32
        %add3A_1908 = arith.addi %mul3A_1906, %add3A_1907 : i32
        %get3A_1909 = arith.index_cast %add3A_1908 : i32 to index
        %get3A_1910 = tpu.vector_load %arg17[%get3A_1909] {strides = array<i32>} : memref<2256xi32, #tpu.memory_space<vmem>>, vector<16xi32>,
        %swap3A_1911 = arith.constant 0 : index
        %swap3A_1912 = tpu.vector_load %arg19[%swap3A_1911] {strides = array<i32>} : memref<128xi32, #tpu.memory_space<vmem>>, vector<16xi32>,
        tpu.vector_store %arg19[%swap3A_1911], %get3A_1910 {strides = array<i32>} : memref<128xi32, #tpu.memory_space<vmem>>, vector<16xi32>,
        %add3A_1913 = arith.constant 0 : i32
        %add3A_1914 = arith.addi %mul3A_1906, %add3A_1913 : i32
        %get3A_1915 = arith.index_cast %add3A_1914 : i32 to index
        %get3A_1916 = tpu.vector_load %arg18[%get3A_1915] {strides = array<i32>} : memref<2256xi32, #tpu.memory_space<vmem>>, vector<16xi32>,
        %swap3A_1917 = arith.constant 0 : index
        %swap3A_1918 = tpu.vector_load %arg20[%swap3A_1917] {strides = array<i32>} : memref<128xi32, #tpu.memory_space<vmem>>, vector<16xi32>,
        tpu.vector_store %arg20[%swap3A_1917], %get3A_1916 {strides = array<i32>} : memref<128xi32, #tpu.memory_space<vmem>>, vector<16xi32>,
        %add3A_1919 = arith.constant 16 : i32
        %add3A_1920 = arith.addi %mul3A_1906, %add3A_1919 : i32
        %get3A_1921 = arith.index_cast %add3A_1920 : i32 to index
        %get3A_1922 = tpu.vector_load %arg17[%get3A_1921] {strides = array<i32>} : memref<2256xi32, #tpu.memory_space<vmem>>, vector<16xi32>,
        %swap3A_1923 = arith.constant 16 : index
        %swap3A_1924 = tpu.vector_load %arg19[%swap3A_1923] {strides = array<i32>} : memref<128xi32, #tpu.memory_space<vmem>>, vector<16xi32>,
        tpu.vector_store %arg19[%swap3A_1923], %get3A_1922 {strides = array<i32>} : memref<128xi32, #tpu.memory_space<vmem>>, vector<16xi32>,
        %add3A_1925 = arith.constant 16 : i32
        %add3A_1926 = arith.addi %mul3A_1906, %add3A_1925 : i32
        %get3A_1927 = arith.index_cast %add3A_1926 : i32 to index
        %get3A_1928 = tpu.vector_load %arg18[%get3A_1927] {strides = array<i32>} : memref<2256xi32, #tpu.memory_space<vmem>>, vector<16xi32>,
        %swap3A_1929 = arith.constant 16 : index
        %swap3A_1930 = tpu.vector_load %arg20[%swap3A_1929] {strides = array<i32>} : memref<128xi32, #tpu.memory_space<vmem>>, vector<16xi32>,
        tpu.vector_store %arg20[%swap3A_1929], %get3A_1928 {strides = array<i32>} : memref<128xi32, #tpu.memory_space<vmem>>, vector<16xi32>,
        %add3A_1931 = arith.constant 32 : i32
        %add3A_1932 = arith.addi %mul3A_1906, %add3A_1931 : i32
        %get3A_1933 = arith.index_cast %add3A_1932 : i32 to index
        %get3A_1934 = tpu.vector_load %arg17[%get3A_1933] {strides = array<i32>} : memref<2256xi32, #tpu.memory_space<vmem>>, vector<16xi32>,
        %swap3A_1935 = arith.constant 32 : index
        %swap3A_1936 = tpu.vector_load %arg19[%swap3A_1935] {strides = array<i32>} : memref<128xi32, #tpu.memory_space<vmem>>, vector<16xi32>,
        tpu.vector_store %arg19[%swap3A_1935], %get3A_1934 {strides = array<i32>} : memref<128xi32, #tpu.memory_space<vmem>>, vector<16xi32>,
        %add3A_1937 = arith.constant 32 : i32
        %add3A_1938 = arith.addi %mul3A_1906, %add3A_1937 : i32
        %get3A_1939 = arith.index_cast %add3A_1938 : i32 to index
        %get3A_1940 = tpu.vector_load %arg18[%get3A_1939] {strides = array<i32>} : memref<2256xi32, #tpu.memory_space<vmem>>, vector<16xi32>,
        %swap3A_1941 = arith.constant 32 : index
        %swap3A_1942 = tpu.vector_load %arg20[%swap3A_1941] {strides = array<i32>} : memref<128xi32, #tpu.memory_space<vmem>>, vector<16xi32>,
        tpu.vector_store %arg20[%swap3A_1941], %get3A_1940 {strides = array<i32>} : memref<128xi32, #tpu.memory_space<vmem>>, vector<16xi32>,
        %add3A_1943 = arith.constant 48 : i32
        %add3A_1944 = arith.addi %mul3A_1906, %add3A_1943 : i32
        %get3A_1945 = arith.index_cast %add3A_1944 : i32 to index
        %get3A_1946 = tpu.vector_load %arg17[%get3A_1945] {strides = array<i32>} : memref<2256xi32, #tpu.memory_space<vmem>>, vector<16xi32>,
        %swap3A_1947 = arith.constant 48 : index
        %swap3A_1948 = tpu.vector_load %arg19[%swap3A_1947] {strides = array<i32>} : memref<128xi32, #tpu.memory_space<vmem>>, vector<16xi32>,
        tpu.vector_store %arg19[%swap3A_1947], %get3A_1946 {strides = array<i32>} : memref<128xi32, #tpu.memory_space<vmem>>, vector<16xi32>,
        %add3A_1949 = arith.constant 48 : i32
        %add3A_1950 = arith.addi %mul3A_1906, %add3A_1949 : i32
        %get3A_1951 = arith.index_cast %add3A_1950 : i32 to index
        %get3A_1952 = tpu.vector_load %arg18[%get3A_1951] {strides = array<i32>} : memref<2256xi32, #tpu.memory_space<vmem>>, vector<16xi32>,
        %swap3A_1953 = arith.constant 48 : index
        %swap3A_1954 = tpu.vector_load %arg20[%swap3A_1953] {strides = array<i32>} : memref<128xi32, #tpu.memory_space<vmem>>, vector<16xi32>,
        tpu.vector_store %arg20[%swap3A_1953], %get3A_1952 {strides = array<i32>} : memref<128xi32, #tpu.memory_space<vmem>>, vector<16xi32>,
        %add3A_1955 = arith.constant 64 : i32
        %add3A_1956 = arith.addi %mul3A_1906, %add3A_1955 : i32
        %get3A_1957 = arith.index_cast %add3A_1956 : i32 to index
        %get3A_1958 = tpu.vector_load %arg17[%get3A_1957] {strides = array<i32>} : memref<2256xi32, #tpu.memory_space<vmem>>, vector<16xi32>,
        %swap3A_1959 = arith.constant 64 : index
        %swap3A_1960 = tpu.vector_load %arg19[%swap3A_1959] {strides = array<i32>} : memref<128xi32, #tpu.memory_space<vmem>>, vector<16xi32>,
        tpu.vector_store %arg19[%swap3A_1959], %get3A_1958 {strides = array<i32>} : memref<128xi32, #tpu.memory_space<vmem>>, vector<16xi32>,
        %add3A_1961 = arith.constant 64 : i32
        %add3A_1962 = arith.addi %mul3A_1906, %add3A_1961 : i32
        %get3A_1963 = arith.index_cast %add3A_1962 : i32 to index
        %get3A_1964 = tpu.vector_load %arg18[%get3A_1963] {strides = array<i32>} : memref<2256xi32, #tpu.memory_space<vmem>>, vector<16xi32>,
        %swap3A_1965 = arith.constant 64 : index
        %swap3A_1966 = tpu.vector_load %arg20[%swap3A_1965] {strides = array<i32>} : memref<128xi32, #tpu.memory_space<vmem>>, vector<16xi32>,
        tpu.vector_store %arg20[%swap3A_1965], %get3A_1964 {strides = array<i32>} : memref<128xi32, #tpu.memory_space<vmem>>, vector<16xi32>,
        %add3A_1967 = arith.constant 80 : i32
        %add3A_1968 = arith.addi %mul3A_1906, %add3A_1967 : i32
        %get3A_1969 = arith.index_cast %add3A_1968 : i32 to index
        %get3A_1970 = tpu.vector_load %arg17[%get3A_1969] {strides = array<i32>} : memref<2256xi32, #tpu.memory_space<vmem>>, vector<16xi32>,
        %swap3A_1971 = arith.constant 80 : index
        %swap3A_1972 = tpu.vector_load %arg19[%swap3A_1971] {strides = array<i32>} : memref<128xi32, #tpu.memory_space<vmem>>, vector<16xi32>,
        tpu.vector_store %arg19[%swap3A_1971], %get3A_1970 {strides = array<i32>} : memref<128xi32, #tpu.memory_space<vmem>>, vector<16xi32>,
        %add3A_1973 = arith.constant 80 : i32
        %add3A_1974 = arith.addi %mul3A_1906, %add3A_1973 : i32
        %get3A_1975 = arith.index_cast %add3A_1974 : i32 to index
        %get3A_1976 = tpu.vector_load %arg18[%get3A_1975] {strides = array<i32>} : memref<2256xi32, #tpu.memory_space<vmem>>, vector<16xi32>,
        %swap3A_1977 = arith.constant 80 : index
        %swap3A_1978 = tpu.vector_load %arg20[%swap3A_1977] {strides = array<i32>} : memref<128xi32, #tpu.memory_space<vmem>>, vector<16xi32>,
        tpu.vector_store %arg20[%swap3A_1977], %get3A_1976 {strides = array<i32>} : memref<128xi32, #tpu.memory_space<vmem>>, vector<16xi32>,
        %add3A_1979 = arith.constant 96 : i32
        %add3A_1980 = arith.addi %mul3A_1906, %add3A_1979 : i32
        %get3A_1981 = arith.index_cast %add3A_1980 : i32 to index
        %get3A_1982 = tpu.vector_load %arg17[%get3A_1981] {strides = array<i32>} : memref<2256xi32, #tpu.memory_space<vmem>>, vector<16xi32>,
        %swap3A_1983 = arith.constant 96 : index
        %swap3A_1984 = tpu.vector_load %arg19[%swap3A_1983] {strides = array<i32>} : memref<128xi32, #tpu.memory_space<vmem>>, vector<16xi32>,
        tpu.vector_store %arg19[%swap3A_1983], %get3A_1982 {strides = array<i32>} : memref<128xi32, #tpu.memory_space<vmem>>, vector<16xi32>,
        %add3A_1985 = arith.constant 96 : i32
        %add3A_1986 = arith.addi %mul3A_1906, %add3A_1985 : i32
        %get3A_1987 = arith.index_cast %add3A_1986 : i32 to index
        %get3A_1988 = tpu.vector_load %arg18[%get3A_1987] {strides = array<i32>} : memref<2256xi32, #tpu.memory_space<vmem>>, vector<16xi32>,
        %swap3A_1989 = arith.constant 96 : index
        %swap3A_1990 = tpu.vector_load %arg20[%swap3A_1989] {strides = array<i32>} : memref<128xi32, #tpu.memory_space<vmem>>, vector<16xi32>,
        tpu.vector_store %arg20[%swap3A_1989], %get3A_1988 {strides = array<i32>} : memref<128xi32, #tpu.memory_space<vmem>>, vector<16xi32>,
        %add3A_1991 = arith.constant 112 : i32
        %add3A_1992 = arith.addi %mul3A_1906, %add3A_1991 : i32
        %get3A_1993 = arith.index_cast %add3A_1992 : i32 to index
        %get3A_1994 = tpu.vector_load %arg17[%get3A_1993] {strides = array<i32>} : memref<2256xi32, #tpu.memory_space<vmem>>, vector<16xi32>,
        %swap3A_1995 = arith.constant 112 : index
        %swap3A_1996 = tpu.vector_load %arg19[%swap3A_1995] {strides = array<i32>} : memref<128xi32, #tpu.memory_space<vmem>>, vector<16xi32>,
        tpu.vector_store %arg19[%swap3A_1995], %get3A_1994 {strides = array<i32>} : memref<128xi32, #tpu.memory_space<vmem>>, vector<16xi32>,
        %add3A_1997 = arith.constant 112 : i32
        %add3A_1998 = arith.addi %mul3A_1906, %add3A_1997 : i32
        %get3A_1999 = arith.index_cast %add3A_1998 : i32 to index
        %get3A_2000 = tpu.vector_load %arg18[%get3A_1999] {strides = array<i32>} : memref<2256xi32, #tpu.memory_space<vmem>>, vector<16xi32>,
        %swap3A_2001 = arith.constant 112 : index
        %swap3A_2002 = tpu.vector_load %arg20[%swap3A_2001] {strides = array<i32>} : memref<128xi32, #tpu.memory_space<vmem>>, vector<16xi32>,
        tpu.vector_store %arg20[%swap3A_2001], %get3A_2000 {strides = array<i32>} : memref<128xi32, #tpu.memory_space<vmem>>, vector<16xi32>,
        %dma_start3A = arith.constant 0 : i32
        %dma_start3A_2003 = arith.constant 0 : i32
        %dma_start3A_2004 = tpu.memref_slice %arg6[%dma_start3A, %dma_start3A_2003] : memref<10000x128xf32, #tpu.memory_space<hbm>> -> memref<10000x128xf32, #tpu.memory_space<hbm>>
        tpu.enqueue_indirect_dma source(%dma_start3A_2004 : memref<10000x128xf32, #tpu.memory_space<hbm>>) target(%arg21 : memref<128x128xf32, #tpu.memory_space<vmem>>) offsets(%arg19 : memref<128xi32, #tpu.memory_space<vmem>>) semaphore(%arg28 : memref<!tpu.dma_semaphore, #tpu.memory_space<semaphore_mem>>)
        %dma_wait3A = arith.constant 0 : i32
        %dma_wait3A_2005 = arith.constant 0 : i32
        %dma_wait3A_2006 = tpu.memref_slice %arg6[%dma_wait3A, %dma_wait3A_2005] : memref<10000x128xf32, #tpu.memory_space<hbm>> -> memref<10000x128xf32, #tpu.memory_space<hbm>>
        tpu.wait_indirect_dma semaphore(%arg28 : memref<!tpu.dma_semaphore, #tpu.memory_space<semaphore_mem>>) src(%dma_wait3A_2006 : memref<10000x128xf32, #tpu.memory_space<hbm>>) dst(%arg21 : memref<128x128xf32, #tpu.memory_space<vmem>>)
        "tpu.region"() ({
          %run_scoped3A = tpu.sem_alloc : memref<!tpu.dma_semaphore, #tpu.memory_space<semaphore_mem>>
          %dma_start3A_2008 = arith.constant 0 : i32
          %dma_start3A_2009 = arith.constant 0 : i32
          %dma_start3A_2010 = tpu.memref_slice %arg27[%dma_start3A_2008, %dma_start3A_2009] : memref<5376x128xf32, #tpu.memory_space<vmem_shared>> -> memref<5376x128xf32, #tpu.memory_space<vmem_shared>>
          tpu.enqueue_indirect_dma source(%arg21 : memref<128x128xf32, #tpu.memory_space<vmem>>) target(%dma_start3A_2010 : memref<5376x128xf32, #tpu.memory_space<vmem_shared>>) offsets(%arg20 : memref<128xi32, #tpu.memory_space<vmem>>) semaphore(%run_scoped3A : memref<!tpu.dma_semaphore, #tpu.memory_space<semaphore_mem>>) {add = true}
          %dma_wait3A_2011 = arith.constant 0 : i32
          %dma_wait3A_2012 = arith.constant 0 : i32
          %dma_wait3A_2013 = tpu.memref_slice %arg27[%dma_wait3A_2011, %dma_wait3A_2012] : memref<5376x128xf32, #tpu.memory_space<vmem_shared>> -> memref<5376x128xf32, #tpu.memory_space<vmem_shared>>
          tpu.wait_indirect_dma semaphore(%run_scoped3A : memref<!tpu.dma_semaphore, #tpu.memory_space<semaphore_mem>>) src(%arg21 : memref<128x128xf32, #tpu.memory_space<vmem>>) dst(%dma_wait3A_2013 : memref<5376x128xf32, #tpu.memory_space<vmem_shared>>)
          tpu.yield
        }) : () -> ()
        %while3A_2007 = arith.constant 0 : i32
        scf.yield %while3A_2007 : i32
      }
      %while3A_1738 = arith.constant 1 : i32
      %while3A_1739 = scf.for %while3A_1903 = %while3A_1735 to %while3A_1731 step %while3A_1738 iter_args(%while3A_1904 = %while3A_1737) -> (i32)  : i32 {
        %mul3A_1905 = arith.constant 128 : i32
        %mul3A_1906 = arith.muli %while3A_1903, %mul3A_1905 : i32
        %add3A_1907 = arith.constant 0 : i32
        %add3A_1908 = arith.addi %mul3A_1906, %add3A_1907 : i32
        %get3A_1909 = arith.index_cast %add3A_1908 : i32 to index
        %get3A_1910 = tpu.vector_load %arg17[%get3A_1909] {strides = array<i32>} : memref<2256xi32, #tpu.memory_space<vmem>>, vector<16xi32>,
        %swap3A_1911 = arith.constant 0 : index
        %swap3A_1912 = tpu.vector_load %arg19[%swap3A_1911] {strides = array<i32>} : memref<128xi32, #tpu.memory_space<vmem>>, vector<16xi32>,
        tpu.vector_store %arg19[%swap3A_1911], %get3A_1910 {strides = array<i32>} : memref<128xi32, #tpu.memory_space<vmem>>, vector<16xi32>,
        %add3A_1913 = arith.constant 0 : i32
        %add3A_1914 = arith.addi %mul3A_1906, %add3A_1913 : i32
        %get3A_1915 = arith.index_cast %add3A_1914 : i32 to index
        %get3A_1916 = tpu.vector_load %arg18[%get3A_1915] {strides = array<i32>} : memref<2256xi32, #tpu.memory_space<vmem>>, vector<16xi32>,
        %swap3A_1917 = arith.constant 0 : index
        %swap3A_1918 = tpu.vector_load %arg20[%swap3A_1917] {strides = array<i32>} : memref<128xi32, #tpu.memory_space<vmem>>, vector<16xi32>,
        tpu.vector_store %arg20[%swap3A_1917], %get3A_1916 {strides = array<i32>} : memref<128xi32, #tpu.memory_space<vmem>>, vector<16xi32>,
        %add3A_1919 = arith.constant 16 : i32
        %add3A_1920 = arith.addi %mul3A_1906, %add3A_1919 : i32
        %get3A_1921 = arith.index_cast %add3A_1920 : i32 to index
        %get3A_1922 = tpu.vector_load %arg17[%get3A_1921] {strides = array<i32>} : memref<2256xi32, #tpu.memory_space<vmem>>, vector<16xi32>,
        %swap3A_1923 = arith.constant 16 : index
        %swap3A_1924 = tpu.vector_load %arg19[%swap3A_1923] {strides = array<i32>} : memref<128xi32, #tpu.memory_space<vmem>>, vector<16xi32>,
        tpu.vector_store %arg19[%swap3A_1923], %get3A_1922 {strides = array<i32>} : memref<128xi32, #tpu.memory_space<vmem>>, vector<16xi32>,
        %add3A_1925 = arith.constant 16 : i32
        %add3A_1926 = arith.addi %mul3A_1906, %add3A_1925 : i32
        %get3A_1927 = arith.index_cast %add3A_1926 : i32 to index
        %get3A_1928 = tpu.vector_load %arg18[%get3A_1927] {strides = array<i32>} : memref<2256xi32, #tpu.memory_space<vmem>>, vector<16xi32>,
        %swap3A_1929 = arith.constant 16 : index
        %swap3A_1930 = tpu.vector_load %arg20[%swap3A_1929] {strides = array<i32>} : memref<128xi32, #tpu.memory_space<vmem>>, vector<16xi32>,
        tpu.vector_store %arg20[%swap3A_1929], %get3A_1928 {strides = array<i32>} : memref<128xi32, #tpu.memory_space<vmem>>, vector<16xi32>,
        %add3A_1931 = arith.constant 32 : i32
        %add3A_1932 = arith.addi %mul3A_1906, %add3A_1931 : i32
        %get3A_1933 = arith.index_cast %add3A_1932 : i32 to index
        %get3A_1934 = tpu.vector_load %arg17[%get3A_1933] {strides = array<i32>} : memref<2256xi32, #tpu.memory_space<vmem>>, vector<16xi32>,
        %swap3A_1935 = arith.constant 32 : index
        %swap3A_1936 = tpu.vector_load %arg19[%swap3A_1935] {strides = array<i32>} : memref<128xi32, #tpu.memory_space<vmem>>, vector<16xi32>,
        tpu.vector_store %arg19[%swap3A_1935], %get3A_1934 {strides = array<i32>} : memref<128xi32, #tpu.memory_space<vmem>>, vector<16xi32>,
        %add3A_1937 = arith.constant 32 : i32
        %add3A_1938 = arith.addi %mul3A_1906, %add3A_1937 : i32
        %get3A_1939 = arith.index_cast %add3A_1938 : i32 to index
        %get3A_1940 = tpu.vector_load %arg18[%get3A_1939] {strides = array<i32>} : memref<2256xi32, #tpu.memory_space<vmem>>, vector<16xi32>,
        %swap3A_1941 = arith.constant 32 : index
        %swap3A_1942 = tpu.vector_load %arg20[%swap3A_1941] {strides = array<i32>} : memref<128xi32, #tpu.memory_space<vmem>>, vector<16xi32>,
        tpu.vector_store %arg20[%swap3A_1941], %get3A_1940 {strides = array<i32>} : memref<128xi32, #tpu.memory_space<vmem>>, vector<16xi32>,
        %add3A_1943 = arith.constant 48 : i32
        %add3A_1944 = arith.addi %mul3A_1906, %add3A_1943 : i32
        %get3A_1945 = arith.index_cast %add3A_1944 : i32 to index
        %get3A_1946 = tpu.vector_load %arg17[%get3A_1945] {strides = array<i32>} : memref<2256xi32, #tpu.memory_space<vmem>>, vector<16xi32>,
        %swap3A_1947 = arith.constant 48 : index
        %swap3A_1948 = tpu.vector_load %arg19[%swap3A_1947] {strides = array<i32>} : memref<128xi32, #tpu.memory_space<vmem>>, vector<16xi32>,
        tpu.vector_store %arg19[%swap3A_1947], %get3A_1946 {strides = array<i32>} : memref<128xi32, #tpu.memory_space<vmem>>, vector<16xi32>,
        %add3A_1949 = arith.constant 48 : i32
        %add3A_1950 = arith.addi %mul3A_1906, %add3A_1949 : i32
        %get3A_1951 = arith.index_cast %add3A_1950 : i32 to index
        %get3A_1952 = tpu.vector_load %arg18[%get3A_1951] {strides = array<i32>} : memref<2256xi32, #tpu.memory_space<vmem>>, vector<16xi32>,
        %swap3A_1953 = arith.constant 48 : index
        %swap3A_1954 = tpu.vector_load %arg20[%swap3A_1953] {strides = array<i32>} : memref<128xi32, #tpu.memory_space<vmem>>, vector<16xi32>,
        tpu.vector_store %arg20[%swap3A_1953], %get3A_1952 {strides = array<i32>} : memref<128xi32, #tpu.memory_space<vmem>>, vector<16xi32>,
        %add3A_1955 = arith.constant 64 : i32
        %add3A_1956 = arith.addi %mul3A_1906, %add3A_1955 : i32
        %get3A_1957 = arith.index_cast %add3A_1956 : i32 to index
        %get3A_1958 = tpu.vector_load %arg17[%get3A_1957] {strides = array<i32>} : memref<2256xi32, #tpu.memory_space<vmem>>, vector<16xi32>,
        %swap3A_1959 = arith.constant 64 : index
        %swap3A_1960 = tpu.vector_load %arg19[%swap3A_1959] {strides = array<i32>} : memref<128xi32, #tpu.memory_space<vmem>>, vector<16xi32>,
        tpu.vector_store %arg19[%swap3A_1959], %get3A_1958 {strides = array<i32>} : memref<128xi32, #tpu.memory_space<vmem>>, vector<16xi32>,
        %add3A_1961 = arith.constant 64 : i32
        %add3A_1962 = arith.addi %mul3A_1906, %add3A_1961 : i32
        %get3A_1963 = arith.index_cast %add3A_1962 : i32 to index
        %get3A_1964 = tpu.vector_load %arg18[%get3A_1963] {strides = array<i32>} : memref<2256xi32, #tpu.memory_space<vmem>>, vector<16xi32>,
        %swap3A_1965 = arith.constant 64 : index
        %swap3A_1966 = tpu.vector_load %arg20[%swap3A_1965] {strides = array<i32>} : memref<128xi32, #tpu.memory_space<vmem>>, vector<16xi32>,
        tpu.vector_store %arg20[%swap3A_1965], %get3A_1964 {strides = array<i32>} : memref<128xi32, #tpu.memory_space<vmem>>, vector<16xi32>,
        %add3A_1967 = arith.constant 80 : i32
        %add3A_1968 = arith.addi %mul3A_1906, %add3A_1967 : i32
        %get3A_1969 = arith.index_cast %add3A_1968 : i32 to index
        %get3A_1970 = tpu.vector_load %arg17[%get3A_1969] {strides = array<i32>} : memref<2256xi32, #tpu.memory_space<vmem>>, vector<16xi32>,
        %swap3A_1971 = arith.constant 80 : index
        %swap3A_1972 = tpu.vector_load %arg19[%swap3A_1971] {strides = array<i32>} : memref<128xi32, #tpu.memory_space<vmem>>, vector<16xi32>,
        tpu.vector_store %arg19[%swap3A_1971], %get3A_1970 {strides = array<i32>} : memref<128xi32, #tpu.memory_space<vmem>>, vector<16xi32>,
        %add3A_1973 = arith.constant 80 : i32
        %add3A_1974 = arith.addi %mul3A_1906, %add3A_1973 : i32
        %get3A_1975 = arith.index_cast %add3A_1974 : i32 to index
        %get3A_1976 = tpu.vector_load %arg18[%get3A_1975] {strides = array<i32>} : memref<2256xi32, #tpu.memory_space<vmem>>, vector<16xi32>,
        %swap3A_1977 = arith.constant 80 : index
        %swap3A_1978 = tpu.vector_load %arg20[%swap3A_1977] {strides = array<i32>} : memref<128xi32, #tpu.memory_space<vmem>>, vector<16xi32>,
        tpu.vector_store %arg20[%swap3A_1977], %get3A_1976 {strides = array<i32>} : memref<128xi32, #tpu.memory_space<vmem>>, vector<16xi32>,
        %add3A_1979 = arith.constant 96 : i32
        %add3A_1980 = arith.addi %mul3A_1906, %add3A_1979 : i32
        %get3A_1981 = arith.index_cast %add3A_1980 : i32 to index
        %get3A_1982 = tpu.vector_load %arg17[%get3A_1981] {strides = array<i32>} : memref<2256xi32, #tpu.memory_space<vmem>>, vector<16xi32>,
        %swap3A_1983 = arith.constant 96 : index
        %swap3A_1984 = tpu.vector_load %arg19[%swap3A_1983] {strides = array<i32>} : memref<128xi32, #tpu.memory_space<vmem>>, vector<16xi32>,
        tpu.vector_store %arg19[%swap3A_1983], %get3A_1982 {strides = array<i32>} : memref<128xi32, #tpu.memory_space<vmem>>, vector<16xi32>,
        %add3A_1985 = arith.constant 96 : i32
        %add3A_1986 = arith.addi %mul3A_1906, %add3A_1985 : i32
        %get3A_1987 = arith.index_cast %add3A_1986 : i32 to index
        %get3A_1988 = tpu.vector_load %arg18[%get3A_1987] {strides = array<i32>} : memref<2256xi32, #tpu.memory_space<vmem>>, vector<16xi32>,
        %swap3A_1989 = arith.constant 96 : index
        %swap3A_1990 = tpu.vector_load %arg20[%swap3A_1989] {strides = array<i32>} : memref<128xi32, #tpu.memory_space<vmem>>, vector<16xi32>,
        tpu.vector_store %arg20[%swap3A_1989], %get3A_1988 {strides = array<i32>} : memref<128xi32, #tpu.memory_space<vmem>>, vector<16xi32>,
        %add3A_1991 = arith.constant 112 : i32
        %add3A_1992 = arith.addi %mul3A_1906, %add3A_1991 : i32
        %get3A_1993 = arith.index_cast %add3A_1992 : i32 to index
        %get3A_1994 = tpu.vector_load %arg17[%get3A_1993] {strides = array<i32>} : memref<2256xi32, #tpu.memory_space<vmem>>, vector<16xi32>,
        %swap3A_1995 = arith.constant 112 : index
        %swap3A_1996 = tpu.vector_load %arg19[%swap3A_1995] {strides = array<i32>} : memref<128xi32, #tpu.memory_space<vmem>>, vector<16xi32>,
        tpu.vector_store %arg19[%swap3A_1995], %get3A_1994 {strides = array<i32>} : memref<128xi32, #tpu.memory_space<vmem>>, vector<16xi32>,
        %add3A_1997 = arith.constant 112 : i32
        %add3A_1998 = arith.addi %mul3A_1906, %add3A_1997 : i32
        %get3A_1999 = arith.index_cast %add3A_1998 : i32 to index
        %get3A_2000 = tpu.vector_load %arg18[%get3A_1999] {strides = array<i32>} : memref<2256xi32, #tpu.memory_space<vmem>>, vector<16xi32>,
        %swap3A_2001 = arith.constant 112 : index
        %swap3A_2002 = tpu.vector_load %arg20[%swap3A_2001] {strides = array<i32>} : memref<128xi32, #tpu.memory_space<vmem>>, vector<16xi32>,
        tpu.vector_store %arg20[%swap3A_2001], %get3A_2000 {strides = array<i32>} : memref<128xi32, #tpu.memory_space<vmem>>, vector<16xi32>,
        %dma_start3A = arith.constant 0 : i32
        %dma_start3A_2003 = arith.constant 0 : i32
        %dma_start3A_2004 = tpu.memref_slice %arg6[%dma_start3A, %dma_start3A_2003] : memref<10000x128xf32, #tpu.memory_space<hbm>> -> memref<10000x128xf32, #tpu.memory_space<hbm>>
        tpu.enqueue_indirect_dma source(%dma_start3A_2004 : memref<10000x128xf32, #tpu.memory_space<hbm>>) target(%arg21 : memref<128x128xf32, #tpu.memory_space<vmem>>) offsets(%arg19 : memref<128xi32, #tpu.memory_space<vmem>>) semaphore(%arg28 : memref<!tpu.dma_semaphore, #tpu.memory_space<semaphore_mem>>)
        %dma_wait3A = arith.constant 0 : i32
        %dma_wait3A_2005 = arith.constant 0 : i32
        %dma_wait3A_2006 = tpu.memref_slice %arg6[%dma_wait3A, %dma_wait3A_2005] : memref<10000x128xf32, #tpu.memory_space<hbm>> -> memref<10000x128xf32, #tpu.memory_space<hbm>>
        tpu.wait_indirect_dma semaphore(%arg28 : memref<!tpu.dma_semaphore, #tpu.memory_space<semaphore_mem>>) src(%dma_wait3A_2006 : memref<10000x128xf32, #tpu.memory_space<hbm>>) dst(%arg21 : memref<128x128xf32, #tpu.memory_space<vmem>>)
        "tpu.region"() ({
          %run_scoped3A = tpu.sem_alloc : memref<!tpu.dma_semaphore, #tpu.memory_space<semaphore_mem>>
          %dma_start3A_2008 = arith.constant 0 : i32
          %dma_start3A_2009 = arith.constant 0 : i32
          %dma_start3A_2010 = tpu.memref_slice %arg27[%dma_start3A_2008, %dma_start3A_2009] : memref<5376x128xf32, #tpu.memory_space<vmem_shared>> -> memref<5376x128xf32, #tpu.memory_space<vmem_shared>>
          tpu.enqueue_indirect_dma source(%arg21 : memref<128x128xf32, #tpu.memory_space<vmem>>) target(%dma_start3A_2010 : memref<5376x128xf32, #tpu.memory_space<vmem_shared>>) offsets(%arg20 : memref<128xi32, #tpu.memory_space<vmem>>) semaphore(%run_scoped3A : memref<!tpu.dma_semaphore, #tpu.memory_space<semaphore_mem>>) {add = true}
          %dma_wait3A_2011 = arith.constant 0 : i32
          %dma_wait3A_2012 = arith.constant 0 : i32
          %dma_wait3A_2013 = tpu.memref_slice %arg27[%dma_wait3A_2011, %dma_wait3A_2012] : memref<5376x128xf32, #tpu.memory_space<vmem_shared>> -> memref<5376x128xf32, #tpu.memory_space<vmem_shared>>
          tpu.wait_indirect_dma semaphore(%run_scoped3A : memref<!tpu.dma_semaphore, #tpu.memory_space<semaphore_mem>>) src(%arg21 : memref<128x128xf32, #tpu.memory_space<vmem>>) dst(%dma_wait3A_2013 : memref<5376x128xf32, #tpu.memory_space<vmem_shared>>)
          tpu.yield
        }) : () -> ()
        %while3A_2007 = arith.constant 0 : i32
        scf.yield %while3A_2007 : i32
      }
      %mul3A_1740 = arith.constant 128 : i32
      %mul3A_1741 = arith.muli %shift_right_arithmetic3A_1728, %mul3A_1740 : i32
      %add3A_1742 = arith.constant 0 : i32
      %add3A_1743 = arith.addi %mul3A_1741, %add3A_1742 : i32
      %get3A = arith.index_cast %add3A_1743 : i32 to index
      %get3A_1744 = tpu.vector_load %arg17[%get3A] {strides = array<i32>} : memref<2256xi32, #tpu.memory_space<vmem>>, vector<16xi32>,
      %swap3A_1745 = arith.constant 0 : index
      %swap3A_1746 = tpu.vector_load %arg19[%swap3A_1745] {strides = array<i32>} : memref<128xi32, #tpu.memory_space<vmem>>, vector<16xi32>,
      tpu.vector_store %arg19[%swap3A_1745], %get3A_1744 {strides = array<i32>} : memref<128xi32, #tpu.memory_space<vmem>>, vector<16xi32>,
      %add3A_1747 = arith.constant 0 : i32
      %add3A_1748 = arith.addi %mul3A_1741, %add3A_1747 : i32
      %get3A_1749 = arith.index_cast %add3A_1748 : i32 to index
      %get3A_1750 = tpu.vector_load %arg18[%get3A_1749] {strides = array<i32>} : memref<2256xi32, #tpu.memory_space<vmem>>, vector<16xi32>,
      %swap3A_1751 = arith.constant 0 : index
      %swap3A_1752 = tpu.vector_load %arg20[%swap3A_1751] {strides = array<i32>} : memref<128xi32, #tpu.memory_space<vmem>>, vector<16xi32>,
      tpu.vector_store %arg20[%swap3A_1751], %get3A_1750 {strides = array<i32>} : memref<128xi32, #tpu.memory_space<vmem>>, vector<16xi32>,
      %add3A_1753 = arith.constant 16 : i32
      %add3A_1754 = arith.addi %mul3A_1741, %add3A_1753 : i32
      %get3A_1755 = arith.index_cast %add3A_1754 : i32 to index
      %get3A_1756 = tpu.vector_load %arg17[%get3A_1755] {strides = array<i32>} : memref<2256xi32, #tpu.memory_space<vmem>>, vector<16xi32>,
      %swap3A_1757 = arith.constant 16 : index
      %swap3A_1758 = tpu.vector_load %arg19[%swap3A_1757] {strides = array<i32>} : memref<128xi32, #tpu.memory_space<vmem>>, vector<16xi32>,
      tpu.vector_store %arg19[%swap3A_1757], %get3A_1756 {strides = array<i32>} : memref<128xi32, #tpu.memory_space<vmem>>, vector<16xi32>,
      %add3A_1759 = arith.constant 16 : i32
      %add3A_1760 = arith.addi %mul3A_1741, %add3A_1759 : i32
      %get3A_1761 = arith.index_cast %add3A_1760 : i32 to index
      %get3A_1762 = tpu.vector_load %arg18[%get3A_1761] {strides = array<i32>} : memref<2256xi32, #tpu.memory_space<vmem>>, vector<16xi32>,
      %swap3A_1763 = arith.constant 16 : index
      %swap3A_1764 = tpu.vector_load %arg20[%swap3A_1763] {strides = array<i32>} : memref<128xi32, #tpu.memory_space<vmem>>, vector<16xi32>,
      tpu.vector_store %arg20[%swap3A_1763], %get3A_1762 {strides = array<i32>} : memref<128xi32, #tpu.memory_space<vmem>>, vector<16xi32>,
      %add3A_1765 = arith.constant 32 : i32
      %add3A_1766 = arith.addi %mul3A_1741, %add3A_1765 : i32
      %get3A_1767 = arith.index_cast %add3A_1766 : i32 to index
      %get3A_1768 = tpu.vector_load %arg17[%get3A_1767] {strides = array<i32>} : memref<2256xi32, #tpu.memory_space<vmem>>, vector<16xi32>,
      %swap3A_1769 = arith.constant 32 : index
      %swap3A_1770 = tpu.vector_load %arg19[%swap3A_1769] {strides = array<i32>} : memref<128xi32, #tpu.memory_space<vmem>>, vector<16xi32>,
      tpu.vector_store %arg19[%swap3A_1769], %get3A_1768 {strides = array<i32>} : memref<128xi32, #tpu.memory_space<vmem>>, vector<16xi32>,
      %add3A_1771 = arith.constant 32 : i32
      %add3A_1772 = arith.addi %mul3A_1741, %add3A_1771 : i32
      %get3A_1773 = arith.index_cast %add3A_1772 : i32 to index
      %get3A_1774 = tpu.vector_load %arg18[%get3A_1773] {strides = array<i32>} : memref<2256xi32, #tpu.memory_space<vmem>>, vector<16xi32>,
      %swap3A_1775 = arith.constant 32 : index
      %swap3A_1776 = tpu.vector_load %arg20[%swap3A_1775] {strides = array<i32>} : memref<128xi32, #tpu.memory_space<vmem>>, vector<16xi32>,
      tpu.vector_store %arg20[%swap3A_1775], %get3A_1774 {strides = array<i32>} : memref<128xi32, #tpu.memory_space<vmem>>, vector<16xi32>,
      %add3A_1777 = arith.constant 48 : i32
      %add3A_1778 = arith.addi %mul3A_1741, %add3A_1777 : i32
      %get3A_1779 = arith.index_cast %add3A_1778 : i32 to index
      %get3A_1780 = tpu.vector_load %arg17[%get3A_1779] {strides = array<i32>} : memref<2256xi32, #tpu.memory_space<vmem>>, vector<16xi32>,
      %swap3A_1781 = arith.constant 48 : index
      %swap3A_1782 = tpu.vector_load %arg19[%swap3A_1781] {strides = array<i32>} : memref<128xi32, #tpu.memory_space<vmem>>, vector<16xi32>,
      tpu.vector_store %arg19[%swap3A_1781], %get3A_1780 {strides = array<i32>} : memref<128xi32, #tpu.memory_space<vmem>>, vector<16xi32>,
      %add3A_1783 = arith.constant 48 : i32
      %add3A_1784 = arith.addi %mul3A_1741, %add3A_1783 : i32
      %get3A_1785 = arith.index_cast %add3A_1784 : i32 to index
      %get3A_1786 = tpu.vector_load %arg18[%get3A_1785] {strides = array<i32>} : memref<2256xi32, #tpu.memory_space<vmem>>, vector<16xi32>,
      %swap3A_1787 = arith.constant 48 : index
      %swap3A_1788 = tpu.vector_load %arg20[%swap3A_1787] {strides = array<i32>} : memref<128xi32, #tpu.memory_space<vmem>>, vector<16xi32>,
      tpu.vector_store %arg20[%swap3A_1787], %get3A_1786 {strides = array<i32>} : memref<128xi32, #tpu.memory_space<vmem>>, vector<16xi32>,
      %add3A_1789 = arith.constant 64 : i32
      %add3A_1790 = arith.addi %mul3A_1741, %add3A_1789 : i32
      %get3A_1791 = arith.index_cast %add3A_1790 : i32 to index
      %get3A_1792 = tpu.vector_load %arg17[%get3A_1791] {strides = array<i32>} : memref<2256xi32, #tpu.memory_space<vmem>>, vector<16xi32>,
      %swap3A_1793 = arith.constant 64 : index
      %swap3A_1794 = tpu.vector_load %arg19[%swap3A_1793] {strides = array<i32>} : memref<128xi32, #tpu.memory_space<vmem>>, vector<16xi32>,
      tpu.vector_store %arg19[%swap3A_1793], %get3A_1792 {strides = array<i32>} : memref<128xi32, #tpu.memory_space<vmem>>, vector<16xi32>,
      %add3A_1795 = arith.constant 64 : i32
      %add3A_1796 = arith.addi %mul3A_1741, %add3A_1795 : i32
      %get3A_1797 = arith.index_cast %add3A_1796 : i32 to index
      %get3A_1798 = tpu.vector_load %arg18[%get3A_1797] {strides = array<i32>} : memref<2256xi32, #tpu.memory_space<vmem>>, vector<16xi32>,
      %swap3A_1799 = arith.constant 64 : index
      %swap3A_1800 = tpu.vector_load %arg20[%swap3A_1799] {strides = array<i32>} : memref<128xi32, #tpu.memory_space<vmem>>, vector<16xi32>,
      tpu.vector_store %arg20[%swap3A_1799], %get3A_1798 {strides = array<i32>} : memref<128xi32, #tpu.memory_space<vmem>>, vector<16xi32>,
      %add3A_1801 = arith.constant 80 : i32
      %add3A_1802 = arith.addi %mul3A_1741, %add3A_1801 : i32
      %get3A_1803 = arith.index_cast %add3A_1802 : i32 to index
      %get3A_1804 = tpu.vector_load %arg17[%get3A_1803] {strides = array<i32>} : memref<2256xi32, #tpu.memory_space<vmem>>, vector<16xi32>,
      %swap3A_1805 = arith.constant 80 : index
      %swap3A_1806 = tpu.vector_load %arg19[%swap3A_1805] {strides = array<i32>} : memref<128xi32, #tpu.memory_space<vmem>>, vector<16xi32>,
      tpu.vector_store %arg19[%swap3A_1805], %get3A_1804 {strides = array<i32>} : memref<128xi32, #tpu.memory_space<vmem>>, vector<16xi32>,
      %add3A_1807 = arith.constant 80 : i32
      %add3A_1808 = arith.addi %mul3A_1741, %add3A_1807 : i32
      %get3A_1809 = arith.index_cast %add3A_1808 : i32 to index
      %get3A_1810 = tpu.vector_load %arg18[%get3A_1809] {strides = array<i32>} : memref<2256xi32, #tpu.memory_space<vmem>>, vector<16xi32>,
      %swap3A_1811 = arith.constant 80 : index
      %swap3A_1812 = tpu.vector_load %arg20[%swap3A_1811] {strides = array<i32>} : memref<128xi32, #tpu.memory_space<vmem>>, vector<16xi32>,
      tpu.vector_store %arg20[%swap3A_1811], %get3A_1810 {strides = array<i32>} : memref<128xi32, #tpu.memory_space<vmem>>, vector<16xi32>,
      %add3A_1813 = arith.constant 96 : i32
      %add3A_1814 = arith.addi %mul3A_1741, %add3A_1813 : i32
      %get3A_1815 = arith.index_cast %add3A_1814 : i32 to index
      %get3A_1816 = tpu.vector_load %arg17[%get3A_1815] {strides = array<i32>} : memref<2256xi32, #tpu.memory_space<vmem>>, vector<16xi32>,
      %swap3A_1817 = arith.constant 96 : index
      %swap3A_1818 = tpu.vector_load %arg19[%swap3A_1817] {strides = array<i32>} : memref<128xi32, #tpu.memory_space<vmem>>, vector<16xi32>,
      tpu.vector_store %arg19[%swap3A_1817], %get3A_1816 {strides = array<i32>} : memref<128xi32, #tpu.memory_space<vmem>>, vector<16xi32>,
      %add3A_1819 = arith.constant 96 : i32
      %add3A_1820 = arith.addi %mul3A_1741, %add3A_1819 : i32
      %get3A_1821 = arith.index_cast %add3A_1820 : i32 to index
      %get3A_1822 = tpu.vector_load %arg18[%get3A_1821] {strides = array<i32>} : memref<2256xi32, #tpu.memory_space<vmem>>, vector<16xi32>,
      %swap3A_1823 = arith.constant 96 : index
      %swap3A_1824 = tpu.vector_load %arg20[%swap3A_1823] {strides = array<i32>} : memref<128xi32, #tpu.memory_space<vmem>>, vector<16xi32>,
      tpu.vector_store %arg20[%swap3A_1823], %get3A_1822 {strides = array<i32>} : memref<128xi32, #tpu.memory_space<vmem>>, vector<16xi32>,
      %add3A_1825 = arith.constant 112 : i32
      %add3A_1826 = arith.addi %mul3A_1741, %add3A_1825 : i32
      %get3A_1827 = arith.index_cast %add3A_1826 : i32 to index
      %get3A_1828 = tpu.vector_load %arg17[%get3A_1827] {strides = array<i32>} : memref<2256xi32, #tpu.memory_space<vmem>>, vector<16xi32>,
      %swap3A_1829 = arith.constant 112 : index
      %swap3A_1830 = tpu.vector_load %arg19[%swap3A_1829] {strides = array<i32>} : memref<128xi32, #tpu.memory_space<vmem>>, vector<16xi32>,
      tpu.vector_store %arg19[%swap3A_1829], %get3A_1828 {strides = array<i32>} : memref<128xi32, #tpu.memory_space<vmem>>, vector<16xi32>,
      %add3A_1831 = arith.constant 112 : i32
      %add3A_1832 = arith.addi %mul3A_1741, %add3A_1831 : i32
      %get3A_1833 = arith.index_cast %add3A_1832 : i32 to index
      %get3A_1834 = tpu.vector_load %arg18[%get3A_1833] {strides = array<i32>} : memref<2256xi32, #tpu.memory_space<vmem>>, vector<16xi32>,
      %swap3A_1835 = arith.constant 112 : index
      %swap3A_1836 = tpu.vector_load %arg20[%swap3A_1835] {strides = array<i32>} : memref<128xi32, #tpu.memory_space<vmem>>, vector<16xi32>,
      tpu.vector_store %arg20[%swap3A_1835], %get3A_1834 {strides = array<i32>} : memref<128xi32, #tpu.memory_space<vmem>>, vector<16xi32>,
      %get3A_1837 = arith.constant 0 : index
      %get3A_1838 = tpu.vector_load %arg19[%get3A_1837] {strides = array<i32>} : memref<128xi32, #tpu.memory_space<vmem>>, vector<16xi32>,
      %swap3A_1839 = arith.constant 0 : index
      %swap3A_1840 = tpu.vector_load %arg17[%swap3A_1839] {strides = array<i32>} : memref<2256xi32, #tpu.memory_space<vmem>>, vector<16xi32>,
      tpu.vector_store %arg17[%swap3A_1839], %get3A_1838 {strides = array<i32>} : memref<2256xi32, #tpu.memory_space<vmem>>, vector<16xi32>,
      %get3A_1841 = arith.constant 0 : index
      %get3A_1842 = tpu.vector_load %arg20[%get3A_1841] {strides = array<i32>} : memref<128xi32, #tpu.memory_space<vmem>>, vector<16xi32>,
      %swap3A_1843 = arith.constant 0 : index
      %swap3A_1844 = tpu.vector_load %arg18[%swap3A_1843] {strides = array<i32>} : memref<2256xi32, #tpu.memory_space<vmem>>, vector<16xi32>,
      tpu.vector_store %arg18[%swap3A_1843], %get3A_1842 {strides = array<i32>} : memref<2256xi32, #tpu.memory_space<vmem>>, vector<16xi32>,
      %get3A_1845 = arith.constant 16 : index
      %get3A_1846 = tpu.vector_load %arg19[%get3A_1845] {strides = array<i32>} : memref<128xi32, #tpu.memory_space<vmem>>, vector<16xi32>,
      %swap3A_1847 = arith.constant 16 : index
      %swap3A_1848 = tpu.vector_load %arg17[%swap3A_1847] {strides = array<i32>} : memref<2256xi32, #tpu.memory_space<vmem>>, vector<16xi32>,
      tpu.vector_store %arg17[%swap3A_1847], %get3A_1846 {strides = array<i32>} : memref<2256xi32, #tpu.memory_space<vmem>>, vector<16xi32>,
      %get3A_1849 = arith.constant 16 : index
      %get3A_1850 = tpu.vector_load %arg20[%get3A_1849] {strides = array<i32>} : memref<128xi32, #tpu.memory_space<vmem>>, vector<16xi32>,
      %swap3A_1851 = arith.constant 16 : index
      %swap3A_1852 = tpu.vector_load %arg18[%swap3A_1851] {strides = array<i32>} : memref<2256xi32, #tpu.memory_space<vmem>>, vector<16xi32>,
      tpu.vector_store %arg18[%swap3A_1851], %get3A_1850 {strides = array<i32>} : memref<2256xi32, #tpu.memory_space<vmem>>, vector<16xi32>,
      %get3A_1853 = arith.constant 32 : index
      %get3A_1854 = tpu.vector_load %arg19[%get3A_1853] {strides = array<i32>} : memref<128xi32, #tpu.memory_space<vmem>>, vector<16xi32>,
      %swap3A_1855 = arith.constant 32 : index
      %swap3A_1856 = tpu.vector_load %arg17[%swap3A_1855] {strides = array<i32>} : memref<2256xi32, #tpu.memory_space<vmem>>, vector<16xi32>,
      tpu.vector_store %arg17[%swap3A_1855], %get3A_1854 {strides = array<i32>} : memref<2256xi32, #tpu.memory_space<vmem>>, vector<16xi32>,
      %get3A_1857 = arith.constant 32 : index
      %get3A_1858 = tpu.vector_load %arg20[%get3A_1857] {strides = array<i32>} : memref<128xi32, #tpu.memory_space<vmem>>, vector<16xi32>,
      %swap3A_1859 = arith.constant 32 : index
      %swap3A_1860 = tpu.vector_load %arg18[%swap3A_1859] {strides = array<i32>} : memref<2256xi32, #tpu.memory_space<vmem>>, vector<16xi32>,
      tpu.vector_store %arg18[%swap3A_1859], %get3A_1858 {strides = array<i32>} : memref<2256xi32, #tpu.memory_space<vmem>>, vector<16xi32>,
      %get3A_1861 = arith.constant 48 : index
      %get3A_1862 = tpu.vector_load %arg19[%get3A_1861] {strides = array<i32>} : memref<128xi32, #tpu.memory_space<vmem>>, vector<16xi32>,
      %swap3A_1863 = arith.constant 48 : index
      %swap3A_1864 = tpu.vector_load %arg17[%swap3A_1863] {strides = array<i32>} : memref<2256xi32, #tpu.memory_space<vmem>>, vector<16xi32>,
      tpu.vector_store %arg17[%swap3A_1863], %get3A_1862 {strides = array<i32>} : memref<2256xi32, #tpu.memory_space<vmem>>, vector<16xi32>,
      %get3A_1865 = arith.constant 48 : index
      %get3A_1866 = tpu.vector_load %arg20[%get3A_1865] {strides = array<i32>} : memref<128xi32, #tpu.memory_space<vmem>>, vector<16xi32>,
      %swap3A_1867 = arith.constant 48 : index
      %swap3A_1868 = tpu.vector_load %arg18[%swap3A_1867] {strides = array<i32>} : memref<2256xi32, #tpu.memory_space<vmem>>, vector<16xi32>,
      tpu.vector_store %arg18[%swap3A_1867], %get3A_1866 {strides = array<i32>} : memref<2256xi32, #tpu.memory_space<vmem>>, vector<16xi32>,
      %get3A_1869 = arith.constant 64 : index
      %get3A_1870 = tpu.vector_load %arg19[%get3A_1869] {strides = array<i32>} : memref<128xi32, #tpu.memory_space<vmem>>, vector<16xi32>,
      %swap3A_1871 = arith.constant 64 : index
      %swap3A_1872 = tpu.vector_load %arg17[%swap3A_1871] {strides = array<i32>} : memref<2256xi32, #tpu.memory_space<vmem>>, vector<16xi32>,
      tpu.vector_store %arg17[%swap3A_1871], %get3A_1870 {strides = array<i32>} : memref<2256xi32, #tpu.memory_space<vmem>>, vector<16xi32>,
      %get3A_1873 = arith.constant 64 : index
      %get3A_1874 = tpu.vector_load %arg20[%get3A_1873] {strides = array<i32>} : memref<128xi32, #tpu.memory_space<vmem>>, vector<16xi32>,
      %swap3A_1875 = arith.constant 64 : index
      %swap3A_1876 = tpu.vector_load %arg18[%swap3A_1875] {strides = array<i32>} : memref<2256xi32, #tpu.memory_space<vmem>>, vector<16xi32>,
      tpu.vector_store %arg18[%swap3A_1875], %get3A_1874 {strides = array<i32>} : memref<2256xi32, #tpu.memory_space<vmem>>, vector<16xi32>,
      %get3A_1877 = arith.constant 80 : index
      %get3A_1878 = tpu.vector_load %arg19[%get3A_1877] {strides = array<i32>} : memref<128xi32, #tpu.memory_space<vmem>>, vector<16xi32>,
      %swap3A_1879 = arith.constant 80 : index
      %swap3A_1880 = tpu.vector_load %arg17[%swap3A_1879] {strides = array<i32>} : memref<2256xi32, #tpu.memory_space<vmem>>, vector<16xi32>,
      tpu.vector_store %arg17[%swap3A_1879], %get3A_1878 {strides = array<i32>} : memref<2256xi32, #tpu.memory_space<vmem>>, vector<16xi32>,
      %get3A_1881 = arith.constant 80 : index
      %get3A_1882 = tpu.vector_load %arg20[%get3A_1881] {strides = array<i32>} : memref<128xi32, #tpu.memory_space<vmem>>, vector<16xi32>,
      %swap3A_1883 = arith.constant 80 : index
      %swap3A_1884 = tpu.vector_load %arg18[%swap3A_1883] {strides = array<i32>} : memref<2256xi32, #tpu.memory_space<vmem>>, vector<16xi32>,
      tpu.vector_store %arg18[%swap3A_1883], %get3A_1882 {strides = array<i32>} : memref<2256xi32, #tpu.memory_space<vmem>>, vector<16xi32>,
      %get3A_1885 = arith.constant 96 : index
      %get3A_1886 = tpu.vector_load %arg19[%get3A_1885] {strides = array<i32>} : memref<128xi32, #tpu.memory_space<vmem>>, vector<16xi32>,
      %swap3A_1887 = arith.constant 96 : index
      %swap3A_1888 = tpu.vector_load %arg17[%swap3A_1887] {strides = array<i32>} : memref<2256xi32, #tpu.memory_space<vmem>>, vector<16xi32>,
      tpu.vector_store %arg17[%swap3A_1887], %get3A_1886 {strides = array<i32>} : memref<2256xi32, #tpu.memory_space<vmem>>, vector<16xi32>,
      %get3A_1889 = arith.constant 96 : index
      %get3A_1890 = tpu.vector_load %arg20[%get3A_1889] {strides = array<i32>} : memref<128xi32, #tpu.memory_space<vmem>>, vector<16xi32>,
      %swap3A_1891 = arith.constant 96 : index
      %swap3A_1892 = tpu.vector_load %arg18[%swap3A_1891] {strides = array<i32>} : memref<2256xi32, #tpu.memory_space<vmem>>, vector<16xi32>,
      tpu.vector_store %arg18[%swap3A_1891], %get3A_1890 {strides = array<i32>} : memref<2256xi32, #tpu.memory_space<vmem>>, vector<16xi32>,
      %get3A_1893 = arith.constant 112 : index
      %get3A_1894 = tpu.vector_load %arg19[%get3A_1893] {strides = array<i32>} : memref<128xi32, #tpu.memory_space<vmem>>, vector<16xi32>,
      %swap3A_1895 = arith.constant 112 : index
      %swap3A_1896 = tpu.vector_load %arg17[%swap3A_1895] {strides = array<i32>} : memref<2256xi32, #tpu.memory_space<vmem>>, vector<16xi32>,
      tpu.vector_store %arg17[%swap3A_1895], %get3A_1894 {strides = array<i32>} : memref<2256xi32, #tpu.memory_space<vmem>>, vector<16xi32>,
      %get3A_1897 = arith.constant 112 : index
      %get3A_1898 = tpu.vector_load %arg20[%get3A_1897] {strides = array<i32>} : memref<128xi32, #tpu.memory_space<vmem>>, vector<16xi32>,
      %swap3A_1899 = arith.constant 112 : index
      %swap3A_1900 = tpu.vector_load %arg18[%swap3A_1899] {strides = array<i32>} : memref<2256xi32, #tpu.memory_space<vmem>>, vector<16xi32>,
      tpu.vector_store %arg18[%swap3A_1899], %get3A_1898 {strides = array<i32>} : memref<2256xi32, #tpu.memory_space<vmem>>, vector<16xi32>,
      %and3A_1901 = arith.constant 127 : i32
      %and3A_1902 = arith.andi %scan3A_1726, %and3A_1901 : i32
      scf.yield %and3A_1902 : i32
    }
    %scan3A_1689 = arith.constant 5 : i32
    %scan3A_1690 = arith.constant 0 : i32
    %scan3A_1691 = arith.constant 0 : i32
    %scan3A_1692 = arith.constant 8 : i32
    %scan3A_1693 = arith.addi %scan3A_1691, %scan3A_1692 : i32
    %scan3A_1694 = arith.constant 1 : i32
    %scan3A_1695 = scf.for %scan3A_1715 = %scan3A_1691 to %scan3A_1693 step %scan3A_1694 iter_args(%scan3A_1716 = %scan3A_1690) -> (i32)  : i32 {
      %mul3A_1717 = arith.constant 16 : i32
      %mul3A_1718 = arith.muli %scan3A_1715, %mul3A_1717 : i32
      %add3A_1719 = arith.addi %scan3A_1688, %mul3A_1718 : i32
      %mul3A_1720 = arith.constant 16 : i32
      %mul3A_1721 = arith.muli %scan3A_1715, %mul3A_1720 : i32
      %add3A_1722 = vector.broadcast %mul3A_1721 : i32 to vector<16xi32>
      %add3A_1723 = arith.addi %add3A_1722, %iota3A : vector<16xi32>
      %swap3A_1724 = arith.index_cast %add3A_1719 : i32 to index
      %swap3A_1725 = tpu.vector_load %arg17[%swap3A_1724] {strides = array<i32>} : memref<2256xi32, #tpu.memory_space<vmem>>, vector<16xi32>,
      tpu.vector_store %arg17[%swap3A_1724], %add3A_1723 {strides = array<i32>} : memref<2256xi32, #tpu.memory_space<vmem>>, vector<16xi32>,
      %add3A_1726 = arith.constant 5120 : i32
      %add3A_1727 = vector.broadcast %add3A_1726 : i32 to vector<16xi32>
      %add3A_1728 = arith.addi %add3A_1727, %add3A_1723 : vector<16xi32>
      %swap3A_1729 = arith.index_cast %add3A_1719 : i32 to index
      %swap3A_1730 = tpu.vector_load %arg18[%swap3A_1729] {strides = array<i32>} : memref<2256xi32, #tpu.memory_space<vmem>>, vector<16xi32>,
      tpu.vector_store %arg18[%swap3A_1729], %add3A_1728 {strides = array<i32>} : memref<2256xi32, #tpu.memory_space<vmem>>, vector<16xi32>,
      %scan3A_1731 = arith.constant 0 : i32
      scf.yield %scan3A_1731 : i32
    }
    %scan3A_1696 = arith.constant 8 : i32
    %gt3A = arith.constant 0 : i32
    %gt3A_1697 = arith.cmpi sgt, %scan3A_1688, %gt3A : i32
    %convert_element_type3A = arith.extui %gt3A_1697 : i1 to i32
    %cond3A = arith.constant 0 : i32
    %cond3A_1698 = arith.cmpi ne, %convert_element_type3A, %cond3A : i32
    scf.if %cond3A_1698 {
      %get3A = arith.constant 0 : index
      %get3A_1715 = tpu.vector_load %arg17[%get3A] {strides = array<i32>} : memref<2256xi32, #tpu.memory_space<vmem>>, vector<16xi32>,
      %swap3A_1716 = arith.constant 0 : index
      %swap3A_1717 = tpu.vector_load %arg19[%swap3A_1716] {strides = array<i32>} : memref<128xi32, #tpu.memory_space<vmem>>, vector<16xi32>,
      tpu.vector_store %arg19[%swap3A_1716], %get3A_1715 {strides = array<i32>} : memref<128xi32, #tpu.memory_space<vmem>>, vector<16xi32>,
      %get3A_1718 = arith.constant 0 : index
      %get3A_1719 = tpu.vector_load %arg18[%get3A_1718] {strides = array<i32>} : memref<2256xi32, #tpu.memory_space<vmem>>, vector<16xi32>,
      %swap3A_1720 = arith.constant 0 : index
      %swap3A_1721 = tpu.vector_load %arg20[%swap3A_1720] {strides = array<i32>} : memref<128xi32, #tpu.memory_space<vmem>>, vector<16xi32>,
      tpu.vector_store %arg20[%swap3A_1720], %get3A_1719 {strides = array<i32>} : memref<128xi32, #tpu.memory_space<vmem>>, vector<16xi32>,
      %get3A_1722 = arith.constant 16 : index
      %get3A_1723 = tpu.vector_load %arg17[%get3A_1722] {strides = array<i32>} : memref<2256xi32, #tpu.memory_space<vmem>>, vector<16xi32>,
      %swap3A_1724 = arith.constant 16 : index
      %swap3A_1725 = tpu.vector_load %arg19[%swap3A_1724] {strides = array<i32>} : memref<128xi32, #tpu.memory_space<vmem>>, vector<16xi32>,
      tpu.vector_store %arg19[%swap3A_1724], %get3A_1723 {strides = array<i32>} : memref<128xi32, #tpu.memory_space<vmem>>, vector<16xi32>,
      %get3A_1726 = arith.constant 16 : index
      %get3A_1727 = tpu.vector_load %arg18[%get3A_1726] {strides = array<i32>} : memref<2256xi32, #tpu.memory_space<vmem>>, vector<16xi32>,
      %swap3A_1728 = arith.constant 16 : index
      %swap3A_1729 = tpu.vector_load %arg20[%swap3A_1728] {strides = array<i32>} : memref<128xi32, #tpu.memory_space<vmem>>, vector<16xi32>,
      tpu.vector_store %arg20[%swap3A_1728], %get3A_1727 {strides = array<i32>} : memref<128xi32, #tpu.memory_space<vmem>>, vector<16xi32>,
      %get3A_1730 = arith.constant 32 : index
      %get3A_1731 = tpu.vector_load %arg17[%get3A_1730] {strides = array<i32>} : memref<2256xi32, #tpu.memory_space<vmem>>, vector<16xi32>,
      %swap3A_1732 = arith.constant 32 : index
      %swap3A_1733 = tpu.vector_load %arg19[%swap3A_1732] {strides = array<i32>} : memref<128xi32, #tpu.memory_space<vmem>>, vector<16xi32>,
      tpu.vector_store %arg19[%swap3A_1732], %get3A_1731 {strides = array<i32>} : memref<128xi32, #tpu.memory_space<vmem>>, vector<16xi32>,
      %get3A_1734 = arith.constant 32 : index
      %get3A_1735 = tpu.vector_load %arg18[%get3A_1734] {strides = array<i32>} : memref<2256xi32, #tpu.memory_space<vmem>>, vector<16xi32>,
      %swap3A_1736 = arith.constant 32 : index
      %swap3A_1737 = tpu.vector_load %arg20[%swap3A_1736] {strides = array<i32>} : memref<128xi32, #tpu.memory_space<vmem>>, vector<16xi32>,
      tpu.vector_store %arg20[%swap3A_1736], %get3A_1735 {strides = array<i32>} : memref<128xi32, #tpu.memory_space<vmem>>, vector<16xi32>,
      %get3A_1738 = arith.constant 48 : index
      %get3A_1739 = tpu.vector_load %arg17[%get3A_1738] {strides = array<i32>} : memref<2256xi32, #tpu.memory_space<vmem>>, vector<16xi32>,
      %swap3A_1740 = arith.constant 48 : index
      %swap3A_1741 = tpu.vector_load %arg19[%swap3A_1740] {strides = array<i32>} : memref<128xi32, #tpu.memory_space<vmem>>, vector<16xi32>,
      tpu.vector_store %arg19[%swap3A_1740], %get3A_1739 {strides = array<i32>} : memref<128xi32, #tpu.memory_space<vmem>>, vector<16xi32>,
      %get3A_1742 = arith.constant 48 : index
      %get3A_1743 = tpu.vector_load %arg18[%get3A_1742] {strides = array<i32>} : memref<2256xi32, #tpu.memory_space<vmem>>, vector<16xi32>,
      %swap3A_1744 = arith.constant 48 : index
      %swap3A_1745 = tpu.vector_load %arg20[%swap3A_1744] {strides = array<i32>} : memref<128xi32, #tpu.memory_space<vmem>>, vector<16xi32>,
      tpu.vector_store %arg20[%swap3A_1744], %get3A_1743 {strides = array<i32>} : memref<128xi32, #tpu.memory_space<vmem>>, vector<16xi32>,
      %get3A_1746 = arith.constant 64 : index
      %get3A_1747 = tpu.vector_load %arg17[%get3A_1746] {strides = array<i32>} : memref<2256xi32, #tpu.memory_space<vmem>>, vector<16xi32>,
      %swap3A_1748 = arith.constant 64 : index
      %swap3A_1749 = tpu.vector_load %arg19[%swap3A_1748] {strides = array<i32>} : memref<128xi32, #tpu.memory_space<vmem>>, vector<16xi32>,
      tpu.vector_store %arg19[%swap3A_1748], %get3A_1747 {strides = array<i32>} : memref<128xi32, #tpu.memory_space<vmem>>, vector<16xi32>,
      %get3A_1750 = arith.constant 64 : index
      %get3A_1751 = tpu.vector_load %arg18[%get3A_1750] {strides = array<i32>} : memref<2256xi32, #tpu.memory_space<vmem>>, vector<16xi32>,
      %swap3A_1752 = arith.constant 64 : index
      %swap3A_1753 = tpu.vector_load %arg20[%swap3A_1752] {strides = array<i32>} : memref<128xi32, #tpu.memory_space<vmem>>, vector<16xi32>,
      tpu.vector_store %arg20[%swap3A_1752], %get3A_1751 {strides = array<i32>} : memref<128xi32, #tpu.memory_space<vmem>>, vector<16xi32>,
      %get3A_1754 = arith.constant 80 : index
      %get3A_1755 = tpu.vector_load %arg17[%get3A_1754] {strides = array<i32>} : memref<2256xi32, #tpu.memory_space<vmem>>, vector<16xi32>,
      %swap3A_1756 = arith.constant 80 : index
      %swap3A_1757 = tpu.vector_load %arg19[%swap3A_1756] {strides = array<i32>} : memref<128xi32, #tpu.memory_space<vmem>>, vector<16xi32>,
      tpu.vector_store %arg19[%swap3A_1756], %get3A_1755 {strides = array<i32>} : memref<128xi32, #tpu.memory_space<vmem>>, vector<16xi32>,
      %get3A_1758 = arith.constant 80 : index
      %get3A_1759 = tpu.vector_load %arg18[%get3A_1758] {strides = array<i32>} : memref<2256xi32, #tpu.memory_space<vmem>>, vector<16xi32>,
      %swap3A_1760 = arith.constant 80 : index
      %swap3A_1761 = tpu.vector_load %arg20[%swap3A_1760] {strides = array<i32>} : memref<128xi32, #tpu.memory_space<vmem>>, vector<16xi32>,
      tpu.vector_store %arg20[%swap3A_1760], %get3A_1759 {strides = array<i32>} : memref<128xi32, #tpu.memory_space<vmem>>, vector<16xi32>,
      %get3A_1762 = arith.constant 96 : index
      %get3A_1763 = tpu.vector_load %arg17[%get3A_1762] {strides = array<i32>} : memref<2256xi32, #tpu.memory_space<vmem>>, vector<16xi32>,
      %swap3A_1764 = arith.constant 96 : index
      %swap3A_1765 = tpu.vector_load %arg19[%swap3A_1764] {strides = array<i32>} : memref<128xi32, #tpu.memory_space<vmem>>, vector<16xi32>,
      tpu.vector_store %arg19[%swap3A_1764], %get3A_1763 {strides = array<i32>} : memref<128xi32, #tpu.memory_space<vmem>>, vector<16xi32>,
      %get3A_1766 = arith.constant 96 : index
      %get3A_1767 = tpu.vector_load %arg18[%get3A_1766] {strides = array<i32>} : memref<2256xi32, #tpu.memory_space<vmem>>, vector<16xi32>,
      %swap3A_1768 = arith.constant 96 : index
      %swap3A_1769 = tpu.vector_load %arg20[%swap3A_1768] {strides = array<i32>} : memref<128xi32, #tpu.memory_space<vmem>>, vector<16xi32>,
      tpu.vector_store %arg20[%swap3A_1768], %get3A_1767 {strides = array<i32>} : memref<128xi32, #tpu.memory_space<vmem>>, vector<16xi32>,
      %get3A_1770 = arith.constant 112 : index
      %get3A_1771 = tpu.vector_load %arg17[%get3A_1770] {strides = array<i32>} : memref<2256xi32, #tpu.memory_space<vmem>>, vector<16xi32>,
      %swap3A_1772 = arith.constant 112 : index
      %swap3A_1773 = tpu.vector_load %arg19[%swap3A_1772] {strides = array<i32>} : memref<128xi32, #tpu.memory_space<vmem>>, vector<16xi32>,
      tpu.vector_store %arg19[%swap3A_1772], %get3A_1771 {strides = array<i32>} : memref<128xi32, #tpu.memory_space<vmem>>, vector<16xi32>,
      %get3A_1774 = arith.constant 112 : index
      %get3A_1775 = tpu.vector_load %arg18[%get3A_1774] {strides = array<i32>} : memref<2256xi32, #tpu.memory_space<vmem>>, vector<16xi32>,
      %swap3A_1776 = arith.constant 112 : index
      %swap3A_1777 = tpu.vector_load %arg20[%swap3A_1776] {strides = array<i32>} : memref<128xi32, #tpu.memory_space<vmem>>, vector<16xi32>,
      tpu.vector_store %arg20[%swap3A_1776], %get3A_1775 {strides = array<i32>} : memref<128xi32, #tpu.memory_space<vmem>>, vector<16xi32>,
      %dma_start3A = arith.constant 0 : i32
      %dma_start3A_1778 = arith.constant 0 : i32
      %dma_start3A_1779 = tpu.memref_slice %arg6[%dma_start3A, %dma_start3A_1778] : memref<10000x128xf32, #tpu.memory_space<hbm>> -> memref<10000x128xf32, #tpu.memory_space<hbm>>
      tpu.enqueue_indirect_dma source(%dma_start3A_1779 : memref<10000x128xf32, #tpu.memory_space<hbm>>) target(%arg21 : memref<128x128xf32, #tpu.memory_space<vmem>>) offsets(%arg19 : memref<128xi32, #tpu.memory_space<vmem>>) semaphore(%arg28 : memref<!tpu.dma_semaphore, #tpu.memory_space<semaphore_mem>>)
      %dma_wait3A = arith.constant 0 : i32
      %dma_wait3A_1780 = arith.constant 0 : i32
      %dma_wait3A_1781 = tpu.memref_slice %arg6[%dma_wait3A, %dma_wait3A_1780] : memref<10000x128xf32, #tpu.memory_space<hbm>> -> memref<10000x128xf32, #tpu.memory_space<hbm>>
      tpu.wait_indirect_dma semaphore(%arg28 : memref<!tpu.dma_semaphore, #tpu.memory_space<semaphore_mem>>) src(%dma_wait3A_1781 : memref<10000x128xf32, #tpu.memory_space<hbm>>) dst(%arg21 : memref<128x128xf32, #tpu.memory_space<vmem>>)
      "tpu.region"() ({
        %run_scoped3A = tpu.sem_alloc : memref<!tpu.dma_semaphore, #tpu.memory_space<semaphore_mem>>
        %dma_start3A_1782 = arith.constant 0 : i32
        %dma_start3A_1783 = arith.constant 0 : i32
        %dma_start3A_1784 = tpu.memref_slice %arg27[%dma_start3A_1782, %dma_start3A_1783] : memref<5376x128xf32, #tpu.memory_space<vmem_shared>> -> memref<5376x128xf32, #tpu.memory_space<vmem_shared>>
        tpu.enqueue_indirect_dma source(%arg21 : memref<128x128xf32, #tpu.memory_space<vmem>>) target(%dma_start3A_1784 : memref<5376x128xf32, #tpu.memory_space<vmem_shared>>) offsets(%arg20 : memref<128xi32, #tpu.memory_space<vmem>>) semaphore(%run_scoped3A : memref<!tpu.dma_semaphore, #tpu.memory_space<semaphore_mem>>) {add = true}
        %dma_wait3A_1785 = arith.constant 0 : i32
        %dma_wait3A_1786 = arith.constant 0 : i32
        %dma_wait3A_1787 = tpu.memref_slice %arg27[%dma_wait3A_1785, %dma_wait3A_1786] : memref<5376x128xf32, #tpu.memory_space<vmem_shared>> -> memref<5376x128xf32, #tpu.memory_space<vmem_shared>>
        tpu.wait_indirect_dma semaphore(%run_scoped3A : memref<!tpu.dma_semaphore, #tpu.memory_space<semaphore_mem>>) src(%arg21 : memref<128x128xf32, #tpu.memory_space<vmem>>) dst(%dma_wait3A_1787 : memref<5376x128xf32, #tpu.memory_space<vmem_shared>>)
        tpu.yield
      }) : () -> ()
    } else {
    }
    %eq3A = arith.constant 0 : i32
    %eq3A_1699 = arith.cmpi eq, %arg0, %eq3A : i32
    %convert_element_type3A_1700 = arith.extui %eq3A_1699 : i1 to i32
    %cond3A_1701 = arith.constant 0 : i32
    %cond3A_1702 = arith.cmpi ne, %convert_element_type3A_1700, %cond3A_1701 : i32
    scf.if %cond3A_1702 {
      %mul3A_1715 = arith.constant 40 : i32
      %mul3A_1716 = arith.muli %arg1, %mul3A_1715 : i32
      %get3A = arith.index_cast %mul3A_1716 : i32 to index
      %get3A_1717 = tpu.vector_load %arg12[%get3A] {strides = array<i32>} : memref<640xi32, #tpu.memory_space<vmem>>, vector<16xi32>,
      %swap3A_1718 = arith.constant 0 : index
      %swap3A_1719 = tpu.vector_load %arg25[%swap3A_1718] {strides = array<i32>} : memref<40xi32, #tpu.memory_space<vmem>>, vector<16xi32>,
      tpu.vector_store %arg25[%swap3A_1718], %get3A_1717 {strides = array<i32>} : memref<40xi32, #tpu.memory_space<vmem>>, vector<16xi32>,
      %add3A_1720 = arith.constant 16 : i32
      %add3A_1721 = arith.addi %mul3A_1716, %add3A_1720 : i32
      %get3A_1722 = arith.index_cast %add3A_1721 : i32 to index
      %get3A_1723 = tpu.vector_load %arg12[%get3A_1722] {strides = array<i32>} : memref<640xi32, #tpu.memory_space<vmem>>, vector<16xi32>,
      %swap3A_1724 = arith.constant 16 : index
      %swap3A_1725 = tpu.vector_load %arg25[%swap3A_1724] {strides = array<i32>} : memref<40xi32, #tpu.memory_space<vmem>>, vector<16xi32>,
      tpu.vector_store %arg25[%swap3A_1724], %get3A_1723 {strides = array<i32>} : memref<40xi32, #tpu.memory_space<vmem>>, vector<16xi32>,
      %add3A_1726 = arith.constant 40 : i32
      %add3A_1727 = arith.addi %mul3A_1716, %add3A_1726 : i32
      %sub3A = arith.constant 16 : i32
      %sub3A_1728 = arith.subi %add3A_1727, %sub3A : i32
      %get3A_1729 = arith.index_cast %sub3A_1728 : i32 to index
      %get3A_1730 = tpu.vector_load %arg12[%get3A_1729] {strides = array<i32>} : memref<640xi32, #tpu.memory_space<vmem>>, vector<16xi32>,
      %swap3A_1731 = arith.constant 24 : index
      %swap3A_1732 = tpu.vector_load %arg25[%swap3A_1731] {strides = array<i32>} : memref<40xi32, #tpu.memory_space<vmem>>, vector<16xi32>,
      tpu.vector_store %arg25[%swap3A_1731], %get3A_1730 {strides = array<i32>} : memref<40xi32, #tpu.memory_space<vmem>>, vector<16xi32>,
      %dma_start3A = arith.constant 0 : i32
      %dma_start3A_1733 = arith.constant 0 : i32
      %dma_start3A_1734 = tpu.memref_slice %arg6[%dma_start3A, %dma_start3A_1733] : memref<10000x128xf32, #tpu.memory_space<hbm>> -> memref<10000x128xf32, #tpu.memory_space<hbm>>
      tpu.enqueue_indirect_dma source(%dma_start3A_1734 : memref<10000x128xf32, #tpu.memory_space<hbm>>) target(%arg26 : memref<40x128xf32, #tpu.memory_space<vmem>>) offsets(%arg25 : memref<40xi32, #tpu.memory_space<vmem>>) semaphore(%arg28 : memref<!tpu.dma_semaphore, #tpu.memory_space<semaphore_mem>>)
      %dma_wait3A = arith.constant 0 : i32
      %dma_wait3A_1735 = arith.constant 0 : i32
      %dma_wait3A_1736 = tpu.memref_slice %arg6[%dma_wait3A, %dma_wait3A_1735] : memref<10000x128xf32, #tpu.memory_space<hbm>> -> memref<10000x128xf32, #tpu.memory_space<hbm>>
      tpu.wait_indirect_dma semaphore(%arg28 : memref<!tpu.dma_semaphore, #tpu.memory_space<semaphore_mem>>) src(%dma_wait3A_1736 : memref<10000x128xf32, #tpu.memory_space<hbm>>) dst(%arg26 : memref<40x128xf32, #tpu.memory_space<vmem>>)
      "tpu.region"() ({
        %run_scoped3A = tpu.sem_alloc : memref<!tpu.dma_semaphore, #tpu.memory_space<semaphore_mem>>
        %dma_start3A_1737 = arith.constant 0 : i32
        %dma_start3A_1738 = tpu.memref_slice %arg10[%mul3A_1716, %dma_start3A_1737] : memref<640x128xf32, #tpu.memory_space<hbm>> -> memref<40x128xf32, #tpu.memory_space<hbm>>
        %dma_start3A_1739 = arith.constant 0 : i32
        %dma_start3A_1740 = tpu.memref_slice %arg10[%mul3A_1716, %dma_start3A_1739] : memref<640x128xf32, #tpu.memory_space<hbm>> -> memref<40x128xf32, #tpu.memory_space<hbm>>
        tpu.enqueue_dma source(%arg26 : memref<40x128xf32, #tpu.memory_space<vmem>>) target(%dma_start3A_1740 : memref<40x128xf32, #tpu.memory_space<hbm>>) target_semaphore(%run_scoped3A : memref<!tpu.dma_semaphore, #tpu.memory_space<semaphore_mem>>)
        %dma_wait3A_1741 = arith.constant 0 : i32
        %dma_wait3A_1742 = tpu.memref_slice %arg10[%mul3A_1716, %dma_wait3A_1741] : memref<640x128xf32, #tpu.memory_space<hbm>> -> memref<40x128xf32, #tpu.memory_space<hbm>>
        %dma_wait3A_1743 = arith.constant 0 : i32
        %dma_wait3A_1744 = tpu.memref_slice %arg10[%mul3A_1716, %dma_wait3A_1743] : memref<640x128xf32, #tpu.memory_space<hbm>> -> memref<40x128xf32, #tpu.memory_space<hbm>>
        tpu.wait_dma2 semaphore(%run_scoped3A : memref<!tpu.dma_semaphore, #tpu.memory_space<semaphore_mem>>) src(%arg26 : memref<40x128xf32, #tpu.memory_space<vmem>>) dst(%dma_wait3A_1744 : memref<40x128xf32, #tpu.memory_space<hbm>>)
        tpu.yield
      }) : () -> ()
    } else {
    }
    %eq3A_1703 = arith.constant 0 : i32
    %eq3A_1704 = arith.cmpi eq, %arg0, %eq3A_1703 : i32
    %eq3A_1705 = arith.constant 0 : i32
    %eq3A_1706 = arith.cmpi eq, %arg1, %eq3A_1705 : i32
    %and3A = arith.andi %eq3A_1704, %eq3A_1706 : i1
    %convert_element_type3A_1707 = arith.extui %and3A : i1 to i32
    %cond3A_1708 = arith.constant 0 : i32
    %cond3A_1709 = arith.cmpi ne, %convert_element_type3A_1707, %cond3A_1708 : i32
    scf.if %cond3A_1709 {
      %scan3A_1715 = arith.constant 0 : i32
      %scan3A_1716 = arith.constant 0 : i32
      %scan3A_1717 = arith.constant 40 : i32
      %scan3A_1718 = arith.addi %scan3A_1716, %scan3A_1717 : i32
      %scan3A_1719 = arith.constant 1 : i32
      %scan3A_1720 = scf.for %scan3A_1722 = %scan3A_1716 to %scan3A_1718 step %scan3A_1719 iter_args(%scan3A_1723 = %scan3A_1715) -> (i32)  : i32 {
        %mul3A_1724 = arith.constant 16 : i32
        %mul3A_1725 = arith.muli %scan3A_1722, %mul3A_1724 : i32
        %get3A = arith.index_cast %mul3A_1725 : i32 to index
        %get3A_1726 = tpu.vector_load %arg12[%get3A] {strides = array<i32>} : memref<640xi32, #tpu.memory_space<vmem>>, vector<16xi32>,
        %gather3A = tpu.vector_load_idx %arg13[%get3A_1726] : memref<10016xi32, #tpu.memory_space<vmem>>[vector<16xi32>], vector<16xi32>,
        %mul3A_1727 = arith.constant 16 : i32
        %mul3A_1728 = arith.muli %scan3A_1722, %mul3A_1727 : i32
        %swap3A_1729 = arith.index_cast %mul3A_1728 : i32 to index
        %swap3A_1730 = tpu.vector_load %arg24[%swap3A_1729] {strides = array<i32>} : memref<640xi32, #tpu.memory_space<vmem>>, vector<16xi32>,
        tpu.vector_store %arg24[%swap3A_1729], %gather3A {strides = array<i32>} : memref<640xi32, #tpu.memory_space<vmem>>, vector<16xi32>,
        %scan3A_1731 = arith.constant 0 : i32
        scf.yield %scan3A_1731 : i32
      }
      %scan3A_1721 = arith.constant 40 : i32
      "tpu.region"() ({
        %run_scoped3A = tpu.sem_alloc : memref<!tpu.dma_semaphore, #tpu.memory_space<semaphore_mem>>
        tpu.enqueue_dma source(%arg24 : memref<640xi32, #tpu.memory_space<vmem>>) target(%arg9 : memref<640xi32, #tpu.memory_space<hbm>>) target_semaphore(%run_scoped3A : memref<!tpu.dma_semaphore, #tpu.memory_space<semaphore_mem>>)
        tpu.wait_dma2 semaphore(%run_scoped3A : memref<!tpu.dma_semaphore, #tpu.memory_space<semaphore_mem>>) src(%arg24 : memref<640xi32, #tpu.memory_space<vmem>>) dst(%arg9 : memref<640xi32, #tpu.memory_space<hbm>>)
        tpu.yield
      }) : () -> ()
    } else {
    }
    %barrier3A_1710 = arith.constant 0 : index
    tpu.barrier barrier_id(%barrier3A_1710)
    %mul3A_1711 = arith.constant 336 : i32
    %mul3A_1712 = arith.muli %arg1, %mul3A_1711 : i32
    %mul3A_1713 = arith.constant 336 : i32
    %mul3A_1714 = arith.muli %arg1, %mul3A_1713 : i32
    "tpu.region"() ({
      %run_scoped3A = tpu.sem_alloc : memref<!tpu.dma_semaphore, #tpu.memory_space<semaphore_mem>>
      %dma_start3A = arith.constant 0 : i32
      %dma_start3A_1715 = tpu.memref_slice %arg7[%arg0, %mul3A_1714, %dma_start3A] : memref<2x5376x128xf32, #tpu.memory_space<hbm>> -> memref<1x336x128xf32, #tpu.memory_space<hbm>>
      %dma_start3A_1716 = tpu.memref_squeeze %dma_start3A_1715 : memref<1x336x128xf32, #tpu.memory_space<hbm>> -> memref<336x128xf32, #tpu.memory_space<hbm>>
      %dma_start3A_1717 = arith.constant 0 : i32
      %dma_start3A_1718 = tpu.memref_slice %arg27[%mul3A_1712, %dma_start3A_1717] : memref<5376x128xf32, #tpu.memory_space<vmem_shared>> -> memref<336x128xf32, #tpu.memory_space<vmem_shared>>
      tpu.enqueue_dma source(%dma_start3A_1718 : memref<336x128xf32, #tpu.memory_space<vmem_shared>>) target(%dma_start3A_1716 : memref<336x128xf32, #tpu.memory_space<hbm>>) target_semaphore(%run_scoped3A : memref<!tpu.dma_semaphore, #tpu.memory_space<semaphore_mem>>)
      %dma_wait3A = arith.constant 0 : i32
      %dma_wait3A_1719 = tpu.memref_slice %arg7[%arg0, %mul3A_1714, %dma_wait3A] : memref<2x5376x128xf32, #tpu.memory_space<hbm>> -> memref<1x336x128xf32, #tpu.memory_space<hbm>>
      %dma_wait3A_1720 = tpu.memref_squeeze %dma_wait3A_1719 : memref<1x336x128xf32, #tpu.memory_space<hbm>> -> memref<336x128xf32, #tpu.memory_space<hbm>>
      %dma_wait3A_1721 = arith.constant 0 : i32
      %dma_wait3A_1722 = tpu.memref_slice %arg27[%mul3A_1712, %dma_wait3A_1721] : memref<5376x128xf32, #tpu.memory_space<vmem_shared>> -> memref<336x128xf32, #tpu.memory_space<vmem_shared>>
      tpu.wait_dma2 semaphore(%run_scoped3A : memref<!tpu.dma_semaphore, #tpu.memory_space<semaphore_mem>>) src(%dma_wait3A_1722 : memref<336x128xf32, #tpu.memory_space<vmem_shared>>) dst(%dma_wait3A_1720 : memref<336x128xf32, #tpu.memory_space<hbm>>)
      tpu.yield
    }) : () -> ()
    "tpu.region"() ({
      %run_scoped3A = tpu.sem_alloc : memref<!tpu.dma_semaphore, #tpu.memory_space<semaphore_mem>>
      %dma_start3A = arith.constant 0 : i32
      %dma_start3A_1715 = tpu.memref_slice %arg8[%add3A, %dma_start3A] : memref<32x768xf32, #tpu.memory_space<hbm>> -> memref<1x768xf32, #tpu.memory_space<hbm>>
      %dma_start3A_1716 = tpu.memref_squeeze %dma_start3A_1715 : memref<1x768xf32, #tpu.memory_space<hbm>> -> memref<768xf32, #tpu.memory_space<hbm>>
      %dma_start3A_1717 = arith.constant 0 : i32
      %dma_start3A_1718 = tpu.memref_slice %arg8[%add3A, %dma_start3A_1717] : memref<32x768xf32, #tpu.memory_space<hbm>> -> memref<1x768xf32, #tpu.memory_space<hbm>>
      %dma_start3A_1719 = tpu.memref_squeeze %dma_start3A_1718 : memref<1x768xf32, #tpu.memory_space<hbm>> -> memref<768xf32, #tpu.memory_space<hbm>>
      tpu.enqueue_dma source(%arg22 : memref<768xf32, #tpu.memory_space<vmem>>) target(%dma_start3A_1719 : memref<768xf32, #tpu.memory_space<hbm>>) target_semaphore(%run_scoped3A : memref<!tpu.dma_semaphore, #tpu.memory_space<semaphore_mem>>)
      %dma_wait3A = arith.constant 0 : i32
      %dma_wait3A_1720 = tpu.memref_slice %arg8[%add3A, %dma_wait3A] : memref<32x768xf32, #tpu.memory_space<hbm>> -> memref<1x768xf32, #tpu.memory_space<hbm>>
      %dma_wait3A_1721 = tpu.memref_squeeze %dma_wait3A_1720 : memref<1x768xf32, #tpu.memory_space<hbm>> -> memref<768xf32, #tpu.memory_space<hbm>>
      %dma_wait3A_1722 = arith.constant 0 : i32
      %dma_wait3A_1723 = tpu.memref_slice %arg8[%add3A, %dma_wait3A_1722] : memref<32x768xf32, #tpu.memory_space<hbm>> -> memref<1x768xf32, #tpu.memory_space<hbm>>
      %dma_wait3A_1724 = tpu.memref_squeeze %dma_wait3A_1723 : memref<1x768xf32, #tpu.memory_space<hbm>> -> memref<768xf32, #tpu.memory_space<hbm>>
      tpu.wait_dma2 semaphore(%run_scoped3A : memref<!tpu.dma_semaphore, #tpu.memory_space<semaphore_mem>>) src(%arg22 : memref<768xf32, #tpu.memory_space<vmem>>) dst(%dma_wait3A_1724 : memref<768xf32, #tpu.memory_space<hbm>>)
      tpu.yield
    }) : () -> ()
    return
  }
}

module attributes {stable_mosaic.version = 14 : i64} {
  func.func @_tc_body(%arg0: memref<2x5376x128xf32, #tpu.memory_space<vmem>>, %arg1: memref<32x768xf32, #tpu.memory_space<vmem>>, %arg2: memref<640xi32, #tpu.memory_space<vmem>>, %arg3: memref<640x128xf32, #tpu.memory_space<vmem>>, %arg4: memref<8x128x128xf32, #tpu.memory_space<vmem>>, %arg5: memref<128x128xf32, #tpu.memory_space<vmem>>, %arg6: memref<128x128xf32, #tpu.memory_space<vmem>>, %arg7: memref<128xf32, #tpu.memory_space<vmem>>, %arg8: memref<1x128xf32, #tpu.memory_space<vmem>>, %arg9: memref<1x1xf32, #tpu.memory_space<vmem>>, %arg10: memref<64x1xf32, #tpu.memory_space<vmem>>) attributes {dimension_semantics = [], scalar_prefetch = 0 : i64, scratch_operands = 0 : i64, tpu.core_type = #tpu.core_type<tc>} {
    %get3A = arith.constant 0 : index
    %get3A_0 = arith.constant 0 : index
    %get3A_1 = arith.constant 0 : index
    %get3A_2 = vector.load %arg0[%get3A, %get3A_0, %get3A_1] : memref<2x5376x128xf32, #tpu.memory_space<vmem>>, vector<1x5376x128xf32>
    %get3A_3 = vector.shape_cast %get3A_2 : vector<1x5376x128xf32> to vector<5376x128xf32>
    %get3A_4 = arith.constant 1 : index
    %get3A_5 = arith.constant 0 : index
    %get3A_6 = arith.constant 0 : index
    %get3A_7 = vector.load %arg0[%get3A_4, %get3A_5, %get3A_6] : memref<2x5376x128xf32, #tpu.memory_space<vmem>>, vector<1x5376x128xf32>
    %get3A_8 = vector.shape_cast %get3A_7 : vector<1x5376x128xf32> to vector<5376x128xf32>
    %add3A = arith.addf %get3A_3, %get3A_8 : vector<5376x128xf32>
    %broadcast_in_dim3A = arith.constant 0.000000e+00 : f32
    %broadcast_in_dim3A_9 = vector.broadcast %broadcast_in_dim3A : f32 to vector<640x128xf32>
    %slice3A = vector.extract_strided_slice %add3A {offsets = [0, 0], sizes = [640, 128], strides = [1, 1]} : vector<5376x128xf32> to vector<640x128xf32>
    %get3A_10 = arith.constant 0 : index
    %get3A_11 = arith.constant 0 : index
    %get3A_12 = arith.constant 0 : index
    %get3A_13 = vector.load %arg4[%get3A_10, %get3A_11, %get3A_12] : memref<8x128x128xf32, #tpu.memory_space<vmem>>, vector<1x128x128xf32>
    %get3A_14 = vector.shape_cast %get3A_13 : vector<1x128x128xf32> to vector<128x128xf32>
    %dot_general3A = arith.constant dense<0.000000e+00> : vector<640x128xf32>
    %dot_general3A_15 = tpu.matmul %slice3A, %get3A_14, %dot_general3A {dimension_numbers = #tpu.dot_dimension_numbers<[1], [0], [0], [1], [0, 0, 1, 1], [], []>, precision = #tpu.contract_precision<fp32>, transpose_lhs_hint = false} : vector<640x128xf32>, vector<128x128xf32>, vector<640x128xf32> -> vector<640x128xf32>
    %add3A_16 = arith.addf %broadcast_in_dim3A_9, %dot_general3A_15 : vector<640x128xf32>
    %slice3A_17 = vector.extract_strided_slice %add3A {offsets = [640, 0], sizes = [640, 128], strides = [1, 1]} : vector<5376x128xf32> to vector<640x128xf32>
    %get3A_18 = arith.constant 1 : index
    %get3A_19 = arith.constant 0 : index
    %get3A_20 = arith.constant 0 : index
    %get3A_21 = vector.load %arg4[%get3A_18, %get3A_19, %get3A_20] : memref<8x128x128xf32, #tpu.memory_space<vmem>>, vector<1x128x128xf32>
    %get3A_22 = vector.shape_cast %get3A_21 : vector<1x128x128xf32> to vector<128x128xf32>
    %dot_general3A_23 = arith.constant dense<0.000000e+00> : vector<640x128xf32>
    %dot_general3A_24 = tpu.matmul %slice3A_17, %get3A_22, %dot_general3A_23 {dimension_numbers = #tpu.dot_dimension_numbers<[1], [0], [0], [1], [0, 0, 1, 1], [], []>, precision = #tpu.contract_precision<fp32>, transpose_lhs_hint = false} : vector<640x128xf32>, vector<128x128xf32>, vector<640x128xf32> -> vector<640x128xf32>
    %add3A_25 = arith.addf %add3A_16, %dot_general3A_24 : vector<640x128xf32>
    %slice3A_26 = vector.extract_strided_slice %add3A {offsets = [1280, 0], sizes = [640, 128], strides = [1, 1]} : vector<5376x128xf32> to vector<640x128xf32>
    %get3A_27 = arith.constant 2 : index
    %get3A_28 = arith.constant 0 : index
    %get3A_29 = arith.constant 0 : index
    %get3A_30 = vector.load %arg4[%get3A_27, %get3A_28, %get3A_29] : memref<8x128x128xf32, #tpu.memory_space<vmem>>, vector<1x128x128xf32>
    %get3A_31 = vector.shape_cast %get3A_30 : vector<1x128x128xf32> to vector<128x128xf32>
    %dot_general3A_32 = arith.constant dense<0.000000e+00> : vector<640x128xf32>
    %dot_general3A_33 = tpu.matmul %slice3A_26, %get3A_31, %dot_general3A_32 {dimension_numbers = #tpu.dot_dimension_numbers<[1], [0], [0], [1], [0, 0, 1, 1], [], []>, precision = #tpu.contract_precision<fp32>, transpose_lhs_hint = false} : vector<640x128xf32>, vector<128x128xf32>, vector<640x128xf32> -> vector<640x128xf32>
    %add3A_34 = arith.addf %add3A_25, %dot_general3A_33 : vector<640x128xf32>
    %slice3A_35 = vector.extract_strided_slice %add3A {offsets = [1920, 0], sizes = [640, 128], strides = [1, 1]} : vector<5376x128xf32> to vector<640x128xf32>
    %get3A_36 = arith.constant 3 : index
    %get3A_37 = arith.constant 0 : index
    %get3A_38 = arith.constant 0 : index
    %get3A_39 = vector.load %arg4[%get3A_36, %get3A_37, %get3A_38] : memref<8x128x128xf32, #tpu.memory_space<vmem>>, vector<1x128x128xf32>
    %get3A_40 = vector.shape_cast %get3A_39 : vector<1x128x128xf32> to vector<128x128xf32>
    %dot_general3A_41 = arith.constant dense<0.000000e+00> : vector<640x128xf32>
    %dot_general3A_42 = tpu.matmul %slice3A_35, %get3A_40, %dot_general3A_41 {dimension_numbers = #tpu.dot_dimension_numbers<[1], [0], [0], [1], [0, 0, 1, 1], [], []>, precision = #tpu.contract_precision<fp32>, transpose_lhs_hint = false} : vector<640x128xf32>, vector<128x128xf32>, vector<640x128xf32> -> vector<640x128xf32>
    %add3A_43 = arith.addf %add3A_34, %dot_general3A_42 : vector<640x128xf32>
    %slice3A_44 = vector.extract_strided_slice %add3A {offsets = [2560, 0], sizes = [640, 128], strides = [1, 1]} : vector<5376x128xf32> to vector<640x128xf32>
    %get3A_45 = arith.constant 4 : index
    %get3A_46 = arith.constant 0 : index
    %get3A_47 = arith.constant 0 : index
    %get3A_48 = vector.load %arg4[%get3A_45, %get3A_46, %get3A_47] : memref<8x128x128xf32, #tpu.memory_space<vmem>>, vector<1x128x128xf32>
    %get3A_49 = vector.shape_cast %get3A_48 : vector<1x128x128xf32> to vector<128x128xf32>
    %dot_general3A_50 = arith.constant dense<0.000000e+00> : vector<640x128xf32>
    %dot_general3A_51 = tpu.matmul %slice3A_44, %get3A_49, %dot_general3A_50 {dimension_numbers = #tpu.dot_dimension_numbers<[1], [0], [0], [1], [0, 0, 1, 1], [], []>, precision = #tpu.contract_precision<fp32>, transpose_lhs_hint = false} : vector<640x128xf32>, vector<128x128xf32>, vector<640x128xf32> -> vector<640x128xf32>
    %add3A_52 = arith.addf %add3A_43, %dot_general3A_51 : vector<640x128xf32>
    %slice3A_53 = vector.extract_strided_slice %add3A {offsets = [3200, 0], sizes = [640, 128], strides = [1, 1]} : vector<5376x128xf32> to vector<640x128xf32>
    %get3A_54 = arith.constant 5 : index
    %get3A_55 = arith.constant 0 : index
    %get3A_56 = arith.constant 0 : index
    %get3A_57 = vector.load %arg4[%get3A_54, %get3A_55, %get3A_56] : memref<8x128x128xf32, #tpu.memory_space<vmem>>, vector<1x128x128xf32>
    %get3A_58 = vector.shape_cast %get3A_57 : vector<1x128x128xf32> to vector<128x128xf32>
    %dot_general3A_59 = arith.constant dense<0.000000e+00> : vector<640x128xf32>
    %dot_general3A_60 = tpu.matmul %slice3A_53, %get3A_58, %dot_general3A_59 {dimension_numbers = #tpu.dot_dimension_numbers<[1], [0], [0], [1], [0, 0, 1, 1], [], []>, precision = #tpu.contract_precision<fp32>, transpose_lhs_hint = false} : vector<640x128xf32>, vector<128x128xf32>, vector<640x128xf32> -> vector<640x128xf32>
    %add3A_61 = arith.addf %add3A_52, %dot_general3A_60 : vector<640x128xf32>
    %slice3A_62 = vector.extract_strided_slice %add3A {offsets = [3840, 0], sizes = [640, 128], strides = [1, 1]} : vector<5376x128xf32> to vector<640x128xf32>
    %get3A_63 = arith.constant 6 : index
    %get3A_64 = arith.constant 0 : index
    %get3A_65 = arith.constant 0 : index
    %get3A_66 = vector.load %arg4[%get3A_63, %get3A_64, %get3A_65] : memref<8x128x128xf32, #tpu.memory_space<vmem>>, vector<1x128x128xf32>
    %get3A_67 = vector.shape_cast %get3A_66 : vector<1x128x128xf32> to vector<128x128xf32>
    %dot_general3A_68 = arith.constant dense<0.000000e+00> : vector<640x128xf32>
    %dot_general3A_69 = tpu.matmul %slice3A_62, %get3A_67, %dot_general3A_68 {dimension_numbers = #tpu.dot_dimension_numbers<[1], [0], [0], [1], [0, 0, 1, 1], [], []>, precision = #tpu.contract_precision<fp32>, transpose_lhs_hint = false} : vector<640x128xf32>, vector<128x128xf32>, vector<640x128xf32> -> vector<640x128xf32>
    %add3A_70 = arith.addf %add3A_61, %dot_general3A_69 : vector<640x128xf32>
    %slice3A_71 = vector.extract_strided_slice %add3A {offsets = [4480, 0], sizes = [640, 128], strides = [1, 1]} : vector<5376x128xf32> to vector<640x128xf32>
    %get3A_72 = arith.constant 7 : index
    %get3A_73 = arith.constant 0 : index
    %get3A_74 = arith.constant 0 : index
    %get3A_75 = vector.load %arg4[%get3A_72, %get3A_73, %get3A_74] : memref<8x128x128xf32, #tpu.memory_space<vmem>>, vector<1x128x128xf32>
    %get3A_76 = vector.shape_cast %get3A_75 : vector<1x128x128xf32> to vector<128x128xf32>
    %dot_general3A_77 = arith.constant dense<0.000000e+00> : vector<640x128xf32>
    %dot_general3A_78 = tpu.matmul %slice3A_71, %get3A_76, %dot_general3A_77 {dimension_numbers = #tpu.dot_dimension_numbers<[1], [0], [0], [1], [0, 0, 1, 1], [], []>, precision = #tpu.contract_precision<fp32>, transpose_lhs_hint = false} : vector<640x128xf32>, vector<128x128xf32>, vector<640x128xf32> -> vector<640x128xf32>
    %add3A_79 = arith.addf %add3A_70, %dot_general3A_78 : vector<640x128xf32>
    %get3A_80 = arith.constant 0 : index
    %get3A_81 = arith.constant 0 : index
    %get3A_82 = vector.load %arg1[%get3A_80, %get3A_81] : memref<32x768xf32, #tpu.memory_space<vmem>>, vector<32x768xf32>
    %reduce_sum3A = arith.constant dense<0.000000e+00> : vector<768xf32>
    %reduce_sum3A_83 = vector.multi_reduction <add>, %get3A_82, %reduce_sum3A [0] : vector<32x768xf32> to vector<768xf32>
    %broadcast_in_dim3A_84 = vector.shape_cast %reduce_sum3A_83 : vector<768xf32> to vector<1x768xf32>
    %slice3A_85 = vector.extract_strided_slice %broadcast_in_dim3A_84 {offsets = [0, 0], sizes = [1, 640], strides = [1, 1]} : vector<1x768xf32> to vector<1x640xf32>
    %max3A = arith.constant 1.000000e+00 : f32
    %max3A_86 = vector.broadcast %max3A : f32 to vector<1x640xf32>
    %max3A_87 = arith.maximumf %slice3A_85, %max3A_86 : vector<1x640xf32>
    %div3A = arith.constant 1.000000e+00 : f32
    %div3A_88 = vector.broadcast %div3A : f32 to vector<1x640xf32>
    %div3A_89 = arith.divf %div3A_88, %max3A_87 : vector<1x640xf32>
    %iota3A = tpu.iota {dimensions = array<i32: 0>} : vector<640x640xi32>
    %iota3A_90 = tpu.iota {dimensions = array<i32: 1>} : vector<640x640xi32>
    %eq3A = arith.cmpi eq, %iota3A, %iota3A_90 : vector<640x640xi32>
    %convert_element_type3A = arith.extui %eq3A : vector<640x640xi1> to vector<640x640xi32>
    %convert_element_type3A_91 = arith.sitofp %convert_element_type3A : vector<640x640xi32> to vector<640x640xf32>
    %mul3A = vector.broadcast %div3A_89 : vector<1x640xf32> to vector<640x640xf32>
    %mul3A_92 = arith.mulf %convert_element_type3A_91, %mul3A : vector<640x640xf32>
    %dot_general3A_93 = arith.constant dense<0.000000e+00> : vector<640x128xf32>
    %dot_general3A_94 = tpu.matmul %mul3A_92, %add3A_79, %dot_general3A_93 {dimension_numbers = #tpu.dot_dimension_numbers<[1], [0], [0], [1], [0, 0, 1, 1], [], []>, precision = #tpu.contract_precision<fp32>, transpose_lhs_hint = false} : vector<640x640xf32>, vector<640x128xf32>, vector<640x128xf32> -> vector<640x128xf32>
    %get3A_95 = arith.constant 0 : index
    %get3A_96 = arith.constant 0 : index
    %get3A_97 = vector.load %arg3[%get3A_95, %get3A_96] : memref<640x128xf32, #tpu.memory_space<vmem>>, vector<640x128xf32>
    %get3A_98 = arith.constant 0 : index
    %get3A_99 = arith.constant 0 : index
    %get3A_100 = vector.load %arg5[%get3A_98, %get3A_99] : memref<128x128xf32, #tpu.memory_space<vmem>>, vector<128x128xf32>
    %dot_general3A_101 = arith.constant dense<0.000000e+00> : vector<640x128xf32>
    %dot_general3A_102 = tpu.matmul %get3A_97, %get3A_100, %dot_general3A_101 {dimension_numbers = #tpu.dot_dimension_numbers<[1], [0], [0], [1], [0, 0, 1, 1], [], []>, precision = #tpu.contract_precision<fp32>, transpose_lhs_hint = false} : vector<640x128xf32>, vector<128x128xf32>, vector<640x128xf32> -> vector<640x128xf32>
    %add3A_103 = arith.addf %dot_general3A_94, %dot_general3A_102 : vector<640x128xf32>
    %max3A_104 = arith.constant 0.000000e+00 : f32
    %max3A_105 = vector.broadcast %max3A_104 : f32 to vector<640x128xf32>
    %max3A_106 = arith.maximumf %add3A_103, %max3A_105 : vector<640x128xf32>
    %get3A_107 = arith.constant 0 : index
    %get3A_108 = vector.load %arg2[%get3A_107] : memref<640xi32, #tpu.memory_space<vmem>>, vector<640xi32>
    %iota3A_109 = tpu.iota {dimensions = array<i32: 1>} : vector<640x640xi32>
    %broadcast_in_dim3A_110 = vector.shape_cast %get3A_108 : vector<640xi32> to vector<640x1xi32>
    %eq3A_111 = vector.broadcast %broadcast_in_dim3A_110 : vector<640x1xi32> to vector<640x640xi32>
    %eq3A_112 = arith.cmpi eq, %eq3A_111, %iota3A_109 : vector<640x640xi32>
    %convert_element_type3A_113 = arith.extui %eq3A_112 : vector<640x640xi1> to vector<640x640xi32>
    %convert_element_type3A_114 = arith.sitofp %convert_element_type3A_113 : vector<640x640xi32> to vector<640x640xf32>
    %dot_general3A_115 = arith.constant dense<0.000000e+00> : vector<640x128xf32>
    %dot_general3A_116 = tpu.matmul %convert_element_type3A_114, %max3A_106, %dot_general3A_115 {dimension_numbers = #tpu.dot_dimension_numbers<[1], [0], [0], [1], [0, 0, 1, 1], [], []>, precision = #tpu.contract_precision<fp32>, transpose_lhs_hint = false} : vector<640x640xf32>, vector<640x128xf32>, vector<640x128xf32> -> vector<640x128xf32>
    %iota3A_117 = tpu.iota {dimensions = array<i32: 1>} : vector<64x640xi32>
    %jit3A = arith.constant 10 : i32
    %div3A_118 = vector.broadcast %jit3A : i32 to vector<64x640xi32>
    %div3A_119 = arith.divsi %iota3A_117, %div3A_118 : vector<64x640xi32>
    %sign3A = arith.constant 0 : i32
    %sign3A_120 = vector.broadcast %sign3A : i32 to vector<64x640xi32>
    %sign3A_121 = arith.cmpi sgt, %iota3A_117, %sign3A_120 : vector<64x640xi32>
    %sign3A_122 = arith.extui %sign3A_121 : vector<64x640xi1> to vector<64x640xi32>
    %sign3A_123 = arith.constant 0 : i32
    %sign3A_124 = vector.broadcast %sign3A_123 : i32 to vector<64x640xi32>
    %sign3A_125 = arith.cmpi slt, %iota3A_117, %sign3A_124 : vector<64x640xi32>
    %sign3A_126 = arith.extui %sign3A_125 : vector<64x640xi1> to vector<64x640xi32>
    %sign3A_127 = arith.subi %sign3A_122, %sign3A_126 : vector<64x640xi32>
    %sign3A_128 = arith.constant 0 : i32
    %sign3A_129 = arith.cmpi sgt, %jit3A, %sign3A_128 : i32
    %sign3A_130 = arith.extui %sign3A_129 : i1 to i32
    %sign3A_131 = arith.constant 0 : i32
    %sign3A_132 = arith.cmpi slt, %jit3A, %sign3A_131 : i32
    %sign3A_133 = arith.extui %sign3A_132 : i1 to i32
    %sign3A_134 = arith.subi %sign3A_130, %sign3A_133 : i32
    %ne3A = vector.broadcast %sign3A_134 : i32 to vector<64x640xi32>
    %ne3A_135 = arith.cmpi ne, %sign3A_127, %ne3A : vector<64x640xi32>
    %rem3A = vector.broadcast %jit3A : i32 to vector<64x640xi32>
    %rem3A_136 = arith.remsi %iota3A_117, %rem3A : vector<64x640xi32>
    %ne3A_137 = arith.constant 0 : i32
    %ne3A_138 = vector.broadcast %ne3A_137 : i32 to vector<64x640xi32>
    %ne3A_139 = arith.cmpi ne, %rem3A_136, %ne3A_138 : vector<64x640xi32>
    %and3A = arith.andi %ne3A_135, %ne3A_139 : vector<64x640xi1>
    %sub3A = arith.constant 1 : i32
    %sub3A_140 = vector.broadcast %sub3A : i32 to vector<64x640xi32>
    %sub3A_141 = arith.subi %div3A_119, %sub3A_140 : vector<64x640xi32>
    %select_n3A = arith.select %and3A, %sub3A_141, %div3A_119 : vector<64x640xi1>, vector<64x640xi32>
    %iota3A_142 = tpu.iota {dimensions = array<i32: 0>} : vector<64x640xi32>
    %eq3A_143 = arith.cmpi eq, %select_n3A, %iota3A_142 : vector<64x640xi32>
    %convert_element_type3A_144 = arith.extui %eq3A_143 : vector<64x640xi1> to vector<64x640xi32>
    %convert_element_type3A_145 = arith.sitofp %convert_element_type3A_144 : vector<64x640xi32> to vector<64x640xf32>
    %dot_general3A_146 = arith.constant dense<0.000000e+00> : vector<64x128xf32>
    %dot_general3A_147 = tpu.matmul %convert_element_type3A_145, %dot_general3A_116, %dot_general3A_146 {dimension_numbers = #tpu.dot_dimension_numbers<[1], [0], [0], [1], [0, 0, 1, 1], [], []>, precision = #tpu.contract_precision<fp32>, transpose_lhs_hint = false} : vector<64x640xf32>, vector<640x128xf32>, vector<64x128xf32> -> vector<64x128xf32>
    %div3A_148 = arith.constant 1.000000e+01 : f32
    %div3A_149 = vector.broadcast %div3A_148 : f32 to vector<64x128xf32>
    %div3A_150 = arith.divf %dot_general3A_147, %div3A_149 : vector<64x128xf32>
    %get3A_151 = arith.constant 0 : index
    %get3A_152 = arith.constant 0 : index
    %get3A_153 = vector.load %arg6[%get3A_151, %get3A_152] : memref<128x128xf32, #tpu.memory_space<vmem>>, vector<128x128xf32>
    %dot_general3A_154 = arith.constant dense<0.000000e+00> : vector<64x128xf32>
    %dot_general3A_155 = tpu.matmul %div3A_150, %get3A_153, %dot_general3A_154 {dimension_numbers = #tpu.dot_dimension_numbers<[1], [0], [0], [1], [0, 0, 1, 1], [], []>, precision = #tpu.contract_precision<fp32>, transpose_lhs_hint = false} : vector<64x128xf32>, vector<128x128xf32>, vector<64x128xf32> -> vector<64x128xf32>
    %get3A_156 = arith.constant 0 : index
    %get3A_157 = vector.load %arg7[%get3A_156] : memref<128xf32, #tpu.memory_space<vmem>>, vector<128xf32>
    %broadcast_in_dim3A_158 = vector.shape_cast %get3A_157 : vector<128xf32> to vector<1x128xf32>
    %add3A_159 = vector.broadcast %broadcast_in_dim3A_158 : vector<1x128xf32> to vector<64x128xf32>
    %add3A_160 = arith.addf %dot_general3A_155, %add3A_159 : vector<64x128xf32>
    %max3A_161 = arith.constant 0.000000e+00 : f32
    %max3A_162 = vector.broadcast %max3A_161 : f32 to vector<64x128xf32>
    %max3A_163 = arith.maximumf %add3A_160, %max3A_162 : vector<64x128xf32>
    %get3A_164 = arith.constant 0 : index
    %get3A_165 = arith.constant 0 : index
    %get3A_166 = vector.load %arg8[%get3A_164, %get3A_165] : memref<1x128xf32, #tpu.memory_space<vmem>>, vector<1x128xf32>
    %mul3A_167 = vector.broadcast %get3A_166 : vector<1x128xf32> to vector<64x128xf32>
    %mul3A_168 = arith.mulf %max3A_163, %mul3A_167 : vector<64x128xf32>
    %reduce_sum3A_169 = arith.constant dense<0.000000e+00> : vector<64xf32>
    %reduce_sum3A_170 = vector.multi_reduction <add>, %mul3A_168, %reduce_sum3A_169 [1] : vector<64x128xf32> to vector<64xf32>
    %broadcast_in_dim3A_171 = vector.shape_cast %reduce_sum3A_170 : vector<64xf32> to vector<64x1xf32>
    %get3A_172 = arith.constant 0 : index
    %get3A_173 = arith.constant 0 : index
    %get3A_174 = vector.load %arg9[%get3A_172, %get3A_173] : memref<1x1xf32, #tpu.memory_space<vmem>>, vector<1x1xf32>
    %add3A_175 = vector.broadcast %get3A_174 : vector<1x1xf32> to vector<64x1xf32>
    %add3A_176 = arith.addf %broadcast_in_dim3A_171, %add3A_175 : vector<64x1xf32>
    %neg3A = arith.constant 0.000000e+00 : f32
    %neg3A_177 = vector.broadcast %neg3A : f32 to vector<64x1xf32>
    %neg3A_178 = arith.subf %neg3A_177, %add3A_176 : vector<64x1xf32>
    %exp3A = math.exp %neg3A_178 : vector<64x1xf32>
    %add3A_179 = arith.constant 1.000000e+00 : f32
    %add3A_180 = vector.broadcast %add3A_179 : f32 to vector<64x1xf32>
    %add3A_181 = arith.addf %add3A_180, %exp3A : vector<64x1xf32>
    %div3A_182 = arith.constant 1.000000e+00 : f32
    %div3A_183 = vector.broadcast %div3A_182 : f32 to vector<64x1xf32>
    %div3A_184 = arith.divf %div3A_183, %add3A_181 : vector<64x1xf32>
    %swap3A = arith.constant 0 : index
    %swap3A_185 = arith.constant 0 : index
    %swap3A_186 = vector.load %arg10[%swap3A, %swap3A_185] : memref<64x1xf32, #tpu.memory_space<vmem>>, vector<64x1xf32>
    tpu.vector_store %arg10[%swap3A, %swap3A_185], %div3A_184 {strides = array<i32>} : memref<64x1xf32, #tpu.memory_space<vmem>>, vector<64x1xf32>,
    return
  }
}

</mosaic_0001>

<sc_bundles>
// kernel: kernel.4.cloned.1.call-start
scs
__scs_entry_jumppad:
0x0: {  	(pc) =	sbr.rel $0x88, $3  }
0x1: {  	(tag) =	ssettag $0x0;
	lr =	simm.s32 $0x1  }
0x2: {  	[smem:$0x3F97] =	sst lr;
	_ =	strace $0xD0000000  }
0x3: {  	_ = 	snop  }
0x4: {  	_ = 	snop  }
0x5: {  	_ = 	snop  }
0x6: {  	_ = 	snop  }
0x7: {  	_ = 	snop  }
__scs_overlays_trampoline_lowered:
0x8: {  	[smem:$0x3FA6] =	sst s0  }
0x9: {  	[smem:$0x3FA7] =	sst s1  }
0xa: {  	[smem:$0x3FA8] =	sst s2  }
0xb: {  	[smem:$0x3FA9] =	sst s3  }
0xc: {  	[smem:$0x3FAA] =	sst s4  }
0xd: {  	[smem:$0x3FAB] =	sst s5  }
0xe: {  	[smem:$0x3FAC] =	sst s6  }
0xf: {  	[smem:$0x3FAD] =	sst s7  }
0x10: {  	[smem:$0x3FAE] =	sst s8  }
0x11: {  	[smem:$0x3FAF] =	sst s9;
	s0 =	simm.s32 @!p0 $0x0  }
0x12: {  	s1 =	sld [smem:$0x3F95];
	s0 =	simm.s32 @p0 $0x1  }
0x13: {  	[smem:$0x3FB0] =	sst s0;
	s0 =	simm.s32 @!p1 $0x0  }
0x14: {  	s2 =	sld [smem:$0x3F94];
	s0 =	simm.s32 @p1 $0x1  }
0x15: {  	[smem:$0x3FB1] =	sst s0;
	s0 =	simm.s32 @!p2 $0x0  }
0x16: {  	s3 =	sld [smem:$0x3FDB];
	s0 =	simm.s32 @p2 $0x1  }
0x17: {  	s4 =	simm.s32 $0x1BF5;
	[smem:$0x3FB3] =	sst s0  }
0x18: {  	s0 =	sld [smem:$0x3F96];
	_ =	swait.ge [sflag:s4], $0x0  }
0x19: {  	s7 =	sld [smem:$0x3F97]  }
0x1a: {  	s8 =	sadd.s32 $0xFFFFE003, lr  }
0x1b: {  	s9 =	sadd.s32 $0xFFFFFEF7, lr;
	s5 =	simm.s32 $0xFFFFFFFF;
	p2 =	slt.u32 s8, $0xFFFFF086  }
0x1c: {  	p1 =	slt.u32 s9, $0xF7A;
	s5 =	simm.s32 @!p2 $0x0  }
0x1d: {  	s5 =	simm.s32 @p1 $0x1;
	p0 =	seq.s32 s7, s2  }
0x1e: {  	s7 =	smul.u32 @!p0 $0xF7A, s2;
	p2 =	seq.s32 @!p0 s5, $0x0  }
0x1f: {  	s9 =	smul.u32 $0xF7A, s1;
	s8 =	simm.s32 @!p0 $0x1BF5;
	p2 =	por !p2, p0  }
0x20: {  	[sflag:s8] =	ssyncset.s32 @!p0 $0xFFFFF086;
	s6 =	sadd.s32 @!p0 s3, s7;
	s7 =	simm.s32 @!p0 $0x108  }
0x21: {  	s3 =	sadd.s32 s3, s9;
	s6 =	sadd.s32 @!p0 $0x88, s6;
	s7 =	simm.s32 @p2 $0x1082  }
0x22: {  	[simem:s7], [sflag:s8] =	dma.local @!p0 [hbm:s6], $0xF7A  }
0x23: {  	s9 =	sor.u32 $0xD0000000, s2;
	s6 =	simm.s32 $0x108;
	_ =	swait.ge @!p0 [sflag:s8], $0x0  }
0x24: {  	s3 =	sadd.s32 $0x88, s3;
	s6 =	simm.s32 @!p1 $0x1082;
	[sflag:s4] =	ssyncset.s32 $0xFFFFF086  }
0x25: {  	[simem:s6], [sflag:s4] =	dma.local [hbm:s3], $0xF7A  }
0x26: {  	[smem:$0x3F97] =	sst s1;
	(tag) =	ssettag s2;
	_ =	strace s9  }
0x27: {  	s1 =	sld [smem:$0x3FA7]  }
0x28: {  	s2 =	sld [smem:$0x3FA8]  }
0x29: {  	s4 =	sld [smem:$0x3FAA]  }
0x2a: {  	p0 =	seq.s32 s5, $0x0;
	s5 =	sld [smem:$0x3FAB]  }
0x2b: {  	s6 =	sld [smem:$0x3FAC]  }
0x2c: {  	s7 =	sld [smem:$0x3FAD]  }
0x2d: {  	s3 =	simm.s32 $0x108;
	s8 =	sld [smem:$0x3FAE]  }
0x2e: {  	s3 =	simm.s32 @!p0 $0x1082;
	s9 =	sld [smem:$0x3FAF]  }
0x2f: {  	lr =	sadd.s32 s0, s3;
	s0 =	sld [smem:$0x3FA6]  }
0x30: {  	s3 =	sld [smem:$0x3FA9]  }
0x31: {  	[smem:$0x3FB2] =	sst s10  }
0x32: {  	s10 =	sld [smem:$0x3FB0];
	_ =	sdelay $0x3  }
0x33: {  	p0 =	seq.s32 s10, $0x1;
	s10 =	sld [smem:$0x3FB2];
	_ =	sdelay $0x3  }
0x34: {  	[smem:$0x3FB2] =	sst s10  }
0x35: {  	s10 =	sld [smem:$0x3FB1];
	_ =	sdelay $0x3  }
0x36: {  	p1 =	seq.s32 s10, $0x1;
	s10 =	sld [smem:$0x3FB2];
	_ =	sdelay $0x3  }
0x37: {  	[smem:$0x3FB2] =	sst s10  }
0x38: {  	s10 =	sld [smem:$0x3FB3]  }
0x39: {  	_ = 	snop;
	(pc) =	sbr.ind lr, $3  }
0x3a: {  	_ = 	snop  }
0x3b: {  	_ = 	snop  }
0x3c: {  	p2 =	seq.s32 s10, $0x1;
	s10 =	sld [smem:$0x3FB2]  }
0x3d: {  	_ =	shalt  }
0x3e: {  	_ =	shalt  }
0x3f: {  	_ =	shalt  }
0x40: {  	_ =	shalt  }
0x41: {  	_ =	shalt  }
0x42: {  	_ =	shalt  }
0x43: {  	_ =	shalt  }
0x44: {  	_ =	shalt  }
0x45: {  	_ =	shalt  }
0x46: {  	_ =	shalt  }
0x47: {  	_ =	shalt  }
0x48: {  	_ =	shalt  }
0x49: {  	_ =	shalt  }
0x4a: {  	_ =	shalt  }
0x4b: {  	_ =	shalt  }
0x4c: {  	_ =	shalt  }
0x4d: {  	_ =	shalt  }
0x4e: {  	_ =	shalt  }
0x4f: {  	_ =	shalt  }
0x50: {  	_ =	shalt  }
0x51: {  	_ =	shalt  }
0x52: {  	_ =	shalt  }
0x53: {  	_ =	shalt  }
0x54: {  	_ =	shalt  }
0x55: {  	_ =	shalt  }
0x56: {  	_ =	shalt  }
0x57: {  	_ =	shalt  }
0x58: {  	_ =	shalt  }
0x59: {  	_ =	shalt  }
0x5a: {  	_ =	shalt  }
0x5b: {  	_ =	shalt  }
0x5c: {  	_ =	shalt  }
0x5d: {  	_ =	shalt  }
0x5e: {  	_ =	shalt  }
0x5f: {  	_ =	shalt  }
0x60: {  	_ =	shalt  }
0x61: {  	_ =	shalt  }
0x62: {  	_ =	shalt  }
0x63: {  	_ =	shalt  }
0x64: {  	_ =	shalt  }
0x65: {  	_ =	shalt  }
0x66: {  	_ =	shalt  }
0x67: {  	_ =	shalt  }
0x68: {  	_ =	shalt  }
0x69: {  	_ =	shalt  }
0x6a: {  	_ =	shalt  }
0x6b: {  	_ =	shalt  }
0x6c: {  	_ =	shalt  }
0x6d: {  	_ =	shalt  }
0x6e: {  	_ =	shalt  }
0x6f: {  	_ =	shalt  }
0x70: {  	_ =	shalt  }
0x71: {  	_ =	shalt  }
0x72: {  	_ =	shalt  }
0x73: {  	_ =	shalt  }
0x74: {  	_ =	shalt  }
0x75: {  	_ =	shalt  }
0x76: {  	_ =	shalt  }
0x77: {  	_ =	shalt  }
0x78: {  	_ =	shalt  }
0x79: {  	_ =	shalt  }
0x7a: {  	_ =	shalt  }
0x7b: {  	_ =	shalt  }
0x7c: {  	_ =	shalt  }
0x7d: {  	_ =	shalt  }
0x7e: {  	_ =	shalt  }
0x7f: {  	_ =	shalt  }
0x80: {  	_ =	shalt  }
0x81: {  	_ =	shalt  }
0x82: {  	_ =	shalt  }
0x83: {  	_ =	shalt  }
0x84: {  	_ =	shalt  }
0x85: {  	_ =	shalt  }
0x86: {  	_ =	shalt  }
0x87: {  	_ =	shalt  }
.Lfunc_end0:
.L_simem_size_0:
called_computation_lowered:
.L_overlay_start_0:
0x88: {  	s2 =	sld [smem:$0x3FD9]  }
0x89: {  	s3 =	sld [smem:$0x3FFE];
	_ =	sdelay $0x1  }
0x8a: {  	s1 =	srdreg.scid  }
0x8b: {  	s0 =	sand.u32 $0x1, s1  }
0x8c: {  	s17 =	sshll.u32 s0, $0xA;
	s2 =	sadd.s32 s3, s2  }
0x8d: {  	s2 =	sadd.s32 s2, s17  }
0x8e: {  	[smem:$0x3FBE] =	sst s2  }
0x8f: {  	_ = 	snop  }
0x90: {  	s2 =	sld [smem:$0x3FC7]  }
0x91: {  	s18 =	sld [smem:$0x3FC6];
	(tm) =	ssettm $0x1  }
0x92: {  	s4 =	sld [smem:$0x3FFB];
	_ =	sdelay $0x3  }
0x93: {  	_ =	strace s4  }
0x94: {  	s4 =	sld [smem:$0x3FFC];
	_ =	sdelay $0x3  }
0x95: {  	_ =	strace s4  }
0x96: {  	s4 =	sld [smem:$0x3FFD];
	_ =	sdelay $0x3  }
0x97: {  	_ =	strace s4  }
0x98: {  	_ =	strace $0x8FFFFFFF  }
0x99: {  	s19 =	sld [smem:$0x3FDB];
	_ =	sdelay $0x1  }
0x9a: {  	s5 =	simm.s32 $_scs_section_size  }
0x9b: {  	s6 =	simm.s32 $_size__tile_overlayer_lowered;
	s7 =	simm.s32 $_tile_overlayer_lowered  }
0x9c: {  	s22 =	simm.s32 $0x1BFF;
	s21 =	sshll.u32 s7, $0x1;
	s4 =	sadd.s32 s5, s19  }
0x9d: {  	s8 =	simm.s32 $0x0;
	s20 =	sshll.u32 s6, $0x1;
	s6 =	sadd.s32 s21, s4  }
0x9e: {  	[timem:s8], [sflag:s22] =	dma.local [hbm:s6], s20  }
0x9f: {  	_ =	swait.ge [sflag:s22], s20  }
0xa0: {  	s5 =	ssub.s32 $0x0, s20;
	[sflag:s22] =	ssyncset.done $0x0  }
0xa1: {  	[sflag:s22] =	ssyncadd.s32 s5;
	_ =	sdelay $0x1  }
0xa2: {  	s23 =	simm.s32 $0x1B8B  }
0xa3: {  	_ =	swait.ge [sflag:s23], $0x1  }
0xa4: {  	[sflag:s23] =	ssyncset.done $0x0  }
0xa5: {  	s25 =	simm.s32 $0x1B8E;
	s24 =	sld [smem:$0x3FFE];
	[sflag:s23] =	ssyncadd.s32 $0xFFFFFFFF  }
0xa6: {  	s26 =	simm.s32 $execute0_lowered;
	[smem:$0x3FD2] =	sst s25  }
0xa7: {  	s6 =	sshll.u32 s26, $0x1;
	_ =	strace $0x80000046;
	[dreg:$0x1] =	wrdreg $0xFFFFFFFF  }
0xa8: {  	s28 =	simm.s32 $_size_execute0_lowered;
	s4 =	sadd.s32 s4, s6;
	[dreg:$0x0] =	wrdreg $0x0  }
0xa9: {  	s6 =	sshll.u32 s28, $0x1;
	[dreg:$0x2] =	wrdreg s4  }
0xaa: {  	[dreg:$0x3] =	wrdreg s6  }
0xab: {  	[dreg:$0x4] =	wrdreg $0xC0  }
0xac: {  	_ =	task [dreg:s8], $0x5FFFF  }
0xad: {  	[dreg:$0x1] =	wrdreg $0xFFFFFFFF  }
0xae: {  	[dreg:$0x0] =	wrdreg $0x60  }
0xaf: {  	[dreg:$0x2] =	wrdreg s24  }
0xb0: {  	[dreg:$0x3] =	wrdreg s2  }
0xb1: {  	[dreg:$0x4] =	wrdreg s18  }
0xb2: {  	[dreg:$0x5] =	wrdreg $0xCB000  }
0xb3: {  	[dreg:$0x6] =	wrdreg $0x9  }
0xb4: {  	_ =	task.clear_ibuf [dreg:s8], $0x7FFFF;
	_ =	strace $0x90000046  }
0xb5: {  	s29 =	simm.s32 $0x9;
	_ =	strace $0x80000048  }
0xb6: {  	_ =	swait.ge [sflag:s29], $0x1  }
0xb7: {  	[sflag:s29] =	ssyncadd.s32 $0xFFFFFFFF  }
0xb8: {  	_ =	strace $0x90000048  }
0xb9: {  	_ =	sfence  }
0xba: {  	s30 =	sld [smem:$0x0];
	_ =	sdelay $0x2  }
0xbb: {  	s31 =	sshll.u32 s1, $0xD;
	s1 =	sshrl.u32 s1, $0x2  }
0xbc: {  	s3 =	sand.u32 $0x4000, s31;
	s1 =	sadd.s32 s1, s30  }
0xbd: {  	s0 =	sor.u32 s3, s0;
	s1 =	sshll.u32 s1, $0x11  }
0xbe: {  	s0 =	sor.u32 s1, s0  }
0xbf: {  	s0 =	sadd.s32 $0x8F2B, s0  }
0xc0: {  	[sflag:s0] =	ssyncadd.remote.s32 $0x1  }
0xc1: {  	_ =	sfence.sel $0xFFFF  }
0xc2: {  	[dreg:$0x0] =	wrdreg $0xFFFFFFFF;
	(pc) =	sbr.abs _section_cstart, $3  }
0xc3: {  	[dreg:$0x1] =	wrdreg $0xFFFFFFFF  }
0xc4: {  	_ =	task.clear_ibuf [dreg:s8], $0x2FFFF;
	_ =	strace $0x9FFFFFFF  }
0xc5: {  	(tm) =	ssettm $0x7FFFFFFF  }
tec
execute0_lowered:
.L_overlay_start_1:
0x0: {  	(tag) =	ssettag $0x1  }
0x1: {  	s0 =	rddreg [dreg:$0x0]  }
0x2: {  	s1 =	rddreg [dreg:$0x1]  }
0x3: {  	s3 =	rddreg [dreg:$0x2]  }
0x4: {  	s4 =	rddreg [dreg:$0x3];
	s2 =	srdreg.scid  }
0x5: {  	s15 =	stileid.u32;
	s5 =	simm.s32 $0x0;
	s28 =	simm.s32 $0x3600  }
0x6: {  	s29 =	simm.s32 $0x3E00;
	s30 =	simm.s32 $0x9900;
	s8 =	smul.u32 $0xA800, s15  }
0x7: {  	s31 =	simm.s32 $0x80;
	s2 =	sand.u32 $0x1, s2;
	s25 =	smul.u32 $0x2A000, s15  }
0x8: {  	s7 =	sshll.u32 s15, $0x1;
	s21 =	sshrl.u32 s15, $0x2;
	s13 =	smul.u32 $0x280, s15  }
0x9: {  	[smem:$0x7FF] =	sst s5;
	s11 =	sadd.s32 $0x15000, s0;
	s6 =	smul.u32 $0xA8000, s2  }
0xa: {  	s16 =	sadd.s32 $0x42600, s0;
	s9 =	sor.u32 s2, s7;
	s10 =	smul.u32 $0x1800, s21  }
0xb: {  	_ =	strace $0x80000047;
	[dreg:$0x5] =	wrdreg s11;
	s7 =	sadd.s32 $0xB200, s0  }
0xc: {  	s14 =	ssub.s32 $0x2, s2;
	[dreg:$0x6] =	wrdreg s16;
	s21 =	smul.u32 $0xA0, s15  }
0xd: {  	p0 =	sne.s32 s2, $0x0;
	s22 =	sshll.u32 s9, $0x7;
	s26 =	sshrl.u32 s25, $0x2  }
0xe: {  	s17 =	sshrl.u32 s14, $0x1;
	s23 =	sand.u32 $0x380, s22;
	s6 =	sadd.s32 s8, s6  }
0xf: {  	s25 =	sor.u32 s15, s2;
	s24 =	sor.u32 s10, s23;
	s6 =	sshrl.u32 s6, $0x3  }
0x10: {  	s2 =	simm.s32 $0x1;
	s10 =	sshrl.u32 s24, $0x3;
	s6 =	sadd.s32 s6, s0  }
0x11: {  	s12 =	sadd.s32 s10, s0;
	s10 =	sadd.s32 s26, s4;
	s6 =	sadd.s32 $0x15200, s6  }
0x12: {  	s8 =	sadd.s32 $0x1400, s0;
	s18 =	sadd.s32 $0x1800, s10;
	[dreg:$0xe] =	wrdreg s6  }
0x13: {  	s11 =	ssub.s32 s14, s17;
	s19 =	sadd.s32 $0x3000, s10;
	[dreg:$0x7] =	wrdreg s18  }
0x14: {  	s17 =	smul.u32 $0x2710, s9;
	s20 =	sadd.s32 $0x4800, s10;
	[dreg:$0x8] =	wrdreg s19  }
0x15: {  	p1 =	sne.s32 s25, $0x0;
	s22 =	sadd.s32 $0x6000, s10;
	[dreg:$0x9] =	wrdreg s20  }
0x16: {  	s25 =	simm.s32 $0x680;
	s23 =	sadd.s32 $0x7800, s10;
	[dreg:$0xa] =	wrdreg s22  }
0x17: {  	s0 =	sadd.s32 s13, s0;
	s24 =	sadd.s32 $0x9000, s10;
	[dreg:$0xb] =	wrdreg s23  }
.Ltmp0:
0x18: {  	s0 =	sadd.s32 $0x3F200, s0;
	[dreg:$0xc] =	wrdreg s24;
	(pc) =	sbr.rel .LBB2_1-.Ltmp0, $4  }
0x19: {  	s9 =	simm.s32 $0x5900;
	s26 =	sadd.s32 $0x41A00, s12;
	[dreg:$0xd] =	wrdreg s0  }
0x1a: {  	v0 =	vlaneseq.u32;
	s6 =	simm.s32 $0x5880;
	s18 =	sshrl.u32 s21, $0x2;
	[dreg:$0xf] =	wrdreg s26  }
0x1b: {  	v1 =	vimm.f32 $0.0e+00;
	v3 =	vimm.s32 $0xFFFFFFFF;
	v2 =	vand.u32 $0x1, v0;
	s22 =	smax.u32 s11, $0x1;
	s23 =	simm.s32 $0x9C00;
	s24 =	simm.s32 $0x2  }
0x1c: {  	v4 =	vimm.f32 $1.000000000e+00;
	v5 =	vor.u32 $0x1400, v0;
	v2 =	vmul.u32 $0x2, v2;
	s26 =	simm.s32 $0x2E00;
	s0 =	simm.s32 $0x5800;
	s11 =	simm.s32 $0x0  }
.LBB2_21:
0x1d: {  	s12 =	stileid.u32  }
0x1e: {  	[bflag:$0x0] =	sbarrier.arrive $0xFFFF;
	s12 =	sshll.u32 s12, $0x6  }
0x1f: {  	s13 =	sshrl.u32 s10, $0x3;
	s14 =	rddreg [dreg:$0xe];
	s12 =	sor.u32 $0x1C02, s12  }
0x20: {  	[hbm:s14], [sflag:s12] =	dma.local [spmem:s13], $0x1500  }
0x21: {  	s11 =	sadd.s32 $0x1, s11;
	_ =	swait.ge [sflag:s24], $0x1500  }
0x22: {  	s21 =	simm.s32 $0x400;
	p2 =	sne.s32 s11, s22;
	[sflag:s24] =	ssyncset.done $0x0  }
.Ltmp1:
0x23: {  	s20 =	rddreg [dreg:$0xf];
	[sflag:s24] =	ssyncadd.s32 $0xFFFFEB00;
	(pc) =	sbr.rel @!p2 .LBB2_22-.Ltmp1, $4  }
0x24: {  	[hbm4b:s20+s31] =	stream.strided.scatter [tilespmem:s30], [sflag:$0x2], $0x300, s21, s31, $0x38;
	[tilespmem:$0x17300] =	vst v63  }
0x25: {  	_ =	swait.ge [sflag:s24], $0x300  }
0x26: {  	[sflag:s24] =	ssyncset.done $0x0  }
0x27: {  	[sflag:s24] =	ssyncadd.s32 $0xFFFFFD00  }
.LBB2_1:
0x28: {  	[tilespmem:$0x9C00] =	vst v1  }
0x29: {  	[tilespmem:$0x9C10] =	vst v1  }
0x2a: {  	[tilespmem:$0x9C20] =	vst v1  }
0x2b: {  	[tilespmem:$0x9C30] =	vst v1  }
0x2c: {  	[tilespmem:$0x9C40] =	vst v1  }
0x2d: {  	[tilespmem:$0x9C50] =	vst v1  }
0x2e: {  	[tilespmem:$0x9C60] =	vst v1  }
0x2f: {  	[tilespmem:$0x9C70] =	vst v1  }
0x30: {  	[tilespmem:$0x9C80] =	vst v1  }
0x31: {  	[tilespmem:$0x9C90] =	vst v1  }
0x32: {  	[tilespmem:$0x9CA0] =	vst v1  }
0x33: {  	[tilespmem:$0x9CB0] =	vst v1  }
0x34: {  	[tilespmem:$0x9CC0] =	vst v1  }
0x35: {  	[tilespmem:$0x9CD0] =	vst v1  }
0x36: {  	[tilespmem:$0x9CE0] =	vst v1  }
0x37: {  	[tilespmem:$0x9CF0] =	vst v1  }
0x38: {  	[tilespmem:$0x9D00] =	vst v1  }
0x39: {  	[tilespmem:$0x9D10] =	vst v1  }
0x3a: {  	[tilespmem:$0x9D20] =	vst v1  }
0x3b: {  	[tilespmem:$0x9D30] =	vst v1  }
0x3c: {  	[tilespmem:$0x9D40] =	vst v1  }
0x3d: {  	[tilespmem:$0x9D50] =	vst v1  }
0x3e: {  	[tilespmem:$0x9D60] =	vst v1  }
0x3f: {  	[tilespmem:$0x9D70] =	vst v1  }
0x40: {  	[tilespmem:$0x9D80] =	vst v1  }
0x41: {  	[tilespmem:$0x9D90] =	vst v1  }
0x42: {  	[tilespmem:$0x9DA0] =	vst v1  }
0x43: {  	[tilespmem:$0x9DB0] =	vst v1  }
0x44: {  	[tilespmem:$0x9DC0] =	vst v1  }
0x45: {  	[tilespmem:$0x9DD0] =	vst v1  }
0x46: {  	[tilespmem:$0x9DE0] =	vst v1  }
0x47: {  	[tilespmem:$0x9DF0] =	vst v1  }
0x48: {  	[tilespmem:$0x9E00] =	vst v1  }
0x49: {  	[tilespmem:$0x9E10] =	vst v1  }
0x4a: {  	[tilespmem:$0x9E20] =	vst v1  }
0x4b: {  	[tilespmem:$0x9E30] =	vst v1  }
0x4c: {  	[tilespmem:$0x9E40] =	vst v1  }
0x4d: {  	[tilespmem:$0x9E50] =	vst v1  }
0x4e: {  	[tilespmem:$0x9E60] =	vst v1  }
0x4f: {  	[tilespmem:$0x9E70] =	vst v1  }
0x50: {  	[tilespmem:$0x9E80] =	vst v1  }
0x51: {  	[tilespmem:$0x9E90] =	vst v1  }
0x52: {  	[tilespmem:$0x9EA0] =	vst v1  }
0x53: {  	[tilespmem:$0x9EB0] =	vst v1  }
0x54: {  	[tilespmem:$0x9EC0] =	vst v1  }
0x55: {  	[tilespmem:$0x9ED0] =	vst v1  }
0x56: {  	[tilespmem:$0x9EE0] =	vst v1  }
0x57: {  	[tilespmem:$0x9EF0] =	vst v1  }
0x58: {  	[tilespmem:$0x9F00] =	vst v1  }
0x59: {  	[tilespmem:$0x9F10] =	vst v1  }
0x5a: {  	[tilespmem:$0x9F20] =	vst v1  }
0x5b: {  	[tilespmem:$0x9F30] =	vst v1  }
0x5c: {  	[tilespmem:$0x9F40] =	vst v1  }
0x5d: {  	[tilespmem:$0x9F50] =	vst v1  }
0x5e: {  	[tilespmem:$0x9F60] =	vst v1  }
0x5f: {  	[tilespmem:$0x9F70] =	vst v1  }
0x60: {  	[tilespmem:$0x9F80] =	vst v1  }
0x61: {  	[tilespmem:$0x9F90] =	vst v1  }
0x62: {  	[tilespmem:$0x9FA0] =	vst v1  }
0x63: {  	[tilespmem:$0x9FB0] =	vst v1  }
0x64: {  	[tilespmem:$0x9FC0] =	vst v1  }
0x65: {  	[tilespmem:$0x9FD0] =	vst v1  }
0x66: {  	[tilespmem:$0x9FE0] =	vst v1  }
0x67: {  	[tilespmem:$0x9FF0] =	vst v1  }
0x68: {  	[tilespmem:$0xA000] =	vst v1  }
0x69: {  	[tilespmem:$0xA010] =	vst v1  }
0x6a: {  	[tilespmem:$0xA020] =	vst v1  }
0x6b: {  	[tilespmem:$0xA030] =	vst v1  }
0x6c: {  	[tilespmem:$0xA040] =	vst v1  }
0x6d: {  	[tilespmem:$0xA050] =	vst v1  }
0x6e: {  	[tilespmem:$0xA060] =	vst v1  }
0x6f: {  	[tilespmem:$0xA070] =	vst v1  }
0x70: {  	[tilespmem:$0xA080] =	vst v1  }
0x71: {  	[tilespmem:$0xA090] =	vst v1  }
0x72: {  	[tilespmem:$0xA0A0] =	vst v1  }
0x73: {  	[tilespmem:$0xA0B0] =	vst v1  }
0x74: {  	[tilespmem:$0xA0C0] =	vst v1  }
0x75: {  	[tilespmem:$0xA0D0] =	vst v1  }
0x76: {  	[tilespmem:$0xA0E0] =	vst v1  }
0x77: {  	[tilespmem:$0xA0F0] =	vst v1  }
0x78: {  	[tilespmem:$0xA100] =	vst v1  }
0x79: {  	[tilespmem:$0xA110] =	vst v1  }
0x7a: {  	[tilespmem:$0xA120] =	vst v1  }
0x7b: {  	[tilespmem:$0xA130] =	vst v1  }
0x7c: {  	[tilespmem:$0xA140] =	vst v1  }
0x7d: {  	[tilespmem:$0xA150] =	vst v1  }
0x7e: {  	[tilespmem:$0xA160] =	vst v1  }
0x7f: {  	[tilespmem:$0xA170] =	vst v1  }
0x80: {  	[tilespmem:$0xA180] =	vst v1  }
0x81: {  	[tilespmem:$0xA190] =	vst v1  }
0x82: {  	[tilespmem:$0xA1A0] =	vst v1  }
0x83: {  	[tilespmem:$0xA1B0] =	vst v1  }
0x84: {  	[tilespmem:$0xA1C0] =	vst v1  }
0x85: {  	[tilespmem:$0xA1D0] =	vst v1  }
0x86: {  	[tilespmem:$0xA1E0] =	vst v1  }
0x87: {  	[tilespmem:$0xA1F0] =	vst v1  }
0x88: {  	[tilespmem:$0xA200] =	vst v1  }
0x89: {  	[tilespmem:$0xA210] =	vst v1  }
0x8a: {  	[tilespmem:$0xA220] =	vst v1  }
0x8b: {  	[tilespmem:$0xA230] =	vst v1  }
0x8c: {  	[tilespmem:$0xA240] =	vst v1  }
0x8d: {  	[tilespmem:$0xA250] =	vst v1  }
0x8e: {  	[tilespmem:$0xA260] =	vst v1  }
0x8f: {  	[tilespmem:$0xA270] =	vst v1  }
0x90: {  	[tilespmem:$0xA280] =	vst v1  }
0x91: {  	[tilespmem:$0xA290] =	vst v1  }
0x92: {  	[tilespmem:$0xA2A0] =	vst v1  }
0x93: {  	[tilespmem:$0xA2B0] =	vst v1  }
0x94: {  	[tilespmem:$0xA2C0] =	vst v1  }
0x95: {  	[tilespmem:$0xA2D0] =	vst v1  }
0x96: {  	[tilespmem:$0xA2E0] =	vst v1  }
0x97: {  	[tilespmem:$0xA2F0] =	vst v1  }
0x98: {  	[tilespmem:$0xA300] =	vst v1  }
0x99: {  	[tilespmem:$0xA310] =	vst v1  }
0x9a: {  	[tilespmem:$0xA320] =	vst v1  }
0x9b: {  	[tilespmem:$0xA330] =	vst v1  }
0x9c: {  	[tilespmem:$0xA340] =	vst v1  }
0x9d: {  	[tilespmem:$0xA350] =	vst v1  }
0x9e: {  	[tilespmem:$0xA360] =	vst v1  }
0x9f: {  	[tilespmem:$0xA370] =	vst v1  }
0xa0: {  	[tilespmem:$0xA380] =	vst v1  }
0xa1: {  	[tilespmem:$0xA390] =	vst v1  }
0xa2: {  	[tilespmem:$0xA3A0] =	vst v1  }
0xa3: {  	[tilespmem:$0xA3B0] =	vst v1  }
0xa4: {  	[tilespmem:$0xA3C0] =	vst v1  }
0xa5: {  	[tilespmem:$0xA3D0] =	vst v1  }
0xa6: {  	[tilespmem:$0xA3E0] =	vst v1  }
0xa7: {  	[tilespmem:$0xA3F0] =	vst v1  }
0xa8: {  	[tilespmem:$0xA400] =	vst v1  }
0xa9: {  	[tilespmem:$0xA410] =	vst v1  }
0xaa: {  	[tilespmem:$0xA420] =	vst v1  }
0xab: {  	[tilespmem:$0xA430] =	vst v1  }
0xac: {  	[tilespmem:$0xA440] =	vst v1  }
0xad: {  	[tilespmem:$0xA450] =	vst v1  }
0xae: {  	[tilespmem:$0xA460] =	vst v1  }
0xaf: {  	[tilespmem:$0xA470] =	vst v1  }
0xb0: {  	[tilespmem:$0xA480] =	vst v1  }
0xb1: {  	[tilespmem:$0xA490] =	vst v1  }
0xb2: {  	[tilespmem:$0xA4A0] =	vst v1  }
0xb3: {  	[tilespmem:$0xA4B0] =	vst v1  }
0xb4: {  	[tilespmem:$0xA4C0] =	vst v1  }
0xb5: {  	[tilespmem:$0xA4D0] =	vst v1  }
0xb6: {  	[tilespmem:$0xA4E0] =	vst v1  }
0xb7: {  	[tilespmem:$0xA4F0] =	vst v1  }
0xb8: {  	[tilespmem:$0xA500] =	vst v1  }
0xb9: {  	[tilespmem:$0xA510] =	vst v1  }
0xba: {  	[tilespmem:$0xA520] =	vst v1  }
0xbb: {  	[tilespmem:$0xA530] =	vst v1  }
0xbc: {  	[tilespmem:$0xA540] =	vst v1  }
0xbd: {  	[tilespmem:$0xA550] =	vst v1  }
0xbe: {  	[tilespmem:$0xA560] =	vst v1  }
0xbf: {  	[tilespmem:$0xA570] =	vst v1  }
0xc0: {  	[tilespmem:$0xA580] =	vst v1  }
0xc1: {  	[tilespmem:$0xA590] =	vst v1  }
0xc2: {  	[tilespmem:$0xA5A0] =	vst v1  }
0xc3: {  	[tilespmem:$0xA5B0] =	vst v1  }
0xc4: {  	[tilespmem:$0xA5C0] =	vst v1  }
0xc5: {  	[tilespmem:$0xA5D0] =	vst v1  }
0xc6: {  	[tilespmem:$0xA5E0] =	vst v1  }
0xc7: {  	[tilespmem:$0xA5F0] =	vst v1  }
0xc8: {  	[tilespmem:$0xA600] =	vst v1  }
0xc9: {  	[tilespmem:$0xA610] =	vst v1  }
0xca: {  	[tilespmem:$0xA620] =	vst v1  }
0xcb: {  	[tilespmem:$0xA630] =	vst v1  }
0xcc: {  	[tilespmem:$0xA640] =	vst v1  }
0xcd: {  	[tilespmem:$0xA650] =	vst v1  }
0xce: {  	[tilespmem:$0xA660] =	vst v1  }
0xcf: {  	[tilespmem:$0xA670] =	vst v1  }
0xd0: {  	[tilespmem:$0xA680] =	vst v1  }
0xd1: {  	[tilespmem:$0xA690] =	vst v1  }
0xd2: {  	[tilespmem:$0xA6A0] =	vst v1  }
0xd3: {  	[tilespmem:$0xA6B0] =	vst v1  }
0xd4: {  	[tilespmem:$0xA6C0] =	vst v1  }
0xd5: {  	[tilespmem:$0xA6D0] =	vst v1  }
0xd6: {  	[tilespmem:$0xA6E0] =	vst v1  }
0xd7: {  	[tilespmem:$0xA6F0] =	vst v1  }
0xd8: {  	[tilespmem:$0xA700] =	vst v1  }
0xd9: {  	[tilespmem:$0xA710] =	vst v1  }
0xda: {  	[tilespmem:$0xA720] =	vst v1  }
0xdb: {  	[tilespmem:$0xA730] =	vst v1  }
0xdc: {  	[tilespmem:$0xA740] =	vst v1  }
0xdd: {  	[tilespmem:$0xA750] =	vst v1  }
0xde: {  	[tilespmem:$0xA760] =	vst v1  }
0xdf: {  	[tilespmem:$0xA770] =	vst v1  }
0xe0: {  	[tilespmem:$0xA780] =	vst v1  }
0xe1: {  	[tilespmem:$0xA790] =	vst v1  }
0xe2: {  	[tilespmem:$0xA7A0] =	vst v1  }
0xe3: {  	[tilespmem:$0xA7B0] =	vst v1  }
0xe4: {  	[tilespmem:$0xA7C0] =	vst v1  }
0xe5: {  	[tilespmem:$0xA7D0] =	vst v1  }
0xe6: {  	[tilespmem:$0xA7E0] =	vst v1  }
0xe7: {  	[tilespmem:$0xA7F0] =	vst v1  }
0xe8: {  	[tilespmem:$0xA800] =	vst v1  }
0xe9: {  	[tilespmem:$0xA810] =	vst v1  }
0xea: {  	[tilespmem:$0xA820] =	vst v1  }
0xeb: {  	[tilespmem:$0xA830] =	vst v1  }
0xec: {  	[tilespmem:$0xA840] =	vst v1  }
0xed: {  	[tilespmem:$0xA850] =	vst v1  }
0xee: {  	[tilespmem:$0xA860] =	vst v1  }
0xef: {  	[tilespmem:$0xA870] =	vst v1  }
0xf0: {  	[tilespmem:$0xA880] =	vst v1  }
0xf1: {  	[tilespmem:$0xA890] =	vst v1  }
0xf2: {  	[tilespmem:$0xA8A0] =	vst v1  }
0xf3: {  	[tilespmem:$0xA8B0] =	vst v1  }
0xf4: {  	[tilespmem:$0xA8C0] =	vst v1  }
0xf5: {  	[tilespmem:$0xA8D0] =	vst v1  }
0xf6: {  	[tilespmem:$0xA8E0] =	vst v1  }
0xf7: {  	[tilespmem:$0xA8F0] =	vst v1  }
0xf8: {  	[tilespmem:$0xA900] =	vst v1  }
0xf9: {  	[tilespmem:$0xA910] =	vst v1  }
0xfa: {  	[tilespmem:$0xA920] =	vst v1  }
0xfb: {  	[tilespmem:$0xA930] =	vst v1  }
0xfc: {  	[tilespmem:$0xA940] =	vst v1  }
0xfd: {  	[tilespmem:$0xA950] =	vst v1  }
0xfe: {  	[tilespmem:$0xA960] =	vst v1  }
0xff: {  	[tilespmem:$0xA970] =	vst v1  }
0x100: {  	[tilespmem:$0xA980] =	vst v1  }
0x101: {  	[tilespmem:$0xA990] =	vst v1  }
0x102: {  	[tilespmem:$0xA9A0] =	vst v1  }
0x103: {  	[tilespmem:$0xA9B0] =	vst v1  }
0x104: {  	[tilespmem:$0xA9C0] =	vst v1  }
0x105: {  	[tilespmem:$0xA9D0] =	vst v1  }
0x106: {  	[tilespmem:$0xA9E0] =	vst v1  }
0x107: {  	[tilespmem:$0xA9F0] =	vst v1  }
0x108: {  	[tilespmem:$0xAA00] =	vst v1  }
0x109: {  	[tilespmem:$0xAA10] =	vst v1  }
0x10a: {  	[tilespmem:$0xAA20] =	vst v1  }
0x10b: {  	[tilespmem:$0xAA30] =	vst v1  }
0x10c: {  	[tilespmem:$0xAA40] =	vst v1  }
0x10d: {  	[tilespmem:$0xAA50] =	vst v1  }
0x10e: {  	[tilespmem:$0xAA60] =	vst v1  }
0x10f: {  	[tilespmem:$0xAA70] =	vst v1  }
0x110: {  	[tilespmem:$0xAA80] =	vst v1  }
0x111: {  	[tilespmem:$0xAA90] =	vst v1  }
0x112: {  	[tilespmem:$0xAAA0] =	vst v1  }
0x113: {  	[tilespmem:$0xAAB0] =	vst v1  }
0x114: {  	[tilespmem:$0xAAC0] =	vst v1  }
0x115: {  	[tilespmem:$0xAAD0] =	vst v1  }
0x116: {  	[tilespmem:$0xAAE0] =	vst v1  }
0x117: {  	[tilespmem:$0xAAF0] =	vst v1  }
0x118: {  	[tilespmem:$0xAB00] =	vst v1  }
0x119: {  	[tilespmem:$0xAB10] =	vst v1  }
0x11a: {  	[tilespmem:$0xAB20] =	vst v1  }
0x11b: {  	[tilespmem:$0xAB30] =	vst v1  }
0x11c: {  	[tilespmem:$0xAB40] =	vst v1  }
0x11d: {  	[tilespmem:$0xAB50] =	vst v1  }
0x11e: {  	[tilespmem:$0xAB60] =	vst v1  }
0x11f: {  	[tilespmem:$0xAB70] =	vst v1  }
0x120: {  	[tilespmem:$0xAB80] =	vst v1  }
0x121: {  	[tilespmem:$0xAB90] =	vst v1  }
0x122: {  	[tilespmem:$0xABA0] =	vst v1  }
0x123: {  	[tilespmem:$0xABB0] =	vst v1  }
0x124: {  	[tilespmem:$0xABC0] =	vst v1  }
0x125: {  	[tilespmem:$0xABD0] =	vst v1  }
0x126: {  	[tilespmem:$0xABE0] =	vst v1  }
0x127: {  	[tilespmem:$0xABF0] =	vst v1  }
0x128: {  	[tilespmem:$0xAC00] =	vst v1  }
0x129: {  	[tilespmem:$0xAC10] =	vst v1  }
0x12a: {  	[tilespmem:$0xAC20] =	vst v1  }
0x12b: {  	[tilespmem:$0xAC30] =	vst v1  }
0x12c: {  	[tilespmem:$0xAC40] =	vst v1  }
0x12d: {  	[tilespmem:$0xAC50] =	vst v1  }
0x12e: {  	[tilespmem:$0xAC60] =	vst v1  }
0x12f: {  	[tilespmem:$0xAC70] =	vst v1  }
0x130: {  	[tilespmem:$0xAC80] =	vst v1  }
0x131: {  	[tilespmem:$0xAC90] =	vst v1  }
0x132: {  	[tilespmem:$0xACA0] =	vst v1  }
0x133: {  	[tilespmem:$0xACB0] =	vst v1  }
0x134: {  	[tilespmem:$0xACC0] =	vst v1  }
0x135: {  	[tilespmem:$0xACD0] =	vst v1  }
0x136: {  	[tilespmem:$0xACE0] =	vst v1  }
0x137: {  	[tilespmem:$0xACF0] =	vst v1  }
0x138: {  	[tilespmem:$0xAD00] =	vst v1  }
0x139: {  	[tilespmem:$0xAD10] =	vst v1  }
0x13a: {  	[tilespmem:$0xAD20] =	vst v1  }
0x13b: {  	[tilespmem:$0xAD30] =	vst v1  }
0x13c: {  	[tilespmem:$0xAD40] =	vst v1  }
0x13d: {  	[tilespmem:$0xAD50] =	vst v1  }
0x13e: {  	[tilespmem:$0xAD60] =	vst v1  }
0x13f: {  	[tilespmem:$0xAD70] =	vst v1  }
0x140: {  	[tilespmem:$0xAD80] =	vst v1  }
0x141: {  	[tilespmem:$0xAD90] =	vst v1  }
0x142: {  	[tilespmem:$0xADA0] =	vst v1  }
0x143: {  	[tilespmem:$0xADB0] =	vst v1  }
0x144: {  	[tilespmem:$0xADC0] =	vst v1  }
0x145: {  	[tilespmem:$0xADD0] =	vst v1  }
0x146: {  	[tilespmem:$0xADE0] =	vst v1  }
0x147: {  	[tilespmem:$0xADF0] =	vst v1  }
0x148: {  	[tilespmem:$0xAE00] =	vst v1  }
0x149: {  	[tilespmem:$0xAE10] =	vst v1  }
0x14a: {  	[tilespmem:$0xAE20] =	vst v1  }
0x14b: {  	[tilespmem:$0xAE30] =	vst v1  }
0x14c: {  	[tilespmem:$0xAE40] =	vst v1  }
0x14d: {  	[tilespmem:$0xAE50] =	vst v1  }
0x14e: {  	[tilespmem:$0xAE60] =	vst v1  }
0x14f: {  	[tilespmem:$0xAE70] =	vst v1  }
0x150: {  	[tilespmem:$0xAE80] =	vst v1  }
0x151: {  	[tilespmem:$0xAE90] =	vst v1  }
0x152: {  	[tilespmem:$0xAEA0] =	vst v1  }
0x153: {  	[tilespmem:$0xAEB0] =	vst v1  }
0x154: {  	[tilespmem:$0xAEC0] =	vst v1  }
0x155: {  	[tilespmem:$0xAED0] =	vst v1  }
0x156: {  	[tilespmem:$0xAEE0] =	vst v1  }
0x157: {  	[tilespmem:$0xAEF0] =	vst v1  }
0x158: {  	[tilespmem:$0xAF00] =	vst v1  }
0x159: {  	[tilespmem:$0xAF10] =	vst v1  }
0x15a: {  	[tilespmem:$0xAF20] =	vst v1  }
0x15b: {  	[tilespmem:$0xAF30] =	vst v1  }
0x15c: {  	[tilespmem:$0xAF40] =	vst v1  }
0x15d: {  	[tilespmem:$0xAF50] =	vst v1  }
0x15e: {  	[tilespmem:$0xAF60] =	vst v1  }
0x15f: {  	[tilespmem:$0xAF70] =	vst v1  }
0x160: {  	[tilespmem:$0xAF80] =	vst v1  }
0x161: {  	[tilespmem:$0xAF90] =	vst v1  }
0x162: {  	[tilespmem:$0xAFA0] =	vst v1  }
0x163: {  	[tilespmem:$0xAFB0] =	vst v1  }
0x164: {  	[tilespmem:$0xAFC0] =	vst v1  }
0x165: {  	[tilespmem:$0xAFD0] =	vst v1  }
0x166: {  	[tilespmem:$0xAFE0] =	vst v1  }
0x167: {  	[tilespmem:$0xAFF0] =	vst v1  }
0x168: {  	[tilespmem:$0xB000] =	vst v1  }
0x169: {  	[tilespmem:$0xB010] =	vst v1  }
0x16a: {  	[tilespmem:$0xB020] =	vst v1  }
0x16b: {  	[tilespmem:$0xB030] =	vst v1  }
0x16c: {  	[tilespmem:$0xB040] =	vst v1  }
0x16d: {  	[tilespmem:$0xB050] =	vst v1  }
0x16e: {  	[tilespmem:$0xB060] =	vst v1  }
0x16f: {  	[tilespmem:$0xB070] =	vst v1  }
0x170: {  	[tilespmem:$0xB080] =	vst v1  }
0x171: {  	[tilespmem:$0xB090] =	vst v1  }
0x172: {  	[tilespmem:$0xB0A0] =	vst v1  }
0x173: {  	[tilespmem:$0xB0B0] =	vst v1  }
0x174: {  	[tilespmem:$0xB0C0] =	vst v1  }
0x175: {  	[tilespmem:$0xB0D0] =	vst v1  }
0x176: {  	[tilespmem:$0xB0E0] =	vst v1  }
0x177: {  	[tilespmem:$0xB0F0] =	vst v1  }
0x178: {  	[tilespmem:$0xB100] =	vst v1  }
0x179: {  	[tilespmem:$0xB110] =	vst v1  }
0x17a: {  	[tilespmem:$0xB120] =	vst v1  }
0x17b: {  	[tilespmem:$0xB130] =	vst v1  }
0x17c: {  	[tilespmem:$0xB140] =	vst v1  }
0x17d: {  	[tilespmem:$0xB150] =	vst v1  }
0x17e: {  	[tilespmem:$0xB160] =	vst v1  }
0x17f: {  	[tilespmem:$0xB170] =	vst v1  }
0x180: {  	[tilespmem:$0xB180] =	vst v1  }
0x181: {  	[tilespmem:$0xB190] =	vst v1  }
0x182: {  	[tilespmem:$0xB1A0] =	vst v1  }
0x183: {  	[tilespmem:$0xB1B0] =	vst v1  }
0x184: {  	[tilespmem:$0xB1C0] =	vst v1  }
0x185: {  	[tilespmem:$0xB1D0] =	vst v1  }
0x186: {  	[tilespmem:$0xB1E0] =	vst v1  }
0x187: {  	[tilespmem:$0xB1F0] =	vst v1  }
0x188: {  	[tilespmem:$0xB200] =	vst v1  }
0x189: {  	[tilespmem:$0xB210] =	vst v1  }
0x18a: {  	[tilespmem:$0xB220] =	vst v1  }
0x18b: {  	[tilespmem:$0xB230] =	vst v1  }
0x18c: {  	[tilespmem:$0xB240] =	vst v1  }
0x18d: {  	[tilespmem:$0xB250] =	vst v1  }
0x18e: {  	[tilespmem:$0xB260] =	vst v1  }
0x18f: {  	[tilespmem:$0xB270] =	vst v1  }
0x190: {  	[tilespmem:$0xB280] =	vst v1  }
0x191: {  	[tilespmem:$0xB290] =	vst v1  }
0x192: {  	[tilespmem:$0xB2A0] =	vst v1  }
0x193: {  	[tilespmem:$0xB2B0] =	vst v1  }
0x194: {  	[tilespmem:$0xB2C0] =	vst v1  }
0x195: {  	[tilespmem:$0xB2D0] =	vst v1  }
0x196: {  	[tilespmem:$0xB2E0] =	vst v1  }
0x197: {  	[tilespmem:$0xB2F0] =	vst v1  }
0x198: {  	[tilespmem:$0xB300] =	vst v1  }
0x199: {  	[tilespmem:$0xB310] =	vst v1  }
0x19a: {  	[tilespmem:$0xB320] =	vst v1  }
0x19b: {  	[tilespmem:$0xB330] =	vst v1  }
0x19c: {  	[tilespmem:$0xB340] =	vst v1  }
0x19d: {  	[tilespmem:$0xB350] =	vst v1  }
0x19e: {  	[tilespmem:$0xB360] =	vst v1  }
0x19f: {  	[tilespmem:$0xB370] =	vst v1  }
0x1a0: {  	[tilespmem:$0xB380] =	vst v1  }
0x1a1: {  	[tilespmem:$0xB390] =	vst v1  }
0x1a2: {  	[tilespmem:$0xB3A0] =	vst v1  }
0x1a3: {  	[tilespmem:$0xB3B0] =	vst v1  }
0x1a4: {  	[tilespmem:$0xB3C0] =	vst v1  }
0x1a5: {  	[tilespmem:$0xB3D0] =	vst v1  }
0x1a6: {  	[tilespmem:$0xB3E0] =	vst v1  }
0x1a7: {  	[tilespmem:$0xB3F0] =	vst v1  }
0x1a8: {  	[tilespmem:$0x9900] =	vst v1  }
0x1a9: {  	[tilespmem:$0x9910] =	vst v1  }
0x1aa: {  	[tilespmem:$0x9920] =	vst v1  }
0x1ab: {  	[tilespmem:$0x9930] =	vst v1  }
0x1ac: {  	[tilespmem:$0x9940] =	vst v1  }
0x1ad: {  	[tilespmem:$0x9950] =	vst v1  }
0x1ae: {  	[tilespmem:$0x9960] =	vst v1  }
0x1af: {  	[tilespmem:$0x9970] =	vst v1  }
0x1b0: {  	[tilespmem:$0x9980] =	vst v1  }
0x1b1: {  	[tilespmem:$0x9990] =	vst v1  }
0x1b2: {  	[tilespmem:$0x99A0] =	vst v1  }
0x1b3: {  	[tilespmem:$0x99B0] =	vst v1  }
0x1b4: {  	[tilespmem:$0x99C0] =	vst v1  }
0x1b5: {  	[tilespmem:$0x99D0] =	vst v1  }
0x1b6: {  	[tilespmem:$0x99E0] =	vst v1  }
0x1b7: {  	[tilespmem:$0x99F0] =	vst v1  }
0x1b8: {  	[tilespmem:$0x9A00] =	vst v1  }
0x1b9: {  	[tilespmem:$0x9A10] =	vst v1  }
0x1ba: {  	[tilespmem:$0x9A20] =	vst v1  }
0x1bb: {  	[tilespmem:$0x9A30] =	vst v1  }
0x1bc: {  	[tilespmem:$0x9A40] =	vst v1  }
0x1bd: {  	[tilespmem:$0x9A50] =	vst v1  }
0x1be: {  	[tilespmem:$0x9A60] =	vst v1  }
0x1bf: {  	[tilespmem:$0x9A70] =	vst v1  }
0x1c0: {  	[tilespmem:$0x9A80] =	vst v1  }
0x1c1: {  	[tilespmem:$0x9A90] =	vst v1  }
0x1c2: {  	[tilespmem:$0x9AA0] =	vst v1  }
0x1c3: {  	[tilespmem:$0x9AB0] =	vst v1  }
0x1c4: {  	[tilespmem:$0x9AC0] =	vst v1  }
0x1c5: {  	[tilespmem:$0x9AD0] =	vst v1  }
0x1c6: {  	[tilespmem:$0x9AE0] =	vst v1  }
0x1c7: {  	[tilespmem:$0x9AF0] =	vst v1  }
0x1c8: {  	[tilespmem:$0x9B00] =	vst v1  }
0x1c9: {  	[tilespmem:$0x9B10] =	vst v1  }
0x1ca: {  	[tilespmem:$0x9B20] =	vst v1  }
0x1cb: {  	[tilespmem:$0x9B30] =	vst v1  }
0x1cc: {  	[tilespmem:$0x9B40] =	vst v1  }
0x1cd: {  	[tilespmem:$0x9B50] =	vst v1  }
0x1ce: {  	[tilespmem:$0x9B60] =	vst v1  }
0x1cf: {  	[tilespmem:$0x9B70] =	vst v1  }
0x1d0: {  	[tilespmem:$0x9B80] =	vst v1  }
0x1d1: {  	[tilespmem:$0x9B90] =	vst v1  }
0x1d2: {  	[tilespmem:$0x9BA0] =	vst v1  }
0x1d3: {  	[tilespmem:$0x9BB0] =	vst v1  }
0x1d4: {  	[tilespmem:$0x9BC0] =	vst v1  }
0x1d5: {  	[tilespmem:$0x9BD0] =	vst v1  }
0x1d6: {  	[tilespmem:$0x9BE0] =	vst v1  }
0x1d7: {  	[tilespmem:$0x9BF0] =	vst v1  }
0x1d8: {  	[spmem:s10] =	stream.linear.scatter [tilespmem:s23], [sflag:$0x2], $0x1800, $0x38;
	[tilespmem:$0x17300] =	vst v63  }
0x1d9: {  	_ =	swait.ge [sflag:s24], $0x1800  }
0x1da: {  	[sflag:s24] =	ssyncset.done $0x0  }
0x1db: {  	s12 =	rddreg [dreg:$0x7];
	[sflag:s24] =	ssyncadd.s32 $0xFFFFE800  }
0x1dc: {  	[spmem:s12] =	stream.linear.scatter [tilespmem:s23], [sflag:$0x2], $0x1800, $0x38;
	[tilespmem:$0x17300] =	vst v63  }
0x1dd: {  	_ =	swait.ge [sflag:s24], $0x1800  }
0x1de: {  	[sflag:s24] =	ssyncset.done $0x0  }
0x1df: {  	s13 =	rddreg [dreg:$0x8];
	[sflag:s24] =	ssyncadd.s32 $0xFFFFE800  }
0x1e0: {  	[spmem:s13] =	stream.linear.scatter [tilespmem:s23], [sflag:$0x2], $0x1800, $0x38;
	[tilespmem:$0x17300] =	vst v63  }
0x1e1: {  	_ =	swait.ge [sflag:s24], $0x1800  }
0x1e2: {  	[sflag:s24] =	ssyncset.done $0x0  }
0x1e3: {  	s14 =	rddreg [dreg:$0x9];
	[sflag:s24] =	ssyncadd.s32 $0xFFFFE800  }
0x1e4: {  	[spmem:s14] =	stream.linear.scatter [tilespmem:s23], [sflag:$0x2], $0x1800, $0x38;
	[tilespmem:$0x17300] =	vst v63  }
0x1e5: {  	_ =	swait.ge [sflag:s24], $0x1800  }
0x1e6: {  	[sflag:s24] =	ssyncset.done $0x0  }
0x1e7: {  	s15 =	rddreg [dreg:$0xa];
	[sflag:s24] =	ssyncadd.s32 $0xFFFFE800  }
0x1e8: {  	[spmem:s15] =	stream.linear.scatter [tilespmem:s23], [sflag:$0x2], $0x1800, $0x38;
	[tilespmem:$0x17300] =	vst v63  }
0x1e9: {  	_ =	swait.ge [sflag:s24], $0x1800  }
0x1ea: {  	[sflag:s24] =	ssyncset.done $0x0  }
0x1eb: {  	s16 =	rddreg [dreg:$0xb];
	[sflag:s24] =	ssyncadd.s32 $0xFFFFE800  }
0x1ec: {  	[spmem:s16] =	stream.linear.scatter [tilespmem:s23], [sflag:$0x2], $0x1800, $0x38;
	[tilespmem:$0x17300] =	vst v63  }
0x1ed: {  	_ =	swait.ge [sflag:s24], $0x1800  }
0x1ee: {  	[sflag:s24] =	ssyncset.done $0x0  }
0x1ef: {  	v6 =	vor.u32 s5, v0;
	s19 =	rddreg [dreg:$0xc];
	[sflag:s24] =	ssyncadd.s32 $0xFFFFE800  }
0x1f0: {  	v6 =	vshrl.u32 v6, $0x1;
	[spmem:s19] =	stream.linear.scatter [tilespmem:s23], [sflag:$0x2], $0x1800, $0x38;
	[tilespmem:$0x17300] =	vst v63  }
0x1f1: {  	v6 =	vmul.u32 $0x3, v6;
	_ =	swait.ge [sflag:s24], $0x1800  }
0x1f2: {  	[sflag:s24] =	ssyncset.done $0x0  }
0x1f3: {  	s20 =	simm.s32 $0x10;
	v6 =	vadd.s32 v2, v6;
	s13 =	rddreg [dreg:$0x5];
	[sflag:s24] =	ssyncadd.s32 $0xFFFFE800  }
0x1f4: {  	[tilespmem:s5], [sflag:$0x2] =	stream.linear.gather [hbm4b:s13+s5], $0x400, $0x38;
	[tilespmem:$0x17300] =	vst v63  }
0x1f5: {  	v7 =	vor.u32 s20, v0;
	_ =	swait.ge [sflag:s24], $0x400  }
0x1f6: {  	v7 =	vshrl.u32 v7, $0x1;
	[sflag:s24] =	ssyncset.done $0x0  }
0x1f7: {  	v8 =	vmul.u32 $0x3, v7;
	[sflag:s24] =	ssyncadd.s32 $0xFFFFFC00  }
0x1f8: {  	v7 =	vld.idx.msk [tilespmem:v6+s5+$0x0], $0xffff  }
0x1f9: {  	v6 =	vadd.s32 v2, v8;
	_ =	sdelay $0x1  }
0x1fa: {  	s21 =	simm.s32 $0x20  }
0x1fb: {  	s14 =	simm.s32 $0x30;
	s13 =	simm.s32 $0x400;
	v8 =	vor.u32 s21, v0  }
.LBB2_2:
0x1fc: {  	p2 =	sne.s32 s14, $0x270;
	v8 =	vshrl.u32 v8, $0x1;
	s12 =	simm.s32 $0x0;
	[tilespmem:s13+$0x0] =	vst v7  }
0x1fd: {  	v8 =	vmul.u32 $0x3, v8;
	v7 =	vld.idx.msk [tilespmem:v6+s12+$0x0], $0xffff  }
.Ltmp2:
0x1fe: {  	(pc) =	sbr.rel @p2 .LBB2_2-.Ltmp2, $2  }
0x1ff: {  	v6 =	vadd.s32 v2, v8;
	_ =	sdelay $0x2  }
0x200: {  	s13 =	sadd.s32 $0x10, s13;
	v8 =	vor.u32 s14, v0;
	s14 =	sadd.s32 $0x10, s14  }
0x201: {  	_ =	sdelay $0x1  }
0x202: {  	v8 =	vshrl.u32 v8, $0x1  }
0x203: {  	[tilespmem:s13+$0x0] =	vst v7;
	v7 =	vmul.u32 $0x3, v8  }
0x204: {  	v6 =	vld.idx.msk [tilespmem:v6+s12+$0x0], $0xffff  }
0x205: {  	v7 =	vadd.s32 v2, v7;
	_ =	sdelay $0x2  }
0x206: {  	s21 =	sadd.s32 $0x10, s13  }
0x207: {  	[tilespmem:s21+$0x0] =	vst v6  }
0x208: {  	v6 =	vld.idx.msk [tilespmem:v7+s12+$0x0], $0xffff;
	_ =	sdelay $0x3  }
0x209: {  	s13 =	sadd.s32 $0x10, s21  }
0x20a: {  	[tilespmem:s13+$0x0] =	vst v6;
	s13 =	simm.s32 $0x0  }
.LBB2_4:
0x20b: {  	p2 =	sne.s32 s13, $0x9C40  }
.Ltmp3:
0x20c: {  	_ = 	snop;
	(pc) =	sbr.rel @p2 .LBB2_4-.Ltmp3, $3  }
0x20d: {  	_ =	sdelay $0x1  }
0x20e: {  	s14 =	sshra.s32 s13, $0x2  }
0x20f: {  	s13 =	sadd.s32 $0x40, s13;
	[tilespmem:s14+$0x680] =	vst v3  }
0x210: {  	p2 =	por $0x1, $0x1  }
.Ltmp4:
0x211: {  	_ = 	snop;
	(pc) =	sbr.rel @!p2 .LBB2_7-.Ltmp4, $3  }
0x212: {  	_ =	sdelay $0x1  }
0x213: {  	s13 =	simm.s32 $0x400  }
0x214: {  	s14 =	simm.s32 $0x10;
	v6 =	vld [tilespmem:s13+$0x0]  }
.LBB2_6:
0x215: {  	p2 =	sne.s32 s14, $0x270;
	_ =	sdelay $0x3  }
.Ltmp5:
0x216: {  	(pc) =	sbr.rel @p2 .LBB2_6-.Ltmp5, $4  }
0x217: {  	_ = 	snop  }
0x218: {  	v7 =	vor.u32 s12, v0;
	s12 =	smov.u32 s14  }
0x219: {  	s13 =	sadd.s32 $0x10, s13;
	[tilespmem:v6+s25+$0x0] =	vst.idx.msk $0xffff, v7  }
0x21a: {  	s14 =	sadd.s32 $0x10, s14;
	v6 =	vld [tilespmem:s13+$0x0]  }
.LBB2_7:
0x21b: {  	_ =	sdelay $0x5  }
.Ltmp6:
0x21c: {  	_ = 	snop;
	(pc) =	sbr.rel .LBB2_8-.Ltmp6, $4  }
0x21d: {  	v7 =	vor.u32 s12, v0  }
0x21e: {  	[tilespmem:v6+s25+$0x0] =	vst.idx.msk $0xffff, v7  }
0x21f: {  	[bflag:$0x0] =	sbarrier.arrive $0xFFFF  }
0x220: {  	s12 =	simm.s32 $0x0;
	s16 =	simm.s32 $0x0;
	s13 =	simm.s32 $0x0  }
.LBB2_13:
0x221: {  	[sflag:s24] =	ssyncadd.s32 $0xFFFFC000  }
.LBB2_14:
0x222: {  	s19 =	sand.u32 $0xFFFFFF80, s16  }
0x223: {  	v6 =	vld [tilespmem:s19+$0x4600];
	_ =	sdelay $0x4  }
0x224: {  	[tilespmem:$0x5800] =	vst v6  }
0x225: {  	v6 =	vld [tilespmem:s19+$0x4F00];
	_ =	sdelay $0x4  }
0x226: {  	[tilespmem:$0x5880] =	vst v6  }
0x227: {  	v6 =	vld [tilespmem:s19+$0x4610];
	_ =	sdelay $0x4  }
0x228: {  	[tilespmem:$0x5810] =	vst v6  }
0x229: {  	v6 =	vld [tilespmem:s19+$0x4F10];
	_ =	sdelay $0x4  }
0x22a: {  	[tilespmem:$0x5890] =	vst v6  }
0x22b: {  	v6 =	vld [tilespmem:s19+$0x4620];
	_ =	sdelay $0x4  }
0x22c: {  	[tilespmem:$0x5820] =	vst v6  }
0x22d: {  	v6 =	vld [tilespmem:s19+$0x4F20];
	_ =	sdelay $0x4  }
0x22e: {  	[tilespmem:$0x58A0] =	vst v6  }
0x22f: {  	v6 =	vld [tilespmem:s19+$0x4630];
	_ =	sdelay $0x4  }
0x230: {  	[tilespmem:$0x5830] =	vst v6  }
0x231: {  	v6 =	vld [tilespmem:s19+$0x4F30];
	_ =	sdelay $0x4  }
0x232: {  	[tilespmem:$0x58B0] =	vst v6  }
0x233: {  	v6 =	vld [tilespmem:s19+$0x4640];
	_ =	sdelay $0x4  }
0x234: {  	[tilespmem:$0x5840] =	vst v6  }
0x235: {  	v6 =	vld [tilespmem:s19+$0x4F40];
	_ =	sdelay $0x4  }
0x236: {  	[tilespmem:$0x58C0] =	vst v6  }
0x237: {  	v6 =	vld [tilespmem:s19+$0x4650];
	_ =	sdelay $0x4  }
0x238: {  	[tilespmem:$0x5850] =	vst v6  }
0x239: {  	v6 =	vld [tilespmem:s19+$0x4F50];
	_ =	sdelay $0x4  }
0x23a: {  	[tilespmem:$0x58D0] =	vst v6  }
0x23b: {  	v6 =	vld [tilespmem:s19+$0x4660];
	_ =	sdelay $0x4  }
0x23c: {  	[tilespmem:$0x5860] =	vst v6  }
0x23d: {  	v6 =	vld [tilespmem:s19+$0x4F60];
	_ =	sdelay $0x4  }
0x23e: {  	[tilespmem:$0x58E0] =	vst v6  }
0x23f: {  	v6 =	vld [tilespmem:s19+$0x4670];
	_ =	sdelay $0x4  }
0x240: {  	v7 =	vld [tilespmem:$0x5800];
	[tilespmem:$0x5870] =	vst v6  }
0x241: {  	v6 =	vld [tilespmem:s19+$0x4F70]  }
0x242: {  	v59 =	vld [tilespmem:$0x58B0]  }
0x243: {  	v8 =	vld [tilespmem:$0x5880]  }
0x244: {  	v9 =	vld [tilespmem:$0x5810]  }
0x245: {  	[tilespmem:$0x4600] =	vst v7;
	v7 =	vld [tilespmem:$0x58A0]  }
0x246: {  	[tilespmem:$0x58F0] =	vst v6;
	v6 =	vld [tilespmem:$0x5820]  }
0x247: {  	v10 =	vld [tilespmem:$0x5890];
	[tilespmem:$0x4F30] =	vst v59  }
0x248: {  	v58 =	vld [tilespmem:$0x5830];
	[tilespmem:$0x4F00] =	vst v8  }
0x249: {  	v60 =	vld [tilespmem:$0x5840];
	[tilespmem:$0x4610] =	vst v9  }
0x24a: {  	[tilespmem:$0x4F20] =	vst v7;
	v7 =	vld [tilespmem:$0x5850]  }
0x24b: {  	[tilespmem:$0x4620] =	vst v6;
	v6 =	vld [tilespmem:$0x58C0]  }
0x24c: {  	v61 =	vld [tilespmem:$0x58D0];
	[tilespmem:$0x4F10] =	vst v10  }
0x24d: {  	v62 =	vld [tilespmem:$0x5860];
	[tilespmem:$0x4630] =	vst v58  }
0x24e: {  	v63 =	vld [tilespmem:$0x58E0];
	[tilespmem:$0x4640] =	vst v60  }
0x24f: {  	s13 =	sadd.s32 $0x1, s13;
	[tilespmem:$0x4650] =	vst v7;
	v7 =	vld [tilespmem:$0x58F0]  }
0x250: {  	p2 =	sne.s32 s13, $0x5;
	[tilespmem:$0x4F40] =	vst v6;
	v6 =	vld [tilespmem:$0x5870]  }
.Ltmp7:
0x251: {  	[tilespmem:$0x4F50] =	vst v61;
	(pc) =	sbr.rel @!p2 .LBB2_15-.Ltmp7, $4  }
0x252: {  	[tilespmem:$0x4660] =	vst v62  }
0x253: {  	[tilespmem:$0x4F60] =	vst v63  }
0x254: {  	[tilespmem:$0x4F70] =	vst v7  }
0x255: {  	s16 =	sand.u32 $0x7F, s16;
	[tilespmem:$0x4670] =	vst v6  }
.LBB2_8:
0x256: {  	s14 =	smul.u32 $0x7D0, s13;
	_ =	sdelay $0x1  }
0x257: {  	s14 =	sadd.s32 s17, s14  }
0x258: {  	s14 =	sshrl.u32 s14, $0x3  }
0x259: {  	s15 =	sadd.s32 s7, s14  }
0x25a: {  	[tilespmem:s26], [sflag:$0x2] =	stream.linear.gather [hbm4b:s15+s12], $0x7D0, $0x38;
	[tilespmem:$0x17300] =	vst v63  }
0x25b: {  	_ =	swait.ge [sflag:s24], $0x7D0  }
0x25c: {  	[sflag:s24] =	ssyncset.done $0x0  }
0x25d: {  	s20 =	sadd.s32 s8, s14;
	[sflag:s24] =	ssyncadd.s32 $0xFFFFF830  }
0x25e: {  	[tilespmem:s28], [sflag:$0x2] =	stream.linear.gather [hbm4b:s20+s12], $0x7D0, $0x38;
	[tilespmem:$0x17300] =	vst v63  }
0x25f: {  	_ =	swait.ge [sflag:s24], $0x7D0  }
0x260: {  	[sflag:s24] =	ssyncset.done $0x0  }
0x261: {  	s14 =	sadd.s32 s1, s14;
	[sflag:s24] =	ssyncadd.s32 $0xFFFFF830  }
0x262: {  	[tilespmem:s29], [sflag:$0x2] =	stream.linear.gather [hbm4b:s14+s12], $0x7D0, $0x38;
	[tilespmem:$0x17300] =	vst v63  }
0x263: {  	_ =	swait.ge [sflag:s24], $0x7D0  }
0x264: {  	[sflag:s24] =	ssyncset.done $0x0  }
0x265: {  	s21 =	simm.s32 $0x0;
	[sflag:s24] =	ssyncadd.s32 $0xFFFFF830  }
0x266: {  	v6 =	vld [tilespmem:s21+$0x3600];
	_ =	sdelay $0x7  }
0x267: {  	v6 =	vld.idx.msk [tilespmem:v6+s25+$0x0], $0xffff;
	_ =	sdelay $0x1  }
0x268: {  	v7 =	vld [tilespmem:s21+$0x3E00];
	_ =	sdelay $0x1  }
0x269: {  	v8 =	vld [tilespmem:s21+$0x2E00]  }
0x26a: {  	vm0 =	vgt.s32 v6, $0xFFFFFFFF  }
0x26b: {  	v63 =	vmpcnt.ones.xlane vm0  }
0x26c: {  	v7 =	vmul.u32 $0x280, v7  }
0x26d: {  	(v2sf) =	vpush v63, $0x0  }
0x26e: {  	v7 =	vadd.s32 v6, v7;
	[tilespmem:s16+$0x4600] =	vst.msk vm0, v8  }
0x26f: {  	[tilespmem:s16+$0x4F00] =	vst.msk vm0, v7  }
0x270: {  	s15 =	simm.s32 $0x10;
	s14 =	simm.s32 $0x80;
	[tilespmem:v6+s30+$0x0] =	vst.idx.add.f32.msk vm0, v4  }
.LBB2_9:
0x271: {  	p2 =	sne.s32 s14, $0x1F00;
	v6 =	vld [tilespmem:s15+$0x3600]  }
0x272: {  	v7 =	vld [tilespmem:s15+$0x3E00]  }
0x273: {  	v8 =	vld [tilespmem:s15+$0x2E00];
	_ =	sdelay $0x5  }
0x274: {  	v6 =	vld.idx.msk [tilespmem:v6+s25+$0x0], $0xffff;
	_ =	sdelay $0x2  }
0x275: {  	s15 =	spop (v2sf)  }
0x276: {  	v7 =	vmul.u32 $0x280, v7;
	s16 =	sadd.s32 s16, s15;
	_ =	sdelay $0x1  }
0x277: {  	vm0 =	vgt.s32 v6, $0xFFFFFFFF;
	v7 =	vadd.s32 v6, v7  }
0x278: {  	[tilespmem:s16+$0x4600] =	vst.msk vm0, v8;
	v8 =	vmpcnt.ones.xlane vm0  }
.Ltmp8:
0x279: {  	[tilespmem:s16+$0x4F00] =	vst.msk vm0, v7;
	(pc) =	sbr.rel @p2 .LBB2_9-.Ltmp8, $2  }
0x27a: {  	(v2sf) =	vpush v8, $0x0;
	_ =	sdelay $0x2  }
0x27b: {  	s15 =	sshra.s32 s14, $0x2;
	s14 =	sadd.s32 $0x40, s14;
	[tilespmem:v6+s30+$0x0] =	vst.idx.add.f32.msk vm0, v4  }
0x27c: {  	v6 =	vld [tilespmem:s15+$0x3600];
	_ =	sdelay $0x7  }
0x27d: {  	v6 =	vld.idx.msk [tilespmem:v6+s25+$0x0], $0xffff;
	_ =	sdelay $0x4  }
0x27e: {  	vm0 =	vgt.s32 v6, $0xFFFFFFFF  }
0x27f: {  	v7 =	vmpcnt.ones.xlane vm0;
	_ =	sdelay $0x1  }
0x280: {  	(v2sf) =	vpush v7, $0x0;
	_ =	sdelay $0xd  }
0x281: {  	s14 =	spop (v2sf);
	v7 =	vld [tilespmem:s15+$0x3E00]  }
0x282: {  	v8 =	vld [tilespmem:s15+$0x2E00];
	s14 =	sadd.s32 s16, s14;
	s15 =	spop (v2sf)  }
0x283: {  	s16 =	sadd.s32 s14, s15  }
0x284: {  	s21 =	sshra.s32 s16, $0x7  }
0x285: {  	p2 =	slt.s32 s21, $0x1  }
.Ltmp9:
0x286: {  	v7 =	vmul.u32 $0x280, v7;
	(pc) =	sbr.rel @p2 .LBB2_14-.Ltmp9, $4  }
0x287: {  	_ = 	snop  }
0x288: {  	[tilespmem:s14+$0x4600] =	vst.msk vm0, v8;
	v7 =	vadd.s32 v6, v7  }
0x289: {  	[tilespmem:s14+$0x4F00] =	vst.msk vm0, v7  }
0x28a: {  	[tilespmem:v6+s30+$0x0] =	vst.idx.add.f32.msk vm0, v4  }
0x28b: {  	s19 =	simm.s32 $0x4640  }
0x28c: {  	v6 =	vld [tilespmem:s19+$0xFFFFFFC0];
	_ =	sdelay $0x4  }
0x28d: {  	s20 =	simm.s32 $0x4F40;
	[tilespmem:$0x5800] =	vst v6  }
0x28e: {  	v6 =	vld [tilespmem:s20+$0xFFFFFFC0];
	_ =	sdelay $0x4  }
0x28f: {  	[tilespmem:$0x5880] =	vst v6  }
0x290: {  	v6 =	vld [tilespmem:s19+$0xFFFFFFD0];
	_ =	sdelay $0x4  }
0x291: {  	[tilespmem:$0x5810] =	vst v6  }
0x292: {  	v6 =	vld [tilespmem:s20+$0xFFFFFFD0];
	_ =	sdelay $0x4  }
0x293: {  	[tilespmem:$0x5890] =	vst v6  }
0x294: {  	v6 =	vld [tilespmem:s19+$0xFFFFFFE0];
	_ =	sdelay $0x4  }
0x295: {  	[tilespmem:$0x5820] =	vst v6  }
0x296: {  	v6 =	vld [tilespmem:s20+$0xFFFFFFE0];
	_ =	sdelay $0x4  }
0x297: {  	[tilespmem:$0x58A0] =	vst v6  }
0x298: {  	v6 =	vld [tilespmem:s19+$0xFFFFFFF0];
	_ =	sdelay $0x4  }
0x299: {  	[tilespmem:$0x5830] =	vst v6  }
0x29a: {  	v6 =	vld [tilespmem:s20+$0xFFFFFFF0];
	_ =	sdelay $0x4  }
0x29b: {  	[tilespmem:$0x58B0] =	vst v6  }
0x29c: {  	v6 =	vld [tilespmem:s19+$0x0];
	_ =	sdelay $0x4  }
0x29d: {  	[tilespmem:$0x5840] =	vst v6  }
0x29e: {  	v6 =	vld [tilespmem:s20+$0x0];
	_ =	sdelay $0x4  }
0x29f: {  	[tilespmem:$0x58C0] =	vst v6  }
0x2a0: {  	v6 =	vld [tilespmem:s19+$0x10];
	_ =	sdelay $0x4  }
0x2a1: {  	[tilespmem:$0x5850] =	vst v6  }
0x2a2: {  	v6 =	vld [tilespmem:s20+$0x10];
	_ =	sdelay $0x4  }
0x2a3: {  	[tilespmem:$0x58D0] =	vst v6  }
0x2a4: {  	v6 =	vld [tilespmem:s19+$0x20];
	_ =	sdelay $0x4  }
0x2a5: {  	[tilespmem:$0x5860] =	vst v6  }
0x2a6: {  	v6 =	vld [tilespmem:s20+$0x20];
	_ =	sdelay $0x4  }
0x2a7: {  	[tilespmem:$0x58E0] =	vst v6  }
0x2a8: {  	v6 =	vld [tilespmem:s19+$0x30];
	_ =	sdelay $0x4  }
0x2a9: {  	[tilespmem:$0x5870] =	vst v6  }
0x2aa: {  	v6 =	vld [tilespmem:s20+$0x30];
	_ =	sdelay $0x4  }
0x2ab: {  	[tilespmem:$0x58F0] =	vst v6  }
0x2ac: {  	[tilespmem:s9], [sflag:$0x1] =	stream.indirect.gather [hbm4b:s3+s31], $0x80, s0, s31, $0xb8;
	[tilespmem:$0x17300] =	vst v63  }
0x2ad: {  	p2 =	sne.s32 s21, $0x1;
	_ =	swait.ge [sflag:s2], $0x4000  }
.Ltmp10:
0x2ae: {  	[sflag:s2] =	ssyncset.done $0x0;
	(pc) =	sbr.rel @!p2 .LBB2_13-.Ltmp10, $4  }
0x2af: {  	[sflag:s2] =	ssyncadd.s32 $0xFFFFC000  }
0x2b0: {  	[spmem:s4] =	stream.indirect.scatter.add.f32 [tilespmem:s9], [sflag:$0x2], $0x80, s6, s31, $0xb8;
	[tilespmem:$0x17300] =	vst v63  }
0x2b1: {  	_ =	swait.ge [sflag:s24], $0x4000  }
0x2b2: {  	s21 =	sadd.s32 $0xFFFFFFFF, s21;
	[sflag:s24] =	ssyncset.done $0x0  }
.LBB2_12:
0x2b3: {  	[sflag:s24] =	ssyncadd.s32 $0xFFFFC000;
	s19 =	sadd.s32 $0x80, s19;
	s20 =	sadd.s32 $0x80, s20  }
0x2b4: {  	p2 =	sne.s32 s21, $0x1;
	s21 =	sadd.s32 $0xFFFFFFFF, s21;
	v6 =	vld [tilespmem:s19+$0xFFFFFFC0];
	_ =	sdelay $0x4  }
0x2b5: {  	[tilespmem:$0x5800] =	vst v6  }
0x2b6: {  	v6 =	vld [tilespmem:s20+$0xFFFFFFC0];
	_ =	sdelay $0x4  }
0x2b7: {  	[tilespmem:$0x5880] =	vst v6  }
0x2b8: {  	v6 =	vld [tilespmem:s19+$0xFFFFFFD0];
	_ =	sdelay $0x4  }
0x2b9: {  	[tilespmem:$0x5810] =	vst v6  }
0x2ba: {  	v6 =	vld [tilespmem:s20+$0xFFFFFFD0];
	_ =	sdelay $0x4  }
0x2bb: {  	[tilespmem:$0x5890] =	vst v6  }
0x2bc: {  	v6 =	vld [tilespmem:s19+$0xFFFFFFE0];
	_ =	sdelay $0x4  }
0x2bd: {  	[tilespmem:$0x5820] =	vst v6  }
0x2be: {  	v6 =	vld [tilespmem:s20+$0xFFFFFFE0];
	_ =	sdelay $0x4  }
0x2bf: {  	[tilespmem:$0x58A0] =	vst v6  }
0x2c0: {  	v6 =	vld [tilespmem:s19+$0xFFFFFFF0];
	_ =	sdelay $0x4  }
0x2c1: {  	[tilespmem:$0x5830] =	vst v6  }
0x2c2: {  	v6 =	vld [tilespmem:s20+$0xFFFFFFF0];
	_ =	sdelay $0x4  }
0x2c3: {  	[tilespmem:$0x58B0] =	vst v6  }
0x2c4: {  	v6 =	vld [tilespmem:s19+$0x0];
	_ =	sdelay $0x4  }
0x2c5: {  	[tilespmem:$0x5840] =	vst v6  }
0x2c6: {  	v6 =	vld [tilespmem:s20+$0x0];
	_ =	sdelay $0x4  }
0x2c7: {  	[tilespmem:$0x58C0] =	vst v6  }
0x2c8: {  	v6 =	vld [tilespmem:s19+$0x10];
	_ =	sdelay $0x4  }
0x2c9: {  	[tilespmem:$0x5850] =	vst v6  }
0x2ca: {  	v6 =	vld [tilespmem:s20+$0x10];
	_ =	sdelay $0x4  }
0x2cb: {  	[tilespmem:$0x58D0] =	vst v6  }
0x2cc: {  	v6 =	vld [tilespmem:s19+$0x20];
	_ =	sdelay $0x4  }
0x2cd: {  	[tilespmem:$0x5860] =	vst v6  }
0x2ce: {  	v6 =	vld [tilespmem:s20+$0x20];
	_ =	sdelay $0x4  }
0x2cf: {  	[tilespmem:$0x58E0] =	vst v6  }
0x2d0: {  	v6 =	vld [tilespmem:s19+$0x30];
	_ =	sdelay $0x4  }
0x2d1: {  	[tilespmem:$0x5870] =	vst v6  }
0x2d2: {  	v6 =	vld [tilespmem:s20+$0x30];
	_ =	sdelay $0x4  }
0x2d3: {  	[tilespmem:$0x58F0] =	vst v6  }
0x2d4: {  	[tilespmem:s9], [sflag:$0x1] =	stream.indirect.gather [hbm4b:s3+s31], $0x80, s0, s31, $0xb8;
	[tilespmem:$0x17300] =	vst v63  }
0x2d5: {  	_ =	swait.ge [sflag:s2], $0x4000  }
.Ltmp11:
0x2d6: {  	[sflag:s2] =	ssyncset.done $0x0;
	(pc) =	sbr.rel @p2 .LBB2_12-.Ltmp11, $4  }
0x2d7: {  	[sflag:s2] =	ssyncadd.s32 $0xFFFFC000  }
0x2d8: {  	[spmem:s4] =	stream.indirect.scatter.add.f32 [tilespmem:s9], [sflag:$0x2], $0x80, s6, s31, $0xb8;
	[tilespmem:$0x17300] =	vst v63  }
0x2d9: {  	_ =	swait.ge [sflag:s24], $0x4000  }
0x2da: {  	[sflag:s24] =	ssyncset.done $0x0  }
.Ltmp12:
0x2db: {  	_ = 	snop;
	(pc) =	sbr.rel .LBB2_13-.Ltmp12, $1  }
0x2dc: {  	_ =	sdelay $0x3  }
.LBB2_15:
0x2dd: {  	s12 =	sadd.s32 s14, s15  }
0x2de: {  	s21 =	simm.s32 $0x0;
	s13 =	sand.u32 $0x7F, s12  }
0x2df: {  	v6 =	vor.u32 s21, v0;
	s12 =	sor.u32 $0x4600, s13  }
0x2e0: {  	s13 =	sor.u32 $0x4F00, s13;
	[tilespmem:s12+$0x0] =	vst v6;
	v6 =	vor.u32 s21, v5  }
0x2e1: {  	s14 =	simm.s32 $0x10;
	[tilespmem:s13+$0x0] =	vst v6  }
.LBB2_16:
0x2e2: {  	p2 =	sne.s32 s14, $0x70  }
.Ltmp13:
0x2e3: {  	_ = 	snop;
	(pc) =	sbr.rel @p2 .LBB2_16-.Ltmp13, $4  }
0x2e4: {  	_ = 	snop  }
0x2e5: {  	v6 =	vor.u32 s14, v0;
	s12 =	sadd.s32 $0x10, s12  }
0x2e6: {  	s13 =	sadd.s32 $0x10, s13;
	[tilespmem:s12+$0x0] =	vst v6;
	v6 =	vor.u32 s14, v5;
	s14 =	sadd.s32 $0x10, s14  }
0x2e7: {  	[tilespmem:s13+$0x0] =	vst v6  }
0x2e8: {  	p2 =	seq.s32 s16, $0x0  }
0x2e9: {  	v6 =	vld @!p2 [tilespmem:$0x4600]  }
0x2ea: {  	v7 =	vld @!p2 [tilespmem:$0x4F00]  }
0x2eb: {  	v8 =	vld @!p2 [tilespmem:$0x4610]  }
0x2ec: {  	v9 =	vld @!p2 [tilespmem:$0x4F10]  }
0x2ed: {  	v10 =	vld @!p2 [tilespmem:$0x4620]  }
0x2ee: {  	[tilespmem:$0x5800] =	vst @!p2 v6;
	v6 =	vld @!p2 [tilespmem:$0x4F20]  }
0x2ef: {  	[tilespmem:$0x5880] =	vst @!p2 v7;
	v7 =	vld @!p2 [tilespmem:$0x4630]  }
0x2f0: {  	[tilespmem:$0x5810] =	vst @!p2 v8;
	v8 =	vld @!p2 [tilespmem:$0x4F30]  }
0x2f1: {  	[tilespmem:$0x5890] =	vst @!p2 v9;
	v9 =	vld @!p2 [tilespmem:$0x4640]  }
0x2f2: {  	[tilespmem:$0x5820] =	vst @!p2 v10;
	v10 =	vld @!p2 [tilespmem:$0x4F40]  }
0x2f3: {  	[tilespmem:$0x58A0] =	vst @!p2 v6;
	v6 =	vld @!p2 [tilespmem:$0x4650]  }
0x2f4: {  	[tilespmem:$0x5830] =	vst @!p2 v7;
	v7 =	vld @!p2 [tilespmem:$0x4F50]  }
0x2f5: {  	[tilespmem:$0x58B0] =	vst @!p2 v8;
	v8 =	vld @!p2 [tilespmem:$0x4660]  }
0x2f6: {  	[tilespmem:$0x5840] =	vst @!p2 v9;
	v9 =	vld @!p2 [tilespmem:$0x4F60]  }
0x2f7: {  	[tilespmem:$0x58C0] =	vst @!p2 v10;
	v10 =	vld @!p2 [tilespmem:$0x4670]  }
0x2f8: {  	[tilespmem:$0x5850] =	vst @!p2 v6;
	v6 =	vld @!p2 [tilespmem:$0x4F70]  }
0x2f9: {  	[tilespmem:$0x58D0] =	vst @!p2 v7  }
0x2fa: {  	[tilespmem:$0x5860] =	vst @!p2 v8  }
0x2fb: {  	[tilespmem:$0x58E0] =	vst @!p2 v9  }
0x2fc: {  	[tilespmem:$0x5870] =	vst @!p2 v10  }
0x2fd: {  	s12 =	simm.s32 @!p2 $0x80;
	s13 =	simm.s32 @!p2 $0x5800;
	s14 =	simm.s32 @!p2 $0x5900;
	[tilespmem:$0x58F0] =	vst @!p2 v6  }
0x2fe: {  	[tilespmem:s14], [sflag:$0x1] =	stream.indirect.gather @!p2 [hbm4b:s3+s12], $0x80, s13, s12, $0xb8;
	[tilespmem:$0x17300] =	vst v63  }
0x2ff: {  	s13 =	simm.s32 @!p2 $0x1  }
0x300: {  	_ =	swait.ge @!p2 [sflag:s13], $0x4000  }
0x301: {  	[sflag:s13] =	ssyncset.done @!p2 $0x0  }
0x302: {  	[sflag:s13] =	ssyncadd.s32 @!p2 $0xFFFFC000;
	s13 =	simm.s32 @!p2 $0x5880  }
0x303: {  	[spmem:s4] =	stream.indirect.scatter.add.f32 @!p2 [tilespmem:s14], [sflag:$0x2], $0x80, s13, s12, $0xb8;
	[tilespmem:$0x17300] =	vst v63  }
0x304: {  	s12 =	simm.s32 @!p2 $0x2  }
0x305: {  	_ =	swait.ge @!p2 [sflag:s12], $0x4000  }
0x306: {  	[sflag:s12] =	ssyncset.done @!p2 $0x0  }
0x307: {  	[sflag:s12] =	ssyncadd.s32 @!p2 $0xFFFFC000  }
0x308: {  	v6 =	vld @!p0 [tilespmem:s18+$0x400];
	_ =	sdelay $0x4  }
0x309: {  	[tilespmem:$0xB680] =	vst @!p0 v6  }
0x30a: {  	v6 =	vld @!p0 [tilespmem:s18+$0x410];
	_ =	sdelay $0x4  }
0x30b: {  	[tilespmem:$0xB690] =	vst @!p0 v6  }
0x30c: {  	v6 =	vld @!p0 [tilespmem:s18+$0x418];
	_ =	sdelay $0x4  }
0x30d: {  	s13 =	simm.s32 @!p0 $0xB680;
	s14 =	simm.s32 @!p0 $0xB700;
	s12 =	simm.s32 @!p0 $0x28;
	[tilespmem:$0xB698] =	vst @!p0 v6  }
0x30e: {  	[tilespmem:s14], [sflag:$0x1] =	stream.indirect.gather @!p0 [hbm4b:s3+s12], $0x80, s13, s12, $0xb8;
	[tilespmem:$0x17300] =	vst v63  }
0x30f: {  	s12 =	simm.s32 @!p0 $0x1  }
0x310: {  	_ =	swait.ge @!p0 [sflag:s12], $0x1400  }
0x311: {  	[sflag:s12] =	ssyncset.done @!p0 $0x0  }
0x312: {  	s13 =	rddreg [dreg:$0xd];
	[sflag:s12] =	ssyncadd.s32 @!p0 $0xFFFFEC00;
	s12 =	simm.s32 @!p0 $0x0  }
0x313: {  	[hbm4b:s13+s12] =	stream.linear.scatter @!p0 [tilespmem:s14], [sflag:$0x2], $0x1400, $0x38;
	[tilespmem:$0x17300] =	vst v63  }
.Ltmp14:
0x314: {  	_ = 	snop;
	(pc) =	sbr.rel @p1 .LBB2_21-.Ltmp14, $4  }
0x315: {  	s12 =	simm.s32 @!p0 $0x2  }
0x316: {  	_ =	swait.ge @!p0 [sflag:s12], $0x1400  }
0x317: {  	[sflag:s12] =	ssyncset.done @!p0 $0x0  }
0x318: {  	[sflag:s12] =	ssyncadd.s32 @!p0 $0xFFFFEC00  }
0x319: {  	s12 =	simm.s32 $0x0  }
0x31a: {  	v6 =	vld [tilespmem:s12+$0x400];
	_ =	sdelay $0x7  }
0x31b: {  	s13 =	simm.s32 $0x10;
	s14 =	simm.s32 $0x80;
	v6 =	vld.idx.msk [tilespmem:v6+s25+$0x0], $0xffff  }
.LBB2_19:
0x31c: {  	p2 =	sne.s32 s14, $0x9C0;
	v7 =	vld [tilespmem:s13+$0x400];
	_ =	sdelay $0x3  }
.Ltmp15:
0x31d: {  	(pc) =	sbr.rel @p2 .LBB2_19-.Ltmp15, $2  }
0x31e: {  	[tilespmem:s12+$0xB400] =	vst v6;
	s12 =	smov.u32 s13;
	_ =	sdelay $0x2  }
0x31f: {  	s13 =	sshra.s32 s14, $0x2;
	s14 =	sadd.s32 $0x40, s14;
	v6 =	vld.idx.msk [tilespmem:v7+s25+$0x0], $0xffff  }
0x320: {  	v7 =	vld [tilespmem:s13+$0x400];
	_ =	sdelay $0x6  }
0x321: {  	[tilespmem:s12+$0xB400] =	vst v6  }
0x322: {  	v6 =	vld.idx.msk [tilespmem:v7+s25+$0x0], $0xffff;
	_ =	sdelay $0x4  }
.Ltmp16:
0x323: {  	s20 =	rddreg [dreg:$0x6];
	s21 =	simm.s32 $0xB400;
	[tilespmem:s13+$0xB400] =	vst v6;
	(pc) =	sbr.rel .LBB2_21-.Ltmp16, $4  }
0x324: {  	[hbm4b:s20+s5] =	stream.linear.scatter [tilespmem:s21], [sflag:$0x2], $0x280, $0x38;
	[tilespmem:$0x17300] =	vst v63  }
0x325: {  	_ =	swait.ge [sflag:s24], $0x280  }
0x326: {  	[sflag:s24] =	ssyncset.done $0x0  }
0x327: {  	[sflag:s24] =	ssyncadd.s32 $0xFFFFFD80  }
.LBB2_22:
0x328: {  	_ =	sfence.sel $0x180000  }
0x329: {  	[bflag:$0x0] =	sbarrier.arrive $0xFFFF  }
0x32a: {  	_ =	strace $0x90000047  }
0x32b: {  	s0 =	stileid.u32;
	[bflag:$0x2] =	sbarrier.arrive $0xFFFF  }
0x32c: {  	p0 =	sne.s32 s0, $0x0;
	s0 =	rddreg [dreg:$0x4]  }
0x32d: {  	s0 =	sadd.s32 @!p0 $0x100000, s0  }
0x32e: {  	[sflag:s0] =	ssyncadd.tile.s32 @!p0 $0x1;
	_ =	shalt  }
.Lfunc_end2:
_tile_overlayer_lowered:
.L_overlay_start_2:
0x32f: {  	(tag) =	ssettag $0x2  }
0x330: {  	s0 =	rddreg [dreg:$0x0];
	s2 =	stileid.u32  }
0x331: {  	s1 =	rddreg [dreg:$0x1];
	p0 =	sne.s32 s2, $0x0  }
0x332: {  	s3 =	rddreg [dreg:$0x2];
	[bflag:$0x3] =	sbarrier.arrive $0xFFFF;
	s2 =	simm.s32 @!p0 $0x1C02  }
0x333: {  	[timem:s3], [sflag:s2] =	dma.local @!p0 [hbm:s0], s1  }
0x334: {  	s0 =	simm.s32 @!p0 $0x2  }
0x335: {  	_ =	swait.ge @!p0 [sflag:s0], s1  }
0x336: {  	s1 =	ssub.s32 @!p0 $0x0, s1;
	[sflag:s0] =	ssyncset.done @!p0 $0x0  }
0x337: {  	[sflag:s0] =	ssyncadd.s32 @!p0 s1  }
0x338: {  	[bflag:$0x3] =	sbarrier.arrive $0xFFFF  }
0x339: {  	_ =	shalt  }

</sc_bundles>
